<compile_context>
chip_gen: v7x
topology: tpu7x:2x2x1
jax: 0.10.2.dev20260603
libtpu: 0.0.44.dev20260713+nightly
codegen_flags: <defaults>
</compile_context>

<pallas_src>
import functools

import jax
import jax.numpy as jnp
import numpy as np
from jax import lax
from jax.experimental import pallas as pl
from jax.experimental.pallas import tpu as pltpu
from jax.experimental.pallas import tpu_sc as plsc

N = 10000
NF_DIM = 128
NF_EMB = 195
EDGE_ATTR_DIM = 4
E0 = 320000
E = E0 + N
E_PAD = 331776
CH = 128
NW = 32
G = E_PAD // (NW * CH)
EBLK = 1024
RBLK = 2000
NC, NS = 2, 16
N_PAD = 10112
ROWS_PER_SUB = N_PAD // NS

EMB_IDXS = [1, 4, 5, 7, 8]
EMB_NUMS = [40, 8, 2, 2, 9]
NCNT = float(N * NF_EMB)


def _silu(x):
    return x * jax.nn.sigmoid(x)



def _init_body(x_ref, e0, e1, e2, e3, e4, feats_ref, colsum_ref):
    i = pl.program_id(0)
    x = x_ref[...]
    embs = [e0[...], e1[...], e2[...], e3[...], e4[...]]
    pieces = [x[:, 0:1], x[:, 2:4], x[:, 6:7], x[:, 9:128]]
    for k, (col, n) in enumerate(zip(EMB_IDXS, EMB_NUMS)):
        idx = x[:, col:col + 1].astype(jnp.int32)
        io = lax.broadcasted_iota(jnp.int32, (RBLK, n), 1)
        oh = (io == idx).astype(jnp.float32)
        pieces.append(jnp.dot(oh, embs[k], preferred_element_type=jnp.float32))
    feats = jnp.concatenate(pieces, axis=1)
    feats_ref[...] = feats
    cs = jnp.sum(feats, axis=0, keepdims=True)

    @pl.when(i == 0)
    def _():
        colsum_ref[...] = cs

    @pl.when(i > 0)
    def _():
        colsum_ref[...] += cs


def _init_call(x, embs):
    grid = N // RBLK
    bs_w = lambda s: pl.BlockSpec(s, lambda i: (0, 0))
    return pl.pallas_call(
        _init_body,
        grid=(grid,),
        in_specs=[pl.BlockSpec((RBLK, NF_DIM), lambda i: (i, 0))]
        + [bs_w(e.shape) for e in embs],
        out_specs=[pl.BlockSpec((RBLK, NF_EMB), lambda i: (i, 0)),
                   pl.BlockSpec((1, NF_EMB), lambda i: (0, 0))],
        out_shape=[jax.ShapeDtypeStruct((N, NF_EMB), jnp.float32),
                   jax.ShapeDtypeStruct((1, NF_EMB), jnp.float32)],
    )(x, *embs)



def _var_body(f_ref, cs_ref, s2_ref):
    i = pl.program_id(0)
    mu = jnp.sum(cs_ref[...]) * (1.0 / NCNT)
    xc = f_ref[...] - mu
    p = jnp.sum(xc * xc).reshape(1, 1)

    @pl.when(i == 0)
    def _():
        s2_ref[...] = p

    @pl.when(i > 0)
    def _():
        s2_ref[...] += p


def _var_call(feats, colsum):
    return pl.pallas_call(
        _var_body,
        grid=(N // RBLK,),
        in_specs=[pl.BlockSpec((RBLK, NF_EMB), lambda i: (i, 0)),
                  pl.BlockSpec((1, NF_EMB), lambda i: (0, 0))],
        out_specs=pl.BlockSpec((1, 1), lambda i: (0, 0)),
        out_shape=jax.ShapeDtypeStruct((1, 1), jnp.float32),
    )(feats, colsum)



def _tables_body(f_ref, c_ref, cs_ref, s2_ref, lnw, lnb, wi, wj, nw1t, nb1,
                 tdst_ref, tsrc_ref, hfw_ref):
    mu = jnp.sum(cs_ref[...]) * (1.0 / NCNT)
    var = s2_ref[0, 0] * (1.0 / NCNT)
    rstd = jax.lax.rsqrt(var + 1e-5)
    f = f_ref[...]
    hf = (f - mu) * rstd * lnw[...] + lnb[...]
    c128 = jnp.concatenate(
        [c_ref[...], jnp.zeros((RBLK, 112), jnp.float32)], axis=1)
    cu = lax.bitcast_convert_type(
        c128.astype(jnp.bfloat16), jnp.uint16).astype(jnp.uint32)
    pi = jnp.dot(f, wi[...], preferred_element_type=jnp.float32)
    pj = jnp.dot(f, wj[...], preferred_element_type=jnp.float32)
    piu = lax.bitcast_convert_type(
        pi.astype(jnp.bfloat16), jnp.uint16).astype(jnp.uint32)
    pju = lax.bitcast_convert_type(
        pj.astype(jnp.bfloat16), jnp.uint16).astype(jnp.uint32)
    tdst_ref[...] = lax.bitcast_convert_type(piu | (cu << 16), jnp.int32)
    tsrc_ref[...] = lax.bitcast_convert_type(pju | (cu << 16), jnp.int32)
    hfw_ref[...] = jnp.dot(hf, nw1t[...], preferred_element_type=jnp.float32) + nb1[...]


def _tables_call(feats, coors, colsum, s2, lnw, lnb, wi, wj, nw1t, nb1):
    bs_w = lambda a: pl.BlockSpec(a.shape, lambda i: tuple(0 for _ in a.shape))
    return pl.pallas_call(
        _tables_body,
        grid=(N // RBLK,),
        in_specs=[pl.BlockSpec((RBLK, NF_EMB), lambda i: (i, 0)),
                  pl.BlockSpec((RBLK, 16), lambda i: (i, 0)),
                  bs_w(colsum), bs_w(s2), bs_w(lnw), bs_w(lnb),
                  bs_w(wi), bs_w(wj), bs_w(nw1t), bs_w(nb1)],
        out_specs=[pl.BlockSpec((RBLK, 128), lambda i: (i, 0)),
                   pl.BlockSpec((RBLK, 128), lambda i: (i, 0)),
                   pl.BlockSpec((RBLK, 128), lambda i: (i, 0))],
        out_shape=[jax.ShapeDtypeStruct((N, 128), jnp.int32),
                   jax.ShapeDtypeStruct((N, 128), jnp.int32),
                   jax.ShapeDtypeStruct((N, 128), jnp.float32)],
    )(feats, coors, colsum, s2, lnw, lnb, wi, wj, nw1t, nb1)



def _gather_body(tdst, tsrc, dsti, srci, gd, gs,
                 idxd_v, idxs_v, bufd, bufs, semd, sems):
    c = lax.axis_index("c")
    s = lax.axis_index("s")
    wid = s * NC + c
    pltpu.sync_copy(dsti.at[wid], idxd_v)
    pltpu.sync_copy(srci.at[wid], idxs_v)
    base = wid * G * CH

    def step(g, carry):
        cpd = pltpu.async_copy(tdst.at[idxd_v.at[g]], bufd, semd)
        cps = pltpu.async_copy(tsrc.at[idxs_v.at[g]], bufs, sems)
        cpd.wait()
        cps.wait()
        pltpu.sync_copy(bufd, gd.at[pl.ds(base + g * CH, CH)])
        pltpu.sync_copy(bufs, gs.at[pl.ds(base + g * CH, CH)])
        return carry

    lax.fori_loop(0, G, step, 0)


@functools.partial(
    pl.kernel,
    out_type=[jax.ShapeDtypeStruct((E_PAD, 128), jnp.int32),
              jax.ShapeDtypeStruct((E_PAD, 128), jnp.int32)],
    mesh=plsc.VectorSubcoreMesh(core_axis_name="c", subcore_axis_name="s"),
    scratch_types=[pltpu.VMEM((G, CH), jnp.int32),
                   pltpu.VMEM((G, CH), jnp.int32),
                   pltpu.VMEM((CH, 128), jnp.int32),
                   pltpu.VMEM((CH, 128), jnp.int32),
                   pltpu.SemaphoreType.DMA,
                   pltpu.SemaphoreType.DMA],
)
def _gather_call(tdst, tsrc, dsti, srci, gd, gs, *scratch):
    _gather_body(tdst, tsrc, dsti, srci, gd, gs, *scratch)



def _edge_body(gd_ref, gs_ref, ea_ref, wa, b1, wdrow, ew2, eb2,
               cw1, cb1, cw2, cb2, out_ref):
    i = pl.program_id(0)
    gdw = lax.bitcast_convert_type(gd_ref[...], jnp.uint32)
    gsw = lax.bitcast_convert_type(gs_ref[...], jnp.uint32)

    def _lo(w):
        return lax.bitcast_convert_type(
            (w & 0xFFFF).astype(jnp.uint16), jnp.bfloat16).astype(jnp.float32)

    def _hi(w):
        return lax.bitcast_convert_type(
            (w >> 16).astype(jnp.uint16), jnp.bfloat16).astype(jnp.float32)

    pd = _lo(gdw)
    ps = _lo(gsw)
    rel = _hi(gsw) - _hi(gdw)
    rd = jnp.sum(rel * rel, axis=1, keepdims=True)
    pre = (pd + ps
           + jnp.dot(ea_ref[...], wa[...], preferred_element_type=jnp.float32)
           + rd * wdrow[...] + b1[...])
    h = _silu(pre)
    m = _silu(jnp.dot(h, ew2[...], preferred_element_type=jnp.float32) + eb2[...])
    t = _silu(jnp.dot(m, cw1[...], preferred_element_type=jnp.float32) + cb1[...])
    cw16 = jnp.dot(t, cw2[...], preferred_element_type=jnp.float32) + cb2[...]
    cw = cw16[:, 0:1]
    eid = i * EBLK + lax.broadcasted_iota(jnp.int32, (EBLK, 1), 0)
    valid = (eid < E).astype(jnp.float32)
    out = jnp.concatenate(
        [m, cw * rel[:, 0:3], jnp.zeros((EBLK, 93), jnp.float32)], axis=1)
    out_ref[...] = out * valid


def _edge_call(gd, gs, ea, wa, b1, wdrow, ew2, eb2, cw1, cb1, cw2, cb2):
    ws = [wa, b1, wdrow, ew2, eb2, cw1, cb1, cw2, cb2]
    bs_w = lambda a: pl.BlockSpec(a.shape, lambda i: tuple(0 for _ in a.shape))
    return pl.pallas_call(
        _edge_body,
        grid=(E_PAD // EBLK,),
        in_specs=[pl.BlockSpec((EBLK, 128), lambda i: (i, 0)),
                  pl.BlockSpec((EBLK, 128), lambda i: (i, 0)),
                  pl.BlockSpec((EBLK, EDGE_ATTR_DIM), lambda i: (i, 0))]
        + [bs_w(a) for a in ws],
        out_specs=pl.BlockSpec((EBLK, 128), lambda i: (i, 0)),
        out_shape=jax.ShapeDtypeStruct((E_PAD, 128), jnp.float32),
    )(gd, gs, ea, *ws)



def _scatter_body(m_hbm, dsti, zeros_hbm, out_hbm, idx_v, mbuf, acc_sh):
    c = lax.axis_index("c")
    s = lax.axis_index("s")
    r0 = s * ROWS_PER_SUB
    pltpu.sync_copy(zeros_hbm.at[pl.ds(r0, ROWS_PER_SUB)],
                    acc_sh.at[pl.ds(r0, ROWS_PER_SUB)])
    plsc.subcore_barrier()
    wid = c * NS + s
    pltpu.sync_copy(dsti.at[wid], idx_v)
    base = wid * G * CH

    def step(g, carry):
        pltpu.sync_copy(m_hbm.at[pl.ds(base + g * CH, CH)], mbuf)
        pltpu.sync_copy(mbuf, acc_sh.at[idx_v.at[g]], add=True)
        return carry

    lax.fori_loop(0, G, step, 0)
    plsc.subcore_barrier()
    pltpu.sync_copy(acc_sh.at[pl.ds(r0, ROWS_PER_SUB)],
                    out_hbm.at[c, pl.ds(r0, ROWS_PER_SUB)])


@functools.partial(
    pl.kernel,
    out_type=jax.ShapeDtypeStruct((2, N_PAD, 128), jnp.float32),
    mesh=plsc.VectorSubcoreMesh(core_axis_name="c", subcore_axis_name="s"),
    scratch_types=[pltpu.VMEM((G, CH), jnp.int32),
                   pltpu.VMEM((CH, 128), jnp.float32),
                   pltpu.VMEM_SHARED((N_PAD, 128), jnp.float32)],
)
def _scatter_call(m_hbm, dsti, zeros_hbm, out_hbm, *scratch):
    _scatter_body(m_hbm, dsti, zeros_hbm, out_hbm, *scratch)



def _update_body(f_ref, a0_ref, a1_ref, c_ref, hfw_ref, nw1b, nw2, nb2,
                 fo_ref, co_ref, colsum_ref):
    i = pl.program_id(0)
    acc = a0_ref[...] + a1_ref[...]
    m_i = acc[:, :32]
    mh16 = acc[:, 32:48]
    h1 = _silu(hfw_ref[...]
               + jnp.dot(m_i, nw1b[...], preferred_element_type=jnp.float32))
    h2 = jnp.dot(h1, nw2[...], preferred_element_type=jnp.float32) + nb2[...]
    fo = f_ref[...] + h2
    fo_ref[...] = fo
    co_ref[...] = c_ref[...] + mh16 * (1.0 / N)
    cs = jnp.sum(fo, axis=0, keepdims=True)

    @pl.when(i == 0)
    def _():
        colsum_ref[...] = cs

    @pl.when(i > 0)
    def _():
        colsum_ref[...] += cs


def _update_call(feats, acc0, acc1, coors, hfw, nw1b, nw2, nb2):
    ws = [nw1b, nw2, nb2]
    bs_w = lambda a: pl.BlockSpec(a.shape, lambda i: tuple(0 for _ in a.shape))
    return pl.pallas_call(
        _update_body,
        grid=(N // RBLK,),
        in_specs=[pl.BlockSpec((RBLK, NF_EMB), lambda i: (i, 0)),
                  pl.BlockSpec((RBLK, 128), lambda i: (i, 0)),
                  pl.BlockSpec((RBLK, 128), lambda i: (i, 0)),
                  pl.BlockSpec((RBLK, 16), lambda i: (i, 0)),
                  pl.BlockSpec((RBLK, 128), lambda i: (i, 0))]
        + [bs_w(a) for a in ws],
        out_specs=[pl.BlockSpec((RBLK, NF_EMB), lambda i: (i, 0)),
                   pl.BlockSpec((RBLK, 16), lambda i: (i, 0)),
                   pl.BlockSpec((1, NF_EMB), lambda i: (0, 0))],
        out_shape=[jax.ShapeDtypeStruct((N, NF_EMB), jnp.float32),
                   jax.ShapeDtypeStruct((N, 16), jnp.float32),
                   jax.ShapeDtypeStruct((1, NF_EMB), jnp.float32)],
    )(feats, acc0, acc1, coors, hfw, *ws)



def kernel(x, edge_attr, pos, params, edge_index, batch):
    loops = jnp.arange(N, dtype=edge_index.dtype)
    pad = E_PAD - E
    src = jnp.concatenate([edge_index[0], loops,
                           jnp.zeros((pad,), jnp.int32)]).reshape(NW, G, CH)
    dst = jnp.concatenate([edge_index[1], loops,
                           jnp.zeros((pad,), jnp.int32)]).reshape(NW, G, CH)
    ea = jnp.concatenate(
        [edge_attr, jnp.zeros((E_PAD - E0, EDGE_ATTR_DIM), jnp.float32)],
        axis=0)
    coors = jnp.concatenate([pos, jnp.zeros((N, 13), jnp.float32)], axis=1)
    zeros48 = jnp.zeros((N_PAD, 128), jnp.float32)

    embs = [params['emb_%d' % i] for i in range(len(EMB_IDXS))]
    feats, colsum = _init_call(x, embs)

    for p in params['layers']:
        wi = p['e_w1'][:NF_EMB]
        wj = p['e_w1'][NF_EMB:2 * NF_EMB]
        wa = p['e_w1'][2 * NF_EMB:2 * NF_EMB + EDGE_ATTR_DIM]
        wdrow = p['e_w1'][2 * NF_EMB + EDGE_ATTR_DIM:]
        cw2p = jnp.concatenate(
            [p['c_w2'], jnp.zeros((32, 15), jnp.float32)], axis=1)
        cb2p = jnp.concatenate(
            [p['c_b2'], jnp.zeros((15,), jnp.float32)]).reshape(1, 16)

        s2 = _var_call(feats, colsum)
        tdst, tsrc, hfw = _tables_call(
            feats, coors, colsum, s2, p['ln_w'].reshape(1, -1),
            p['ln_b'].reshape(1, -1), wi, wj, p['n_w1'][:NF_EMB],
            p['n_b1'].reshape(1, -1))
        gd, gs = _gather_call(tdst, tsrc, dst, src)
        m = _edge_call(gd, gs, ea, wa, p['e_b1'].reshape(1, -1), wdrow,
                       p['e_w2'], p['e_b2'].reshape(1, -1), p['c_w1'],
                       p['c_b1'].reshape(1, -1), cw2p, cb2p)
        accp = _scatter_call(m, dst, zeros48)
        feats, coors, colsum = _update_call(
            feats, accp[0], accp[1], coors, hfw, p['n_w1'][NF_EMB:],
            p['n_w2'], p['n_b2'].reshape(1, -1))

    return colsum

# --- scband reference (transcript-rebuilt; emitter-appended) ---
"""Pipeline reference for scband-egnnnetwork-29317446763020 (READ-ONLY COPY).

The authoritative reference and input builder live on the scoring server;
editing this copy changes nothing except your own understanding.
"""

import jax, jax.numpy as jnp
import numpy as np

N_NODES = 10000
N_EDGES = 320000
NF_DIM = 128
EDGE_ATTR_DIM = 4
N_LAYERS = 4
M_DIM = 32
EDGE_MLP_DIM = 128
NODE_MLP_DIM = 128
COORS_MLP_DIM = 32
EMB_NUMS = [40, 8, 2, 2, 9]
EMB_IDXS = [1, 4, 5, 7, 8]
EMB_DIMS = [32, 16, 4, 4, 16]
NF_EMB = NF_DIM + sum(EMB_DIMS) - len(EMB_DIMS)  # 195
EF_DIM = 2 * NF_EMB + EDGE_ATTR_DIM + 1  # 395
NUM_GRAPHS = 1


def _xavier(key, shape):
    std = float(np.sqrt(2.0 / (shape[0] + shape[1])))
    return jax.random.normal(key, shape, dtype=jnp.float32) * std


def _make_params(key):
    params = {}
    keys = jax.random.split(key, 8 + N_LAYERS * 16)
    ki = 0
    for i, (n, d) in enumerate(zip(EMB_NUMS, EMB_DIMS)):
        params['emb_%d' % i] = jax.random.normal(keys[ki], (n, d), dtype=jnp.float32)
        ki += 1
    layers = []
    for _ in range(N_LAYERS):
        p = {}
        p['e_w1'] = _xavier(keys[ki], (EF_DIM, EDGE_MLP_DIM)); ki += 1
        p['e_b1'] = jnp.zeros((EDGE_MLP_DIM,), jnp.float32)
        p['e_w2'] = _xavier(keys[ki], (EDGE_MLP_DIM, M_DIM)); ki += 1
        p['e_b2'] = jnp.zeros((M_DIM,), jnp.float32)
        p['n_w1'] = _xavier(keys[ki], (NF_EMB + M_DIM, NODE_MLP_DIM)); ki += 1
        p['n_b1'] = jnp.zeros((NODE_MLP_DIM,), jnp.float32)
        p['n_w2'] = _xavier(keys[ki], (NODE_MLP_DIM, NF_EMB)); ki += 1
        p['n_b2'] = jnp.zeros((NF_EMB,), jnp.float32)
        p['c_w1'] = _xavier(keys[ki], (M_DIM, COORS_MLP_DIM)); ki += 1
        p['c_b1'] = jnp.zeros((COORS_MLP_DIM,), jnp.float32)
        p['c_w2'] = _xavier(keys[ki], (COORS_MLP_DIM, 1)); ki += 1
        p['c_b2'] = jnp.zeros((1,), jnp.float32)
        p['ln_w'] = jnp.ones((NF_EMB,), jnp.float32)
        p['ln_b'] = jnp.zeros((NF_EMB,), jnp.float32)
        layers.append(p)
    params['layers'] = layers
    return params


def setup_inputs(seed: int = 0) -> dict:
    key = jax.random.key(seed)
    k1, k2, k3, k4, k5 = jax.random.split(key, 5)
    x = jax.random.uniform(k1, (N_NODES, NF_DIM), dtype=jnp.float32)
    edge_index = jax.random.randint(k2, (2, N_EDGES), 0, N_NODES, dtype=jnp.int32)
    edge_attr = jax.random.normal(k3, (N_EDGES, EDGE_ATTR_DIM), dtype=jnp.float32)
    pos = jax.random.normal(k4, (N_NODES, 3), dtype=jnp.float32)
    batch = jnp.zeros((N_NODES,), dtype=jnp.int32)
    params = _make_params(k5)
    return {"x": x, "edge_attr": edge_attr, "pos": pos, "params": params,
            "edge_index": edge_index, "batch": batch}


def _graph_layer_norm(x, batch, w, b, eps=1e-5):
    # torch_geometric LayerNorm mode='graph': mean/var over all nodes and channels per graph
    cnt = jax.ops.segment_sum(jnp.ones((x.shape[0],), jnp.float32), batch,
                              num_segments=NUM_GRAPHS) * x.shape[-1]
    s = jax.ops.segment_sum(x, batch, num_segments=NUM_GRAPHS).sum(axis=-1)
    mean = (s / cnt)[batch][:, None]
    xc = x - mean
    var = jax.ops.segment_sum(xc * xc, batch, num_segments=NUM_GRAPHS).sum(axis=-1) / cnt
    out = xc / jnp.sqrt(var + eps)[batch][:, None]
    return out * w + b


def _egnn_conv(feats, coors, edge_index, edge_attr, batch, p):
    src = edge_index[0]
    dst = edge_index[1]
    rel_coors = coors[src] - coors[dst]
    rel_dist = jnp.sum(rel_coors ** 2, axis=-1, keepdims=True)
    ea = jnp.concatenate([edge_attr, rel_dist], axis=-1)
    x_i = feats[dst]
    x_j = feats[src]
    m_in = jnp.concatenate([x_i, x_j, ea], axis=-1)
    h = jax.nn.silu(m_in @ p['e_w1'] + p['e_b1'])
    m_ij = jax.nn.silu(h @ p['e_w2'] + p['e_b2'])
    cw = jax.nn.silu(m_ij @ p['c_w1'] + p['c_b1']) @ p['c_w2'] + p['c_b2']
    n = coors.shape[0]
    mhat = jax.ops.segment_sum(cw * rel_coors, dst, num_segments=n)
    coors_out = coors + (1.0 / n) * mhat
    m_i = jax.ops.segment_sum(m_ij, dst, num_segments=n)
    hf = _graph_layer_norm(feats, batch, p['ln_w'], p['ln_b'])
    h2 = jax.nn.silu(jnp.concatenate([hf, m_i], axis=-1) @ p['n_w1'] + p['n_b1']) @ p['n_w2'] + p['n_b2']
    return feats + h2, coors_out


def _embed(x, params):
    idxs = jnp.asarray(EMB_IDXS)
    x_cat = x[:, idxs].astype(jnp.int32)
    embs = [params['emb_%d' % i][x_cat[:, i]] for i in range(len(EMB_IDXS))]
    keep = np.asarray([c for c in range(NF_DIM) if c not in EMB_IDXS])
    return jnp.concatenate([x[:, keep]] + embs, axis=-1)


def _forward(x, edge_attr, pos, params, edge_index, batch):
    feats = _embed(x, params)
    n = x.shape[0]
    loops = jnp.arange(n, dtype=edge_index.dtype)
    ei = jnp.concatenate([edge_index, jnp.stack([loops, loops])], axis=1)
    ea = jnp.concatenate([edge_attr, jnp.zeros((n, edge_attr.shape[1]), edge_attr.dtype)], axis=0)
    coors = pos
    for p in params['layers']:
        feats, coors = _egnn_conv(feats, coors, ei, ea, batch, p)
    return jax.ops.segment_sum(feats, batch, num_segments=NUM_GRAPHS)


def reference(x, edge_attr, pos, params, edge_index, batch):
    return _forward(x, edge_attr, pos, params, edge_index, batch)

if __name__ == "__main__":
    import jax
    _d = setup_inputs()
    print(jax.jit(kernel)(*tuple(_d.values())))

</pallas_src>

<mosaic_0001>
#map = affine_map<(d0, d1) -> (0, 0)>
#map1 = affine_map<(d0, d1) -> (0, 0, 0)>
module attributes {stable_mosaic.version = 14 : i64} {
  func.func @_gather_call(%arg0: i32, %arg1: i32, %arg2: memref<10000x128xi32, #tpu.memory_space<hbm>>, %arg3: memref<10000x128xi32, #tpu.memory_space<hbm>>, %arg4: memref<32x81x128xi32, #tpu.memory_space<hbm>>, %arg5: memref<32x81x128xi32, #tpu.memory_space<hbm>>, %arg6: memref<331776x128xi32, #tpu.memory_space<hbm>>, %arg7: memref<331776x128xi32, #tpu.memory_space<hbm>>, %arg8: memref<81x128xi32, #tpu.memory_space<vmem>>, %arg9: memref<81x128xi32, #tpu.memory_space<vmem>>, %arg10: memref<128x128xi32, #tpu.memory_space<vmem>>, %arg11: memref<128x128xi32, #tpu.memory_space<vmem>>, %arg12: memref<!tpu.dma_semaphore, #tpu.memory_space<semaphore_mem>>, %arg13: memref<!tpu.dma_semaphore, #tpu.memory_space<semaphore_mem>>) attributes {dimension_semantics = [#tpu.dimension_semantics<core_parallel>, #tpu.dimension_semantics<subcore_parallel>], iteration_bounds = array<i64: 2, 16>, scalar_prefetch = 0 : i64, scratch_operands = 6 : i64, tpu.core_type = #tpu.core_type<sc_vector_subcore>, window_params = [{transform_indices = #map}, {transform_indices = #map}, {transform_indices = #map1}, {transform_indices = #map1}, {transform_indices = #map}, {transform_indices = #map}]} {
    %mul3A = arith.constant 2 : i32
    %mul3A_0 = arith.muli %arg1, %mul3A : i32
    %add3A = arith.addi %mul3A_0, %arg0 : i32
    "tpu.region"() ({
      %run_scoped3A = tpu.sem_alloc : memref<!tpu.dma_semaphore, #tpu.memory_space<semaphore_mem>>
      %dma_start3A = arith.constant 0 : i32
      %dma_start3A_10 = arith.constant 0 : i32
      %dma_start3A_11 = tpu.memref_slice %arg4[%add3A, %dma_start3A, %dma_start3A_10] : memref<32x81x128xi32, #tpu.memory_space<hbm>> -> memref<1x81x128xi32, #tpu.memory_space<hbm>>
      %dma_start3A_12 = tpu.memref_squeeze %dma_start3A_11 : memref<1x81x128xi32, #tpu.memory_space<hbm>> -> memref<81x128xi32, #tpu.memory_space<hbm>>
      %dma_start3A_13 = arith.constant 0 : i32
      %dma_start3A_14 = arith.constant 0 : i32
      %dma_start3A_15 = tpu.memref_slice %arg4[%add3A, %dma_start3A_13, %dma_start3A_14] : memref<32x81x128xi32, #tpu.memory_space<hbm>> -> memref<1x81x128xi32, #tpu.memory_space<hbm>>
      %dma_start3A_16 = tpu.memref_squeeze %dma_start3A_15 : memref<1x81x128xi32, #tpu.memory_space<hbm>> -> memref<81x128xi32, #tpu.memory_space<hbm>>
      tpu.enqueue_dma source(%dma_start3A_16 : memref<81x128xi32, #tpu.memory_space<hbm>>) target(%arg8 : memref<81x128xi32, #tpu.memory_space<vmem>>) target_semaphore(%run_scoped3A : memref<!tpu.dma_semaphore, #tpu.memory_space<semaphore_mem>>)
      %dma_wait3A = arith.constant 0 : i32
      %dma_wait3A_17 = arith.constant 0 : i32
      %dma_wait3A_18 = tpu.memref_slice %arg4[%add3A, %dma_wait3A, %dma_wait3A_17] : memref<32x81x128xi32, #tpu.memory_space<hbm>> -> memref<1x81x128xi32, #tpu.memory_space<hbm>>
      %dma_wait3A_19 = tpu.memref_squeeze %dma_wait3A_18 : memref<1x81x128xi32, #tpu.memory_space<hbm>> -> memref<81x128xi32, #tpu.memory_space<hbm>>
      %dma_wait3A_20 = arith.constant 0 : i32
      %dma_wait3A_21 = arith.constant 0 : i32
      %dma_wait3A_22 = tpu.memref_slice %arg4[%add3A, %dma_wait3A_20, %dma_wait3A_21] : memref<32x81x128xi32, #tpu.memory_space<hbm>> -> memref<1x81x128xi32, #tpu.memory_space<hbm>>
      %dma_wait3A_23 = tpu.memref_squeeze %dma_wait3A_22 : memref<1x81x128xi32, #tpu.memory_space<hbm>> -> memref<81x128xi32, #tpu.memory_space<hbm>>
      tpu.wait_dma2 semaphore(%run_scoped3A : memref<!tpu.dma_semaphore, #tpu.memory_space<semaphore_mem>>) src(%dma_wait3A_23 : memref<81x128xi32, #tpu.memory_space<hbm>>) dst(%arg8 : memref<81x128xi32, #tpu.memory_space<vmem>>)
      tpu.yield
    }) : () -> ()
    "tpu.region"() ({
      %run_scoped3A = tpu.sem_alloc : memref<!tpu.dma_semaphore, #tpu.memory_space<semaphore_mem>>
      %dma_start3A = arith.constant 0 : i32
      %dma_start3A_10 = arith.constant 0 : i32
      %dma_start3A_11 = tpu.memref_slice %arg5[%add3A, %dma_start3A, %dma_start3A_10] : memref<32x81x128xi32, #tpu.memory_space<hbm>> -> memref<1x81x128xi32, #tpu.memory_space<hbm>>
      %dma_start3A_12 = tpu.memref_squeeze %dma_start3A_11 : memref<1x81x128xi32, #tpu.memory_space<hbm>> -> memref<81x128xi32, #tpu.memory_space<hbm>>
      %dma_start3A_13 = arith.constant 0 : i32
      %dma_start3A_14 = arith.constant 0 : i32
      %dma_start3A_15 = tpu.memref_slice %arg5[%add3A, %dma_start3A_13, %dma_start3A_14] : memref<32x81x128xi32, #tpu.memory_space<hbm>> -> memref<1x81x128xi32, #tpu.memory_space<hbm>>
      %dma_start3A_16 = tpu.memref_squeeze %dma_start3A_15 : memref<1x81x128xi32, #tpu.memory_space<hbm>> -> memref<81x128xi32, #tpu.memory_space<hbm>>
      tpu.enqueue_dma source(%dma_start3A_16 : memref<81x128xi32, #tpu.memory_space<hbm>>) target(%arg9 : memref<81x128xi32, #tpu.memory_space<vmem>>) target_semaphore(%run_scoped3A : memref<!tpu.dma_semaphore, #tpu.memory_space<semaphore_mem>>)
      %dma_wait3A = arith.constant 0 : i32
      %dma_wait3A_17 = arith.constant 0 : i32
      %dma_wait3A_18 = tpu.memref_slice %arg5[%add3A, %dma_wait3A, %dma_wait3A_17] : memref<32x81x128xi32, #tpu.memory_space<hbm>> -> memref<1x81x128xi32, #tpu.memory_space<hbm>>
      %dma_wait3A_19 = tpu.memref_squeeze %dma_wait3A_18 : memref<1x81x128xi32, #tpu.memory_space<hbm>> -> memref<81x128xi32, #tpu.memory_space<hbm>>
      %dma_wait3A_20 = arith.constant 0 : i32
      %dma_wait3A_21 = arith.constant 0 : i32
      %dma_wait3A_22 = tpu.memref_slice %arg5[%add3A, %dma_wait3A_20, %dma_wait3A_21] : memref<32x81x128xi32, #tpu.memory_space<hbm>> -> memref<1x81x128xi32, #tpu.memory_space<hbm>>
      %dma_wait3A_23 = tpu.memref_squeeze %dma_wait3A_22 : memref<1x81x128xi32, #tpu.memory_space<hbm>> -> memref<81x128xi32, #tpu.memory_space<hbm>>
      tpu.wait_dma2 semaphore(%run_scoped3A : memref<!tpu.dma_semaphore, #tpu.memory_space<semaphore_mem>>) src(%dma_wait3A_23 : memref<81x128xi32, #tpu.memory_space<hbm>>) dst(%arg9 : memref<81x128xi32, #tpu.memory_space<vmem>>)
      tpu.yield
    }) : () -> ()
    %mul3A_1 = arith.constant 81 : i32
    %mul3A_2 = arith.muli %add3A, %mul3A_1 : i32
    %mul3A_3 = arith.constant 128 : i32
    %mul3A_4 = arith.muli %mul3A_2, %mul3A_3 : i32
    %scan3A = arith.constant 0 : i32
    %scan3A_5 = arith.constant 0 : i32
    %scan3A_6 = arith.constant 81 : i32
    %scan3A_7 = arith.addi %scan3A_5, %scan3A_6 : i32
    %scan3A_8 = arith.constant 1 : i32
    scf.for %scan3A_10 = %scan3A_5 to %scan3A_7 step %scan3A_8  : i32 {
      %dma_start3A = arith.constant 0 : i32
      %dma_start3A_11 = tpu.memref_slice %arg8[%scan3A_10, %dma_start3A] : memref<81x128xi32, #tpu.memory_space<vmem>> -> memref<1x128xi32, #tpu.memory_space<vmem>>
      %dma_start3A_12 = tpu.memref_squeeze %dma_start3A_11 : memref<1x128xi32, #tpu.memory_space<vmem>> -> memref<128xi32, #tpu.memory_space<vmem>>
      %dma_start3A_13 = arith.constant 0 : i32
      %dma_start3A_14 = arith.constant 0 : i32
      %dma_start3A_15 = tpu.memref_slice %arg2[%dma_start3A_13, %dma_start3A_14] : memref<10000x128xi32, #tpu.memory_space<hbm>> -> memref<10000x128xi32, #tpu.memory_space<hbm>>
      tpu.enqueue_indirect_dma source(%dma_start3A_15 : memref<10000x128xi32, #tpu.memory_space<hbm>>) target(%arg10 : memref<128x128xi32, #tpu.memory_space<vmem>>) offsets(%dma_start3A_12 : memref<128xi32, #tpu.memory_space<vmem>>) semaphore(%arg12 : memref<!tpu.dma_semaphore, #tpu.memory_space<semaphore_mem>>)
      %dma_start3A_16 = arith.constant 0 : i32
      %dma_start3A_17 = tpu.memref_slice %arg9[%scan3A_10, %dma_start3A_16] : memref<81x128xi32, #tpu.memory_space<vmem>> -> memref<1x128xi32, #tpu.memory_space<vmem>>
      %dma_start3A_18 = tpu.memref_squeeze %dma_start3A_17 : memref<1x128xi32, #tpu.memory_space<vmem>> -> memref<128xi32, #tpu.memory_space<vmem>>
      %dma_start3A_19 = arith.constant 0 : i32
      %dma_start3A_20 = arith.constant 0 : i32
      %dma_start3A_21 = tpu.memref_slice %arg3[%dma_start3A_19, %dma_start3A_20] : memref<10000x128xi32, #tpu.memory_space<hbm>> -> memref<10000x128xi32, #tpu.memory_space<hbm>>
      tpu.enqueue_indirect_dma source(%dma_start3A_21 : memref<10000x128xi32, #tpu.memory_space<hbm>>) target(%arg11 : memref<128x128xi32, #tpu.memory_space<vmem>>) offsets(%dma_start3A_18 : memref<128xi32, #tpu.memory_space<vmem>>) semaphore(%arg13 : memref<!tpu.dma_semaphore, #tpu.memory_space<semaphore_mem>>)
      %dma_wait3A = arith.constant 0 : i32
      %dma_wait3A_22 = tpu.memref_slice %arg8[%scan3A_10, %dma_wait3A] : memref<81x128xi32, #tpu.memory_space<vmem>> -> memref<1x128xi32, #tpu.memory_space<vmem>>
      %dma_wait3A_23 = tpu.memref_squeeze %dma_wait3A_22 : memref<1x128xi32, #tpu.memory_space<vmem>> -> memref<128xi32, #tpu.memory_space<vmem>>
      %dma_wait3A_24 = arith.constant 0 : i32
      %dma_wait3A_25 = arith.constant 0 : i32
      %dma_wait3A_26 = tpu.memref_slice %arg2[%dma_wait3A_24, %dma_wait3A_25] : memref<10000x128xi32, #tpu.memory_space<hbm>> -> memref<10000x128xi32, #tpu.memory_space<hbm>>
      tpu.wait_indirect_dma semaphore(%arg12 : memref<!tpu.dma_semaphore, #tpu.memory_space<semaphore_mem>>) src(%dma_wait3A_26 : memref<10000x128xi32, #tpu.memory_space<hbm>>) dst(%arg10 : memref<128x128xi32, #tpu.memory_space<vmem>>)
      %dma_wait3A_27 = arith.constant 0 : i32
      %dma_wait3A_28 = tpu.memref_slice %arg9[%scan3A_10, %dma_wait3A_27] : memref<81x128xi32, #tpu.memory_space<vmem>> -> memref<1x128xi32, #tpu.memory_space<vmem>>
      %dma_wait3A_29 = tpu.memref_squeeze %dma_wait3A_28 : memref<1x128xi32, #tpu.memory_space<vmem>> -> memref<128xi32, #tpu.memory_space<vmem>>
      %dma_wait3A_30 = arith.constant 0 : i32
      %dma_wait3A_31 = arith.constant 0 : i32
      %dma_wait3A_32 = tpu.memref_slice %arg3[%dma_wait3A_30, %dma_wait3A_31] : memref<10000x128xi32, #tpu.memory_space<hbm>> -> memref<10000x128xi32, #tpu.memory_space<hbm>>
      tpu.wait_indirect_dma semaphore(%arg13 : memref<!tpu.dma_semaphore, #tpu.memory_space<semaphore_mem>>) src(%dma_wait3A_32 : memref<10000x128xi32, #tpu.memory_space<hbm>>) dst(%arg11 : memref<128x128xi32, #tpu.memory_space<vmem>>)
      %mul3A_33 = arith.constant 128 : i32
      %mul3A_34 = arith.muli %scan3A_10, %mul3A_33 : i32
      %add3A_35 = arith.addi %mul3A_4, %mul3A_34 : i32
      "tpu.region"() ({
        %run_scoped3A = tpu.sem_alloc : memref<!tpu.dma_semaphore, #tpu.memory_space<semaphore_mem>>
        %dma_start3A_39 = arith.constant 0 : i32
        %dma_start3A_40 = tpu.memref_slice %arg6[%add3A_35, %dma_start3A_39] : memref<331776x128xi32, #tpu.memory_space<hbm>> -> memref<128x128xi32, #tpu.memory_space<hbm>>
        %dma_start3A_41 = arith.constant 0 : i32
        %dma_start3A_42 = tpu.memref_slice %arg6[%add3A_35, %dma_start3A_41] : memref<331776x128xi32, #tpu.memory_space<hbm>> -> memref<128x128xi32, #tpu.memory_space<hbm>>
        tpu.enqueue_dma source(%arg10 : memref<128x128xi32, #tpu.memory_space<vmem>>) target(%dma_start3A_42 : memref<128x128xi32, #tpu.memory_space<hbm>>) target_semaphore(%run_scoped3A : memref<!tpu.dma_semaphore, #tpu.memory_space<semaphore_mem>>)
        %dma_wait3A_43 = arith.constant 0 : i32
        %dma_wait3A_44 = tpu.memref_slice %arg6[%add3A_35, %dma_wait3A_43] : memref<331776x128xi32, #tpu.memory_space<hbm>> -> memref<128x128xi32, #tpu.memory_space<hbm>>
        %dma_wait3A_45 = arith.constant 0 : i32
        %dma_wait3A_46 = tpu.memref_slice %arg6[%add3A_35, %dma_wait3A_45] : memref<331776x128xi32, #tpu.memory_space<hbm>> -> memref<128x128xi32, #tpu.memory_space<hbm>>
        tpu.wait_dma2 semaphore(%run_scoped3A : memref<!tpu.dma_semaphore, #tpu.memory_space<semaphore_mem>>) src(%arg10 : memref<128x128xi32, #tpu.memory_space<vmem>>) dst(%dma_wait3A_46 : memref<128x128xi32, #tpu.memory_space<hbm>>)
        tpu.yield
      }) : () -> ()
      %mul3A_36 = arith.constant 128 : i32
      %mul3A_37 = arith.muli %scan3A_10, %mul3A_36 : i32
      %add3A_38 = arith.addi %mul3A_4, %mul3A_37 : i32
      "tpu.region"() ({
        %run_scoped3A = tpu.sem_alloc : memref<!tpu.dma_semaphore, #tpu.memory_space<semaphore_mem>>
        %dma_start3A_39 = arith.constant 0 : i32
        %dma_start3A_40 = tpu.memref_slice %arg7[%add3A_38, %dma_start3A_39] : memref<331776x128xi32, #tpu.memory_space<hbm>> -> memref<128x128xi32, #tpu.memory_space<hbm>>
        %dma_start3A_41 = arith.constant 0 : i32
        %dma_start3A_42 = tpu.memref_slice %arg7[%add3A_38, %dma_start3A_41] : memref<331776x128xi32, #tpu.memory_space<hbm>> -> memref<128x128xi32, #tpu.memory_space<hbm>>
        tpu.enqueue_dma source(%arg11 : memref<128x128xi32, #tpu.memory_space<vmem>>) target(%dma_start3A_42 : memref<128x128xi32, #tpu.memory_space<hbm>>) target_semaphore(%run_scoped3A : memref<!tpu.dma_semaphore, #tpu.memory_space<semaphore_mem>>)
        %dma_wait3A_43 = arith.constant 0 : i32
        %dma_wait3A_44 = tpu.memref_slice %arg7[%add3A_38, %dma_wait3A_43] : memref<331776x128xi32, #tpu.memory_space<hbm>> -> memref<128x128xi32, #tpu.memory_space<hbm>>
        %dma_wait3A_45 = arith.constant 0 : i32
        %dma_wait3A_46 = tpu.memref_slice %arg7[%add3A_38, %dma_wait3A_45] : memref<331776x128xi32, #tpu.memory_space<hbm>> -> memref<128x128xi32, #tpu.memory_space<hbm>>
        tpu.wait_dma2 semaphore(%run_scoped3A : memref<!tpu.dma_semaphore, #tpu.memory_space<semaphore_mem>>) src(%arg11 : memref<128x128xi32, #tpu.memory_space<vmem>>) dst(%dma_wait3A_46 : memref<128x128xi32, #tpu.memory_space<hbm>>)
        tpu.yield
      }) : () -> ()
    }
    %scan3A_9 = arith.constant 81 : i32
    return
  }
}

#map = affine_map<(d0, d1) -> (0, 0)>
#map1 = affine_map<(d0, d1) -> (0, 0, 0)>
module attributes {stable_mosaic.version = 14 : i64} {
  func.func @_scatter_call(%arg0: i32, %arg1: i32, %arg2: memref<331776x128xf32, #tpu.memory_space<hbm>>, %arg3: memref<32x81x128xi32, #tpu.memory_space<hbm>>, %arg4: memref<10112x128xf32, #tpu.memory_space<hbm>>, %arg5: memref<2x10112x128xf32, #tpu.memory_space<hbm>>, %arg6: memref<81x128xi32, #tpu.memory_space<vmem>>, %arg7: memref<128x128xf32, #tpu.memory_space<vmem>>, %arg8: memref<10112x128xf32, #tpu.memory_space<vmem_shared>>) attributes {dimension_semantics = [#tpu.dimension_semantics<core_parallel>, #tpu.dimension_semantics<subcore_parallel>], iteration_bounds = array<i64: 2, 16>, scalar_prefetch = 0 : i64, scratch_operands = 3 : i64, tpu.core_type = #tpu.core_type<sc_vector_subcore>, window_params = [{transform_indices = #map}, {transform_indices = #map1}, {transform_indices = #map}, {transform_indices = #map1}]} {
    %mul3A = arith.constant 632 : i32
    %mul3A_0 = arith.muli %arg1, %mul3A : i32
    "tpu.region"() ({
      %run_scoped3A = tpu.sem_alloc : memref<!tpu.dma_semaphore, #tpu.memory_space<semaphore_mem>>
      %dma_start3A = arith.constant 0 : i32
      %dma_start3A_13 = tpu.memref_slice %arg8[%mul3A_0, %dma_start3A] : memref<10112x128xf32, #tpu.memory_space<vmem_shared>> -> memref<632x128xf32, #tpu.memory_space<vmem_shared>>
      %dma_start3A_14 = arith.constant 0 : i32
      %dma_start3A_15 = tpu.memref_slice %arg4[%mul3A_0, %dma_start3A_14] : memref<10112x128xf32, #tpu.memory_space<hbm>> -> memref<632x128xf32, #tpu.memory_space<hbm>>
      tpu.enqueue_dma source(%dma_start3A_15 : memref<632x128xf32, #tpu.memory_space<hbm>>) target(%dma_start3A_13 : memref<632x128xf32, #tpu.memory_space<vmem_shared>>) target_semaphore(%run_scoped3A : memref<!tpu.dma_semaphore, #tpu.memory_space<semaphore_mem>>)
      %dma_wait3A = arith.constant 0 : i32
      %dma_wait3A_16 = tpu.memref_slice %arg8[%mul3A_0, %dma_wait3A] : memref<10112x128xf32, #tpu.memory_space<vmem_shared>> -> memref<632x128xf32, #tpu.memory_space<vmem_shared>>
      %dma_wait3A_17 = arith.constant 0 : i32
      %dma_wait3A_18 = tpu.memref_slice %arg4[%mul3A_0, %dma_wait3A_17] : memref<10112x128xf32, #tpu.memory_space<hbm>> -> memref<632x128xf32, #tpu.memory_space<hbm>>
      tpu.wait_dma2 semaphore(%run_scoped3A : memref<!tpu.dma_semaphore, #tpu.memory_space<semaphore_mem>>) src(%dma_wait3A_18 : memref<632x128xf32, #tpu.memory_space<hbm>>) dst(%dma_wait3A_16 : memref<632x128xf32, #tpu.memory_space<vmem_shared>>)
      tpu.yield
    }) : () -> ()
    %barrier3A = arith.constant 0 : index
    tpu.barrier barrier_id(%barrier3A)
    %mul3A_1 = arith.constant 16 : i32
    %mul3A_2 = arith.muli %arg0, %mul3A_1 : i32
    %add3A = arith.addi %mul3A_2, %arg1 : i32
    "tpu.region"() ({
      %run_scoped3A = tpu.sem_alloc : memref<!tpu.dma_semaphore, #tpu.memory_space<semaphore_mem>>
      %dma_start3A = arith.constant 0 : i32
      %dma_start3A_13 = arith.constant 0 : i32
      %dma_start3A_14 = tpu.memref_slice %arg3[%add3A, %dma_start3A, %dma_start3A_13] : memref<32x81x128xi32, #tpu.memory_space<hbm>> -> memref<1x81x128xi32, #tpu.memory_space<hbm>>
      %dma_start3A_15 = tpu.memref_squeeze %dma_start3A_14 : memref<1x81x128xi32, #tpu.memory_space<hbm>> -> memref<81x128xi32, #tpu.memory_space<hbm>>
      %dma_start3A_16 = arith.constant 0 : i32
      %dma_start3A_17 = arith.constant 0 : i32
      %dma_start3A_18 = tpu.memref_slice %arg3[%add3A, %dma_start3A_16, %dma_start3A_17] : memref<32x81x128xi32, #tpu.memory_space<hbm>> -> memref<1x81x128xi32, #tpu.memory_space<hbm>>
      %dma_start3A_19 = tpu.memref_squeeze %dma_start3A_18 : memref<1x81x128xi32, #tpu.memory_space<hbm>> -> memref<81x128xi32, #tpu.memory_space<hbm>>
      tpu.enqueue_dma source(%dma_start3A_19 : memref<81x128xi32, #tpu.memory_space<hbm>>) target(%arg6 : memref<81x128xi32, #tpu.memory_space<vmem>>) target_semaphore(%run_scoped3A : memref<!tpu.dma_semaphore, #tpu.memory_space<semaphore_mem>>)
      %dma_wait3A = arith.constant 0 : i32
      %dma_wait3A_20 = arith.constant 0 : i32
      %dma_wait3A_21 = tpu.memref_slice %arg3[%add3A, %dma_wait3A, %dma_wait3A_20] : memref<32x81x128xi32, #tpu.memory_space<hbm>> -> memref<1x81x128xi32, #tpu.memory_space<hbm>>
      %dma_wait3A_22 = tpu.memref_squeeze %dma_wait3A_21 : memref<1x81x128xi32, #tpu.memory_space<hbm>> -> memref<81x128xi32, #tpu.memory_space<hbm>>
      %dma_wait3A_23 = arith.constant 0 : i32
      %dma_wait3A_24 = arith.constant 0 : i32
      %dma_wait3A_25 = tpu.memref_slice %arg3[%add3A, %dma_wait3A_23, %dma_wait3A_24] : memref<32x81x128xi32, #tpu.memory_space<hbm>> -> memref<1x81x128xi32, #tpu.memory_space<hbm>>
      %dma_wait3A_26 = tpu.memref_squeeze %dma_wait3A_25 : memref<1x81x128xi32, #tpu.memory_space<hbm>> -> memref<81x128xi32, #tpu.memory_space<hbm>>
      tpu.wait_dma2 semaphore(%run_scoped3A : memref<!tpu.dma_semaphore, #tpu.memory_space<semaphore_mem>>) src(%dma_wait3A_26 : memref<81x128xi32, #tpu.memory_space<hbm>>) dst(%arg6 : memref<81x128xi32, #tpu.memory_space<vmem>>)
      tpu.yield
    }) : () -> ()
    %mul3A_3 = arith.constant 81 : i32
    %mul3A_4 = arith.muli %add3A, %mul3A_3 : i32
    %mul3A_5 = arith.constant 128 : i32
    %mul3A_6 = arith.muli %mul3A_4, %mul3A_5 : i32
    %scan3A = arith.constant 0 : i32
    %scan3A_7 = arith.constant 0 : i32
    %scan3A_8 = arith.constant 81 : i32
    %scan3A_9 = arith.addi %scan3A_7, %scan3A_8 : i32
    %scan3A_10 = arith.constant 1 : i32
    scf.for %scan3A_13 = %scan3A_7 to %scan3A_9 step %scan3A_10  : i32 {
      %mul3A_14 = arith.constant 128 : i32
      %mul3A_15 = arith.muli %scan3A_13, %mul3A_14 : i32
      %add3A_16 = arith.addi %mul3A_6, %mul3A_15 : i32
      "tpu.region"() ({
        %run_scoped3A = tpu.sem_alloc : memref<!tpu.dma_semaphore, #tpu.memory_space<semaphore_mem>>
        %dma_start3A = arith.constant 0 : i32
        %dma_start3A_17 = tpu.memref_slice %arg2[%add3A_16, %dma_start3A] : memref<331776x128xf32, #tpu.memory_space<hbm>> -> memref<128x128xf32, #tpu.memory_space<hbm>>
        %dma_start3A_18 = arith.constant 0 : i32
        %dma_start3A_19 = tpu.memref_slice %arg2[%add3A_16, %dma_start3A_18] : memref<331776x128xf32, #tpu.memory_space<hbm>> -> memref<128x128xf32, #tpu.memory_space<hbm>>
        tpu.enqueue_dma source(%dma_start3A_19 : memref<128x128xf32, #tpu.memory_space<hbm>>) target(%arg7 : memref<128x128xf32, #tpu.memory_space<vmem>>) target_semaphore(%run_scoped3A : memref<!tpu.dma_semaphore, #tpu.memory_space<semaphore_mem>>)
        %dma_wait3A = arith.constant 0 : i32
        %dma_wait3A_20 = tpu.memref_slice %arg2[%add3A_16, %dma_wait3A] : memref<331776x128xf32, #tpu.memory_space<hbm>> -> memref<128x128xf32, #tpu.memory_space<hbm>>
        %dma_wait3A_21 = arith.constant 0 : i32
        %dma_wait3A_22 = tpu.memref_slice %arg2[%add3A_16, %dma_wait3A_21] : memref<331776x128xf32, #tpu.memory_space<hbm>> -> memref<128x128xf32, #tpu.memory_space<hbm>>
        tpu.wait_dma2 semaphore(%run_scoped3A : memref<!tpu.dma_semaphore, #tpu.memory_space<semaphore_mem>>) src(%dma_wait3A_22 : memref<128x128xf32, #tpu.memory_space<hbm>>) dst(%arg7 : memref<128x128xf32, #tpu.memory_space<vmem>>)
        tpu.yield
      }) : () -> ()
      "tpu.region"() ({
        %run_scoped3A = tpu.sem_alloc : memref<!tpu.dma_semaphore, #tpu.memory_space<semaphore_mem>>
        %dma_start3A = arith.constant 0 : i32
        %dma_start3A_17 = tpu.memref_slice %arg6[%scan3A_13, %dma_start3A] : memref<81x128xi32, #tpu.memory_space<vmem>> -> memref<1x128xi32, #tpu.memory_space<vmem>>
        %dma_start3A_18 = tpu.memref_squeeze %dma_start3A_17 : memref<1x128xi32, #tpu.memory_space<vmem>> -> memref<128xi32, #tpu.memory_space<vmem>>
        %dma_start3A_19 = arith.constant 0 : i32
        %dma_start3A_20 = arith.constant 0 : i32
        %dma_start3A_21 = tpu.memref_slice %arg8[%dma_start3A_19, %dma_start3A_20] : memref<10112x128xf32, #tpu.memory_space<vmem_shared>> -> memref<10112x128xf32, #tpu.memory_space<vmem_shared>>
        tpu.enqueue_indirect_dma source(%arg7 : memref<128x128xf32, #tpu.memory_space<vmem>>) target(%dma_start3A_21 : memref<10112x128xf32, #tpu.memory_space<vmem_shared>>) offsets(%dma_start3A_18 : memref<128xi32, #tpu.memory_space<vmem>>) semaphore(%run_scoped3A : memref<!tpu.dma_semaphore, #tpu.memory_space<semaphore_mem>>) {add = true}
        %dma_wait3A = arith.constant 0 : i32
        %dma_wait3A_22 = tpu.memref_slice %arg6[%scan3A_13, %dma_wait3A] : memref<81x128xi32, #tpu.memory_space<vmem>> -> memref<1x128xi32, #tpu.memory_space<vmem>>
        %dma_wait3A_23 = tpu.memref_squeeze %dma_wait3A_22 : memref<1x128xi32, #tpu.memory_space<vmem>> -> memref<128xi32, #tpu.memory_space<vmem>>
        %dma_wait3A_24 = arith.constant 0 : i32
        %dma_wait3A_25 = arith.constant 0 : i32
        %dma_wait3A_26 = tpu.memref_slice %arg8[%dma_wait3A_24, %dma_wait3A_25] : memref<10112x128xf32, #tpu.memory_space<vmem_shared>> -> memref<10112x128xf32, #tpu.memory_space<vmem_shared>>
        tpu.wait_indirect_dma semaphore(%run_scoped3A : memref<!tpu.dma_semaphore, #tpu.memory_space<semaphore_mem>>) src(%arg7 : memref<128x128xf32, #tpu.memory_space<vmem>>) dst(%dma_wait3A_26 : memref<10112x128xf32, #tpu.memory_space<vmem_shared>>)
        tpu.yield
      }) : () -> ()
    }
    %scan3A_11 = arith.constant 81 : i32
    %barrier3A_12 = arith.constant 0 : index
    tpu.barrier barrier_id(%barrier3A_12)
    "tpu.region"() ({
      %run_scoped3A = tpu.sem_alloc : memref<!tpu.dma_semaphore, #tpu.memory_space<semaphore_mem>>
      %dma_start3A = arith.constant 0 : i32
      %dma_start3A_13 = tpu.memref_slice %arg5[%arg0, %mul3A_0, %dma_start3A] : memref<2x10112x128xf32, #tpu.memory_space<hbm>> -> memref<1x632x128xf32, #tpu.memory_space<hbm>>
      %dma_start3A_14 = tpu.memref_squeeze %dma_start3A_13 : memref<1x632x128xf32, #tpu.memory_space<hbm>> -> memref<632x128xf32, #tpu.memory_space<hbm>>
      %dma_start3A_15 = arith.constant 0 : i32
      %dma_start3A_16 = tpu.memref_slice %arg8[%mul3A_0, %dma_start3A_15] : memref<10112x128xf32, #tpu.memory_space<vmem_shared>> -> memref<632x128xf32, #tpu.memory_space<vmem_shared>>
      tpu.enqueue_dma source(%dma_start3A_16 : memref<632x128xf32, #tpu.memory_space<vmem_shared>>) target(%dma_start3A_14 : memref<632x128xf32, #tpu.memory_space<hbm>>) target_semaphore(%run_scoped3A : memref<!tpu.dma_semaphore, #tpu.memory_space<semaphore_mem>>)
      %dma_wait3A = arith.constant 0 : i32
      %dma_wait3A_17 = tpu.memref_slice %arg5[%arg0, %mul3A_0, %dma_wait3A] : memref<2x10112x128xf32, #tpu.memory_space<hbm>> -> memref<1x632x128xf32, #tpu.memory_space<hbm>>
      %dma_wait3A_18 = tpu.memref_squeeze %dma_wait3A_17 : memref<1x632x128xf32, #tpu.memory_space<hbm>> -> memref<632x128xf32, #tpu.memory_space<hbm>>
      %dma_wait3A_19 = arith.constant 0 : i32
      %dma_wait3A_20 = tpu.memref_slice %arg8[%mul3A_0, %dma_wait3A_19] : memref<10112x128xf32, #tpu.memory_space<vmem_shared>> -> memref<632x128xf32, #tpu.memory_space<vmem_shared>>
      tpu.wait_dma2 semaphore(%run_scoped3A : memref<!tpu.dma_semaphore, #tpu.memory_space<semaphore_mem>>) src(%dma_wait3A_20 : memref<632x128xf32, #tpu.memory_space<vmem_shared>>) dst(%dma_wait3A_18 : memref<632x128xf32, #tpu.memory_space<hbm>>)
      tpu.yield
    }) : () -> ()
    return
  }
}

#map = affine_map<(d0, d1) -> (0, 0)>
#map1 = affine_map<(d0, d1) -> (0, 0, 0)>
module attributes {stable_mosaic.version = 14 : i64} {
  func.func @_gather_call(%arg0: i32, %arg1: i32, %arg2: memref<10000x128xi32, #tpu.memory_space<hbm>>, %arg3: memref<10000x128xi32, #tpu.memory_space<hbm>>, %arg4: memref<32x81x128xi32, #tpu.memory_space<hbm>>, %arg5: memref<32x81x128xi32, #tpu.memory_space<hbm>>, %arg6: memref<331776x128xi32, #tpu.memory_space<hbm>>, %arg7: memref<331776x128xi32, #tpu.memory_space<hbm>>, %arg8: memref<81x128xi32, #tpu.memory_space<vmem>>, %arg9: memref<81x128xi32, #tpu.memory_space<vmem>>, %arg10: memref<128x128xi32, #tpu.memory_space<vmem>>, %arg11: memref<128x128xi32, #tpu.memory_space<vmem>>, %arg12: memref<!tpu.dma_semaphore, #tpu.memory_space<semaphore_mem>>, %arg13: memref<!tpu.dma_semaphore, #tpu.memory_space<semaphore_mem>>) attributes {dimension_semantics = [#tpu.dimension_semantics<core_parallel>, #tpu.dimension_semantics<subcore_parallel>], iteration_bounds = array<i64: 2, 16>, scalar_prefetch = 0 : i64, scratch_operands = 6 : i64, tpu.core_type = #tpu.core_type<sc_vector_subcore>, window_params = [{transform_indices = #map}, {transform_indices = #map}, {transform_indices = #map1}, {transform_indices = #map1}, {transform_indices = #map}, {transform_indices = #map}]} {
    %mul3A = arith.constant 2 : i32
    %mul3A_0 = arith.muli %arg1, %mul3A : i32
    %add3A = arith.addi %mul3A_0, %arg0 : i32
    "tpu.region"() ({
      %run_scoped3A = tpu.sem_alloc : memref<!tpu.dma_semaphore, #tpu.memory_space<semaphore_mem>>
      %dma_start3A = arith.constant 0 : i32
      %dma_start3A_10 = arith.constant 0 : i32
      %dma_start3A_11 = tpu.memref_slice %arg4[%add3A, %dma_start3A, %dma_start3A_10] : memref<32x81x128xi32, #tpu.memory_space<hbm>> -> memref<1x81x128xi32, #tpu.memory_space<hbm>>
      %dma_start3A_12 = tpu.memref_squeeze %dma_start3A_11 : memref<1x81x128xi32, #tpu.memory_space<hbm>> -> memref<81x128xi32, #tpu.memory_space<hbm>>
      %dma_start3A_13 = arith.constant 0 : i32
      %dma_start3A_14 = arith.constant 0 : i32
      %dma_start3A_15 = tpu.memref_slice %arg4[%add3A, %dma_start3A_13, %dma_start3A_14] : memref<32x81x128xi32, #tpu.memory_space<hbm>> -> memref<1x81x128xi32, #tpu.memory_space<hbm>>
      %dma_start3A_16 = tpu.memref_squeeze %dma_start3A_15 : memref<1x81x128xi32, #tpu.memory_space<hbm>> -> memref<81x128xi32, #tpu.memory_space<hbm>>
      tpu.enqueue_dma source(%dma_start3A_16 : memref<81x128xi32, #tpu.memory_space<hbm>>) target(%arg8 : memref<81x128xi32, #tpu.memory_space<vmem>>) target_semaphore(%run_scoped3A : memref<!tpu.dma_semaphore, #tpu.memory_space<semaphore_mem>>)
      %dma_wait3A = arith.constant 0 : i32
      %dma_wait3A_17 = arith.constant 0 : i32
      %dma_wait3A_18 = tpu.memref_slice %arg4[%add3A, %dma_wait3A, %dma_wait3A_17] : memref<32x81x128xi32, #tpu.memory_space<hbm>> -> memref<1x81x128xi32, #tpu.memory_space<hbm>>
      %dma_wait3A_19 = tpu.memref_squeeze %dma_wait3A_18 : memref<1x81x128xi32, #tpu.memory_space<hbm>> -> memref<81x128xi32, #tpu.memory_space<hbm>>
      %dma_wait3A_20 = arith.constant 0 : i32
      %dma_wait3A_21 = arith.constant 0 : i32
      %dma_wait3A_22 = tpu.memref_slice %arg4[%add3A, %dma_wait3A_20, %dma_wait3A_21] : memref<32x81x128xi32, #tpu.memory_space<hbm>> -> memref<1x81x128xi32, #tpu.memory_space<hbm>>
      %dma_wait3A_23 = tpu.memref_squeeze %dma_wait3A_22 : memref<1x81x128xi32, #tpu.memory_space<hbm>> -> memref<81x128xi32, #tpu.memory_space<hbm>>
      tpu.wait_dma2 semaphore(%run_scoped3A : memref<!tpu.dma_semaphore, #tpu.memory_space<semaphore_mem>>) src(%dma_wait3A_23 : memref<81x128xi32, #tpu.memory_space<hbm>>) dst(%arg8 : memref<81x128xi32, #tpu.memory_space<vmem>>)
      tpu.yield
    }) : () -> ()
    "tpu.region"() ({
      %run_scoped3A = tpu.sem_alloc : memref<!tpu.dma_semaphore, #tpu.memory_space<semaphore_mem>>
      %dma_start3A = arith.constant 0 : i32
      %dma_start3A_10 = arith.constant 0 : i32
      %dma_start3A_11 = tpu.memref_slice %arg5[%add3A, %dma_start3A, %dma_start3A_10] : memref<32x81x128xi32, #tpu.memory_space<hbm>> -> memref<1x81x128xi32, #tpu.memory_space<hbm>>
      %dma_start3A_12 = tpu.memref_squeeze %dma_start3A_11 : memref<1x81x128xi32, #tpu.memory_space<hbm>> -> memref<81x128xi32, #tpu.memory_space<hbm>>
      %dma_start3A_13 = arith.constant 0 : i32
      %dma_start3A_14 = arith.constant 0 : i32
      %dma_start3A_15 = tpu.memref_slice %arg5[%add3A, %dma_start3A_13, %dma_start3A_14] : memref<32x81x128xi32, #tpu.memory_space<hbm>> -> memref<1x81x128xi32, #tpu.memory_space<hbm>>
      %dma_start3A_16 = tpu.memref_squeeze %dma_start3A_15 : memref<1x81x128xi32, #tpu.memory_space<hbm>> -> memref<81x128xi32, #tpu.memory_space<hbm>>
      tpu.enqueue_dma source(%dma_start3A_16 : memref<81x128xi32, #tpu.memory_space<hbm>>) target(%arg9 : memref<81x128xi32, #tpu.memory_space<vmem>>) target_semaphore(%run_scoped3A : memref<!tpu.dma_semaphore, #tpu.memory_space<semaphore_mem>>)
      %dma_wait3A = arith.constant 0 : i32
      %dma_wait3A_17 = arith.constant 0 : i32
      %dma_wait3A_18 = tpu.memref_slice %arg5[%add3A, %dma_wait3A, %dma_wait3A_17] : memref<32x81x128xi32, #tpu.memory_space<hbm>> -> memref<1x81x128xi32, #tpu.memory_space<hbm>>
      %dma_wait3A_19 = tpu.memref_squeeze %dma_wait3A_18 : memref<1x81x128xi32, #tpu.memory_space<hbm>> -> memref<81x128xi32, #tpu.memory_space<hbm>>
      %dma_wait3A_20 = arith.constant 0 : i32
      %dma_wait3A_21 = arith.constant 0 : i32
      %dma_wait3A_22 = tpu.memref_slice %arg5[%add3A, %dma_wait3A_20, %dma_wait3A_21] : memref<32x81x128xi32, #tpu.memory_space<hbm>> -> memref<1x81x128xi32, #tpu.memory_space<hbm>>
      %dma_wait3A_23 = tpu.memref_squeeze %dma_wait3A_22 : memref<1x81x128xi32, #tpu.memory_space<hbm>> -> memref<81x128xi32, #tpu.memory_space<hbm>>
      tpu.wait_dma2 semaphore(%run_scoped3A : memref<!tpu.dma_semaphore, #tpu.memory_space<semaphore_mem>>) src(%dma_wait3A_23 : memref<81x128xi32, #tpu.memory_space<hbm>>) dst(%arg9 : memref<81x128xi32, #tpu.memory_space<vmem>>)
      tpu.yield
    }) : () -> ()
    %mul3A_1 = arith.constant 81 : i32
    %mul3A_2 = arith.muli %add3A, %mul3A_1 : i32
    %mul3A_3 = arith.constant 128 : i32
    %mul3A_4 = arith.muli %mul3A_2, %mul3A_3 : i32
    %scan3A = arith.constant 0 : i32
    %scan3A_5 = arith.constant 0 : i32
    %scan3A_6 = arith.constant 81 : i32
    %scan3A_7 = arith.addi %scan3A_5, %scan3A_6 : i32
    %scan3A_8 = arith.constant 1 : i32
    scf.for %scan3A_10 = %scan3A_5 to %scan3A_7 step %scan3A_8  : i32 {
      %dma_start3A = arith.constant 0 : i32
      %dma_start3A_11 = tpu.memref_slice %arg8[%scan3A_10, %dma_start3A] : memref<81x128xi32, #tpu.memory_space<vmem>> -> memref<1x128xi32, #tpu.memory_space<vmem>>
      %dma_start3A_12 = tpu.memref_squeeze %dma_start3A_11 : memref<1x128xi32, #tpu.memory_space<vmem>> -> memref<128xi32, #tpu.memory_space<vmem>>
      %dma_start3A_13 = arith.constant 0 : i32
      %dma_start3A_14 = arith.constant 0 : i32
      %dma_start3A_15 = tpu.memref_slice %arg2[%dma_start3A_13, %dma_start3A_14] : memref<10000x128xi32, #tpu.memory_space<hbm>> -> memref<10000x128xi32, #tpu.memory_space<hbm>>
      tpu.enqueue_indirect_dma source(%dma_start3A_15 : memref<10000x128xi32, #tpu.memory_space<hbm>>) target(%arg10 : memref<128x128xi32, #tpu.memory_space<vmem>>) offsets(%dma_start3A_12 : memref<128xi32, #tpu.memory_space<vmem>>) semaphore(%arg12 : memref<!tpu.dma_semaphore, #tpu.memory_space<semaphore_mem>>)
      %dma_start3A_16 = arith.constant 0 : i32
      %dma_start3A_17 = tpu.memref_slice %arg9[%scan3A_10, %dma_start3A_16] : memref<81x128xi32, #tpu.memory_space<vmem>> -> memref<1x128xi32, #tpu.memory_space<vmem>>
      %dma_start3A_18 = tpu.memref_squeeze %dma_start3A_17 : memref<1x128xi32, #tpu.memory_space<vmem>> -> memref<128xi32, #tpu.memory_space<vmem>>
      %dma_start3A_19 = arith.constant 0 : i32
      %dma_start3A_20 = arith.constant 0 : i32
      %dma_start3A_21 = tpu.memref_slice %arg3[%dma_start3A_19, %dma_start3A_20] : memref<10000x128xi32, #tpu.memory_space<hbm>> -> memref<10000x128xi32, #tpu.memory_space<hbm>>
      tpu.enqueue_indirect_dma source(%dma_start3A_21 : memref<10000x128xi32, #tpu.memory_space<hbm>>) target(%arg11 : memref<128x128xi32, #tpu.memory_space<vmem>>) offsets(%dma_start3A_18 : memref<128xi32, #tpu.memory_space<vmem>>) semaphore(%arg13 : memref<!tpu.dma_semaphore, #tpu.memory_space<semaphore_mem>>)
      %dma_wait3A = arith.constant 0 : i32
      %dma_wait3A_22 = tpu.memref_slice %arg8[%scan3A_10, %dma_wait3A] : memref<81x128xi32, #tpu.memory_space<vmem>> -> memref<1x128xi32, #tpu.memory_space<vmem>>
      %dma_wait3A_23 = tpu.memref_squeeze %dma_wait3A_22 : memref<1x128xi32, #tpu.memory_space<vmem>> -> memref<128xi32, #tpu.memory_space<vmem>>
      %dma_wait3A_24 = arith.constant 0 : i32
      %dma_wait3A_25 = arith.constant 0 : i32
      %dma_wait3A_26 = tpu.memref_slice %arg2[%dma_wait3A_24, %dma_wait3A_25] : memref<10000x128xi32, #tpu.memory_space<hbm>> -> memref<10000x128xi32, #tpu.memory_space<hbm>>
      tpu.wait_indirect_dma semaphore(%arg12 : memref<!tpu.dma_semaphore, #tpu.memory_space<semaphore_mem>>) src(%dma_wait3A_26 : memref<10000x128xi32, #tpu.memory_space<hbm>>) dst(%arg10 : memref<128x128xi32, #tpu.memory_space<vmem>>)
      %dma_wait3A_27 = arith.constant 0 : i32
      %dma_wait3A_28 = tpu.memref_slice %arg9[%scan3A_10, %dma_wait3A_27] : memref<81x128xi32, #tpu.memory_space<vmem>> -> memref<1x128xi32, #tpu.memory_space<vmem>>
      %dma_wait3A_29 = tpu.memref_squeeze %dma_wait3A_28 : memref<1x128xi32, #tpu.memory_space<vmem>> -> memref<128xi32, #tpu.memory_space<vmem>>
      %dma_wait3A_30 = arith.constant 0 : i32
      %dma_wait3A_31 = arith.constant 0 : i32
      %dma_wait3A_32 = tpu.memref_slice %arg3[%dma_wait3A_30, %dma_wait3A_31] : memref<10000x128xi32, #tpu.memory_space<hbm>> -> memref<10000x128xi32, #tpu.memory_space<hbm>>
      tpu.wait_indirect_dma semaphore(%arg13 : memref<!tpu.dma_semaphore, #tpu.memory_space<semaphore_mem>>) src(%dma_wait3A_32 : memref<10000x128xi32, #tpu.memory_space<hbm>>) dst(%arg11 : memref<128x128xi32, #tpu.memory_space<vmem>>)
      %mul3A_33 = arith.constant 128 : i32
      %mul3A_34 = arith.muli %scan3A_10, %mul3A_33 : i32
      %add3A_35 = arith.addi %mul3A_4, %mul3A_34 : i32
      "tpu.region"() ({
        %run_scoped3A = tpu.sem_alloc : memref<!tpu.dma_semaphore, #tpu.memory_space<semaphore_mem>>
        %dma_start3A_39 = arith.constant 0 : i32
        %dma_start3A_40 = tpu.memref_slice %arg6[%add3A_35, %dma_start3A_39] : memref<331776x128xi32, #tpu.memory_space<hbm>> -> memref<128x128xi32, #tpu.memory_space<hbm>>
        %dma_start3A_41 = arith.constant 0 : i32
        %dma_start3A_42 = tpu.memref_slice %arg6[%add3A_35, %dma_start3A_41] : memref<331776x128xi32, #tpu.memory_space<hbm>> -> memref<128x128xi32, #tpu.memory_space<hbm>>
        tpu.enqueue_dma source(%arg10 : memref<128x128xi32, #tpu.memory_space<vmem>>) target(%dma_start3A_42 : memref<128x128xi32, #tpu.memory_space<hbm>>) target_semaphore(%run_scoped3A : memref<!tpu.dma_semaphore, #tpu.memory_space<semaphore_mem>>)
        %dma_wait3A_43 = arith.constant 0 : i32
        %dma_wait3A_44 = tpu.memref_slice %arg6[%add3A_35, %dma_wait3A_43] : memref<331776x128xi32, #tpu.memory_space<hbm>> -> memref<128x128xi32, #tpu.memory_space<hbm>>
        %dma_wait3A_45 = arith.constant 0 : i32
        %dma_wait3A_46 = tpu.memref_slice %arg6[%add3A_35, %dma_wait3A_45] : memref<331776x128xi32, #tpu.memory_space<hbm>> -> memref<128x128xi32, #tpu.memory_space<hbm>>
        tpu.wait_dma2 semaphore(%run_scoped3A : memref<!tpu.dma_semaphore, #tpu.memory_space<semaphore_mem>>) src(%arg10 : memref<128x128xi32, #tpu.memory_space<vmem>>) dst(%dma_wait3A_46 : memref<128x128xi32, #tpu.memory_space<hbm>>)
        tpu.yield
      }) : () -> ()
      %mul3A_36 = arith.constant 128 : i32
      %mul3A_37 = arith.muli %scan3A_10, %mul3A_36 : i32
      %add3A_38 = arith.addi %mul3A_4, %mul3A_37 : i32
      "tpu.region"() ({
        %run_scoped3A = tpu.sem_alloc : memref<!tpu.dma_semaphore, #tpu.memory_space<semaphore_mem>>
        %dma_start3A_39 = arith.constant 0 : i32
        %dma_start3A_40 = tpu.memref_slice %arg7[%add3A_38, %dma_start3A_39] : memref<331776x128xi32, #tpu.memory_space<hbm>> -> memref<128x128xi32, #tpu.memory_space<hbm>>
        %dma_start3A_41 = arith.constant 0 : i32
        %dma_start3A_42 = tpu.memref_slice %arg7[%add3A_38, %dma_start3A_41] : memref<331776x128xi32, #tpu.memory_space<hbm>> -> memref<128x128xi32, #tpu.memory_space<hbm>>
        tpu.enqueue_dma source(%arg11 : memref<128x128xi32, #tpu.memory_space<vmem>>) target(%dma_start3A_42 : memref<128x128xi32, #tpu.memory_space<hbm>>) target_semaphore(%run_scoped3A : memref<!tpu.dma_semaphore, #tpu.memory_space<semaphore_mem>>)
        %dma_wait3A_43 = arith.constant 0 : i32
        %dma_wait3A_44 = tpu.memref_slice %arg7[%add3A_38, %dma_wait3A_43] : memref<331776x128xi32, #tpu.memory_space<hbm>> -> memref<128x128xi32, #tpu.memory_space<hbm>>
        %dma_wait3A_45 = arith.constant 0 : i32
        %dma_wait3A_46 = tpu.memref_slice %arg7[%add3A_38, %dma_wait3A_45] : memref<331776x128xi32, #tpu.memory_space<hbm>> -> memref<128x128xi32, #tpu.memory_space<hbm>>
        tpu.wait_dma2 semaphore(%run_scoped3A : memref<!tpu.dma_semaphore, #tpu.memory_space<semaphore_mem>>) src(%arg11 : memref<128x128xi32, #tpu.memory_space<vmem>>) dst(%dma_wait3A_46 : memref<128x128xi32, #tpu.memory_space<hbm>>)
        tpu.yield
      }) : () -> ()
    }
    %scan3A_9 = arith.constant 81 : i32
    return
  }
}

#map = affine_map<(d0, d1) -> (0, 0)>
#map1 = affine_map<(d0, d1) -> (0, 0, 0)>
module attributes {stable_mosaic.version = 14 : i64} {
  func.func @_scatter_call(%arg0: i32, %arg1: i32, %arg2: memref<331776x128xf32, #tpu.memory_space<hbm>>, %arg3: memref<32x81x128xi32, #tpu.memory_space<hbm>>, %arg4: memref<10112x128xf32, #tpu.memory_space<hbm>>, %arg5: memref<2x10112x128xf32, #tpu.memory_space<hbm>>, %arg6: memref<81x128xi32, #tpu.memory_space<vmem>>, %arg7: memref<128x128xf32, #tpu.memory_space<vmem>>, %arg8: memref<10112x128xf32, #tpu.memory_space<vmem_shared>>) attributes {dimension_semantics = [#tpu.dimension_semantics<core_parallel>, #tpu.dimension_semantics<subcore_parallel>], iteration_bounds = array<i64: 2, 16>, scalar_prefetch = 0 : i64, scratch_operands = 3 : i64, tpu.core_type = #tpu.core_type<sc_vector_subcore>, window_params = [{transform_indices = #map}, {transform_indices = #map1}, {transform_indices = #map}, {transform_indices = #map1}]} {
    %mul3A = arith.constant 632 : i32
    %mul3A_0 = arith.muli %arg1, %mul3A : i32
    "tpu.region"() ({
      %run_scoped3A = tpu.sem_alloc : memref<!tpu.dma_semaphore, #tpu.memory_space<semaphore_mem>>
      %dma_start3A = arith.constant 0 : i32
      %dma_start3A_13 = tpu.memref_slice %arg8[%mul3A_0, %dma_start3A] : memref<10112x128xf32, #tpu.memory_space<vmem_shared>> -> memref<632x128xf32, #tpu.memory_space<vmem_shared>>
      %dma_start3A_14 = arith.constant 0 : i32
      %dma_start3A_15 = tpu.memref_slice %arg4[%mul3A_0, %dma_start3A_14] : memref<10112x128xf32, #tpu.memory_space<hbm>> -> memref<632x128xf32, #tpu.memory_space<hbm>>
      tpu.enqueue_dma source(%dma_start3A_15 : memref<632x128xf32, #tpu.memory_space<hbm>>) target(%dma_start3A_13 : memref<632x128xf32, #tpu.memory_space<vmem_shared>>) target_semaphore(%run_scoped3A : memref<!tpu.dma_semaphore, #tpu.memory_space<semaphore_mem>>)
      %dma_wait3A = arith.constant 0 : i32
      %dma_wait3A_16 = tpu.memref_slice %arg8[%mul3A_0, %dma_wait3A] : memref<10112x128xf32, #tpu.memory_space<vmem_shared>> -> memref<632x128xf32, #tpu.memory_space<vmem_shared>>
      %dma_wait3A_17 = arith.constant 0 : i32
      %dma_wait3A_18 = tpu.memref_slice %arg4[%mul3A_0, %dma_wait3A_17] : memref<10112x128xf32, #tpu.memory_space<hbm>> -> memref<632x128xf32, #tpu.memory_space<hbm>>
      tpu.wait_dma2 semaphore(%run_scoped3A : memref<!tpu.dma_semaphore, #tpu.memory_space<semaphore_mem>>) src(%dma_wait3A_18 : memref<632x128xf32, #tpu.memory_space<hbm>>) dst(%dma_wait3A_16 : memref<632x128xf32, #tpu.memory_space<vmem_shared>>)
      tpu.yield
    }) : () -> ()
    %barrier3A = arith.constant 0 : index
    tpu.barrier barrier_id(%barrier3A)
    %mul3A_1 = arith.constant 16 : i32
    %mul3A_2 = arith.muli %arg0, %mul3A_1 : i32
    %add3A = arith.addi %mul3A_2, %arg1 : i32
    "tpu.region"() ({
      %run_scoped3A = tpu.sem_alloc : memref<!tpu.dma_semaphore, #tpu.memory_space<semaphore_mem>>
      %dma_start3A = arith.constant 0 : i32
      %dma_start3A_13 = arith.constant 0 : i32
      %dma_start3A_14 = tpu.memref_slice %arg3[%add3A, %dma_start3A, %dma_start3A_13] : memref<32x81x128xi32, #tpu.memory_space<hbm>> -> memref<1x81x128xi32, #tpu.memory_space<hbm>>
      %dma_start3A_15 = tpu.memref_squeeze %dma_start3A_14 : memref<1x81x128xi32, #tpu.memory_space<hbm>> -> memref<81x128xi32, #tpu.memory_space<hbm>>
      %dma_start3A_16 = arith.constant 0 : i32
      %dma_start3A_17 = arith.constant 0 : i32
      %dma_start3A_18 = tpu.memref_slice %arg3[%add3A, %dma_start3A_16, %dma_start3A_17] : memref<32x81x128xi32, #tpu.memory_space<hbm>> -> memref<1x81x128xi32, #tpu.memory_space<hbm>>
      %dma_start3A_19 = tpu.memref_squeeze %dma_start3A_18 : memref<1x81x128xi32, #tpu.memory_space<hbm>> -> memref<81x128xi32, #tpu.memory_space<hbm>>
      tpu.enqueue_dma source(%dma_start3A_19 : memref<81x128xi32, #tpu.memory_space<hbm>>) target(%arg6 : memref<81x128xi32, #tpu.memory_space<vmem>>) target_semaphore(%run_scoped3A : memref<!tpu.dma_semaphore, #tpu.memory_space<semaphore_mem>>)
      %dma_wait3A = arith.constant 0 : i32
      %dma_wait3A_20 = arith.constant 0 : i32
      %dma_wait3A_21 = tpu.memref_slice %arg3[%add3A, %dma_wait3A, %dma_wait3A_20] : memref<32x81x128xi32, #tpu.memory_space<hbm>> -> memref<1x81x128xi32, #tpu.memory_space<hbm>>
      %dma_wait3A_22 = tpu.memref_squeeze %dma_wait3A_21 : memref<1x81x128xi32, #tpu.memory_space<hbm>> -> memref<81x128xi32, #tpu.memory_space<hbm>>
      %dma_wait3A_23 = arith.constant 0 : i32
      %dma_wait3A_24 = arith.constant 0 : i32
      %dma_wait3A_25 = tpu.memref_slice %arg3[%add3A, %dma_wait3A_23, %dma_wait3A_24] : memref<32x81x128xi32, #tpu.memory_space<hbm>> -> memref<1x81x128xi32, #tpu.memory_space<hbm>>
      %dma_wait3A_26 = tpu.memref_squeeze %dma_wait3A_25 : memref<1x81x128xi32, #tpu.memory_space<hbm>> -> memref<81x128xi32, #tpu.memory_space<hbm>>
      tpu.wait_dma2 semaphore(%run_scoped3A : memref<!tpu.dma_semaphore, #tpu.memory_space<semaphore_mem>>) src(%dma_wait3A_26 : memref<81x128xi32, #tpu.memory_space<hbm>>) dst(%arg6 : memref<81x128xi32, #tpu.memory_space<vmem>>)
      tpu.yield
    }) : () -> ()
    %mul3A_3 = arith.constant 81 : i32
    %mul3A_4 = arith.muli %add3A, %mul3A_3 : i32
    %mul3A_5 = arith.constant 128 : i32
    %mul3A_6 = arith.muli %mul3A_4, %mul3A_5 : i32
    %scan3A = arith.constant 0 : i32
    %scan3A_7 = arith.constant 0 : i32
    %scan3A_8 = arith.constant 81 : i32
    %scan3A_9 = arith.addi %scan3A_7, %scan3A_8 : i32
    %scan3A_10 = arith.constant 1 : i32
    scf.for %scan3A_13 = %scan3A_7 to %scan3A_9 step %scan3A_10  : i32 {
      %mul3A_14 = arith.constant 128 : i32
      %mul3A_15 = arith.muli %scan3A_13, %mul3A_14 : i32
      %add3A_16 = arith.addi %mul3A_6, %mul3A_15 : i32
      "tpu.region"() ({
        %run_scoped3A = tpu.sem_alloc : memref<!tpu.dma_semaphore, #tpu.memory_space<semaphore_mem>>
        %dma_start3A = arith.constant 0 : i32
        %dma_start3A_17 = tpu.memref_slice %arg2[%add3A_16, %dma_start3A] : memref<331776x128xf32, #tpu.memory_space<hbm>> -> memref<128x128xf32, #tpu.memory_space<hbm>>
        %dma_start3A_18 = arith.constant 0 : i32
        %dma_start3A_19 = tpu.memref_slice %arg2[%add3A_16, %dma_start3A_18] : memref<331776x128xf32, #tpu.memory_space<hbm>> -> memref<128x128xf32, #tpu.memory_space<hbm>>
        tpu.enqueue_dma source(%dma_start3A_19 : memref<128x128xf32, #tpu.memory_space<hbm>>) target(%arg7 : memref<128x128xf32, #tpu.memory_space<vmem>>) target_semaphore(%run_scoped3A : memref<!tpu.dma_semaphore, #tpu.memory_space<semaphore_mem>>)
        %dma_wait3A = arith.constant 0 : i32
        %dma_wait3A_20 = tpu.memref_slice %arg2[%add3A_16, %dma_wait3A] : memref<331776x128xf32, #tpu.memory_space<hbm>> -> memref<128x128xf32, #tpu.memory_space<hbm>>
        %dma_wait3A_21 = arith.constant 0 : i32
        %dma_wait3A_22 = tpu.memref_slice %arg2[%add3A_16, %dma_wait3A_21] : memref<331776x128xf32, #tpu.memory_space<hbm>> -> memref<128x128xf32, #tpu.memory_space<hbm>>
        tpu.wait_dma2 semaphore(%run_scoped3A : memref<!tpu.dma_semaphore, #tpu.memory_space<semaphore_mem>>) src(%dma_wait3A_22 : memref<128x128xf32, #tpu.memory_space<hbm>>) dst(%arg7 : memref<128x128xf32, #tpu.memory_space<vmem>>)
        tpu.yield
      }) : () -> ()
      "tpu.region"() ({
        %run_scoped3A = tpu.sem_alloc : memref<!tpu.dma_semaphore, #tpu.memory_space<semaphore_mem>>
        %dma_start3A = arith.constant 0 : i32
        %dma_start3A_17 = tpu.memref_slice %arg6[%scan3A_13, %dma_start3A] : memref<81x128xi32, #tpu.memory_space<vmem>> -> memref<1x128xi32, #tpu.memory_space<vmem>>
        %dma_start3A_18 = tpu.memref_squeeze %dma_start3A_17 : memref<1x128xi32, #tpu.memory_space<vmem>> -> memref<128xi32, #tpu.memory_space<vmem>>
        %dma_start3A_19 = arith.constant 0 : i32
        %dma_start3A_20 = arith.constant 0 : i32
        %dma_start3A_21 = tpu.memref_slice %arg8[%dma_start3A_19, %dma_start3A_20] : memref<10112x128xf32, #tpu.memory_space<vmem_shared>> -> memref<10112x128xf32, #tpu.memory_space<vmem_shared>>
        tpu.enqueue_indirect_dma source(%arg7 : memref<128x128xf32, #tpu.memory_space<vmem>>) target(%dma_start3A_21 : memref<10112x128xf32, #tpu.memory_space<vmem_shared>>) offsets(%dma_start3A_18 : memref<128xi32, #tpu.memory_space<vmem>>) semaphore(%run_scoped3A : memref<!tpu.dma_semaphore, #tpu.memory_space<semaphore_mem>>) {add = true}
        %dma_wait3A = arith.constant 0 : i32
        %dma_wait3A_22 = tpu.memref_slice %arg6[%scan3A_13, %dma_wait3A] : memref<81x128xi32, #tpu.memory_space<vmem>> -> memref<1x128xi32, #tpu.memory_space<vmem>>
        %dma_wait3A_23 = tpu.memref_squeeze %dma_wait3A_22 : memref<1x128xi32, #tpu.memory_space<vmem>> -> memref<128xi32, #tpu.memory_space<vmem>>
        %dma_wait3A_24 = arith.constant 0 : i32
        %dma_wait3A_25 = arith.constant 0 : i32
        %dma_wait3A_26 = tpu.memref_slice %arg8[%dma_wait3A_24, %dma_wait3A_25] : memref<10112x128xf32, #tpu.memory_space<vmem_shared>> -> memref<10112x128xf32, #tpu.memory_space<vmem_shared>>
        tpu.wait_indirect_dma semaphore(%run_scoped3A : memref<!tpu.dma_semaphore, #tpu.memory_space<semaphore_mem>>) src(%arg7 : memref<128x128xf32, #tpu.memory_space<vmem>>) dst(%dma_wait3A_26 : memref<10112x128xf32, #tpu.memory_space<vmem_shared>>)
        tpu.yield
      }) : () -> ()
    }
    %scan3A_11 = arith.constant 81 : i32
    %barrier3A_12 = arith.constant 0 : index
    tpu.barrier barrier_id(%barrier3A_12)
    "tpu.region"() ({
      %run_scoped3A = tpu.sem_alloc : memref<!tpu.dma_semaphore, #tpu.memory_space<semaphore_mem>>
      %dma_start3A = arith.constant 0 : i32
      %dma_start3A_13 = tpu.memref_slice %arg5[%arg0, %mul3A_0, %dma_start3A] : memref<2x10112x128xf32, #tpu.memory_space<hbm>> -> memref<1x632x128xf32, #tpu.memory_space<hbm>>
      %dma_start3A_14 = tpu.memref_squeeze %dma_start3A_13 : memref<1x632x128xf32, #tpu.memory_space<hbm>> -> memref<632x128xf32, #tpu.memory_space<hbm>>
      %dma_start3A_15 = arith.constant 0 : i32
      %dma_start3A_16 = tpu.memref_slice %arg8[%mul3A_0, %dma_start3A_15] : memref<10112x128xf32, #tpu.memory_space<vmem_shared>> -> memref<632x128xf32, #tpu.memory_space<vmem_shared>>
      tpu.enqueue_dma source(%dma_start3A_16 : memref<632x128xf32, #tpu.memory_space<vmem_shared>>) target(%dma_start3A_14 : memref<632x128xf32, #tpu.memory_space<hbm>>) target_semaphore(%run_scoped3A : memref<!tpu.dma_semaphore, #tpu.memory_space<semaphore_mem>>)
      %dma_wait3A = arith.constant 0 : i32
      %dma_wait3A_17 = tpu.memref_slice %arg5[%arg0, %mul3A_0, %dma_wait3A] : memref<2x10112x128xf32, #tpu.memory_space<hbm>> -> memref<1x632x128xf32, #tpu.memory_space<hbm>>
      %dma_wait3A_18 = tpu.memref_squeeze %dma_wait3A_17 : memref<1x632x128xf32, #tpu.memory_space<hbm>> -> memref<632x128xf32, #tpu.memory_space<hbm>>
      %dma_wait3A_19 = arith.constant 0 : i32
      %dma_wait3A_20 = tpu.memref_slice %arg8[%mul3A_0, %dma_wait3A_19] : memref<10112x128xf32, #tpu.memory_space<vmem_shared>> -> memref<632x128xf32, #tpu.memory_space<vmem_shared>>
      tpu.wait_dma2 semaphore(%run_scoped3A : memref<!tpu.dma_semaphore, #tpu.memory_space<semaphore_mem>>) src(%dma_wait3A_20 : memref<632x128xf32, #tpu.memory_space<vmem_shared>>) dst(%dma_wait3A_18 : memref<632x128xf32, #tpu.memory_space<hbm>>)
      tpu.yield
    }) : () -> ()
    return
  }
}

#map = affine_map<(d0, d1) -> (0, 0)>
#map1 = affine_map<(d0, d1) -> (0, 0, 0)>
module attributes {stable_mosaic.version = 14 : i64} {
  func.func @_gather_call(%arg0: i32, %arg1: i32, %arg2: memref<10000x128xi32, #tpu.memory_space<hbm>>, %arg3: memref<10000x128xi32, #tpu.memory_space<hbm>>, %arg4: memref<32x81x128xi32, #tpu.memory_space<hbm>>, %arg5: memref<32x81x128xi32, #tpu.memory_space<hbm>>, %arg6: memref<331776x128xi32, #tpu.memory_space<hbm>>, %arg7: memref<331776x128xi32, #tpu.memory_space<hbm>>, %arg8: memref<81x128xi32, #tpu.memory_space<vmem>>, %arg9: memref<81x128xi32, #tpu.memory_space<vmem>>, %arg10: memref<128x128xi32, #tpu.memory_space<vmem>>, %arg11: memref<128x128xi32, #tpu.memory_space<vmem>>, %arg12: memref<!tpu.dma_semaphore, #tpu.memory_space<semaphore_mem>>, %arg13: memref<!tpu.dma_semaphore, #tpu.memory_space<semaphore_mem>>) attributes {dimension_semantics = [#tpu.dimension_semantics<core_parallel>, #tpu.dimension_semantics<subcore_parallel>], iteration_bounds = array<i64: 2, 16>, scalar_prefetch = 0 : i64, scratch_operands = 6 : i64, tpu.core_type = #tpu.core_type<sc_vector_subcore>, window_params = [{transform_indices = #map}, {transform_indices = #map}, {transform_indices = #map1}, {transform_indices = #map1}, {transform_indices = #map}, {transform_indices = #map}]} {
    %mul3A = arith.constant 2 : i32
    %mul3A_0 = arith.muli %arg1, %mul3A : i32
    %add3A = arith.addi %mul3A_0, %arg0 : i32
    "tpu.region"() ({
      %run_scoped3A = tpu.sem_alloc : memref<!tpu.dma_semaphore, #tpu.memory_space<semaphore_mem>>
      %dma_start3A = arith.constant 0 : i32
      %dma_start3A_10 = arith.constant 0 : i32
      %dma_start3A_11 = tpu.memref_slice %arg4[%add3A, %dma_start3A, %dma_start3A_10] : memref<32x81x128xi32, #tpu.memory_space<hbm>> -> memref<1x81x128xi32, #tpu.memory_space<hbm>>
      %dma_start3A_12 = tpu.memref_squeeze %dma_start3A_11 : memref<1x81x128xi32, #tpu.memory_space<hbm>> -> memref<81x128xi32, #tpu.memory_space<hbm>>
      %dma_start3A_13 = arith.constant 0 : i32
      %dma_start3A_14 = arith.constant 0 : i32
      %dma_start3A_15 = tpu.memref_slice %arg4[%add3A, %dma_start3A_13, %dma_start3A_14] : memref<32x81x128xi32, #tpu.memory_space<hbm>> -> memref<1x81x128xi32, #tpu.memory_space<hbm>>
      %dma_start3A_16 = tpu.memref_squeeze %dma_start3A_15 : memref<1x81x128xi32, #tpu.memory_space<hbm>> -> memref<81x128xi32, #tpu.memory_space<hbm>>
      tpu.enqueue_dma source(%dma_start3A_16 : memref<81x128xi32, #tpu.memory_space<hbm>>) target(%arg8 : memref<81x128xi32, #tpu.memory_space<vmem>>) target_semaphore(%run_scoped3A : memref<!tpu.dma_semaphore, #tpu.memory_space<semaphore_mem>>)
      %dma_wait3A = arith.constant 0 : i32
      %dma_wait3A_17 = arith.constant 0 : i32
      %dma_wait3A_18 = tpu.memref_slice %arg4[%add3A, %dma_wait3A, %dma_wait3A_17] : memref<32x81x128xi32, #tpu.memory_space<hbm>> -> memref<1x81x128xi32, #tpu.memory_space<hbm>>
      %dma_wait3A_19 = tpu.memref_squeeze %dma_wait3A_18 : memref<1x81x128xi32, #tpu.memory_space<hbm>> -> memref<81x128xi32, #tpu.memory_space<hbm>>
      %dma_wait3A_20 = arith.constant 0 : i32
      %dma_wait3A_21 = arith.constant 0 : i32
      %dma_wait3A_22 = tpu.memref_slice %arg4[%add3A, %dma_wait3A_20, %dma_wait3A_21] : memref<32x81x128xi32, #tpu.memory_space<hbm>> -> memref<1x81x128xi32, #tpu.memory_space<hbm>>
      %dma_wait3A_23 = tpu.memref_squeeze %dma_wait3A_22 : memref<1x81x128xi32, #tpu.memory_space<hbm>> -> memref<81x128xi32, #tpu.memory_space<hbm>>
      tpu.wait_dma2 semaphore(%run_scoped3A : memref<!tpu.dma_semaphore, #tpu.memory_space<semaphore_mem>>) src(%dma_wait3A_23 : memref<81x128xi32, #tpu.memory_space<hbm>>) dst(%arg8 : memref<81x128xi32, #tpu.memory_space<vmem>>)
      tpu.yield
    }) : () -> ()
    "tpu.region"() ({
      %run_scoped3A = tpu.sem_alloc : memref<!tpu.dma_semaphore, #tpu.memory_space<semaphore_mem>>
      %dma_start3A = arith.constant 0 : i32
      %dma_start3A_10 = arith.constant 0 : i32
      %dma_start3A_11 = tpu.memref_slice %arg5[%add3A, %dma_start3A, %dma_start3A_10] : memref<32x81x128xi32, #tpu.memory_space<hbm>> -> memref<1x81x128xi32, #tpu.memory_space<hbm>>
      %dma_start3A_12 = tpu.memref_squeeze %dma_start3A_11 : memref<1x81x128xi32, #tpu.memory_space<hbm>> -> memref<81x128xi32, #tpu.memory_space<hbm>>
      %dma_start3A_13 = arith.constant 0 : i32
      %dma_start3A_14 = arith.constant 0 : i32
      %dma_start3A_15 = tpu.memref_slice %arg5[%add3A, %dma_start3A_13, %dma_start3A_14] : memref<32x81x128xi32, #tpu.memory_space<hbm>> -> memref<1x81x128xi32, #tpu.memory_space<hbm>>
      %dma_start3A_16 = tpu.memref_squeeze %dma_start3A_15 : memref<1x81x128xi32, #tpu.memory_space<hbm>> -> memref<81x128xi32, #tpu.memory_space<hbm>>
      tpu.enqueue_dma source(%dma_start3A_16 : memref<81x128xi32, #tpu.memory_space<hbm>>) target(%arg9 : memref<81x128xi32, #tpu.memory_space<vmem>>) target_semaphore(%run_scoped3A : memref<!tpu.dma_semaphore, #tpu.memory_space<semaphore_mem>>)
      %dma_wait3A = arith.constant 0 : i32
      %dma_wait3A_17 = arith.constant 0 : i32
      %dma_wait3A_18 = tpu.memref_slice %arg5[%add3A, %dma_wait3A, %dma_wait3A_17] : memref<32x81x128xi32, #tpu.memory_space<hbm>> -> memref<1x81x128xi32, #tpu.memory_space<hbm>>
      %dma_wait3A_19 = tpu.memref_squeeze %dma_wait3A_18 : memref<1x81x128xi32, #tpu.memory_space<hbm>> -> memref<81x128xi32, #tpu.memory_space<hbm>>
      %dma_wait3A_20 = arith.constant 0 : i32
      %dma_wait3A_21 = arith.constant 0 : i32
      %dma_wait3A_22 = tpu.memref_slice %arg5[%add3A, %dma_wait3A_20, %dma_wait3A_21] : memref<32x81x128xi32, #tpu.memory_space<hbm>> -> memref<1x81x128xi32, #tpu.memory_space<hbm>>
      %dma_wait3A_23 = tpu.memref_squeeze %dma_wait3A_22 : memref<1x81x128xi32, #tpu.memory_space<hbm>> -> memref<81x128xi32, #tpu.memory_space<hbm>>
      tpu.wait_dma2 semaphore(%run_scoped3A : memref<!tpu.dma_semaphore, #tpu.memory_space<semaphore_mem>>) src(%dma_wait3A_23 : memref<81x128xi32, #tpu.memory_space<hbm>>) dst(%arg9 : memref<81x128xi32, #tpu.memory_space<vmem>>)
      tpu.yield
    }) : () -> ()
    %mul3A_1 = arith.constant 81 : i32
    %mul3A_2 = arith.muli %add3A, %mul3A_1 : i32
    %mul3A_3 = arith.constant 128 : i32
    %mul3A_4 = arith.muli %mul3A_2, %mul3A_3 : i32
    %scan3A = arith.constant 0 : i32
    %scan3A_5 = arith.constant 0 : i32
    %scan3A_6 = arith.constant 81 : i32
    %scan3A_7 = arith.addi %scan3A_5, %scan3A_6 : i32
    %scan3A_8 = arith.constant 1 : i32
    scf.for %scan3A_10 = %scan3A_5 to %scan3A_7 step %scan3A_8  : i32 {
      %dma_start3A = arith.constant 0 : i32
      %dma_start3A_11 = tpu.memref_slice %arg8[%scan3A_10, %dma_start3A] : memref<81x128xi32, #tpu.memory_space<vmem>> -> memref<1x128xi32, #tpu.memory_space<vmem>>
      %dma_start3A_12 = tpu.memref_squeeze %dma_start3A_11 : memref<1x128xi32, #tpu.memory_space<vmem>> -> memref<128xi32, #tpu.memory_space<vmem>>
      %dma_start3A_13 = arith.constant 0 : i32
      %dma_start3A_14 = arith.constant 0 : i32
      %dma_start3A_15 = tpu.memref_slice %arg2[%dma_start3A_13, %dma_start3A_14] : memref<10000x128xi32, #tpu.memory_space<hbm>> -> memref<10000x128xi32, #tpu.memory_space<hbm>>
      tpu.enqueue_indirect_dma source(%dma_start3A_15 : memref<10000x128xi32, #tpu.memory_space<hbm>>) target(%arg10 : memref<128x128xi32, #tpu.memory_space<vmem>>) offsets(%dma_start3A_12 : memref<128xi32, #tpu.memory_space<vmem>>) semaphore(%arg12 : memref<!tpu.dma_semaphore, #tpu.memory_space<semaphore_mem>>)
      %dma_start3A_16 = arith.constant 0 : i32
      %dma_start3A_17 = tpu.memref_slice %arg9[%scan3A_10, %dma_start3A_16] : memref<81x128xi32, #tpu.memory_space<vmem>> -> memref<1x128xi32, #tpu.memory_space<vmem>>
      %dma_start3A_18 = tpu.memref_squeeze %dma_start3A_17 : memref<1x128xi32, #tpu.memory_space<vmem>> -> memref<128xi32, #tpu.memory_space<vmem>>
      %dma_start3A_19 = arith.constant 0 : i32
      %dma_start3A_20 = arith.constant 0 : i32
      %dma_start3A_21 = tpu.memref_slice %arg3[%dma_start3A_19, %dma_start3A_20] : memref<10000x128xi32, #tpu.memory_space<hbm>> -> memref<10000x128xi32, #tpu.memory_space<hbm>>
      tpu.enqueue_indirect_dma source(%dma_start3A_21 : memref<10000x128xi32, #tpu.memory_space<hbm>>) target(%arg11 : memref<128x128xi32, #tpu.memory_space<vmem>>) offsets(%dma_start3A_18 : memref<128xi32, #tpu.memory_space<vmem>>) semaphore(%arg13 : memref<!tpu.dma_semaphore, #tpu.memory_space<semaphore_mem>>)
      %dma_wait3A = arith.constant 0 : i32
      %dma_wait3A_22 = tpu.memref_slice %arg8[%scan3A_10, %dma_wait3A] : memref<81x128xi32, #tpu.memory_space<vmem>> -> memref<1x128xi32, #tpu.memory_space<vmem>>
      %dma_wait3A_23 = tpu.memref_squeeze %dma_wait3A_22 : memref<1x128xi32, #tpu.memory_space<vmem>> -> memref<128xi32, #tpu.memory_space<vmem>>
      %dma_wait3A_24 = arith.constant 0 : i32
      %dma_wait3A_25 = arith.constant 0 : i32
      %dma_wait3A_26 = tpu.memref_slice %arg2[%dma_wait3A_24, %dma_wait3A_25] : memref<10000x128xi32, #tpu.memory_space<hbm>> -> memref<10000x128xi32, #tpu.memory_space<hbm>>
      tpu.wait_indirect_dma semaphore(%arg12 : memref<!tpu.dma_semaphore, #tpu.memory_space<semaphore_mem>>) src(%dma_wait3A_26 : memref<10000x128xi32, #tpu.memory_space<hbm>>) dst(%arg10 : memref<128x128xi32, #tpu.memory_space<vmem>>)
      %dma_wait3A_27 = arith.constant 0 : i32
      %dma_wait3A_28 = tpu.memref_slice %arg9[%scan3A_10, %dma_wait3A_27] : memref<81x128xi32, #tpu.memory_space<vmem>> -> memref<1x128xi32, #tpu.memory_space<vmem>>
      %dma_wait3A_29 = tpu.memref_squeeze %dma_wait3A_28 : memref<1x128xi32, #tpu.memory_space<vmem>> -> memref<128xi32, #tpu.memory_space<vmem>>
      %dma_wait3A_30 = arith.constant 0 : i32
      %dma_wait3A_31 = arith.constant 0 : i32
      %dma_wait3A_32 = tpu.memref_slice %arg3[%dma_wait3A_30, %dma_wait3A_31] : memref<10000x128xi32, #tpu.memory_space<hbm>> -> memref<10000x128xi32, #tpu.memory_space<hbm>>
      tpu.wait_indirect_dma semaphore(%arg13 : memref<!tpu.dma_semaphore, #tpu.memory_space<semaphore_mem>>) src(%dma_wait3A_32 : memref<10000x128xi32, #tpu.memory_space<hbm>>) dst(%arg11 : memref<128x128xi32, #tpu.memory_space<vmem>>)
      %mul3A_33 = arith.constant 128 : i32
      %mul3A_34 = arith.muli %scan3A_10, %mul3A_33 : i32
      %add3A_35 = arith.addi %mul3A_4, %mul3A_34 : i32
      "tpu.region"() ({
        %run_scoped3A = tpu.sem_alloc : memref<!tpu.dma_semaphore, #tpu.memory_space<semaphore_mem>>
        %dma_start3A_39 = arith.constant 0 : i32
        %dma_start3A_40 = tpu.memref_slice %arg6[%add3A_35, %dma_start3A_39] : memref<331776x128xi32, #tpu.memory_space<hbm>> -> memref<128x128xi32, #tpu.memory_space<hbm>>
        %dma_start3A_41 = arith.constant 0 : i32
        %dma_start3A_42 = tpu.memref_slice %arg6[%add3A_35, %dma_start3A_41] : memref<331776x128xi32, #tpu.memory_space<hbm>> -> memref<128x128xi32, #tpu.memory_space<hbm>>
        tpu.enqueue_dma source(%arg10 : memref<128x128xi32, #tpu.memory_space<vmem>>) target(%dma_start3A_42 : memref<128x128xi32, #tpu.memory_space<hbm>>) target_semaphore(%run_scoped3A : memref<!tpu.dma_semaphore, #tpu.memory_space<semaphore_mem>>)
        %dma_wait3A_43 = arith.constant 0 : i32
        %dma_wait3A_44 = tpu.memref_slice %arg6[%add3A_35, %dma_wait3A_43] : memref<331776x128xi32, #tpu.memory_space<hbm>> -> memref<128x128xi32, #tpu.memory_space<hbm>>
        %dma_wait3A_45 = arith.constant 0 : i32
        %dma_wait3A_46 = tpu.memref_slice %arg6[%add3A_35, %dma_wait3A_45] : memref<331776x128xi32, #tpu.memory_space<hbm>> -> memref<128x128xi32, #tpu.memory_space<hbm>>
        tpu.wait_dma2 semaphore(%run_scoped3A : memref<!tpu.dma_semaphore, #tpu.memory_space<semaphore_mem>>) src(%arg10 : memref<128x128xi32, #tpu.memory_space<vmem>>) dst(%dma_wait3A_46 : memref<128x128xi32, #tpu.memory_space<hbm>>)
        tpu.yield
      }) : () -> ()
      %mul3A_36 = arith.constant 128 : i32
      %mul3A_37 = arith.muli %scan3A_10, %mul3A_36 : i32
      %add3A_38 = arith.addi %mul3A_4, %mul3A_37 : i32
      "tpu.region"() ({
        %run_scoped3A = tpu.sem_alloc : memref<!tpu.dma_semaphore, #tpu.memory_space<semaphore_mem>>
        %dma_start3A_39 = arith.constant 0 : i32
        %dma_start3A_40 = tpu.memref_slice %arg7[%add3A_38, %dma_start3A_39] : memref<331776x128xi32, #tpu.memory_space<hbm>> -> memref<128x128xi32, #tpu.memory_space<hbm>>
        %dma_start3A_41 = arith.constant 0 : i32
        %dma_start3A_42 = tpu.memref_slice %arg7[%add3A_38, %dma_start3A_41] : memref<331776x128xi32, #tpu.memory_space<hbm>> -> memref<128x128xi32, #tpu.memory_space<hbm>>
        tpu.enqueue_dma source(%arg11 : memref<128x128xi32, #tpu.memory_space<vmem>>) target(%dma_start3A_42 : memref<128x128xi32, #tpu.memory_space<hbm>>) target_semaphore(%run_scoped3A : memref<!tpu.dma_semaphore, #tpu.memory_space<semaphore_mem>>)
        %dma_wait3A_43 = arith.constant 0 : i32
        %dma_wait3A_44 = tpu.memref_slice %arg7[%add3A_38, %dma_wait3A_43] : memref<331776x128xi32, #tpu.memory_space<hbm>> -> memref<128x128xi32, #tpu.memory_space<hbm>>
        %dma_wait3A_45 = arith.constant 0 : i32
        %dma_wait3A_46 = tpu.memref_slice %arg7[%add3A_38, %dma_wait3A_45] : memref<331776x128xi32, #tpu.memory_space<hbm>> -> memref<128x128xi32, #tpu.memory_space<hbm>>
        tpu.wait_dma2 semaphore(%run_scoped3A : memref<!tpu.dma_semaphore, #tpu.memory_space<semaphore_mem>>) src(%arg11 : memref<128x128xi32, #tpu.memory_space<vmem>>) dst(%dma_wait3A_46 : memref<128x128xi32, #tpu.memory_space<hbm>>)
        tpu.yield
      }) : () -> ()
    }
    %scan3A_9 = arith.constant 81 : i32
    return
  }
}

#map = affine_map<(d0, d1) -> (0, 0)>
#map1 = affine_map<(d0, d1) -> (0, 0, 0)>
module attributes {stable_mosaic.version = 14 : i64} {
  func.func @_scatter_call(%arg0: i32, %arg1: i32, %arg2: memref<331776x128xf32, #tpu.memory_space<hbm>>, %arg3: memref<32x81x128xi32, #tpu.memory_space<hbm>>, %arg4: memref<10112x128xf32, #tpu.memory_space<hbm>>, %arg5: memref<2x10112x128xf32, #tpu.memory_space<hbm>>, %arg6: memref<81x128xi32, #tpu.memory_space<vmem>>, %arg7: memref<128x128xf32, #tpu.memory_space<vmem>>, %arg8: memref<10112x128xf32, #tpu.memory_space<vmem_shared>>) attributes {dimension_semantics = [#tpu.dimension_semantics<core_parallel>, #tpu.dimension_semantics<subcore_parallel>], iteration_bounds = array<i64: 2, 16>, scalar_prefetch = 0 : i64, scratch_operands = 3 : i64, tpu.core_type = #tpu.core_type<sc_vector_subcore>, window_params = [{transform_indices = #map}, {transform_indices = #map1}, {transform_indices = #map}, {transform_indices = #map1}]} {
    %mul3A = arith.constant 632 : i32
    %mul3A_0 = arith.muli %arg1, %mul3A : i32
    "tpu.region"() ({
      %run_scoped3A = tpu.sem_alloc : memref<!tpu.dma_semaphore, #tpu.memory_space<semaphore_mem>>
      %dma_start3A = arith.constant 0 : i32
      %dma_start3A_13 = tpu.memref_slice %arg8[%mul3A_0, %dma_start3A] : memref<10112x128xf32, #tpu.memory_space<vmem_shared>> -> memref<632x128xf32, #tpu.memory_space<vmem_shared>>
      %dma_start3A_14 = arith.constant 0 : i32
      %dma_start3A_15 = tpu.memref_slice %arg4[%mul3A_0, %dma_start3A_14] : memref<10112x128xf32, #tpu.memory_space<hbm>> -> memref<632x128xf32, #tpu.memory_space<hbm>>
      tpu.enqueue_dma source(%dma_start3A_15 : memref<632x128xf32, #tpu.memory_space<hbm>>) target(%dma_start3A_13 : memref<632x128xf32, #tpu.memory_space<vmem_shared>>) target_semaphore(%run_scoped3A : memref<!tpu.dma_semaphore, #tpu.memory_space<semaphore_mem>>)
      %dma_wait3A = arith.constant 0 : i32
      %dma_wait3A_16 = tpu.memref_slice %arg8[%mul3A_0, %dma_wait3A] : memref<10112x128xf32, #tpu.memory_space<vmem_shared>> -> memref<632x128xf32, #tpu.memory_space<vmem_shared>>
      %dma_wait3A_17 = arith.constant 0 : i32
      %dma_wait3A_18 = tpu.memref_slice %arg4[%mul3A_0, %dma_wait3A_17] : memref<10112x128xf32, #tpu.memory_space<hbm>> -> memref<632x128xf32, #tpu.memory_space<hbm>>
      tpu.wait_dma2 semaphore(%run_scoped3A : memref<!tpu.dma_semaphore, #tpu.memory_space<semaphore_mem>>) src(%dma_wait3A_18 : memref<632x128xf32, #tpu.memory_space<hbm>>) dst(%dma_wait3A_16 : memref<632x128xf32, #tpu.memory_space<vmem_shared>>)
      tpu.yield
    }) : () -> ()
    %barrier3A = arith.constant 0 : index
    tpu.barrier barrier_id(%barrier3A)
    %mul3A_1 = arith.constant 16 : i32
    %mul3A_2 = arith.muli %arg0, %mul3A_1 : i32
    %add3A = arith.addi %mul3A_2, %arg1 : i32
    "tpu.region"() ({
      %run_scoped3A = tpu.sem_alloc : memref<!tpu.dma_semaphore, #tpu.memory_space<semaphore_mem>>
      %dma_start3A = arith.constant 0 : i32
      %dma_start3A_13 = arith.constant 0 : i32
      %dma_start3A_14 = tpu.memref_slice %arg3[%add3A, %dma_start3A, %dma_start3A_13] : memref<32x81x128xi32, #tpu.memory_space<hbm>> -> memref<1x81x128xi32, #tpu.memory_space<hbm>>
      %dma_start3A_15 = tpu.memref_squeeze %dma_start3A_14 : memref<1x81x128xi32, #tpu.memory_space<hbm>> -> memref<81x128xi32, #tpu.memory_space<hbm>>
      %dma_start3A_16 = arith.constant 0 : i32
      %dma_start3A_17 = arith.constant 0 : i32
      %dma_start3A_18 = tpu.memref_slice %arg3[%add3A, %dma_start3A_16, %dma_start3A_17] : memref<32x81x128xi32, #tpu.memory_space<hbm>> -> memref<1x81x128xi32, #tpu.memory_space<hbm>>
      %dma_start3A_19 = tpu.memref_squeeze %dma_start3A_18 : memref<1x81x128xi32, #tpu.memory_space<hbm>> -> memref<81x128xi32, #tpu.memory_space<hbm>>
      tpu.enqueue_dma source(%dma_start3A_19 : memref<81x128xi32, #tpu.memory_space<hbm>>) target(%arg6 : memref<81x128xi32, #tpu.memory_space<vmem>>) target_semaphore(%run_scoped3A : memref<!tpu.dma_semaphore, #tpu.memory_space<semaphore_mem>>)
      %dma_wait3A = arith.constant 0 : i32
      %dma_wait3A_20 = arith.constant 0 : i32
      %dma_wait3A_21 = tpu.memref_slice %arg3[%add3A, %dma_wait3A, %dma_wait3A_20] : memref<32x81x128xi32, #tpu.memory_space<hbm>> -> memref<1x81x128xi32, #tpu.memory_space<hbm>>
      %dma_wait3A_22 = tpu.memref_squeeze %dma_wait3A_21 : memref<1x81x128xi32, #tpu.memory_space<hbm>> -> memref<81x128xi32, #tpu.memory_space<hbm>>
      %dma_wait3A_23 = arith.constant 0 : i32
      %dma_wait3A_24 = arith.constant 0 : i32
      %dma_wait3A_25 = tpu.memref_slice %arg3[%add3A, %dma_wait3A_23, %dma_wait3A_24] : memref<32x81x128xi32, #tpu.memory_space<hbm>> -> memref<1x81x128xi32, #tpu.memory_space<hbm>>
      %dma_wait3A_26 = tpu.memref_squeeze %dma_wait3A_25 : memref<1x81x128xi32, #tpu.memory_space<hbm>> -> memref<81x128xi32, #tpu.memory_space<hbm>>
      tpu.wait_dma2 semaphore(%run_scoped3A : memref<!tpu.dma_semaphore, #tpu.memory_space<semaphore_mem>>) src(%dma_wait3A_26 : memref<81x128xi32, #tpu.memory_space<hbm>>) dst(%arg6 : memref<81x128xi32, #tpu.memory_space<vmem>>)
      tpu.yield
    }) : () -> ()
    %mul3A_3 = arith.constant 81 : i32
    %mul3A_4 = arith.muli %add3A, %mul3A_3 : i32
    %mul3A_5 = arith.constant 128 : i32
    %mul3A_6 = arith.muli %mul3A_4, %mul3A_5 : i32
    %scan3A = arith.constant 0 : i32
    %scan3A_7 = arith.constant 0 : i32
    %scan3A_8 = arith.constant 81 : i32
    %scan3A_9 = arith.addi %scan3A_7, %scan3A_8 : i32
    %scan3A_10 = arith.constant 1 : i32
    scf.for %scan3A_13 = %scan3A_7 to %scan3A_9 step %scan3A_10  : i32 {
      %mul3A_14 = arith.constant 128 : i32
      %mul3A_15 = arith.muli %scan3A_13, %mul3A_14 : i32
      %add3A_16 = arith.addi %mul3A_6, %mul3A_15 : i32
      "tpu.region"() ({
        %run_scoped3A = tpu.sem_alloc : memref<!tpu.dma_semaphore, #tpu.memory_space<semaphore_mem>>
        %dma_start3A = arith.constant 0 : i32
        %dma_start3A_17 = tpu.memref_slice %arg2[%add3A_16, %dma_start3A] : memref<331776x128xf32, #tpu.memory_space<hbm>> -> memref<128x128xf32, #tpu.memory_space<hbm>>
        %dma_start3A_18 = arith.constant 0 : i32
        %dma_start3A_19 = tpu.memref_slice %arg2[%add3A_16, %dma_start3A_18] : memref<331776x128xf32, #tpu.memory_space<hbm>> -> memref<128x128xf32, #tpu.memory_space<hbm>>
        tpu.enqueue_dma source(%dma_start3A_19 : memref<128x128xf32, #tpu.memory_space<hbm>>) target(%arg7 : memref<128x128xf32, #tpu.memory_space<vmem>>) target_semaphore(%run_scoped3A : memref<!tpu.dma_semaphore, #tpu.memory_space<semaphore_mem>>)
        %dma_wait3A = arith.constant 0 : i32
        %dma_wait3A_20 = tpu.memref_slice %arg2[%add3A_16, %dma_wait3A] : memref<331776x128xf32, #tpu.memory_space<hbm>> -> memref<128x128xf32, #tpu.memory_space<hbm>>
        %dma_wait3A_21 = arith.constant 0 : i32
        %dma_wait3A_22 = tpu.memref_slice %arg2[%add3A_16, %dma_wait3A_21] : memref<331776x128xf32, #tpu.memory_space<hbm>> -> memref<128x128xf32, #tpu.memory_space<hbm>>
        tpu.wait_dma2 semaphore(%run_scoped3A : memref<!tpu.dma_semaphore, #tpu.memory_space<semaphore_mem>>) src(%dma_wait3A_22 : memref<128x128xf32, #tpu.memory_space<hbm>>) dst(%arg7 : memref<128x128xf32, #tpu.memory_space<vmem>>)
        tpu.yield
      }) : () -> ()
      "tpu.region"() ({
        %run_scoped3A = tpu.sem_alloc : memref<!tpu.dma_semaphore, #tpu.memory_space<semaphore_mem>>
        %dma_start3A = arith.constant 0 : i32
        %dma_start3A_17 = tpu.memref_slice %arg6[%scan3A_13, %dma_start3A] : memref<81x128xi32, #tpu.memory_space<vmem>> -> memref<1x128xi32, #tpu.memory_space<vmem>>
        %dma_start3A_18 = tpu.memref_squeeze %dma_start3A_17 : memref<1x128xi32, #tpu.memory_space<vmem>> -> memref<128xi32, #tpu.memory_space<vmem>>
        %dma_start3A_19 = arith.constant 0 : i32
        %dma_start3A_20 = arith.constant 0 : i32
        %dma_start3A_21 = tpu.memref_slice %arg8[%dma_start3A_19, %dma_start3A_20] : memref<10112x128xf32, #tpu.memory_space<vmem_shared>> -> memref<10112x128xf32, #tpu.memory_space<vmem_shared>>
        tpu.enqueue_indirect_dma source(%arg7 : memref<128x128xf32, #tpu.memory_space<vmem>>) target(%dma_start3A_21 : memref<10112x128xf32, #tpu.memory_space<vmem_shared>>) offsets(%dma_start3A_18 : memref<128xi32, #tpu.memory_space<vmem>>) semaphore(%run_scoped3A : memref<!tpu.dma_semaphore, #tpu.memory_space<semaphore_mem>>) {add = true}
        %dma_wait3A = arith.constant 0 : i32
        %dma_wait3A_22 = tpu.memref_slice %arg6[%scan3A_13, %dma_wait3A] : memref<81x128xi32, #tpu.memory_space<vmem>> -> memref<1x128xi32, #tpu.memory_space<vmem>>
        %dma_wait3A_23 = tpu.memref_squeeze %dma_wait3A_22 : memref<1x128xi32, #tpu.memory_space<vmem>> -> memref<128xi32, #tpu.memory_space<vmem>>
        %dma_wait3A_24 = arith.constant 0 : i32
        %dma_wait3A_25 = arith.constant 0 : i32
        %dma_wait3A_26 = tpu.memref_slice %arg8[%dma_wait3A_24, %dma_wait3A_25] : memref<10112x128xf32, #tpu.memory_space<vmem_shared>> -> memref<10112x128xf32, #tpu.memory_space<vmem_shared>>
        tpu.wait_indirect_dma semaphore(%run_scoped3A : memref<!tpu.dma_semaphore, #tpu.memory_space<semaphore_mem>>) src(%arg7 : memref<128x128xf32, #tpu.memory_space<vmem>>) dst(%dma_wait3A_26 : memref<10112x128xf32, #tpu.memory_space<vmem_shared>>)
        tpu.yield
      }) : () -> ()
    }
    %scan3A_11 = arith.constant 81 : i32
    %barrier3A_12 = arith.constant 0 : index
    tpu.barrier barrier_id(%barrier3A_12)
    "tpu.region"() ({
      %run_scoped3A = tpu.sem_alloc : memref<!tpu.dma_semaphore, #tpu.memory_space<semaphore_mem>>
      %dma_start3A = arith.constant 0 : i32
      %dma_start3A_13 = tpu.memref_slice %arg5[%arg0, %mul3A_0, %dma_start3A] : memref<2x10112x128xf32, #tpu.memory_space<hbm>> -> memref<1x632x128xf32, #tpu.memory_space<hbm>>
      %dma_start3A_14 = tpu.memref_squeeze %dma_start3A_13 : memref<1x632x128xf32, #tpu.memory_space<hbm>> -> memref<632x128xf32, #tpu.memory_space<hbm>>
      %dma_start3A_15 = arith.constant 0 : i32
      %dma_start3A_16 = tpu.memref_slice %arg8[%mul3A_0, %dma_start3A_15] : memref<10112x128xf32, #tpu.memory_space<vmem_shared>> -> memref<632x128xf32, #tpu.memory_space<vmem_shared>>
      tpu.enqueue_dma source(%dma_start3A_16 : memref<632x128xf32, #tpu.memory_space<vmem_shared>>) target(%dma_start3A_14 : memref<632x128xf32, #tpu.memory_space<hbm>>) target_semaphore(%run_scoped3A : memref<!tpu.dma_semaphore, #tpu.memory_space<semaphore_mem>>)
      %dma_wait3A = arith.constant 0 : i32
      %dma_wait3A_17 = tpu.memref_slice %arg5[%arg0, %mul3A_0, %dma_wait3A] : memref<2x10112x128xf32, #tpu.memory_space<hbm>> -> memref<1x632x128xf32, #tpu.memory_space<hbm>>
      %dma_wait3A_18 = tpu.memref_squeeze %dma_wait3A_17 : memref<1x632x128xf32, #tpu.memory_space<hbm>> -> memref<632x128xf32, #tpu.memory_space<hbm>>
      %dma_wait3A_19 = arith.constant 0 : i32
      %dma_wait3A_20 = tpu.memref_slice %arg8[%mul3A_0, %dma_wait3A_19] : memref<10112x128xf32, #tpu.memory_space<vmem_shared>> -> memref<632x128xf32, #tpu.memory_space<vmem_shared>>
      tpu.wait_dma2 semaphore(%run_scoped3A : memref<!tpu.dma_semaphore, #tpu.memory_space<semaphore_mem>>) src(%dma_wait3A_20 : memref<632x128xf32, #tpu.memory_space<vmem_shared>>) dst(%dma_wait3A_18 : memref<632x128xf32, #tpu.memory_space<hbm>>)
      tpu.yield
    }) : () -> ()
    return
  }
}

#map = affine_map<(d0, d1) -> (0, 0)>
#map1 = affine_map<(d0, d1) -> (0, 0, 0)>
module attributes {stable_mosaic.version = 14 : i64} {
  func.func @_gather_call(%arg0: i32, %arg1: i32, %arg2: memref<10000x128xi32, #tpu.memory_space<hbm>>, %arg3: memref<10000x128xi32, #tpu.memory_space<hbm>>, %arg4: memref<32x81x128xi32, #tpu.memory_space<hbm>>, %arg5: memref<32x81x128xi32, #tpu.memory_space<hbm>>, %arg6: memref<331776x128xi32, #tpu.memory_space<hbm>>, %arg7: memref<331776x128xi32, #tpu.memory_space<hbm>>, %arg8: memref<81x128xi32, #tpu.memory_space<vmem>>, %arg9: memref<81x128xi32, #tpu.memory_space<vmem>>, %arg10: memref<128x128xi32, #tpu.memory_space<vmem>>, %arg11: memref<128x128xi32, #tpu.memory_space<vmem>>, %arg12: memref<!tpu.dma_semaphore, #tpu.memory_space<semaphore_mem>>, %arg13: memref<!tpu.dma_semaphore, #tpu.memory_space<semaphore_mem>>) attributes {dimension_semantics = [#tpu.dimension_semantics<core_parallel>, #tpu.dimension_semantics<subcore_parallel>], iteration_bounds = array<i64: 2, 16>, scalar_prefetch = 0 : i64, scratch_operands = 6 : i64, tpu.core_type = #tpu.core_type<sc_vector_subcore>, window_params = [{transform_indices = #map}, {transform_indices = #map}, {transform_indices = #map1}, {transform_indices = #map1}, {transform_indices = #map}, {transform_indices = #map}]} {
    %mul3A = arith.constant 2 : i32
    %mul3A_0 = arith.muli %arg1, %mul3A : i32
    %add3A = arith.addi %mul3A_0, %arg0 : i32
    "tpu.region"() ({
      %run_scoped3A = tpu.sem_alloc : memref<!tpu.dma_semaphore, #tpu.memory_space<semaphore_mem>>
      %dma_start3A = arith.constant 0 : i32
      %dma_start3A_10 = arith.constant 0 : i32
      %dma_start3A_11 = tpu.memref_slice %arg4[%add3A, %dma_start3A, %dma_start3A_10] : memref<32x81x128xi32, #tpu.memory_space<hbm>> -> memref<1x81x128xi32, #tpu.memory_space<hbm>>
      %dma_start3A_12 = tpu.memref_squeeze %dma_start3A_11 : memref<1x81x128xi32, #tpu.memory_space<hbm>> -> memref<81x128xi32, #tpu.memory_space<hbm>>
      %dma_start3A_13 = arith.constant 0 : i32
      %dma_start3A_14 = arith.constant 0 : i32
      %dma_start3A_15 = tpu.memref_slice %arg4[%add3A, %dma_start3A_13, %dma_start3A_14] : memref<32x81x128xi32, #tpu.memory_space<hbm>> -> memref<1x81x128xi32, #tpu.memory_space<hbm>>
      %dma_start3A_16 = tpu.memref_squeeze %dma_start3A_15 : memref<1x81x128xi32, #tpu.memory_space<hbm>> -> memref<81x128xi32, #tpu.memory_space<hbm>>
      tpu.enqueue_dma source(%dma_start3A_16 : memref<81x128xi32, #tpu.memory_space<hbm>>) target(%arg8 : memref<81x128xi32, #tpu.memory_space<vmem>>) target_semaphore(%run_scoped3A : memref<!tpu.dma_semaphore, #tpu.memory_space<semaphore_mem>>)
      %dma_wait3A = arith.constant 0 : i32
      %dma_wait3A_17 = arith.constant 0 : i32
      %dma_wait3A_18 = tpu.memref_slice %arg4[%add3A, %dma_wait3A, %dma_wait3A_17] : memref<32x81x128xi32, #tpu.memory_space<hbm>> -> memref<1x81x128xi32, #tpu.memory_space<hbm>>
      %dma_wait3A_19 = tpu.memref_squeeze %dma_wait3A_18 : memref<1x81x128xi32, #tpu.memory_space<hbm>> -> memref<81x128xi32, #tpu.memory_space<hbm>>
      %dma_wait3A_20 = arith.constant 0 : i32
      %dma_wait3A_21 = arith.constant 0 : i32
      %dma_wait3A_22 = tpu.memref_slice %arg4[%add3A, %dma_wait3A_20, %dma_wait3A_21] : memref<32x81x128xi32, #tpu.memory_space<hbm>> -> memref<1x81x128xi32, #tpu.memory_space<hbm>>
      %dma_wait3A_23 = tpu.memref_squeeze %dma_wait3A_22 : memref<1x81x128xi32, #tpu.memory_space<hbm>> -> memref<81x128xi32, #tpu.memory_space<hbm>>
      tpu.wait_dma2 semaphore(%run_scoped3A : memref<!tpu.dma_semaphore, #tpu.memory_space<semaphore_mem>>) src(%dma_wait3A_23 : memref<81x128xi32, #tpu.memory_space<hbm>>) dst(%arg8 : memref<81x128xi32, #tpu.memory_space<vmem>>)
      tpu.yield
    }) : () -> ()
    "tpu.region"() ({
      %run_scoped3A = tpu.sem_alloc : memref<!tpu.dma_semaphore, #tpu.memory_space<semaphore_mem>>
      %dma_start3A = arith.constant 0 : i32
      %dma_start3A_10 = arith.constant 0 : i32
      %dma_start3A_11 = tpu.memref_slice %arg5[%add3A, %dma_start3A, %dma_start3A_10] : memref<32x81x128xi32, #tpu.memory_space<hbm>> -> memref<1x81x128xi32, #tpu.memory_space<hbm>>
      %dma_start3A_12 = tpu.memref_squeeze %dma_start3A_11 : memref<1x81x128xi32, #tpu.memory_space<hbm>> -> memref<81x128xi32, #tpu.memory_space<hbm>>
      %dma_start3A_13 = arith.constant 0 : i32
      %dma_start3A_14 = arith.constant 0 : i32
      %dma_start3A_15 = tpu.memref_slice %arg5[%add3A, %dma_start3A_13, %dma_start3A_14] : memref<32x81x128xi32, #tpu.memory_space<hbm>> -> memref<1x81x128xi32, #tpu.memory_space<hbm>>
      %dma_start3A_16 = tpu.memref_squeeze %dma_start3A_15 : memref<1x81x128xi32, #tpu.memory_space<hbm>> -> memref<81x128xi32, #tpu.memory_space<hbm>>
      tpu.enqueue_dma source(%dma_start3A_16 : memref<81x128xi32, #tpu.memory_space<hbm>>) target(%arg9 : memref<81x128xi32, #tpu.memory_space<vmem>>) target_semaphore(%run_scoped3A : memref<!tpu.dma_semaphore, #tpu.memory_space<semaphore_mem>>)
      %dma_wait3A = arith.constant 0 : i32
      %dma_wait3A_17 = arith.constant 0 : i32
      %dma_wait3A_18 = tpu.memref_slice %arg5[%add3A, %dma_wait3A, %dma_wait3A_17] : memref<32x81x128xi32, #tpu.memory_space<hbm>> -> memref<1x81x128xi32, #tpu.memory_space<hbm>>
      %dma_wait3A_19 = tpu.memref_squeeze %dma_wait3A_18 : memref<1x81x128xi32, #tpu.memory_space<hbm>> -> memref<81x128xi32, #tpu.memory_space<hbm>>
      %dma_wait3A_20 = arith.constant 0 : i32
      %dma_wait3A_21 = arith.constant 0 : i32
      %dma_wait3A_22 = tpu.memref_slice %arg5[%add3A, %dma_wait3A_20, %dma_wait3A_21] : memref<32x81x128xi32, #tpu.memory_space<hbm>> -> memref<1x81x128xi32, #tpu.memory_space<hbm>>
      %dma_wait3A_23 = tpu.memref_squeeze %dma_wait3A_22 : memref<1x81x128xi32, #tpu.memory_space<hbm>> -> memref<81x128xi32, #tpu.memory_space<hbm>>
      tpu.wait_dma2 semaphore(%run_scoped3A : memref<!tpu.dma_semaphore, #tpu.memory_space<semaphore_mem>>) src(%dma_wait3A_23 : memref<81x128xi32, #tpu.memory_space<hbm>>) dst(%arg9 : memref<81x128xi32, #tpu.memory_space<vmem>>)
      tpu.yield
    }) : () -> ()
    %mul3A_1 = arith.constant 81 : i32
    %mul3A_2 = arith.muli %add3A, %mul3A_1 : i32
    %mul3A_3 = arith.constant 128 : i32
    %mul3A_4 = arith.muli %mul3A_2, %mul3A_3 : i32
    %scan3A = arith.constant 0 : i32
    %scan3A_5 = arith.constant 0 : i32
    %scan3A_6 = arith.constant 81 : i32
    %scan3A_7 = arith.addi %scan3A_5, %scan3A_6 : i32
    %scan3A_8 = arith.constant 1 : i32
    scf.for %scan3A_10 = %scan3A_5 to %scan3A_7 step %scan3A_8  : i32 {
      %dma_start3A = arith.constant 0 : i32
      %dma_start3A_11 = tpu.memref_slice %arg8[%scan3A_10, %dma_start3A] : memref<81x128xi32, #tpu.memory_space<vmem>> -> memref<1x128xi32, #tpu.memory_space<vmem>>
      %dma_start3A_12 = tpu.memref_squeeze %dma_start3A_11 : memref<1x128xi32, #tpu.memory_space<vmem>> -> memref<128xi32, #tpu.memory_space<vmem>>
      %dma_start3A_13 = arith.constant 0 : i32
      %dma_start3A_14 = arith.constant 0 : i32
      %dma_start3A_15 = tpu.memref_slice %arg2[%dma_start3A_13, %dma_start3A_14] : memref<10000x128xi32, #tpu.memory_space<hbm>> -> memref<10000x128xi32, #tpu.memory_space<hbm>>
      tpu.enqueue_indirect_dma source(%dma_start3A_15 : memref<10000x128xi32, #tpu.memory_space<hbm>>) target(%arg10 : memref<128x128xi32, #tpu.memory_space<vmem>>) offsets(%dma_start3A_12 : memref<128xi32, #tpu.memory_space<vmem>>) semaphore(%arg12 : memref<!tpu.dma_semaphore, #tpu.memory_space<semaphore_mem>>)
      %dma_start3A_16 = arith.constant 0 : i32
      %dma_start3A_17 = tpu.memref_slice %arg9[%scan3A_10, %dma_start3A_16] : memref<81x128xi32, #tpu.memory_space<vmem>> -> memref<1x128xi32, #tpu.memory_space<vmem>>
      %dma_start3A_18 = tpu.memref_squeeze %dma_start3A_17 : memref<1x128xi32, #tpu.memory_space<vmem>> -> memref<128xi32, #tpu.memory_space<vmem>>
      %dma_start3A_19 = arith.constant 0 : i32
      %dma_start3A_20 = arith.constant 0 : i32
      %dma_start3A_21 = tpu.memref_slice %arg3[%dma_start3A_19, %dma_start3A_20] : memref<10000x128xi32, #tpu.memory_space<hbm>> -> memref<10000x128xi32, #tpu.memory_space<hbm>>
      tpu.enqueue_indirect_dma source(%dma_start3A_21 : memref<10000x128xi32, #tpu.memory_space<hbm>>) target(%arg11 : memref<128x128xi32, #tpu.memory_space<vmem>>) offsets(%dma_start3A_18 : memref<128xi32, #tpu.memory_space<vmem>>) semaphore(%arg13 : memref<!tpu.dma_semaphore, #tpu.memory_space<semaphore_mem>>)
      %dma_wait3A = arith.constant 0 : i32
      %dma_wait3A_22 = tpu.memref_slice %arg8[%scan3A_10, %dma_wait3A] : memref<81x128xi32, #tpu.memory_space<vmem>> -> memref<1x128xi32, #tpu.memory_space<vmem>>
      %dma_wait3A_23 = tpu.memref_squeeze %dma_wait3A_22 : memref<1x128xi32, #tpu.memory_space<vmem>> -> memref<128xi32, #tpu.memory_space<vmem>>
      %dma_wait3A_24 = arith.constant 0 : i32
      %dma_wait3A_25 = arith.constant 0 : i32
      %dma_wait3A_26 = tpu.memref_slice %arg2[%dma_wait3A_24, %dma_wait3A_25] : memref<10000x128xi32, #tpu.memory_space<hbm>> -> memref<10000x128xi32, #tpu.memory_space<hbm>>
      tpu.wait_indirect_dma semaphore(%arg12 : memref<!tpu.dma_semaphore, #tpu.memory_space<semaphore_mem>>) src(%dma_wait3A_26 : memref<10000x128xi32, #tpu.memory_space<hbm>>) dst(%arg10 : memref<128x128xi32, #tpu.memory_space<vmem>>)
      %dma_wait3A_27 = arith.constant 0 : i32
      %dma_wait3A_28 = tpu.memref_slice %arg9[%scan3A_10, %dma_wait3A_27] : memref<81x128xi32, #tpu.memory_space<vmem>> -> memref<1x128xi32, #tpu.memory_space<vmem>>
      %dma_wait3A_29 = tpu.memref_squeeze %dma_wait3A_28 : memref<1x128xi32, #tpu.memory_space<vmem>> -> memref<128xi32, #tpu.memory_space<vmem>>
      %dma_wait3A_30 = arith.constant 0 : i32
      %dma_wait3A_31 = arith.constant 0 : i32
      %dma_wait3A_32 = tpu.memref_slice %arg3[%dma_wait3A_30, %dma_wait3A_31] : memref<10000x128xi32, #tpu.memory_space<hbm>> -> memref<10000x128xi32, #tpu.memory_space<hbm>>
      tpu.wait_indirect_dma semaphore(%arg13 : memref<!tpu.dma_semaphore, #tpu.memory_space<semaphore_mem>>) src(%dma_wait3A_32 : memref<10000x128xi32, #tpu.memory_space<hbm>>) dst(%arg11 : memref<128x128xi32, #tpu.memory_space<vmem>>)
      %mul3A_33 = arith.constant 128 : i32
      %mul3A_34 = arith.muli %scan3A_10, %mul3A_33 : i32
      %add3A_35 = arith.addi %mul3A_4, %mul3A_34 : i32
      "tpu.region"() ({
        %run_scoped3A = tpu.sem_alloc : memref<!tpu.dma_semaphore, #tpu.memory_space<semaphore_mem>>
        %dma_start3A_39 = arith.constant 0 : i32
        %dma_start3A_40 = tpu.memref_slice %arg6[%add3A_35, %dma_start3A_39] : memref<331776x128xi32, #tpu.memory_space<hbm>> -> memref<128x128xi32, #tpu.memory_space<hbm>>
        %dma_start3A_41 = arith.constant 0 : i32
        %dma_start3A_42 = tpu.memref_slice %arg6[%add3A_35, %dma_start3A_41] : memref<331776x128xi32, #tpu.memory_space<hbm>> -> memref<128x128xi32, #tpu.memory_space<hbm>>
        tpu.enqueue_dma source(%arg10 : memref<128x128xi32, #tpu.memory_space<vmem>>) target(%dma_start3A_42 : memref<128x128xi32, #tpu.memory_space<hbm>>) target_semaphore(%run_scoped3A : memref<!tpu.dma_semaphore, #tpu.memory_space<semaphore_mem>>)
        %dma_wait3A_43 = arith.constant 0 : i32
        %dma_wait3A_44 = tpu.memref_slice %arg6[%add3A_35, %dma_wait3A_43] : memref<331776x128xi32, #tpu.memory_space<hbm>> -> memref<128x128xi32, #tpu.memory_space<hbm>>
        %dma_wait3A_45 = arith.constant 0 : i32
        %dma_wait3A_46 = tpu.memref_slice %arg6[%add3A_35, %dma_wait3A_45] : memref<331776x128xi32, #tpu.memory_space<hbm>> -> memref<128x128xi32, #tpu.memory_space<hbm>>
        tpu.wait_dma2 semaphore(%run_scoped3A : memref<!tpu.dma_semaphore, #tpu.memory_space<semaphore_mem>>) src(%arg10 : memref<128x128xi32, #tpu.memory_space<vmem>>) dst(%dma_wait3A_46 : memref<128x128xi32, #tpu.memory_space<hbm>>)
        tpu.yield
      }) : () -> ()
      %mul3A_36 = arith.constant 128 : i32
      %mul3A_37 = arith.muli %scan3A_10, %mul3A_36 : i32
      %add3A_38 = arith.addi %mul3A_4, %mul3A_37 : i32
      "tpu.region"() ({
        %run_scoped3A = tpu.sem_alloc : memref<!tpu.dma_semaphore, #tpu.memory_space<semaphore_mem>>
        %dma_start3A_39 = arith.constant 0 : i32
        %dma_start3A_40 = tpu.memref_slice %arg7[%add3A_38, %dma_start3A_39] : memref<331776x128xi32, #tpu.memory_space<hbm>> -> memref<128x128xi32, #tpu.memory_space<hbm>>
        %dma_start3A_41 = arith.constant 0 : i32
        %dma_start3A_42 = tpu.memref_slice %arg7[%add3A_38, %dma_start3A_41] : memref<331776x128xi32, #tpu.memory_space<hbm>> -> memref<128x128xi32, #tpu.memory_space<hbm>>
        tpu.enqueue_dma source(%arg11 : memref<128x128xi32, #tpu.memory_space<vmem>>) target(%dma_start3A_42 : memref<128x128xi32, #tpu.memory_space<hbm>>) target_semaphore(%run_scoped3A : memref<!tpu.dma_semaphore, #tpu.memory_space<semaphore_mem>>)
        %dma_wait3A_43 = arith.constant 0 : i32
        %dma_wait3A_44 = tpu.memref_slice %arg7[%add3A_38, %dma_wait3A_43] : memref<331776x128xi32, #tpu.memory_space<hbm>> -> memref<128x128xi32, #tpu.memory_space<hbm>>
        %dma_wait3A_45 = arith.constant 0 : i32
        %dma_wait3A_46 = tpu.memref_slice %arg7[%add3A_38, %dma_wait3A_45] : memref<331776x128xi32, #tpu.memory_space<hbm>> -> memref<128x128xi32, #tpu.memory_space<hbm>>
        tpu.wait_dma2 semaphore(%run_scoped3A : memref<!tpu.dma_semaphore, #tpu.memory_space<semaphore_mem>>) src(%arg11 : memref<128x128xi32, #tpu.memory_space<vmem>>) dst(%dma_wait3A_46 : memref<128x128xi32, #tpu.memory_space<hbm>>)
        tpu.yield
      }) : () -> ()
    }
    %scan3A_9 = arith.constant 81 : i32
    return
  }
}

#map = affine_map<(d0, d1) -> (0, 0)>
#map1 = affine_map<(d0, d1) -> (0, 0, 0)>
module attributes {stable_mosaic.version = 14 : i64} {
  func.func @_scatter_call(%arg0: i32, %arg1: i32, %arg2: memref<331776x128xf32, #tpu.memory_space<hbm>>, %arg3: memref<32x81x128xi32, #tpu.memory_space<hbm>>, %arg4: memref<10112x128xf32, #tpu.memory_space<hbm>>, %arg5: memref<2x10112x128xf32, #tpu.memory_space<hbm>>, %arg6: memref<81x128xi32, #tpu.memory_space<vmem>>, %arg7: memref<128x128xf32, #tpu.memory_space<vmem>>, %arg8: memref<10112x128xf32, #tpu.memory_space<vmem_shared>>) attributes {dimension_semantics = [#tpu.dimension_semantics<core_parallel>, #tpu.dimension_semantics<subcore_parallel>], iteration_bounds = array<i64: 2, 16>, scalar_prefetch = 0 : i64, scratch_operands = 3 : i64, tpu.core_type = #tpu.core_type<sc_vector_subcore>, window_params = [{transform_indices = #map}, {transform_indices = #map1}, {transform_indices = #map}, {transform_indices = #map1}]} {
    %mul3A = arith.constant 632 : i32
    %mul3A_0 = arith.muli %arg1, %mul3A : i32
    "tpu.region"() ({
      %run_scoped3A = tpu.sem_alloc : memref<!tpu.dma_semaphore, #tpu.memory_space<semaphore_mem>>
      %dma_start3A = arith.constant 0 : i32
      %dma_start3A_13 = tpu.memref_slice %arg8[%mul3A_0, %dma_start3A] : memref<10112x128xf32, #tpu.memory_space<vmem_shared>> -> memref<632x128xf32, #tpu.memory_space<vmem_shared>>
      %dma_start3A_14 = arith.constant 0 : i32
      %dma_start3A_15 = tpu.memref_slice %arg4[%mul3A_0, %dma_start3A_14] : memref<10112x128xf32, #tpu.memory_space<hbm>> -> memref<632x128xf32, #tpu.memory_space<hbm>>
      tpu.enqueue_dma source(%dma_start3A_15 : memref<632x128xf32, #tpu.memory_space<hbm>>) target(%dma_start3A_13 : memref<632x128xf32, #tpu.memory_space<vmem_shared>>) target_semaphore(%run_scoped3A : memref<!tpu.dma_semaphore, #tpu.memory_space<semaphore_mem>>)
      %dma_wait3A = arith.constant 0 : i32
      %dma_wait3A_16 = tpu.memref_slice %arg8[%mul3A_0, %dma_wait3A] : memref<10112x128xf32, #tpu.memory_space<vmem_shared>> -> memref<632x128xf32, #tpu.memory_space<vmem_shared>>
      %dma_wait3A_17 = arith.constant 0 : i32
      %dma_wait3A_18 = tpu.memref_slice %arg4[%mul3A_0, %dma_wait3A_17] : memref<10112x128xf32, #tpu.memory_space<hbm>> -> memref<632x128xf32, #tpu.memory_space<hbm>>
      tpu.wait_dma2 semaphore(%run_scoped3A : memref<!tpu.dma_semaphore, #tpu.memory_space<semaphore_mem>>) src(%dma_wait3A_18 : memref<632x128xf32, #tpu.memory_space<hbm>>) dst(%dma_wait3A_16 : memref<632x128xf32, #tpu.memory_space<vmem_shared>>)
      tpu.yield
    }) : () -> ()
    %barrier3A = arith.constant 0 : index
    tpu.barrier barrier_id(%barrier3A)
    %mul3A_1 = arith.constant 16 : i32
    %mul3A_2 = arith.muli %arg0, %mul3A_1 : i32
    %add3A = arith.addi %mul3A_2, %arg1 : i32
    "tpu.region"() ({
      %run_scoped3A = tpu.sem_alloc : memref<!tpu.dma_semaphore, #tpu.memory_space<semaphore_mem>>
      %dma_start3A = arith.constant 0 : i32
      %dma_start3A_13 = arith.constant 0 : i32
      %dma_start3A_14 = tpu.memref_slice %arg3[%add3A, %dma_start3A, %dma_start3A_13] : memref<32x81x128xi32, #tpu.memory_space<hbm>> -> memref<1x81x128xi32, #tpu.memory_space<hbm>>
      %dma_start3A_15 = tpu.memref_squeeze %dma_start3A_14 : memref<1x81x128xi32, #tpu.memory_space<hbm>> -> memref<81x128xi32, #tpu.memory_space<hbm>>
      %dma_start3A_16 = arith.constant 0 : i32
      %dma_start3A_17 = arith.constant 0 : i32
      %dma_start3A_18 = tpu.memref_slice %arg3[%add3A, %dma_start3A_16, %dma_start3A_17] : memref<32x81x128xi32, #tpu.memory_space<hbm>> -> memref<1x81x128xi32, #tpu.memory_space<hbm>>
      %dma_start3A_19 = tpu.memref_squeeze %dma_start3A_18 : memref<1x81x128xi32, #tpu.memory_space<hbm>> -> memref<81x128xi32, #tpu.memory_space<hbm>>
      tpu.enqueue_dma source(%dma_start3A_19 : memref<81x128xi32, #tpu.memory_space<hbm>>) target(%arg6 : memref<81x128xi32, #tpu.memory_space<vmem>>) target_semaphore(%run_scoped3A : memref<!tpu.dma_semaphore, #tpu.memory_space<semaphore_mem>>)
      %dma_wait3A = arith.constant 0 : i32
      %dma_wait3A_20 = arith.constant 0 : i32
      %dma_wait3A_21 = tpu.memref_slice %arg3[%add3A, %dma_wait3A, %dma_wait3A_20] : memref<32x81x128xi32, #tpu.memory_space<hbm>> -> memref<1x81x128xi32, #tpu.memory_space<hbm>>
      %dma_wait3A_22 = tpu.memref_squeeze %dma_wait3A_21 : memref<1x81x128xi32, #tpu.memory_space<hbm>> -> memref<81x128xi32, #tpu.memory_space<hbm>>
      %dma_wait3A_23 = arith.constant 0 : i32
      %dma_wait3A_24 = arith.constant 0 : i32
      %dma_wait3A_25 = tpu.memref_slice %arg3[%add3A, %dma_wait3A_23, %dma_wait3A_24] : memref<32x81x128xi32, #tpu.memory_space<hbm>> -> memref<1x81x128xi32, #tpu.memory_space<hbm>>
      %dma_wait3A_26 = tpu.memref_squeeze %dma_wait3A_25 : memref<1x81x128xi32, #tpu.memory_space<hbm>> -> memref<81x128xi32, #tpu.memory_space<hbm>>
      tpu.wait_dma2 semaphore(%run_scoped3A : memref<!tpu.dma_semaphore, #tpu.memory_space<semaphore_mem>>) src(%dma_wait3A_26 : memref<81x128xi32, #tpu.memory_space<hbm>>) dst(%arg6 : memref<81x128xi32, #tpu.memory_space<vmem>>)
      tpu.yield
    }) : () -> ()
    %mul3A_3 = arith.constant 81 : i32
    %mul3A_4 = arith.muli %add3A, %mul3A_3 : i32
    %mul3A_5 = arith.constant 128 : i32
    %mul3A_6 = arith.muli %mul3A_4, %mul3A_5 : i32
    %scan3A = arith.constant 0 : i32
    %scan3A_7 = arith.constant 0 : i32
    %scan3A_8 = arith.constant 81 : i32
    %scan3A_9 = arith.addi %scan3A_7, %scan3A_8 : i32
    %scan3A_10 = arith.constant 1 : i32
    scf.for %scan3A_13 = %scan3A_7 to %scan3A_9 step %scan3A_10  : i32 {
      %mul3A_14 = arith.constant 128 : i32
      %mul3A_15 = arith.muli %scan3A_13, %mul3A_14 : i32
      %add3A_16 = arith.addi %mul3A_6, %mul3A_15 : i32
      "tpu.region"() ({
        %run_scoped3A = tpu.sem_alloc : memref<!tpu.dma_semaphore, #tpu.memory_space<semaphore_mem>>
        %dma_start3A = arith.constant 0 : i32
        %dma_start3A_17 = tpu.memref_slice %arg2[%add3A_16, %dma_start3A] : memref<331776x128xf32, #tpu.memory_space<hbm>> -> memref<128x128xf32, #tpu.memory_space<hbm>>
        %dma_start3A_18 = arith.constant 0 : i32
        %dma_start3A_19 = tpu.memref_slice %arg2[%add3A_16, %dma_start3A_18] : memref<331776x128xf32, #tpu.memory_space<hbm>> -> memref<128x128xf32, #tpu.memory_space<hbm>>
        tpu.enqueue_dma source(%dma_start3A_19 : memref<128x128xf32, #tpu.memory_space<hbm>>) target(%arg7 : memref<128x128xf32, #tpu.memory_space<vmem>>) target_semaphore(%run_scoped3A : memref<!tpu.dma_semaphore, #tpu.memory_space<semaphore_mem>>)
        %dma_wait3A = arith.constant 0 : i32
        %dma_wait3A_20 = tpu.memref_slice %arg2[%add3A_16, %dma_wait3A] : memref<331776x128xf32, #tpu.memory_space<hbm>> -> memref<128x128xf32, #tpu.memory_space<hbm>>
        %dma_wait3A_21 = arith.constant 0 : i32
        %dma_wait3A_22 = tpu.memref_slice %arg2[%add3A_16, %dma_wait3A_21] : memref<331776x128xf32, #tpu.memory_space<hbm>> -> memref<128x128xf32, #tpu.memory_space<hbm>>
        tpu.wait_dma2 semaphore(%run_scoped3A : memref<!tpu.dma_semaphore, #tpu.memory_space<semaphore_mem>>) src(%dma_wait3A_22 : memref<128x128xf32, #tpu.memory_space<hbm>>) dst(%arg7 : memref<128x128xf32, #tpu.memory_space<vmem>>)
        tpu.yield
      }) : () -> ()
      "tpu.region"() ({
        %run_scoped3A = tpu.sem_alloc : memref<!tpu.dma_semaphore, #tpu.memory_space<semaphore_mem>>
        %dma_start3A = arith.constant 0 : i32
        %dma_start3A_17 = tpu.memref_slice %arg6[%scan3A_13, %dma_start3A] : memref<81x128xi32, #tpu.memory_space<vmem>> -> memref<1x128xi32, #tpu.memory_space<vmem>>
        %dma_start3A_18 = tpu.memref_squeeze %dma_start3A_17 : memref<1x128xi32, #tpu.memory_space<vmem>> -> memref<128xi32, #tpu.memory_space<vmem>>
        %dma_start3A_19 = arith.constant 0 : i32
        %dma_start3A_20 = arith.constant 0 : i32
        %dma_start3A_21 = tpu.memref_slice %arg8[%dma_start3A_19, %dma_start3A_20] : memref<10112x128xf32, #tpu.memory_space<vmem_shared>> -> memref<10112x128xf32, #tpu.memory_space<vmem_shared>>
        tpu.enqueue_indirect_dma source(%arg7 : memref<128x128xf32, #tpu.memory_space<vmem>>) target(%dma_start3A_21 : memref<10112x128xf32, #tpu.memory_space<vmem_shared>>) offsets(%dma_start3A_18 : memref<128xi32, #tpu.memory_space<vmem>>) semaphore(%run_scoped3A : memref<!tpu.dma_semaphore, #tpu.memory_space<semaphore_mem>>) {add = true}
        %dma_wait3A = arith.constant 0 : i32
        %dma_wait3A_22 = tpu.memref_slice %arg6[%scan3A_13, %dma_wait3A] : memref<81x128xi32, #tpu.memory_space<vmem>> -> memref<1x128xi32, #tpu.memory_space<vmem>>
        %dma_wait3A_23 = tpu.memref_squeeze %dma_wait3A_22 : memref<1x128xi32, #tpu.memory_space<vmem>> -> memref<128xi32, #tpu.memory_space<vmem>>
        %dma_wait3A_24 = arith.constant 0 : i32
        %dma_wait3A_25 = arith.constant 0 : i32
        %dma_wait3A_26 = tpu.memref_slice %arg8[%dma_wait3A_24, %dma_wait3A_25] : memref<10112x128xf32, #tpu.memory_space<vmem_shared>> -> memref<10112x128xf32, #tpu.memory_space<vmem_shared>>
        tpu.wait_indirect_dma semaphore(%run_scoped3A : memref<!tpu.dma_semaphore, #tpu.memory_space<semaphore_mem>>) src(%arg7 : memref<128x128xf32, #tpu.memory_space<vmem>>) dst(%dma_wait3A_26 : memref<10112x128xf32, #tpu.memory_space<vmem_shared>>)
        tpu.yield
      }) : () -> ()
    }
    %scan3A_11 = arith.constant 81 : i32
    %barrier3A_12 = arith.constant 0 : index
    tpu.barrier barrier_id(%barrier3A_12)
    "tpu.region"() ({
      %run_scoped3A = tpu.sem_alloc : memref<!tpu.dma_semaphore, #tpu.memory_space<semaphore_mem>>
      %dma_start3A = arith.constant 0 : i32
      %dma_start3A_13 = tpu.memref_slice %arg5[%arg0, %mul3A_0, %dma_start3A] : memref<2x10112x128xf32, #tpu.memory_space<hbm>> -> memref<1x632x128xf32, #tpu.memory_space<hbm>>
      %dma_start3A_14 = tpu.memref_squeeze %dma_start3A_13 : memref<1x632x128xf32, #tpu.memory_space<hbm>> -> memref<632x128xf32, #tpu.memory_space<hbm>>
      %dma_start3A_15 = arith.constant 0 : i32
      %dma_start3A_16 = tpu.memref_slice %arg8[%mul3A_0, %dma_start3A_15] : memref<10112x128xf32, #tpu.memory_space<vmem_shared>> -> memref<632x128xf32, #tpu.memory_space<vmem_shared>>
      tpu.enqueue_dma source(%dma_start3A_16 : memref<632x128xf32, #tpu.memory_space<vmem_shared>>) target(%dma_start3A_14 : memref<632x128xf32, #tpu.memory_space<hbm>>) target_semaphore(%run_scoped3A : memref<!tpu.dma_semaphore, #tpu.memory_space<semaphore_mem>>)
      %dma_wait3A = arith.constant 0 : i32
      %dma_wait3A_17 = tpu.memref_slice %arg5[%arg0, %mul3A_0, %dma_wait3A] : memref<2x10112x128xf32, #tpu.memory_space<hbm>> -> memref<1x632x128xf32, #tpu.memory_space<hbm>>
      %dma_wait3A_18 = tpu.memref_squeeze %dma_wait3A_17 : memref<1x632x128xf32, #tpu.memory_space<hbm>> -> memref<632x128xf32, #tpu.memory_space<hbm>>
      %dma_wait3A_19 = arith.constant 0 : i32
      %dma_wait3A_20 = tpu.memref_slice %arg8[%mul3A_0, %dma_wait3A_19] : memref<10112x128xf32, #tpu.memory_space<vmem_shared>> -> memref<632x128xf32, #tpu.memory_space<vmem_shared>>
      tpu.wait_dma2 semaphore(%run_scoped3A : memref<!tpu.dma_semaphore, #tpu.memory_space<semaphore_mem>>) src(%dma_wait3A_20 : memref<632x128xf32, #tpu.memory_space<vmem_shared>>) dst(%dma_wait3A_18 : memref<632x128xf32, #tpu.memory_space<hbm>>)
      tpu.yield
    }) : () -> ()
    return
  }
}

module attributes {stable_mosaic.version = 14 : i64} {
  func.func @_init_body(%arg0: i32, %arg1: memref<2000x128xf32, #tpu.memory_space<vmem>>, %arg2: memref<40x32xf32, #tpu.memory_space<vmem>>, %arg3: memref<8x16xf32, #tpu.memory_space<vmem>>, %arg4: memref<2x4xf32, #tpu.memory_space<vmem>>, %arg5: memref<2x4xf32, #tpu.memory_space<vmem>>, %arg6: memref<9x16xf32, #tpu.memory_space<vmem>>, %arg7: memref<2000x195xf32, #tpu.memory_space<vmem>>, %arg8: memref<1x195xf32, #tpu.memory_space<vmem>>) attributes {dimension_semantics = [#tpu.dimension_semantics<arbitrary>], iteration_bounds = array<i64: 5>, scalar_prefetch = 0 : i64, scratch_operands = 0 : i64, tpu.core_type = #tpu.core_type<tc>, window_params = [{transform_indices = @transform_0, window_bounds = array<i64: 2000, 128>}, {pipeline_mode = #tpu.pipeline_mode<synchronous>, transform_indices = @transform_1, window_bounds = array<i64: 40, 32>}, {pipeline_mode = #tpu.pipeline_mode<synchronous>, transform_indices = @transform_2, window_bounds = array<i64: 8, 16>}, {pipeline_mode = #tpu.pipeline_mode<synchronous>, transform_indices = @transform_3, window_bounds = array<i64: 2, 4>}, {pipeline_mode = #tpu.pipeline_mode<synchronous>, transform_indices = @transform_4, window_bounds = array<i64: 2, 4>}, {pipeline_mode = #tpu.pipeline_mode<synchronous>, transform_indices = @transform_5, window_bounds = array<i64: 9, 16>}, {transform_indices = @transform_6, window_bounds = array<i64: 2000, 195>}, {pipeline_mode = #tpu.pipeline_mode<synchronous>, transform_indices = @transform_7, window_bounds = array<i64: 1, 195>}]} {
    %get3A = arith.constant 0 : index
    %get3A_0 = arith.constant 0 : index
    %get3A_1 = vector.load %arg1[%get3A, %get3A_0] : memref<2000x128xf32, #tpu.memory_space<vmem>>, vector<2000x128xf32>
    %get3A_2 = arith.constant 0 : index
    %get3A_3 = arith.constant 0 : index
    %get3A_4 = vector.load %arg2[%get3A_2, %get3A_3] : memref<40x32xf32, #tpu.memory_space<vmem>>, vector<40x32xf32>
    %get3A_5 = arith.constant 0 : index
    %get3A_6 = arith.constant 0 : index
    %get3A_7 = vector.load %arg3[%get3A_5, %get3A_6] : memref<8x16xf32, #tpu.memory_space<vmem>>, vector<8x16xf32>
    %get3A_8 = arith.constant 0 : index
    %get3A_9 = arith.constant 0 : index
    %get3A_10 = vector.load %arg4[%get3A_8, %get3A_9] : memref<2x4xf32, #tpu.memory_space<vmem>>, vector<2x4xf32>
    %get3A_11 = arith.constant 0 : index
    %get3A_12 = arith.constant 0 : index
    %get3A_13 = vector.load %arg5[%get3A_11, %get3A_12] : memref<2x4xf32, #tpu.memory_space<vmem>>, vector<2x4xf32>
    %get3A_14 = arith.constant 0 : index
    %get3A_15 = arith.constant 0 : index
    %get3A_16 = vector.load %arg6[%get3A_14, %get3A_15] : memref<9x16xf32, #tpu.memory_space<vmem>>, vector<9x16xf32>
    %slice3A = vector.extract_strided_slice %get3A_1 {offsets = [0, 0], sizes = [2000, 1], strides = [1, 1]} : vector<2000x128xf32> to vector<2000x1xf32>
    %slice3A_17 = vector.extract_strided_slice %get3A_1 {offsets = [0, 2], sizes = [2000, 2], strides = [1, 1]} : vector<2000x128xf32> to vector<2000x2xf32>
    %slice3A_18 = vector.extract_strided_slice %get3A_1 {offsets = [0, 6], sizes = [2000, 1], strides = [1, 1]} : vector<2000x128xf32> to vector<2000x1xf32>
    %slice3A_19 = vector.extract_strided_slice %get3A_1 {offsets = [0, 9], sizes = [2000, 119], strides = [1, 1]} : vector<2000x128xf32> to vector<2000x119xf32>
    %slice3A_20 = vector.extract_strided_slice %get3A_1 {offsets = [0, 1], sizes = [2000, 1], strides = [1, 1]} : vector<2000x128xf32> to vector<2000x1xf32>
    %convert_element_type3A = arith.fptosi %slice3A_20 : vector<2000x1xf32> to vector<2000x1xi32>
    %iota3A = tpu.iota {dimensions = array<i32: 1>} : vector<2000x40xi32>
    %eq3A = vector.broadcast %convert_element_type3A : vector<2000x1xi32> to vector<2000x40xi32>
    %eq3A_21 = arith.cmpi eq, %iota3A, %eq3A : vector<2000x40xi32>
    %convert_element_type3A_22 = arith.extui %eq3A_21 : vector<2000x40xi1> to vector<2000x40xi32>
    %convert_element_type3A_23 = arith.sitofp %convert_element_type3A_22 : vector<2000x40xi32> to vector<2000x40xf32>
    %dot_general3A = arith.constant dense<0.000000e+00> : vector<2000x32xf32>
    %dot_general3A_24 = tpu.matmul %convert_element_type3A_23, %get3A_4, %dot_general3A {dimension_numbers = #tpu.dot_dimension_numbers<[1], [0], [0], [1], [0, 0, 1, 1], [], []>, transpose_lhs_hint = false} : vector<2000x40xf32>, vector<40x32xf32>, vector<2000x32xf32> -> vector<2000x32xf32>
    %slice3A_25 = vector.extract_strided_slice %get3A_1 {offsets = [0, 4], sizes = [2000, 1], strides = [1, 1]} : vector<2000x128xf32> to vector<2000x1xf32>
    %convert_element_type3A_26 = arith.fptosi %slice3A_25 : vector<2000x1xf32> to vector<2000x1xi32>
    %iota3A_27 = tpu.iota {dimensions = array<i32: 1>} : vector<2000x8xi32>
    %eq3A_28 = vector.broadcast %convert_element_type3A_26 : vector<2000x1xi32> to vector<2000x8xi32>
    %eq3A_29 = arith.cmpi eq, %iota3A_27, %eq3A_28 : vector<2000x8xi32>
    %convert_element_type3A_30 = arith.extui %eq3A_29 : vector<2000x8xi1> to vector<2000x8xi32>
    %convert_element_type3A_31 = arith.sitofp %convert_element_type3A_30 : vector<2000x8xi32> to vector<2000x8xf32>
    %dot_general3A_32 = arith.constant dense<0.000000e+00> : vector<2000x16xf32>
    %dot_general3A_33 = tpu.matmul %convert_element_type3A_31, %get3A_7, %dot_general3A_32 {dimension_numbers = #tpu.dot_dimension_numbers<[1], [0], [0], [1], [0, 0, 1, 1], [], []>, transpose_lhs_hint = false} : vector<2000x8xf32>, vector<8x16xf32>, vector<2000x16xf32> -> vector<2000x16xf32>
    %slice3A_34 = vector.extract_strided_slice %get3A_1 {offsets = [0, 5], sizes = [2000, 1], strides = [1, 1]} : vector<2000x128xf32> to vector<2000x1xf32>
    %convert_element_type3A_35 = arith.fptosi %slice3A_34 : vector<2000x1xf32> to vector<2000x1xi32>
    %iota3A_36 = tpu.iota {dimensions = array<i32: 1>} : vector<2000x2xi32>
    %eq3A_37 = vector.broadcast %convert_element_type3A_35 : vector<2000x1xi32> to vector<2000x2xi32>
    %eq3A_38 = arith.cmpi eq, %iota3A_36, %eq3A_37 : vector<2000x2xi32>
    %convert_element_type3A_39 = arith.extui %eq3A_38 : vector<2000x2xi1> to vector<2000x2xi32>
    %convert_element_type3A_40 = arith.sitofp %convert_element_type3A_39 : vector<2000x2xi32> to vector<2000x2xf32>
    %dot_general3A_41 = arith.constant dense<0.000000e+00> : vector<2000x4xf32>
    %dot_general3A_42 = tpu.matmul %convert_element_type3A_40, %get3A_10, %dot_general3A_41 {dimension_numbers = #tpu.dot_dimension_numbers<[1], [0], [0], [1], [0, 0, 1, 1], [], []>, transpose_lhs_hint = false} : vector<2000x2xf32>, vector<2x4xf32>, vector<2000x4xf32> -> vector<2000x4xf32>
    %slice3A_43 = vector.extract_strided_slice %get3A_1 {offsets = [0, 7], sizes = [2000, 1], strides = [1, 1]} : vector<2000x128xf32> to vector<2000x1xf32>
    %convert_element_type3A_44 = arith.fptosi %slice3A_43 : vector<2000x1xf32> to vector<2000x1xi32>
    %iota3A_45 = tpu.iota {dimensions = array<i32: 1>} : vector<2000x2xi32>
    %eq3A_46 = vector.broadcast %convert_element_type3A_44 : vector<2000x1xi32> to vector<2000x2xi32>
    %eq3A_47 = arith.cmpi eq, %iota3A_45, %eq3A_46 : vector<2000x2xi32>
    %convert_element_type3A_48 = arith.extui %eq3A_47 : vector<2000x2xi1> to vector<2000x2xi32>
    %convert_element_type3A_49 = arith.sitofp %convert_element_type3A_48 : vector<2000x2xi32> to vector<2000x2xf32>
    %dot_general3A_50 = arith.constant dense<0.000000e+00> : vector<2000x4xf32>
    %dot_general3A_51 = tpu.matmul %convert_element_type3A_49, %get3A_13, %dot_general3A_50 {dimension_numbers = #tpu.dot_dimension_numbers<[1], [0], [0], [1], [0, 0, 1, 1], [], []>, transpose_lhs_hint = false} : vector<2000x2xf32>, vector<2x4xf32>, vector<2000x4xf32> -> vector<2000x4xf32>
    %slice3A_52 = vector.extract_strided_slice %get3A_1 {offsets = [0, 8], sizes = [2000, 1], strides = [1, 1]} : vector<2000x128xf32> to vector<2000x1xf32>
    %convert_element_type3A_53 = arith.fptosi %slice3A_52 : vector<2000x1xf32> to vector<2000x1xi32>
    %iota3A_54 = tpu.iota {dimensions = array<i32: 1>} : vector<2000x9xi32>
    %eq3A_55 = vector.broadcast %convert_element_type3A_53 : vector<2000x1xi32> to vector<2000x9xi32>
    %eq3A_56 = arith.cmpi eq, %iota3A_54, %eq3A_55 : vector<2000x9xi32>
    %convert_element_type3A_57 = arith.extui %eq3A_56 : vector<2000x9xi1> to vector<2000x9xi32>
    %convert_element_type3A_58 = arith.sitofp %convert_element_type3A_57 : vector<2000x9xi32> to vector<2000x9xf32>
    %dot_general3A_59 = arith.constant dense<0.000000e+00> : vector<2000x16xf32>
    %dot_general3A_60 = tpu.matmul %convert_element_type3A_58, %get3A_16, %dot_general3A_59 {dimension_numbers = #tpu.dot_dimension_numbers<[1], [0], [0], [1], [0, 0, 1, 1], [], []>, transpose_lhs_hint = false} : vector<2000x9xf32>, vector<9x16xf32>, vector<2000x16xf32> -> vector<2000x16xf32>
    %concatenate3A = tpu.concatenate %slice3A, %slice3A_17, %slice3A_18, %slice3A_19, %dot_general3A_24, %dot_general3A_33, %dot_general3A_42, %dot_general3A_51, %dot_general3A_60 in 1 : vector<2000x1xf32>, vector<2000x2xf32>, vector<2000x1xf32>, vector<2000x119xf32>, vector<2000x32xf32>, vector<2000x16xf32>, vector<2000x4xf32>, vector<2000x4xf32>, vector<2000x16xf32> -> vector<2000x195xf32>
    %swap3A = arith.constant 0 : index
    %swap3A_61 = arith.constant 0 : index
    %swap3A_62 = vector.load %arg7[%swap3A, %swap3A_61] : memref<2000x195xf32, #tpu.memory_space<vmem>>, vector<2000x195xf32>
    tpu.vector_store %arg7[%swap3A, %swap3A_61], %concatenate3A {strides = array<i32>} : memref<2000x195xf32, #tpu.memory_space<vmem>>, vector<2000x195xf32>,
    %reduce_sum3A = arith.constant dense<0.000000e+00> : vector<195xf32>
    %reduce_sum3A_63 = vector.multi_reduction <add>, %concatenate3A, %reduce_sum3A [0] : vector<2000x195xf32> to vector<195xf32>
    %broadcast_in_dim3A = vector.shape_cast %reduce_sum3A_63 : vector<195xf32> to vector<1x195xf32>
    %eq3A_64 = arith.constant 0 : i32
    %eq3A_65 = arith.cmpi eq, %arg0, %eq3A_64 : i32
    %convert_element_type3A_66 = arith.extui %eq3A_65 : i1 to i32
    %cond3A = arith.constant 0 : i32
    %cond3A_67 = arith.cmpi ne, %convert_element_type3A_66, %cond3A : i32
    scf.if %cond3A_67 {
      %swap3A_72 = arith.constant 0 : index
      %swap3A_73 = arith.constant 0 : index
      %swap3A_74 = vector.load %arg8[%swap3A_72, %swap3A_73] : memref<1x195xf32, #tpu.memory_space<vmem>>, vector<1x195xf32>
      tpu.vector_store %arg8[%swap3A_72, %swap3A_73], %broadcast_in_dim3A {strides = array<i32>} : memref<1x195xf32, #tpu.memory_space<vmem>>, vector<1x195xf32>,
    } else {
    }
    %gt3A = arith.constant 0 : i32
    %gt3A_68 = arith.cmpi sgt, %arg0, %gt3A : i32
    %convert_element_type3A_69 = arith.extui %gt3A_68 : i1 to i32
    %cond3A_70 = arith.constant 0 : i32
    %cond3A_71 = arith.cmpi ne, %convert_element_type3A_69, %cond3A_70 : i32
    scf.if %cond3A_71 {
      %get3A_72 = arith.constant 0 : index
      %get3A_73 = arith.constant 0 : index
      %get3A_74 = vector.load %arg8[%get3A_72, %get3A_73] : memref<1x195xf32, #tpu.memory_space<vmem>>, vector<1x195xf32>
      %add3A = arith.addf %get3A_74, %broadcast_in_dim3A : vector<1x195xf32>
      %swap3A_75 = arith.constant 0 : index
      %swap3A_76 = arith.constant 0 : index
      %swap3A_77 = vector.load %arg8[%swap3A_75, %swap3A_76] : memref<1x195xf32, #tpu.memory_space<vmem>>, vector<1x195xf32>
      tpu.vector_store %arg8[%swap3A_75, %swap3A_76], %add3A {strides = array<i32>} : memref<1x195xf32, #tpu.memory_space<vmem>>, vector<1x195xf32>,
    } else {
    }
    return
  }
  func.func @transform_0(%arg0: i32) -> (i32, i32) {
    %c0_i32 = arith.constant 0 : i32
    %c0_i32_0 = arith.constant 0 : i32
    return %arg0, %c0_i32 : i32, i32
  }
  func.func @transform_1(%arg0: i32) -> (i32, i32) {
    %c0_i32 = arith.constant 0 : i32
    %c0_i32_0 = arith.constant 0 : i32
    %c0_i32_1 = arith.constant 0 : i32
    return %c0_i32, %c0_i32_0 : i32, i32
  }
  func.func @transform_2(%arg0: i32) -> (i32, i32) {
    %c0_i32 = arith.constant 0 : i32
    %c0_i32_0 = arith.constant 0 : i32
    %c0_i32_1 = arith.constant 0 : i32
    return %c0_i32, %c0_i32_0 : i32, i32
  }
  func.func @transform_3(%arg0: i32) -> (i32, i32) {
    %c0_i32 = arith.constant 0 : i32
    %c0_i32_0 = arith.constant 0 : i32
    %c0_i32_1 = arith.constant 0 : i32
    return %c0_i32, %c0_i32_0 : i32, i32
  }
  func.func @transform_4(%arg0: i32) -> (i32, i32) {
    %c0_i32 = arith.constant 0 : i32
    %c0_i32_0 = arith.constant 0 : i32
    %c0_i32_1 = arith.constant 0 : i32
    return %c0_i32, %c0_i32_0 : i32, i32
  }
  func.func @transform_5(%arg0: i32) -> (i32, i32) {
    %c0_i32 = arith.constant 0 : i32
    %c0_i32_0 = arith.constant 0 : i32
    %c0_i32_1 = arith.constant 0 : i32
    return %c0_i32, %c0_i32_0 : i32, i32
  }
  func.func @transform_6(%arg0: i32) -> (i32, i32) {
    %c0_i32 = arith.constant 0 : i32
    %c0_i32_0 = arith.constant 0 : i32
    return %arg0, %c0_i32 : i32, i32
  }
  func.func @transform_7(%arg0: i32) -> (i32, i32) {
    %c0_i32 = arith.constant 0 : i32
    %c0_i32_0 = arith.constant 0 : i32
    %c0_i32_1 = arith.constant 0 : i32
    return %c0_i32, %c0_i32_0 : i32, i32
  }
}

module attributes {stable_mosaic.version = 14 : i64} {
  func.func @_var_body(%arg0: i32, %arg1: memref<2000x195xf32, #tpu.memory_space<vmem>>, %arg2: memref<1x195xf32, #tpu.memory_space<vmem>>, %arg3: memref<1x1xf32, #tpu.memory_space<vmem>>) attributes {dimension_semantics = [#tpu.dimension_semantics<arbitrary>], iteration_bounds = array<i64: 5>, scalar_prefetch = 0 : i64, scratch_operands = 0 : i64, tpu.core_type = #tpu.core_type<tc>, window_params = [{transform_indices = @transform_0, window_bounds = array<i64: 2000, 195>}, {pipeline_mode = #tpu.pipeline_mode<synchronous>, transform_indices = @transform_1, window_bounds = array<i64: 1, 195>}, {pipeline_mode = #tpu.pipeline_mode<synchronous>, transform_indices = @transform_2, window_bounds = array<i64: 1, 1>}]} {
    %get3A = arith.constant 0 : index
    %get3A_0 = arith.constant 0 : index
    %get3A_1 = vector.load %arg2[%get3A, %get3A_0] : memref<1x195xf32, #tpu.memory_space<vmem>>, vector<1x195xf32>
    %reduce_sum3A = vector.shape_cast %get3A_1 : vector<1x195xf32> to vector<1x1x195xf32>
    %reduce_sum3A_2 = arith.constant dense<0.000000e+00> : vector<1xf32>
    %reduce_sum3A_3 = vector.multi_reduction <add>, %reduce_sum3A, %reduce_sum3A_2 [1, 2] : vector<1x1x195xf32> to vector<1xf32>
    %reduce_sum3A_4 = vector.shape_cast %reduce_sum3A_3 : vector<1xf32> to vector<1x1x1xf32>
    %reduce_sum3A_5 = vector.extract %reduce_sum3A_4[0, 0, 0] : f32 from vector<1x1x1xf32>
    %mul3A = arith.constant 5.1282052E-7 : f32
    %mul3A_6 = arith.mulf %reduce_sum3A_5, %mul3A : f32
    %get3A_7 = arith.constant 0 : index
    %get3A_8 = arith.constant 0 : index
    %get3A_9 = vector.load %arg1[%get3A_7, %get3A_8] : memref<2000x195xf32, #tpu.memory_space<vmem>>, vector<2000x195xf32>
    %sub3A = vector.broadcast %mul3A_6 : f32 to vector<2000x195xf32>
    %sub3A_10 = arith.subf %get3A_9, %sub3A : vector<2000x195xf32>
    %mul3A_11 = arith.mulf %sub3A_10, %sub3A_10 : vector<2000x195xf32>
    %reduce_sum3A_12 = vector.shape_cast %mul3A_11 : vector<2000x195xf32> to vector<1x2000x195xf32>
    %reduce_sum3A_13 = arith.constant dense<0.000000e+00> : vector<1xf32>
    %reduce_sum3A_14 = vector.multi_reduction <add>, %reduce_sum3A_12, %reduce_sum3A_13 [1, 2] : vector<1x2000x195xf32> to vector<1xf32>
    %reduce_sum3A_15 = vector.shape_cast %reduce_sum3A_14 : vector<1xf32> to vector<1x1x1xf32>
    %reduce_sum3A_16 = vector.extract %reduce_sum3A_15[0, 0, 0] : f32 from vector<1x1x1xf32>
    %reshape3A = vector.broadcast %reduce_sum3A_16 : f32 to vector<1x1xf32>
    %eq3A = arith.constant 0 : i32
    %eq3A_17 = arith.cmpi eq, %arg0, %eq3A : i32
    %convert_element_type3A = arith.extui %eq3A_17 : i1 to i32
    %cond3A = arith.constant 0 : i32
    %cond3A_18 = arith.cmpi ne, %convert_element_type3A, %cond3A : i32
    scf.if %cond3A_18 {
      %swap3A = arith.constant 0 : index
      %swap3A_23 = arith.constant 0 : index
      %swap3A_24 = vector.load %arg3[%swap3A, %swap3A_23] : memref<1x1xf32, #tpu.memory_space<vmem>>, vector<1x1xf32>
      tpu.vector_store %arg3[%swap3A, %swap3A_23], %reshape3A {strides = array<i32>} : memref<1x1xf32, #tpu.memory_space<vmem>>, vector<1x1xf32>,
    } else {
    }
    %gt3A = arith.constant 0 : i32
    %gt3A_19 = arith.cmpi sgt, %arg0, %gt3A : i32
    %convert_element_type3A_20 = arith.extui %gt3A_19 : i1 to i32
    %cond3A_21 = arith.constant 0 : i32
    %cond3A_22 = arith.cmpi ne, %convert_element_type3A_20, %cond3A_21 : i32
    scf.if %cond3A_22 {
      %get3A_23 = arith.constant 0 : index
      %get3A_24 = arith.constant 0 : index
      %get3A_25 = vector.load %arg3[%get3A_23, %get3A_24] : memref<1x1xf32, #tpu.memory_space<vmem>>, vector<1x1xf32>
      %add3A = arith.addf %get3A_25, %reshape3A : vector<1x1xf32>
      %swap3A = arith.constant 0 : index
      %swap3A_26 = arith.constant 0 : index
      %swap3A_27 = vector.load %arg3[%swap3A, %swap3A_26] : memref<1x1xf32, #tpu.memory_space<vmem>>, vector<1x1xf32>
      tpu.vector_store %arg3[%swap3A, %swap3A_26], %add3A {strides = array<i32>} : memref<1x1xf32, #tpu.memory_space<vmem>>, vector<1x1xf32>,
    } else {
    }
    return
  }
  func.func @transform_0(%arg0: i32) -> (i32, i32) {
    %c0_i32 = arith.constant 0 : i32
    %c0_i32_0 = arith.constant 0 : i32
    return %arg0, %c0_i32 : i32, i32
  }
  func.func @transform_1(%arg0: i32) -> (i32, i32) {
    %c0_i32 = arith.constant 0 : i32
    %c0_i32_0 = arith.constant 0 : i32
    %c0_i32_1 = arith.constant 0 : i32
    return %c0_i32, %c0_i32_0 : i32, i32
  }
  func.func @transform_2(%arg0: i32) -> (i32, i32) {
    %c0_i32 = arith.constant 0 : i32
    %c0_i32_0 = arith.constant 0 : i32
    %c0_i32_1 = arith.constant 0 : i32
    return %c0_i32, %c0_i32_0 : i32, i32
  }
}

module attributes {stable_mosaic.version = 14 : i64} {
  func.func @_tables_body(%arg0: i32, %arg1: memref<2000x195xf32, #tpu.memory_space<vmem>>, %arg2: memref<2000x16xf32, #tpu.memory_space<vmem>>, %arg3: memref<1x195xf32, #tpu.memory_space<vmem>>, %arg4: memref<1x1xf32, #tpu.memory_space<vmem>>, %arg5: memref<1x195xf32, #tpu.memory_space<vmem>>, %arg6: memref<1x195xf32, #tpu.memory_space<vmem>>, %arg7: memref<195x128xf32, #tpu.memory_space<vmem>>, %arg8: memref<195x128xf32, #tpu.memory_space<vmem>>, %arg9: memref<195x128xf32, #tpu.memory_space<vmem>>, %arg10: memref<1x128xf32, #tpu.memory_space<vmem>>, %arg11: memref<2000x128xi32, #tpu.memory_space<vmem>>, %arg12: memref<2000x128xi32, #tpu.memory_space<vmem>>, %arg13: memref<2000x128xf32, #tpu.memory_space<vmem>>) attributes {dimension_semantics = [#tpu.dimension_semantics<arbitrary>], iteration_bounds = array<i64: 5>, scalar_prefetch = 0 : i64, scratch_operands = 0 : i64, tpu.core_type = #tpu.core_type<tc>, window_params = [{transform_indices = @transform_0, window_bounds = array<i64: 2000, 195>}, {transform_indices = @transform_1, window_bounds = array<i64: 2000, 16>}, {pipeline_mode = #tpu.pipeline_mode<synchronous>, transform_indices = @transform_2, window_bounds = array<i64: 1, 195>}, {pipeline_mode = #tpu.pipeline_mode<synchronous>, transform_indices = @transform_3, window_bounds = array<i64: 1, 1>}, {pipeline_mode = #tpu.pipeline_mode<synchronous>, transform_indices = @transform_4, window_bounds = array<i64: 1, 195>}, {pipeline_mode = #tpu.pipeline_mode<synchronous>, transform_indices = @transform_5, window_bounds = array<i64: 1, 195>}, {pipeline_mode = #tpu.pipeline_mode<synchronous>, transform_indices = @transform_6, window_bounds = array<i64: 195, 128>}, {pipeline_mode = #tpu.pipeline_mode<synchronous>, transform_indices = @transform_7, window_bounds = array<i64: 195, 128>}, {pipeline_mode = #tpu.pipeline_mode<synchronous>, transform_indices = @transform_8, window_bounds = array<i64: 195, 128>}, {pipeline_mode = #tpu.pipeline_mode<synchronous>, transform_indices = @transform_9, window_bounds = array<i64: 1, 128>}, {transform_indices = @transform_10, window_bounds = array<i64: 2000, 128>}, {transform_indices = @transform_11, window_bounds = array<i64: 2000, 128>}, {transform_indices = @transform_12, window_bounds = array<i64: 2000, 128>}]} {
    %get3A = arith.constant 0 : index
    %get3A_0 = arith.constant 0 : index
    %get3A_1 = vector.load %arg3[%get3A, %get3A_0] : memref<1x195xf32, #tpu.memory_space<vmem>>, vector<1x195xf32>
    %reduce_sum3A = vector.shape_cast %get3A_1 : vector<1x195xf32> to vector<1x1x195xf32>
    %reduce_sum3A_2 = arith.constant dense<0.000000e+00> : vector<1xf32>
    %reduce_sum3A_3 = vector.multi_reduction <add>, %reduce_sum3A, %reduce_sum3A_2 [1, 2] : vector<1x1x195xf32> to vector<1xf32>
    %reduce_sum3A_4 = vector.shape_cast %reduce_sum3A_3 : vector<1xf32> to vector<1x1x1xf32>
    %reduce_sum3A_5 = vector.extract %reduce_sum3A_4[0, 0, 0] : f32 from vector<1x1x1xf32>
    %mul3A = arith.constant 5.1282052E-7 : f32
    %mul3A_6 = arith.mulf %reduce_sum3A_5, %mul3A : f32
    %get3A_7 = arith.constant 0 : index
    %get3A_8 = arith.constant 0 : index
    %get3A_9 = vector.load %arg4[%get3A_7, %get3A_8] : memref<1x1xf32, #tpu.memory_space<vmem>>, vector<1x1xf32>
    %get3A_10 = vector.extract %get3A_9[0, 0] : f32 from vector<1x1xf32>
    %mul3A_11 = arith.constant 5.1282052E-7 : f32
    %mul3A_12 = arith.mulf %get3A_10, %mul3A_11 : f32
    %add3A = arith.constant 9.99999974E-6 : f32
    %add3A_13 = arith.addf %mul3A_12, %add3A : f32
    %rsqrt3A = math.rsqrt %add3A_13 : f32
    %get3A_14 = arith.constant 0 : index
    %get3A_15 = arith.constant 0 : index
    %get3A_16 = vector.load %arg1[%get3A_14, %get3A_15] : memref<2000x195xf32, #tpu.memory_space<vmem>>, vector<2000x195xf32>
    %sub3A = vector.broadcast %mul3A_6 : f32 to vector<2000x195xf32>
    %sub3A_17 = arith.subf %get3A_16, %sub3A : vector<2000x195xf32>
    %mul3A_18 = vector.broadcast %rsqrt3A : f32 to vector<2000x195xf32>
    %mul3A_19 = arith.mulf %sub3A_17, %mul3A_18 : vector<2000x195xf32>
    %get3A_20 = arith.constant 0 : index
    %get3A_21 = arith.constant 0 : index
    %get3A_22 = vector.load %arg5[%get3A_20, %get3A_21] : memref<1x195xf32, #tpu.memory_space<vmem>>, vector<1x195xf32>
    %mul3A_23 = vector.broadcast %get3A_22 : vector<1x195xf32> to vector<2000x195xf32>
    %mul3A_24 = arith.mulf %mul3A_19, %mul3A_23 : vector<2000x195xf32>
    %get3A_25 = arith.constant 0 : index
    %get3A_26 = arith.constant 0 : index
    %get3A_27 = vector.load %arg6[%get3A_25, %get3A_26] : memref<1x195xf32, #tpu.memory_space<vmem>>, vector<1x195xf32>
    %add3A_28 = vector.broadcast %get3A_27 : vector<1x195xf32> to vector<2000x195xf32>
    %add3A_29 = arith.addf %mul3A_24, %add3A_28 : vector<2000x195xf32>
    %get3A_30 = arith.constant 0 : index
    %get3A_31 = arith.constant 0 : index
    %get3A_32 = vector.load %arg2[%get3A_30, %get3A_31] : memref<2000x16xf32, #tpu.memory_space<vmem>>, vector<2000x16xf32>
    %broadcast_in_dim3A = arith.constant 0.000000e+00 : f32
    %broadcast_in_dim3A_33 = vector.broadcast %broadcast_in_dim3A : f32 to vector<2000x112xf32>
    %concatenate3A = tpu.concatenate %get3A_32, %broadcast_in_dim3A_33 in 1 : vector<2000x16xf32>, vector<2000x112xf32> -> vector<2000x128xf32>
    %convert_element_type3A = arith.truncf %concatenate3A : vector<2000x128xf32> to vector<2000x128xbf16>
    %bitcast_convert_type3A = tpu.bitcast %convert_element_type3A : vector<2000x128xbf16> -> vector<2000x128xi16>
    %convert_element_type3A_34 = arith.extui %bitcast_convert_type3A : vector<2000x128xi16> to vector<2000x128xi32>
    %get3A_35 = arith.constant 0 : index
    %get3A_36 = arith.constant 0 : index
    %get3A_37 = vector.load %arg7[%get3A_35, %get3A_36] : memref<195x128xf32, #tpu.memory_space<vmem>>, vector<195x128xf32>
    %dot_general3A = arith.constant dense<0.000000e+00> : vector<2000x128xf32>
    %dot_general3A_38 = tpu.matmul %get3A_16, %get3A_37, %dot_general3A {dimension_numbers = #tpu.dot_dimension_numbers<[1], [0], [0], [1], [0, 0, 1, 1], [], []>, transpose_lhs_hint = false} : vector<2000x195xf32>, vector<195x128xf32>, vector<2000x128xf32> -> vector<2000x128xf32>
    %get3A_39 = arith.constant 0 : index
    %get3A_40 = arith.constant 0 : index
    %get3A_41 = vector.load %arg8[%get3A_39, %get3A_40] : memref<195x128xf32, #tpu.memory_space<vmem>>, vector<195x128xf32>
    %dot_general3A_42 = arith.constant dense<0.000000e+00> : vector<2000x128xf32>
    %dot_general3A_43 = tpu.matmul %get3A_16, %get3A_41, %dot_general3A_42 {dimension_numbers = #tpu.dot_dimension_numbers<[1], [0], [0], [1], [0, 0, 1, 1], [], []>, transpose_lhs_hint = false} : vector<2000x195xf32>, vector<195x128xf32>, vector<2000x128xf32> -> vector<2000x128xf32>
    %convert_element_type3A_44 = arith.truncf %dot_general3A_38 : vector<2000x128xf32> to vector<2000x128xbf16>
    %bitcast_convert_type3A_45 = tpu.bitcast %convert_element_type3A_44 : vector<2000x128xbf16> -> vector<2000x128xi16>
    %convert_element_type3A_46 = arith.extui %bitcast_convert_type3A_45 : vector<2000x128xi16> to vector<2000x128xi32>
    %convert_element_type3A_47 = arith.truncf %dot_general3A_43 : vector<2000x128xf32> to vector<2000x128xbf16>
    %bitcast_convert_type3A_48 = tpu.bitcast %convert_element_type3A_47 : vector<2000x128xbf16> -> vector<2000x128xi16>
    %convert_element_type3A_49 = arith.extui %bitcast_convert_type3A_48 : vector<2000x128xi16> to vector<2000x128xi32>
    %shift_left3A = arith.constant 16 : i32
    %shift_left3A_50 = vector.broadcast %shift_left3A : i32 to vector<2000x128xi32>
    %shift_left3A_51 = arith.shli %convert_element_type3A_34, %shift_left3A_50 : vector<2000x128xi32>
    %or3A = arith.ori %convert_element_type3A_46, %shift_left3A_51 : vector<2000x128xi32>
    %bitcast_convert_type3A_52 = tpu.bitcast %or3A : vector<2000x128xi32> -> vector<2000x128xi32>
    %swap3A = arith.constant 0 : index
    %swap3A_53 = arith.constant 0 : index
    %swap3A_54 = vector.load %arg11[%swap3A, %swap3A_53] : memref<2000x128xi32, #tpu.memory_space<vmem>>, vector<2000x128xi32>
    tpu.vector_store %arg11[%swap3A, %swap3A_53], %bitcast_convert_type3A_52 {strides = array<i32>} : memref<2000x128xi32, #tpu.memory_space<vmem>>, vector<2000x128xi32>,
    %shift_left3A_55 = arith.constant 16 : i32
    %shift_left3A_56 = vector.broadcast %shift_left3A_55 : i32 to vector<2000x128xi32>
    %shift_left3A_57 = arith.shli %convert_element_type3A_34, %shift_left3A_56 : vector<2000x128xi32>
    %or3A_58 = arith.ori %convert_element_type3A_49, %shift_left3A_57 : vector<2000x128xi32>
    %bitcast_convert_type3A_59 = tpu.bitcast %or3A_58 : vector<2000x128xi32> -> vector<2000x128xi32>
    %swap3A_60 = arith.constant 0 : index
    %swap3A_61 = arith.constant 0 : index
    %swap3A_62 = vector.load %arg12[%swap3A_60, %swap3A_61] : memref<2000x128xi32, #tpu.memory_space<vmem>>, vector<2000x128xi32>
    tpu.vector_store %arg12[%swap3A_60, %swap3A_61], %bitcast_convert_type3A_59 {strides = array<i32>} : memref<2000x128xi32, #tpu.memory_space<vmem>>, vector<2000x128xi32>,
    %get3A_63 = arith.constant 0 : index
    %get3A_64 = arith.constant 0 : index
    %get3A_65 = vector.load %arg9[%get3A_63, %get3A_64] : memref<195x128xf32, #tpu.memory_space<vmem>>, vector<195x128xf32>
    %dot_general3A_66 = arith.constant dense<0.000000e+00> : vector<2000x128xf32>
    %dot_general3A_67 = tpu.matmul %add3A_29, %get3A_65, %dot_general3A_66 {dimension_numbers = #tpu.dot_dimension_numbers<[1], [0], [0], [1], [0, 0, 1, 1], [], []>, transpose_lhs_hint = false} : vector<2000x195xf32>, vector<195x128xf32>, vector<2000x128xf32> -> vector<2000x128xf32>
    %get3A_68 = arith.constant 0 : index
    %get3A_69 = arith.constant 0 : index
    %get3A_70 = vector.load %arg10[%get3A_68, %get3A_69] : memref<1x128xf32, #tpu.memory_space<vmem>>, vector<1x128xf32>
    %add3A_71 = vector.broadcast %get3A_70 : vector<1x128xf32> to vector<2000x128xf32>
    %add3A_72 = arith.addf %dot_general3A_67, %add3A_71 : vector<2000x128xf32>
    %swap3A_73 = arith.constant 0 : index
    %swap3A_74 = arith.constant 0 : index
    %swap3A_75 = vector.load %arg13[%swap3A_73, %swap3A_74] : memref<2000x128xf32, #tpu.memory_space<vmem>>, vector<2000x128xf32>
    tpu.vector_store %arg13[%swap3A_73, %swap3A_74], %add3A_72 {strides = array<i32>} : memref<2000x128xf32, #tpu.memory_space<vmem>>, vector<2000x128xf32>,
    return
  }
  func.func @transform_0(%arg0: i32) -> (i32, i32) {
    %c0_i32 = arith.constant 0 : i32
    %c0_i32_0 = arith.constant 0 : i32
    return %arg0, %c0_i32 : i32, i32
  }
  func.func @transform_1(%arg0: i32) -> (i32, i32) {
    %c0_i32 = arith.constant 0 : i32
    %c0_i32_0 = arith.constant 0 : i32
    return %arg0, %c0_i32 : i32, i32
  }
  func.func @transform_2(%arg0: i32) -> (i32, i32) {
    %c0_i32 = arith.constant 0 : i32
    %c0_i32_0 = arith.constant 0 : i32
    %c0_i32_1 = arith.constant 0 : i32
    return %c0_i32, %c0_i32_0 : i32, i32
  }
  func.func @transform_3(%arg0: i32) -> (i32, i32) {
    %c0_i32 = arith.constant 0 : i32
    %c0_i32_0 = arith.constant 0 : i32
    %c0_i32_1 = arith.constant 0 : i32
    return %c0_i32, %c0_i32_0 : i32, i32
  }
  func.func @transform_4(%arg0: i32) -> (i32, i32) {
    %c0_i32 = arith.constant 0 : i32
    %c0_i32_0 = arith.constant 0 : i32
    %c0_i32_1 = arith.constant 0 : i32
    return %c0_i32, %c0_i32_0 : i32, i32
  }
  func.func @transform_5(%arg0: i32) -> (i32, i32) {
    %c0_i32 = arith.constant 0 : i32
    %c0_i32_0 = arith.constant 0 : i32
    %c0_i32_1 = arith.constant 0 : i32
    return %c0_i32, %c0_i32_0 : i32, i32
  }
  func.func @transform_6(%arg0: i32) -> (i32, i32) {
    %c0_i32 = arith.constant 0 : i32
    %c0_i32_0 = arith.constant 0 : i32
    %c0_i32_1 = arith.constant 0 : i32
    return %c0_i32, %c0_i32_0 : i32, i32
  }
  func.func @transform_7(%arg0: i32) -> (i32, i32) {
    %c0_i32 = arith.constant 0 : i32
    %c0_i32_0 = arith.constant 0 : i32
    %c0_i32_1 = arith.constant 0 : i32
    return %c0_i32, %c0_i32_0 : i32, i32
  }
  func.func @transform_8(%arg0: i32) -> (i32, i32) {
    %c0_i32 = arith.constant 0 : i32
    %c0_i32_0 = arith.constant 0 : i32
    %c0_i32_1 = arith.constant 0 : i32
    return %c0_i32, %c0_i32_0 : i32, i32
  }
  func.func @transform_9(%arg0: i32) -> (i32, i32) {
    %c0_i32 = arith.constant 0 : i32
    %c0_i32_0 = arith.constant 0 : i32
    %c0_i32_1 = arith.constant 0 : i32
    return %c0_i32, %c0_i32_0 : i32, i32
  }
  func.func @transform_10(%arg0: i32) -> (i32, i32) {
    %c0_i32 = arith.constant 0 : i32
    %c0_i32_0 = arith.constant 0 : i32
    return %arg0, %c0_i32 : i32, i32
  }
  func.func @transform_11(%arg0: i32) -> (i32, i32) {
    %c0_i32 = arith.constant 0 : i32
    %c0_i32_0 = arith.constant 0 : i32
    return %arg0, %c0_i32 : i32, i32
  }
  func.func @transform_12(%arg0: i32) -> (i32, i32) {
    %c0_i32 = arith.constant 0 : i32
    %c0_i32_0 = arith.constant 0 : i32
    return %arg0, %c0_i32 : i32, i32
  }
}

module attributes {stable_mosaic.version = 14 : i64} {
  func.func @_edge_body(%arg0: i32, %arg1: memref<1024x128xi32, #tpu.memory_space<vmem>>, %arg2: memref<1024x128xi32, #tpu.memory_space<vmem>>, %arg3: memref<1024x4xf32, #tpu.memory_space<vmem>>, %arg4: memref<4x128xf32, #tpu.memory_space<vmem>>, %arg5: memref<1x128xf32, #tpu.memory_space<vmem>>, %arg6: memref<1x128xf32, #tpu.memory_space<vmem>>, %arg7: memref<128x32xf32, #tpu.memory_space<vmem>>, %arg8: memref<1x32xf32, #tpu.memory_space<vmem>>, %arg9: memref<32x32xf32, #tpu.memory_space<vmem>>, %arg10: memref<1x32xf32, #tpu.memory_space<vmem>>, %arg11: memref<32x16xf32, #tpu.memory_space<vmem>>, %arg12: memref<1x16xf32, #tpu.memory_space<vmem>>, %arg13: memref<1024x128xf32, #tpu.memory_space<vmem>>) attributes {dimension_semantics = [#tpu.dimension_semantics<arbitrary>], iteration_bounds = array<i64: 324>, scalar_prefetch = 0 : i64, scratch_operands = 0 : i64, tpu.core_type = #tpu.core_type<tc>, window_params = [{transform_indices = @transform_0, window_bounds = array<i64: 1024, 128>}, {transform_indices = @transform_1, window_bounds = array<i64: 1024, 128>}, {transform_indices = @transform_2, window_bounds = array<i64: 1024, 4>}, {pipeline_mode = #tpu.pipeline_mode<synchronous>, transform_indices = @transform_3, window_bounds = array<i64: 4, 128>}, {pipeline_mode = #tpu.pipeline_mode<synchronous>, transform_indices = @transform_4, window_bounds = array<i64: 1, 128>}, {pipeline_mode = #tpu.pipeline_mode<synchronous>, transform_indices = @transform_5, window_bounds = array<i64: 1, 128>}, {pipeline_mode = #tpu.pipeline_mode<synchronous>, transform_indices = @transform_6, window_bounds = array<i64: 128, 32>}, {pipeline_mode = #tpu.pipeline_mode<synchronous>, transform_indices = @transform_7, window_bounds = array<i64: 1, 32>}, {pipeline_mode = #tpu.pipeline_mode<synchronous>, transform_indices = @transform_8, window_bounds = array<i64: 32, 32>}, {pipeline_mode = #tpu.pipeline_mode<synchronous>, transform_indices = @transform_9, window_bounds = array<i64: 1, 32>}, {pipeline_mode = #tpu.pipeline_mode<synchronous>, transform_indices = @transform_10, window_bounds = array<i64: 32, 16>}, {pipeline_mode = #tpu.pipeline_mode<synchronous>, transform_indices = @transform_11, window_bounds = array<i64: 1, 16>}, {transform_indices = @transform_12, window_bounds = array<i64: 1024, 128>}]} {
    %get3A = arith.constant 0 : index
    %get3A_0 = arith.constant 0 : index
    %get3A_1 = vector.load %arg1[%get3A, %get3A_0] : memref<1024x128xi32, #tpu.memory_space<vmem>>, vector<1024x128xi32>
    %bitcast_convert_type3A = tpu.bitcast %get3A_1 : vector<1024x128xi32> -> vector<1024x128xi32>
    %get3A_2 = arith.constant 0 : index
    %get3A_3 = arith.constant 0 : index
    %get3A_4 = vector.load %arg2[%get3A_2, %get3A_3] : memref<1024x128xi32, #tpu.memory_space<vmem>>, vector<1024x128xi32>
    %bitcast_convert_type3A_5 = tpu.bitcast %get3A_4 : vector<1024x128xi32> -> vector<1024x128xi32>
    %and3A = arith.constant 65535 : i32
    %and3A_6 = vector.broadcast %and3A : i32 to vector<1024x128xi32>
    %and3A_7 = arith.andi %bitcast_convert_type3A, %and3A_6 : vector<1024x128xi32>
    %convert_element_type3A = arith.trunci %and3A_7 : vector<1024x128xi32> to vector<1024x128xi16>
    %bitcast_convert_type3A_8 = tpu.bitcast %convert_element_type3A : vector<1024x128xi16> -> vector<1024x128xbf16>
    %convert_element_type3A_9 = arith.extf %bitcast_convert_type3A_8 : vector<1024x128xbf16> to vector<1024x128xf32>
    %and3A_10 = arith.constant 65535 : i32
    %and3A_11 = vector.broadcast %and3A_10 : i32 to vector<1024x128xi32>
    %and3A_12 = arith.andi %bitcast_convert_type3A_5, %and3A_11 : vector<1024x128xi32>
    %convert_element_type3A_13 = arith.trunci %and3A_12 : vector<1024x128xi32> to vector<1024x128xi16>
    %bitcast_convert_type3A_14 = tpu.bitcast %convert_element_type3A_13 : vector<1024x128xi16> -> vector<1024x128xbf16>
    %convert_element_type3A_15 = arith.extf %bitcast_convert_type3A_14 : vector<1024x128xbf16> to vector<1024x128xf32>
    %shift_right_logical3A = arith.constant 16 : i32
    %shift_right_logical3A_16 = vector.broadcast %shift_right_logical3A : i32 to vector<1024x128xi32>
    %shift_right_logical3A_17 = arith.shrui %bitcast_convert_type3A_5, %shift_right_logical3A_16 : vector<1024x128xi32>
    %convert_element_type3A_18 = arith.trunci %shift_right_logical3A_17 : vector<1024x128xi32> to vector<1024x128xi16>
    %bitcast_convert_type3A_19 = tpu.bitcast %convert_element_type3A_18 : vector<1024x128xi16> -> vector<1024x128xbf16>
    %convert_element_type3A_20 = arith.extf %bitcast_convert_type3A_19 : vector<1024x128xbf16> to vector<1024x128xf32>
    %shift_right_logical3A_21 = arith.constant 16 : i32
    %shift_right_logical3A_22 = vector.broadcast %shift_right_logical3A_21 : i32 to vector<1024x128xi32>
    %shift_right_logical3A_23 = arith.shrui %bitcast_convert_type3A, %shift_right_logical3A_22 : vector<1024x128xi32>
    %convert_element_type3A_24 = arith.trunci %shift_right_logical3A_23 : vector<1024x128xi32> to vector<1024x128xi16>
    %bitcast_convert_type3A_25 = tpu.bitcast %convert_element_type3A_24 : vector<1024x128xi16> -> vector<1024x128xbf16>
    %convert_element_type3A_26 = arith.extf %bitcast_convert_type3A_25 : vector<1024x128xbf16> to vector<1024x128xf32>
    %sub3A = arith.subf %convert_element_type3A_20, %convert_element_type3A_26 : vector<1024x128xf32>
    %mul3A = arith.mulf %sub3A, %sub3A : vector<1024x128xf32>
    %reduce_sum3A = arith.constant dense<0.000000e+00> : vector<1024xf32>
    %reduce_sum3A_27 = vector.multi_reduction <add>, %mul3A, %reduce_sum3A [1] : vector<1024x128xf32> to vector<1024xf32>
    %broadcast_in_dim3A = vector.shape_cast %reduce_sum3A_27 : vector<1024xf32> to vector<1024x1xf32>
    %add3A = arith.addf %convert_element_type3A_9, %convert_element_type3A_15 : vector<1024x128xf32>
    %get3A_28 = arith.constant 0 : index
    %get3A_29 = arith.constant 0 : index
    %get3A_30 = vector.load %arg3[%get3A_28, %get3A_29] : memref<1024x4xf32, #tpu.memory_space<vmem>>, vector<1024x4xf32>
    %get3A_31 = arith.constant 0 : index
    %get3A_32 = arith.constant 0 : index
    %get3A_33 = vector.load %arg4[%get3A_31, %get3A_32] : memref<4x128xf32, #tpu.memory_space<vmem>>, vector<4x128xf32>
    %dot_general3A = arith.constant dense<0.000000e+00> : vector<1024x128xf32>
    %dot_general3A_34 = tpu.matmul %get3A_30, %get3A_33, %dot_general3A {dimension_numbers = #tpu.dot_dimension_numbers<[1], [0], [0], [1], [0, 0, 1, 1], [], []>, transpose_lhs_hint = false} : vector<1024x4xf32>, vector<4x128xf32>, vector<1024x128xf32> -> vector<1024x128xf32>
    %add3A_35 = arith.addf %add3A, %dot_general3A_34 : vector<1024x128xf32>
    %get3A_36 = arith.constant 0 : index
    %get3A_37 = arith.constant 0 : index
    %get3A_38 = vector.load %arg6[%get3A_36, %get3A_37] : memref<1x128xf32, #tpu.memory_space<vmem>>, vector<1x128xf32>
    %mul3A_39 = vector.broadcast %broadcast_in_dim3A : vector<1024x1xf32> to vector<1024x128xf32>
    %mul3A_40 = vector.broadcast %get3A_38 : vector<1x128xf32> to vector<1024x128xf32>
    %mul3A_41 = arith.mulf %mul3A_39, %mul3A_40 : vector<1024x128xf32>
    %add3A_42 = arith.addf %add3A_35, %mul3A_41 : vector<1024x128xf32>
    %get3A_43 = arith.constant 0 : index
    %get3A_44 = arith.constant 0 : index
    %get3A_45 = vector.load %arg5[%get3A_43, %get3A_44] : memref<1x128xf32, #tpu.memory_space<vmem>>, vector<1x128xf32>
    %add3A_46 = vector.broadcast %get3A_45 : vector<1x128xf32> to vector<1024x128xf32>
    %add3A_47 = arith.addf %add3A_42, %add3A_46 : vector<1024x128xf32>
    %logistic3A = arith.negf %add3A_47 : vector<1024x128xf32>
    %logistic3A_48 = math.exp %logistic3A : vector<1024x128xf32>
    %logistic3A_49 = arith.constant 1.000000e+00 : f32
    %logistic3A_50 = vector.broadcast %logistic3A_49 : f32 to vector<1024x128xf32>
    %logistic3A_51 = arith.addf %logistic3A_50, %logistic3A_48 : vector<1024x128xf32>
    %logistic3A_52 = arith.divf %logistic3A_50, %logistic3A_51 : vector<1024x128xf32>
    %mul3A_53 = arith.mulf %add3A_47, %logistic3A_52 : vector<1024x128xf32>
    %get3A_54 = arith.constant 0 : index
    %get3A_55 = arith.constant 0 : index
    %get3A_56 = vector.load %arg7[%get3A_54, %get3A_55] : memref<128x32xf32, #tpu.memory_space<vmem>>, vector<128x32xf32>
    %dot_general3A_57 = arith.constant dense<0.000000e+00> : vector<1024x32xf32>
    %dot_general3A_58 = tpu.matmul %mul3A_53, %get3A_56, %dot_general3A_57 {dimension_numbers = #tpu.dot_dimension_numbers<[1], [0], [0], [1], [0, 0, 1, 1], [], []>, transpose_lhs_hint = false} : vector<1024x128xf32>, vector<128x32xf32>, vector<1024x32xf32> -> vector<1024x32xf32>
    %get3A_59 = arith.constant 0 : index
    %get3A_60 = arith.constant 0 : index
    %get3A_61 = vector.load %arg8[%get3A_59, %get3A_60] : memref<1x32xf32, #tpu.memory_space<vmem>>, vector<1x32xf32>
    %add3A_62 = vector.broadcast %get3A_61 : vector<1x32xf32> to vector<1024x32xf32>
    %add3A_63 = arith.addf %dot_general3A_58, %add3A_62 : vector<1024x32xf32>
    %logistic3A_64 = arith.negf %add3A_63 : vector<1024x32xf32>
    %logistic3A_65 = math.exp %logistic3A_64 : vector<1024x32xf32>
    %logistic3A_66 = arith.constant 1.000000e+00 : f32
    %logistic3A_67 = vector.broadcast %logistic3A_66 : f32 to vector<1024x32xf32>
    %logistic3A_68 = arith.addf %logistic3A_67, %logistic3A_65 : vector<1024x32xf32>
    %logistic3A_69 = arith.divf %logistic3A_67, %logistic3A_68 : vector<1024x32xf32>
    %mul3A_70 = arith.mulf %add3A_63, %logistic3A_69 : vector<1024x32xf32>
    %get3A_71 = arith.constant 0 : index
    %get3A_72 = arith.constant 0 : index
    %get3A_73 = vector.load %arg9[%get3A_71, %get3A_72] : memref<32x32xf32, #tpu.memory_space<vmem>>, vector<32x32xf32>
    %dot_general3A_74 = arith.constant dense<0.000000e+00> : vector<1024x32xf32>
    %dot_general3A_75 = tpu.matmul %mul3A_70, %get3A_73, %dot_general3A_74 {dimension_numbers = #tpu.dot_dimension_numbers<[1], [0], [0], [1], [0, 0, 1, 1], [], []>, transpose_lhs_hint = false} : vector<1024x32xf32>, vector<32x32xf32>, vector<1024x32xf32> -> vector<1024x32xf32>
    %get3A_76 = arith.constant 0 : index
    %get3A_77 = arith.constant 0 : index
    %get3A_78 = vector.load %arg10[%get3A_76, %get3A_77] : memref<1x32xf32, #tpu.memory_space<vmem>>, vector<1x32xf32>
    %add3A_79 = vector.broadcast %get3A_78 : vector<1x32xf32> to vector<1024x32xf32>
    %add3A_80 = arith.addf %dot_general3A_75, %add3A_79 : vector<1024x32xf32>
    %logistic3A_81 = arith.negf %add3A_80 : vector<1024x32xf32>
    %logistic3A_82 = math.exp %logistic3A_81 : vector<1024x32xf32>
    %logistic3A_83 = arith.constant 1.000000e+00 : f32
    %logistic3A_84 = vector.broadcast %logistic3A_83 : f32 to vector<1024x32xf32>
    %logistic3A_85 = arith.addf %logistic3A_84, %logistic3A_82 : vector<1024x32xf32>
    %logistic3A_86 = arith.divf %logistic3A_84, %logistic3A_85 : vector<1024x32xf32>
    %mul3A_87 = arith.mulf %add3A_80, %logistic3A_86 : vector<1024x32xf32>
    %get3A_88 = arith.constant 0 : index
    %get3A_89 = arith.constant 0 : index
    %get3A_90 = vector.load %arg11[%get3A_88, %get3A_89] : memref<32x16xf32, #tpu.memory_space<vmem>>, vector<32x16xf32>
    %dot_general3A_91 = arith.constant dense<0.000000e+00> : vector<1024x16xf32>
    %dot_general3A_92 = tpu.matmul %mul3A_87, %get3A_90, %dot_general3A_91 {dimension_numbers = #tpu.dot_dimension_numbers<[1], [0], [0], [1], [0, 0, 1, 1], [], []>, transpose_lhs_hint = false} : vector<1024x32xf32>, vector<32x16xf32>, vector<1024x16xf32> -> vector<1024x16xf32>
    %get3A_93 = arith.constant 0 : index
    %get3A_94 = arith.constant 0 : index
    %get3A_95 = vector.load %arg12[%get3A_93, %get3A_94] : memref<1x16xf32, #tpu.memory_space<vmem>>, vector<1x16xf32>
    %add3A_96 = vector.broadcast %get3A_95 : vector<1x16xf32> to vector<1024x16xf32>
    %add3A_97 = arith.addf %dot_general3A_92, %add3A_96 : vector<1024x16xf32>
    %slice3A = vector.extract_strided_slice %add3A_97 {offsets = [0, 0], sizes = [1024, 1], strides = [1, 1]} : vector<1024x16xf32> to vector<1024x1xf32>
    %mul3A_98 = arith.constant 1024 : i32
    %mul3A_99 = arith.muli %arg0, %mul3A_98 : i32
    %iota3A = tpu.iota {dimensions = array<i32: 0>} : vector<1024x1xi32>
    %add3A_100 = vector.broadcast %mul3A_99 : i32 to vector<1024x1xi32>
    %add3A_101 = arith.addi %add3A_100, %iota3A : vector<1024x1xi32>
    %lt3A = arith.constant 330000 : i32
    %lt3A_102 = vector.broadcast %lt3A : i32 to vector<1024x1xi32>
    %lt3A_103 = arith.cmpi slt, %add3A_101, %lt3A_102 : vector<1024x1xi32>
    %convert_element_type3A_104 = arith.extui %lt3A_103 : vector<1024x1xi1> to vector<1024x1xi32>
    %convert_element_type3A_105 = arith.sitofp %convert_element_type3A_104 : vector<1024x1xi32> to vector<1024x1xf32>
    %slice3A_106 = vector.extract_strided_slice %sub3A {offsets = [0, 0], sizes = [1024, 3], strides = [1, 1]} : vector<1024x128xf32> to vector<1024x3xf32>
    %mul3A_107 = vector.broadcast %slice3A : vector<1024x1xf32> to vector<1024x3xf32>
    %mul3A_108 = arith.mulf %mul3A_107, %slice3A_106 : vector<1024x3xf32>
    %broadcast_in_dim3A_109 = arith.constant 0.000000e+00 : f32
    %broadcast_in_dim3A_110 = vector.broadcast %broadcast_in_dim3A_109 : f32 to vector<1024x93xf32>
    %concatenate3A = tpu.concatenate %mul3A_70, %mul3A_108, %broadcast_in_dim3A_110 in 1 : vector<1024x32xf32>, vector<1024x3xf32>, vector<1024x93xf32> -> vector<1024x128xf32>
    %mul3A_111 = vector.broadcast %convert_element_type3A_105 : vector<1024x1xf32> to vector<1024x128xf32>
    %mul3A_112 = arith.mulf %concatenate3A, %mul3A_111 : vector<1024x128xf32>
    %swap3A = arith.constant 0 : index
    %swap3A_113 = arith.constant 0 : index
    %swap3A_114 = vector.load %arg13[%swap3A, %swap3A_113] : memref<1024x128xf32, #tpu.memory_space<vmem>>, vector<1024x128xf32>
    tpu.vector_store %arg13[%swap3A, %swap3A_113], %mul3A_112 {strides = array<i32>} : memref<1024x128xf32, #tpu.memory_space<vmem>>, vector<1024x128xf32>,
    return
  }
  func.func @transform_0(%arg0: i32) -> (i32, i32) {
    %c0_i32 = arith.constant 0 : i32
    %c0_i32_0 = arith.constant 0 : i32
    return %arg0, %c0_i32 : i32, i32
  }
  func.func @transform_1(%arg0: i32) -> (i32, i32) {
    %c0_i32 = arith.constant 0 : i32
    %c0_i32_0 = arith.constant 0 : i32
    return %arg0, %c0_i32 : i32, i32
  }
  func.func @transform_2(%arg0: i32) -> (i32, i32) {
    %c0_i32 = arith.constant 0 : i32
    %c0_i32_0 = arith.constant 0 : i32
    return %arg0, %c0_i32 : i32, i32
  }
  func.func @transform_3(%arg0: i32) -> (i32, i32) {
    %c0_i32 = arith.constant 0 : i32
    %c0_i32_0 = arith.constant 0 : i32
    %c0_i32_1 = arith.constant 0 : i32
    return %c0_i32, %c0_i32_0 : i32, i32
  }
  func.func @transform_4(%arg0: i32) -> (i32, i32) {
    %c0_i32 = arith.constant 0 : i32
    %c0_i32_0 = arith.constant 0 : i32
    %c0_i32_1 = arith.constant 0 : i32
    return %c0_i32, %c0_i32_0 : i32, i32
  }
  func.func @transform_5(%arg0: i32) -> (i32, i32) {
    %c0_i32 = arith.constant 0 : i32
    %c0_i32_0 = arith.constant 0 : i32
    %c0_i32_1 = arith.constant 0 : i32
    return %c0_i32, %c0_i32_0 : i32, i32
  }
  func.func @transform_6(%arg0: i32) -> (i32, i32) {
    %c0_i32 = arith.constant 0 : i32
    %c0_i32_0 = arith.constant 0 : i32
    %c0_i32_1 = arith.constant 0 : i32
    return %c0_i32, %c0_i32_0 : i32, i32
  }
  func.func @transform_7(%arg0: i32) -> (i32, i32) {
    %c0_i32 = arith.constant 0 : i32
    %c0_i32_0 = arith.constant 0 : i32
    %c0_i32_1 = arith.constant 0 : i32
    return %c0_i32, %c0_i32_0 : i32, i32
  }
  func.func @transform_8(%arg0: i32) -> (i32, i32) {
    %c0_i32 = arith.constant 0 : i32
    %c0_i32_0 = arith.constant 0 : i32
    %c0_i32_1 = arith.constant 0 : i32
    return %c0_i32, %c0_i32_0 : i32, i32
  }
  func.func @transform_9(%arg0: i32) -> (i32, i32) {
    %c0_i32 = arith.constant 0 : i32
    %c0_i32_0 = arith.constant 0 : i32
    %c0_i32_1 = arith.constant 0 : i32
    return %c0_i32, %c0_i32_0 : i32, i32
  }
  func.func @transform_10(%arg0: i32) -> (i32, i32) {
    %c0_i32 = arith.constant 0 : i32
    %c0_i32_0 = arith.constant 0 : i32
    %c0_i32_1 = arith.constant 0 : i32
    return %c0_i32, %c0_i32_0 : i32, i32
  }
  func.func @transform_11(%arg0: i32) -> (i32, i32) {
    %c0_i32 = arith.constant 0 : i32
    %c0_i32_0 = arith.constant 0 : i32
    %c0_i32_1 = arith.constant 0 : i32
    return %c0_i32, %c0_i32_0 : i32, i32
  }
  func.func @transform_12(%arg0: i32) -> (i32, i32) {
    %c0_i32 = arith.constant 0 : i32
    %c0_i32_0 = arith.constant 0 : i32
    return %arg0, %c0_i32 : i32, i32
  }
}

module attributes {stable_mosaic.version = 14 : i64} {
  func.func @_update_body(%arg0: i32, %arg1: memref<2000x195xf32, #tpu.memory_space<vmem>>, %arg2: memref<2000x128xf32, #tpu.memory_space<vmem>>, %arg3: memref<2000x128xf32, #tpu.memory_space<vmem>>, %arg4: memref<2000x16xf32, #tpu.memory_space<vmem>>, %arg5: memref<2000x128xf32, #tpu.memory_space<vmem>>, %arg6: memref<32x128xf32, #tpu.memory_space<vmem>>, %arg7: memref<128x195xf32, #tpu.memory_space<vmem>>, %arg8: memref<1x195xf32, #tpu.memory_space<vmem>>, %arg9: memref<2000x195xf32, #tpu.memory_space<vmem>>, %arg10: memref<2000x16xf32, #tpu.memory_space<vmem>>, %arg11: memref<1x195xf32, #tpu.memory_space<vmem>>) attributes {dimension_semantics = [#tpu.dimension_semantics<arbitrary>], iteration_bounds = array<i64: 5>, scalar_prefetch = 0 : i64, scratch_operands = 0 : i64, tpu.core_type = #tpu.core_type<tc>, window_params = [{transform_indices = @transform_0, window_bounds = array<i64: 2000, 195>}, {transform_indices = @transform_1, window_bounds = array<i64: 2000, 128>}, {transform_indices = @transform_2, window_bounds = array<i64: 2000, 128>}, {transform_indices = @transform_3, window_bounds = array<i64: 2000, 16>}, {transform_indices = @transform_4, window_bounds = array<i64: 2000, 128>}, {pipeline_mode = #tpu.pipeline_mode<synchronous>, transform_indices = @transform_5, window_bounds = array<i64: 32, 128>}, {pipeline_mode = #tpu.pipeline_mode<synchronous>, transform_indices = @transform_6, window_bounds = array<i64: 128, 195>}, {pipeline_mode = #tpu.pipeline_mode<synchronous>, transform_indices = @transform_7, window_bounds = array<i64: 1, 195>}, {transform_indices = @transform_8, window_bounds = array<i64: 2000, 195>}, {transform_indices = @transform_9, window_bounds = array<i64: 2000, 16>}, {pipeline_mode = #tpu.pipeline_mode<synchronous>, transform_indices = @transform_10, window_bounds = array<i64: 1, 195>}]} {
    %get3A = arith.constant 0 : index
    %get3A_0 = arith.constant 0 : index
    %get3A_1 = vector.load %arg2[%get3A, %get3A_0] : memref<2000x128xf32, #tpu.memory_space<vmem>>, vector<2000x128xf32>
    %get3A_2 = arith.constant 0 : index
    %get3A_3 = arith.constant 0 : index
    %get3A_4 = vector.load %arg3[%get3A_2, %get3A_3] : memref<2000x128xf32, #tpu.memory_space<vmem>>, vector<2000x128xf32>
    %add3A = arith.addf %get3A_1, %get3A_4 : vector<2000x128xf32>
    %slice3A = vector.extract_strided_slice %add3A {offsets = [0, 0], sizes = [2000, 32], strides = [1, 1]} : vector<2000x128xf32> to vector<2000x32xf32>
    %slice3A_5 = vector.extract_strided_slice %add3A {offsets = [0, 32], sizes = [2000, 16], strides = [1, 1]} : vector<2000x128xf32> to vector<2000x16xf32>
    %get3A_6 = arith.constant 0 : index
    %get3A_7 = arith.constant 0 : index
    %get3A_8 = vector.load %arg5[%get3A_6, %get3A_7] : memref<2000x128xf32, #tpu.memory_space<vmem>>, vector<2000x128xf32>
    %get3A_9 = arith.constant 0 : index
    %get3A_10 = arith.constant 0 : index
    %get3A_11 = vector.load %arg6[%get3A_9, %get3A_10] : memref<32x128xf32, #tpu.memory_space<vmem>>, vector<32x128xf32>
    %dot_general3A = arith.constant dense<0.000000e+00> : vector<2000x128xf32>
    %dot_general3A_12 = tpu.matmul %slice3A, %get3A_11, %dot_general3A {dimension_numbers = #tpu.dot_dimension_numbers<[1], [0], [0], [1], [0, 0, 1, 1], [], []>, transpose_lhs_hint = false} : vector<2000x32xf32>, vector<32x128xf32>, vector<2000x128xf32> -> vector<2000x128xf32>
    %add3A_13 = arith.addf %get3A_8, %dot_general3A_12 : vector<2000x128xf32>
    %logistic3A = arith.negf %add3A_13 : vector<2000x128xf32>
    %logistic3A_14 = math.exp %logistic3A : vector<2000x128xf32>
    %logistic3A_15 = arith.constant 1.000000e+00 : f32
    %logistic3A_16 = vector.broadcast %logistic3A_15 : f32 to vector<2000x128xf32>
    %logistic3A_17 = arith.addf %logistic3A_16, %logistic3A_14 : vector<2000x128xf32>
    %logistic3A_18 = arith.divf %logistic3A_16, %logistic3A_17 : vector<2000x128xf32>
    %mul3A = arith.mulf %add3A_13, %logistic3A_18 : vector<2000x128xf32>
    %get3A_19 = arith.constant 0 : index
    %get3A_20 = arith.constant 0 : index
    %get3A_21 = vector.load %arg7[%get3A_19, %get3A_20] : memref<128x195xf32, #tpu.memory_space<vmem>>, vector<128x195xf32>
    %dot_general3A_22 = arith.constant dense<0.000000e+00> : vector<2000x195xf32>
    %dot_general3A_23 = tpu.matmul %mul3A, %get3A_21, %dot_general3A_22 {dimension_numbers = #tpu.dot_dimension_numbers<[1], [0], [0], [1], [0, 0, 1, 1], [], []>, transpose_lhs_hint = false} : vector<2000x128xf32>, vector<128x195xf32>, vector<2000x195xf32> -> vector<2000x195xf32>
    %get3A_24 = arith.constant 0 : index
    %get3A_25 = arith.constant 0 : index
    %get3A_26 = vector.load %arg8[%get3A_24, %get3A_25] : memref<1x195xf32, #tpu.memory_space<vmem>>, vector<1x195xf32>
    %add3A_27 = vector.broadcast %get3A_26 : vector<1x195xf32> to vector<2000x195xf32>
    %add3A_28 = arith.addf %dot_general3A_23, %add3A_27 : vector<2000x195xf32>
    %get3A_29 = arith.constant 0 : index
    %get3A_30 = arith.constant 0 : index
    %get3A_31 = vector.load %arg1[%get3A_29, %get3A_30] : memref<2000x195xf32, #tpu.memory_space<vmem>>, vector<2000x195xf32>
    %add3A_32 = arith.addf %get3A_31, %add3A_28 : vector<2000x195xf32>
    %swap3A = arith.constant 0 : index
    %swap3A_33 = arith.constant 0 : index
    %swap3A_34 = vector.load %arg9[%swap3A, %swap3A_33] : memref<2000x195xf32, #tpu.memory_space<vmem>>, vector<2000x195xf32>
    tpu.vector_store %arg9[%swap3A, %swap3A_33], %add3A_32 {strides = array<i32>} : memref<2000x195xf32, #tpu.memory_space<vmem>>, vector<2000x195xf32>,
    %get3A_35 = arith.constant 0 : index
    %get3A_36 = arith.constant 0 : index
    %get3A_37 = vector.load %arg4[%get3A_35, %get3A_36] : memref<2000x16xf32, #tpu.memory_space<vmem>>, vector<2000x16xf32>
    %mul3A_38 = arith.constant 9.99999974E-5 : f32
    %mul3A_39 = vector.broadcast %mul3A_38 : f32 to vector<2000x16xf32>
    %mul3A_40 = arith.mulf %slice3A_5, %mul3A_39 : vector<2000x16xf32>
    %add3A_41 = arith.addf %get3A_37, %mul3A_40 : vector<2000x16xf32>
    %swap3A_42 = arith.constant 0 : index
    %swap3A_43 = arith.constant 0 : index
    %swap3A_44 = vector.load %arg10[%swap3A_42, %swap3A_43] : memref<2000x16xf32, #tpu.memory_space<vmem>>, vector<2000x16xf32>
    tpu.vector_store %arg10[%swap3A_42, %swap3A_43], %add3A_41 {strides = array<i32>} : memref<2000x16xf32, #tpu.memory_space<vmem>>, vector<2000x16xf32>,
    %reduce_sum3A = arith.constant dense<0.000000e+00> : vector<195xf32>
    %reduce_sum3A_45 = vector.multi_reduction <add>, %add3A_32, %reduce_sum3A [0] : vector<2000x195xf32> to vector<195xf32>
    %broadcast_in_dim3A = vector.shape_cast %reduce_sum3A_45 : vector<195xf32> to vector<1x195xf32>
    %eq3A = arith.constant 0 : i32
    %eq3A_46 = arith.cmpi eq, %arg0, %eq3A : i32
    %convert_element_type3A = arith.extui %eq3A_46 : i1 to i32
    %cond3A = arith.constant 0 : i32
    %cond3A_47 = arith.cmpi ne, %convert_element_type3A, %cond3A : i32
    scf.if %cond3A_47 {
      %swap3A_52 = arith.constant 0 : index
      %swap3A_53 = arith.constant 0 : index
      %swap3A_54 = vector.load %arg11[%swap3A_52, %swap3A_53] : memref<1x195xf32, #tpu.memory_space<vmem>>, vector<1x195xf32>
      tpu.vector_store %arg11[%swap3A_52, %swap3A_53], %broadcast_in_dim3A {strides = array<i32>} : memref<1x195xf32, #tpu.memory_space<vmem>>, vector<1x195xf32>,
    } else {
    }
    %gt3A = arith.constant 0 : i32
    %gt3A_48 = arith.cmpi sgt, %arg0, %gt3A : i32
    %convert_element_type3A_49 = arith.extui %gt3A_48 : i1 to i32
    %cond3A_50 = arith.constant 0 : i32
    %cond3A_51 = arith.cmpi ne, %convert_element_type3A_49, %cond3A_50 : i32
    scf.if %cond3A_51 {
      %get3A_52 = arith.constant 0 : index
      %get3A_53 = arith.constant 0 : index
      %get3A_54 = vector.load %arg11[%get3A_52, %get3A_53] : memref<1x195xf32, #tpu.memory_space<vmem>>, vector<1x195xf32>
      %add3A_55 = arith.addf %get3A_54, %broadcast_in_dim3A : vector<1x195xf32>
      %swap3A_56 = arith.constant 0 : index
      %swap3A_57 = arith.constant 0 : index
      %swap3A_58 = vector.load %arg11[%swap3A_56, %swap3A_57] : memref<1x195xf32, #tpu.memory_space<vmem>>, vector<1x195xf32>
      tpu.vector_store %arg11[%swap3A_56, %swap3A_57], %add3A_55 {strides = array<i32>} : memref<1x195xf32, #tpu.memory_space<vmem>>, vector<1x195xf32>,
    } else {
    }
    return
  }
  func.func @transform_0(%arg0: i32) -> (i32, i32) {
    %c0_i32 = arith.constant 0 : i32
    %c0_i32_0 = arith.constant 0 : i32
    return %arg0, %c0_i32 : i32, i32
  }
  func.func @transform_1(%arg0: i32) -> (i32, i32) {
    %c0_i32 = arith.constant 0 : i32
    %c0_i32_0 = arith.constant 0 : i32
    return %arg0, %c0_i32 : i32, i32
  }
  func.func @transform_2(%arg0: i32) -> (i32, i32) {
    %c0_i32 = arith.constant 0 : i32
    %c0_i32_0 = arith.constant 0 : i32
    return %arg0, %c0_i32 : i32, i32
  }
  func.func @transform_3(%arg0: i32) -> (i32, i32) {
    %c0_i32 = arith.constant 0 : i32
    %c0_i32_0 = arith.constant 0 : i32
    return %arg0, %c0_i32 : i32, i32
  }
  func.func @transform_4(%arg0: i32) -> (i32, i32) {
    %c0_i32 = arith.constant 0 : i32
    %c0_i32_0 = arith.constant 0 : i32
    return %arg0, %c0_i32 : i32, i32
  }
  func.func @transform_5(%arg0: i32) -> (i32, i32) {
    %c0_i32 = arith.constant 0 : i32
    %c0_i32_0 = arith.constant 0 : i32
    %c0_i32_1 = arith.constant 0 : i32
    return %c0_i32, %c0_i32_0 : i32, i32
  }
  func.func @transform_6(%arg0: i32) -> (i32, i32) {
    %c0_i32 = arith.constant 0 : i32
    %c0_i32_0 = arith.constant 0 : i32
    %c0_i32_1 = arith.constant 0 : i32
    return %c0_i32, %c0_i32_0 : i32, i32
  }
  func.func @transform_7(%arg0: i32) -> (i32, i32) {
    %c0_i32 = arith.constant 0 : i32
    %c0_i32_0 = arith.constant 0 : i32
    %c0_i32_1 = arith.constant 0 : i32
    return %c0_i32, %c0_i32_0 : i32, i32
  }
  func.func @transform_8(%arg0: i32) -> (i32, i32) {
    %c0_i32 = arith.constant 0 : i32
    %c0_i32_0 = arith.constant 0 : i32
    return %arg0, %c0_i32 : i32, i32
  }
  func.func @transform_9(%arg0: i32) -> (i32, i32) {
    %c0_i32 = arith.constant 0 : i32
    %c0_i32_0 = arith.constant 0 : i32
    return %arg0, %c0_i32 : i32, i32
  }
  func.func @transform_10(%arg0: i32) -> (i32, i32) {
    %c0_i32 = arith.constant 0 : i32
    %c0_i32_0 = arith.constant 0 : i32
    %c0_i32_1 = arith.constant 0 : i32
    return %c0_i32, %c0_i32_0 : i32, i32
  }
}

module attributes {stable_mosaic.version = 14 : i64} {
  func.func @_update_body(%arg0: i32, %arg1: memref<2000x195xf32, #tpu.memory_space<vmem>>, %arg2: memref<2000x128xf32, #tpu.memory_space<vmem>>, %arg3: memref<2000x128xf32, #tpu.memory_space<vmem>>, %arg4: memref<2000x16xf32, #tpu.memory_space<vmem>>, %arg5: memref<2000x128xf32, #tpu.memory_space<vmem>>, %arg6: memref<32x128xf32, #tpu.memory_space<vmem>>, %arg7: memref<128x195xf32, #tpu.memory_space<vmem>>, %arg8: memref<1x195xf32, #tpu.memory_space<vmem>>, %arg9: memref<2000x195xf32, #tpu.memory_space<vmem>>, %arg10: memref<2000x16xf32, #tpu.memory_space<vmem>>, %arg11: memref<1x195xf32, #tpu.memory_space<vmem>>) attributes {dimension_semantics = [#tpu.dimension_semantics<arbitrary>], iteration_bounds = array<i64: 5>, scalar_prefetch = 0 : i64, scratch_operands = 0 : i64, tpu.core_type = #tpu.core_type<tc>, window_params = [{transform_indices = @transform_0, window_bounds = array<i64: 2000, 195>}, {transform_indices = @transform_1, window_bounds = array<i64: 2000, 128>}, {transform_indices = @transform_2, window_bounds = array<i64: 2000, 128>}, {transform_indices = @transform_3, window_bounds = array<i64: 2000, 16>}, {transform_indices = @transform_4, window_bounds = array<i64: 2000, 128>}, {pipeline_mode = #tpu.pipeline_mode<synchronous>, transform_indices = @transform_5, window_bounds = array<i64: 32, 128>}, {pipeline_mode = #tpu.pipeline_mode<synchronous>, transform_indices = @transform_6, window_bounds = array<i64: 128, 195>}, {pipeline_mode = #tpu.pipeline_mode<synchronous>, transform_indices = @transform_7, window_bounds = array<i64: 1, 195>}, {transform_indices = @transform_8, window_bounds = array<i64: 2000, 195>}, {transform_indices = @transform_9, window_bounds = array<i64: 2000, 16>}, {pipeline_mode = #tpu.pipeline_mode<synchronous>, transform_indices = @transform_10, window_bounds = array<i64: 1, 195>}]} {
    %get3A = arith.constant 0 : index
    %get3A_0 = arith.constant 0 : index
    %get3A_1 = vector.load %arg2[%get3A, %get3A_0] : memref<2000x128xf32, #tpu.memory_space<vmem>>, vector<2000x128xf32>
    %get3A_2 = arith.constant 0 : index
    %get3A_3 = arith.constant 0 : index
    %get3A_4 = vector.load %arg3[%get3A_2, %get3A_3] : memref<2000x128xf32, #tpu.memory_space<vmem>>, vector<2000x128xf32>
    %add3A = arith.addf %get3A_1, %get3A_4 : vector<2000x128xf32>
    %slice3A = vector.extract_strided_slice %add3A {offsets = [0, 0], sizes = [2000, 32], strides = [1, 1]} : vector<2000x128xf32> to vector<2000x32xf32>
    %slice3A_5 = vector.extract_strided_slice %add3A {offsets = [0, 32], sizes = [2000, 16], strides = [1, 1]} : vector<2000x128xf32> to vector<2000x16xf32>
    %get3A_6 = arith.constant 0 : index
    %get3A_7 = arith.constant 0 : index
    %get3A_8 = vector.load %arg5[%get3A_6, %get3A_7] : memref<2000x128xf32, #tpu.memory_space<vmem>>, vector<2000x128xf32>
    %get3A_9 = arith.constant 0 : index
    %get3A_10 = arith.constant 0 : index
    %get3A_11 = vector.load %arg6[%get3A_9, %get3A_10] : memref<32x128xf32, #tpu.memory_space<vmem>>, vector<32x128xf32>
    %dot_general3A = arith.constant dense<0.000000e+00> : vector<2000x128xf32>
    %dot_general3A_12 = tpu.matmul %slice3A, %get3A_11, %dot_general3A {dimension_numbers = #tpu.dot_dimension_numbers<[1], [0], [0], [1], [0, 0, 1, 1], [], []>, transpose_lhs_hint = false} : vector<2000x32xf32>, vector<32x128xf32>, vector<2000x128xf32> -> vector<2000x128xf32>
    %add3A_13 = arith.addf %get3A_8, %dot_general3A_12 : vector<2000x128xf32>
    %logistic3A = arith.negf %add3A_13 : vector<2000x128xf32>
    %logistic3A_14 = math.exp %logistic3A : vector<2000x128xf32>
    %logistic3A_15 = arith.constant 1.000000e+00 : f32
    %logistic3A_16 = vector.broadcast %logistic3A_15 : f32 to vector<2000x128xf32>
    %logistic3A_17 = arith.addf %logistic3A_16, %logistic3A_14 : vector<2000x128xf32>
    %logistic3A_18 = arith.divf %logistic3A_16, %logistic3A_17 : vector<2000x128xf32>
    %mul3A = arith.mulf %add3A_13, %logistic3A_18 : vector<2000x128xf32>
    %get3A_19 = arith.constant 0 : index
    %get3A_20 = arith.constant 0 : index
    %get3A_21 = vector.load %arg7[%get3A_19, %get3A_20] : memref<128x195xf32, #tpu.memory_space<vmem>>, vector<128x195xf32>
    %dot_general3A_22 = arith.constant dense<0.000000e+00> : vector<2000x195xf32>
    %dot_general3A_23 = tpu.matmul %mul3A, %get3A_21, %dot_general3A_22 {dimension_numbers = #tpu.dot_dimension_numbers<[1], [0], [0], [1], [0, 0, 1, 1], [], []>, transpose_lhs_hint = false} : vector<2000x128xf32>, vector<128x195xf32>, vector<2000x195xf32> -> vector<2000x195xf32>
    %get3A_24 = arith.constant 0 : index
    %get3A_25 = arith.constant 0 : index
    %get3A_26 = vector.load %arg8[%get3A_24, %get3A_25] : memref<1x195xf32, #tpu.memory_space<vmem>>, vector<1x195xf32>
    %add3A_27 = vector.broadcast %get3A_26 : vector<1x195xf32> to vector<2000x195xf32>
    %add3A_28 = arith.addf %dot_general3A_23, %add3A_27 : vector<2000x195xf32>
    %get3A_29 = arith.constant 0 : index
    %get3A_30 = arith.constant 0 : index
    %get3A_31 = vector.load %arg1[%get3A_29, %get3A_30] : memref<2000x195xf32, #tpu.memory_space<vmem>>, vector<2000x195xf32>
    %add3A_32 = arith.addf %get3A_31, %add3A_28 : vector<2000x195xf32>
    %swap3A = arith.constant 0 : index
    %swap3A_33 = arith.constant 0 : index
    %swap3A_34 = vector.load %arg9[%swap3A, %swap3A_33] : memref<2000x195xf32, #tpu.memory_space<vmem>>, vector<2000x195xf32>
    tpu.vector_store %arg9[%swap3A, %swap3A_33], %add3A_32 {strides = array<i32>} : memref<2000x195xf32, #tpu.memory_space<vmem>>, vector<2000x195xf32>,
    %get3A_35 = arith.constant 0 : index
    %get3A_36 = arith.constant 0 : index
    %get3A_37 = vector.load %arg4[%get3A_35, %get3A_36] : memref<2000x16xf32, #tpu.memory_space<vmem>>, vector<2000x16xf32>
    %mul3A_38 = arith.constant 9.99999974E-5 : f32
    %mul3A_39 = vector.broadcast %mul3A_38 : f32 to vector<2000x16xf32>
    %mul3A_40 = arith.mulf %slice3A_5, %mul3A_39 : vector<2000x16xf32>
    %add3A_41 = arith.addf %get3A_37, %mul3A_40 : vector<2000x16xf32>
    %swap3A_42 = arith.constant 0 : index
    %swap3A_43 = arith.constant 0 : index
    %swap3A_44 = vector.load %arg10[%swap3A_42, %swap3A_43] : memref<2000x16xf32, #tpu.memory_space<vmem>>, vector<2000x16xf32>
    tpu.vector_store %arg10[%swap3A_42, %swap3A_43], %add3A_41 {strides = array<i32>} : memref<2000x16xf32, #tpu.memory_space<vmem>>, vector<2000x16xf32>,
    %reduce_sum3A = arith.constant dense<0.000000e+00> : vector<195xf32>
    %reduce_sum3A_45 = vector.multi_reduction <add>, %add3A_32, %reduce_sum3A [0] : vector<2000x195xf32> to vector<195xf32>
    %broadcast_in_dim3A = vector.shape_cast %reduce_sum3A_45 : vector<195xf32> to vector<1x195xf32>
    %eq3A = arith.constant 0 : i32
    %eq3A_46 = arith.cmpi eq, %arg0, %eq3A : i32
    %convert_element_type3A = arith.extui %eq3A_46 : i1 to i32
    %cond3A = arith.constant 0 : i32
    %cond3A_47 = arith.cmpi ne, %convert_element_type3A, %cond3A : i32
    scf.if %cond3A_47 {
      %swap3A_52 = arith.constant 0 : index
      %swap3A_53 = arith.constant 0 : index
      %swap3A_54 = vector.load %arg11[%swap3A_52, %swap3A_53] : memref<1x195xf32, #tpu.memory_space<vmem>>, vector<1x195xf32>
      tpu.vector_store %arg11[%swap3A_52, %swap3A_53], %broadcast_in_dim3A {strides = array<i32>} : memref<1x195xf32, #tpu.memory_space<vmem>>, vector<1x195xf32>,
    } else {
    }
    %gt3A = arith.constant 0 : i32
    %gt3A_48 = arith.cmpi sgt, %arg0, %gt3A : i32
    %convert_element_type3A_49 = arith.extui %gt3A_48 : i1 to i32
    %cond3A_50 = arith.constant 0 : i32
    %cond3A_51 = arith.cmpi ne, %convert_element_type3A_49, %cond3A_50 : i32
    scf.if %cond3A_51 {
      %get3A_52 = arith.constant 0 : index
      %get3A_53 = arith.constant 0 : index
      %get3A_54 = vector.load %arg11[%get3A_52, %get3A_53] : memref<1x195xf32, #tpu.memory_space<vmem>>, vector<1x195xf32>
      %add3A_55 = arith.addf %get3A_54, %broadcast_in_dim3A : vector<1x195xf32>
      %swap3A_56 = arith.constant 0 : index
      %swap3A_57 = arith.constant 0 : index
      %swap3A_58 = vector.load %arg11[%swap3A_56, %swap3A_57] : memref<1x195xf32, #tpu.memory_space<vmem>>, vector<1x195xf32>
      tpu.vector_store %arg11[%swap3A_56, %swap3A_57], %add3A_55 {strides = array<i32>} : memref<1x195xf32, #tpu.memory_space<vmem>>, vector<1x195xf32>,
    } else {
    }
    return
  }
  func.func @transform_0(%arg0: i32) -> (i32, i32) {
    %c0_i32 = arith.constant 0 : i32
    %c0_i32_0 = arith.constant 0 : i32
    return %arg0, %c0_i32 : i32, i32
  }
  func.func @transform_1(%arg0: i32) -> (i32, i32) {
    %c0_i32 = arith.constant 0 : i32
    %c0_i32_0 = arith.constant 0 : i32
    return %arg0, %c0_i32 : i32, i32
  }
  func.func @transform_2(%arg0: i32) -> (i32, i32) {
    %c0_i32 = arith.constant 0 : i32
    %c0_i32_0 = arith.constant 0 : i32
    return %arg0, %c0_i32 : i32, i32
  }
  func.func @transform_3(%arg0: i32) -> (i32, i32) {
    %c0_i32 = arith.constant 0 : i32
    %c0_i32_0 = arith.constant 0 : i32
    return %arg0, %c0_i32 : i32, i32
  }
  func.func @transform_4(%arg0: i32) -> (i32, i32) {
    %c0_i32 = arith.constant 0 : i32
    %c0_i32_0 = arith.constant 0 : i32
    return %arg0, %c0_i32 : i32, i32
  }
  func.func @transform_5(%arg0: i32) -> (i32, i32) {
    %c0_i32 = arith.constant 0 : i32
    %c0_i32_0 = arith.constant 0 : i32
    %c0_i32_1 = arith.constant 0 : i32
    return %c0_i32, %c0_i32_0 : i32, i32
  }
  func.func @transform_6(%arg0: i32) -> (i32, i32) {
    %c0_i32 = arith.constant 0 : i32
    %c0_i32_0 = arith.constant 0 : i32
    %c0_i32_1 = arith.constant 0 : i32
    return %c0_i32, %c0_i32_0 : i32, i32
  }
  func.func @transform_7(%arg0: i32) -> (i32, i32) {
    %c0_i32 = arith.constant 0 : i32
    %c0_i32_0 = arith.constant 0 : i32
    %c0_i32_1 = arith.constant 0 : i32
    return %c0_i32, %c0_i32_0 : i32, i32
  }
  func.func @transform_8(%arg0: i32) -> (i32, i32) {
    %c0_i32 = arith.constant 0 : i32
    %c0_i32_0 = arith.constant 0 : i32
    return %arg0, %c0_i32 : i32, i32
  }
  func.func @transform_9(%arg0: i32) -> (i32, i32) {
    %c0_i32 = arith.constant 0 : i32
    %c0_i32_0 = arith.constant 0 : i32
    return %arg0, %c0_i32 : i32, i32
  }
  func.func @transform_10(%arg0: i32) -> (i32, i32) {
    %c0_i32 = arith.constant 0 : i32
    %c0_i32_0 = arith.constant 0 : i32
    %c0_i32_1 = arith.constant 0 : i32
    return %c0_i32, %c0_i32_0 : i32, i32
  }
}

</mosaic_0001>

<sc_bundles>
// kernel: kernel.27.cloned.1.call-start
scs
__scs_entry_jumppad:
0x0: {  	(pc) =	sbr.rel $0x88, $3  }
0x1: {  	(tag) =	ssettag $0x0;
	lr =	simm.s32 $0x1  }
0x2: {  	[smem:$0x3F60] =	sst lr;
	_ =	strace $0xD0000000  }
0x3: {  	_ = 	snop  }
0x4: {  	_ = 	snop  }
0x5: {  	_ = 	snop  }
0x6: {  	_ = 	snop  }
0x7: {  	_ = 	snop  }
__scs_overlays_trampoline_lowered:
0x8: {  	[smem:$0x3F6F] =	sst s0  }
0x9: {  	[smem:$0x3F70] =	sst s1  }
0xa: {  	[smem:$0x3F71] =	sst s2  }
0xb: {  	[smem:$0x3F72] =	sst s3  }
0xc: {  	[smem:$0x3F73] =	sst s4  }
0xd: {  	[smem:$0x3F74] =	sst s5  }
0xe: {  	[smem:$0x3F75] =	sst s6  }
0xf: {  	[smem:$0x3F76] =	sst s7  }
0x10: {  	[smem:$0x3F77] =	sst s8  }
0x11: {  	[smem:$0x3F78] =	sst s9;
	s0 =	simm.s32 @!p0 $0x0  }
0x12: {  	s1 =	sld [smem:$0x3F5E];
	s0 =	simm.s32 @p0 $0x1  }
0x13: {  	[smem:$0x3F79] =	sst s0;
	s0 =	simm.s32 @!p1 $0x0  }
0x14: {  	s2 =	sld [smem:$0x3F5D];
	s0 =	simm.s32 @p1 $0x1  }
0x15: {  	[smem:$0x3F7A] =	sst s0;
	s0 =	simm.s32 @!p2 $0x0  }
0x16: {  	s3 =	sld [smem:$0x3FDB];
	s0 =	simm.s32 @p2 $0x1  }
0x17: {  	s4 =	simm.s32 $0x1BF5;
	[smem:$0x3F7C] =	sst s0  }
0x18: {  	s0 =	sld [smem:$0x3F5F];
	_ =	swait.ge [sflag:s4], $0x0  }
0x19: {  	s7 =	sld [smem:$0x3F60]  }
0x1a: {  	s8 =	sadd.s32 $0xFFFFE003, lr  }
0x1b: {  	s9 =	sadd.s32 $0xFFFFFEF7, lr;
	s5 =	simm.s32 $0xFFFFFFFF;
	p2 =	slt.u32 s8, $0xFFFFF086  }
0x1c: {  	p1 =	slt.u32 s9, $0xF7A;
	s5 =	simm.s32 @!p2 $0x0  }
0x1d: {  	s5 =	simm.s32 @p1 $0x1;
	p0 =	seq.s32 s7, s2  }
0x1e: {  	s7 =	smul.u32 @!p0 $0xF7A, s2;
	p2 =	seq.s32 @!p0 s5, $0x0  }
0x1f: {  	s9 =	smul.u32 $0xF7A, s1;
	s8 =	simm.s32 @!p0 $0x1BF5;
	p2 =	por !p2, p0  }
0x20: {  	[sflag:s8] =	ssyncset.s32 @!p0 $0xFFFFF086;
	s6 =	sadd.s32 @!p0 s3, s7;
	s7 =	simm.s32 @!p0 $0x108  }
0x21: {  	s3 =	sadd.s32 s3, s9;
	s6 =	sadd.s32 @!p0 $0x88, s6;
	s7 =	simm.s32 @p2 $0x1082  }
0x22: {  	[simem:s7], [sflag:s8] =	dma.local @!p0 [hbm:s6], $0xF7A  }
0x23: {  	s9 =	sor.u32 $0xD0000000, s2;
	s6 =	simm.s32 $0x108;
	_ =	swait.ge @!p0 [sflag:s8], $0x0  }
0x24: {  	s3 =	sadd.s32 $0x88, s3;
	s6 =	simm.s32 @!p1 $0x1082;
	[sflag:s4] =	ssyncset.s32 $0xFFFFF086  }
0x25: {  	[simem:s6], [sflag:s4] =	dma.local [hbm:s3], $0xF7A  }
0x26: {  	[smem:$0x3F60] =	sst s1;
	(tag) =	ssettag s2;
	_ =	strace s9  }
0x27: {  	s1 =	sld [smem:$0x3F70]  }
0x28: {  	s2 =	sld [smem:$0x3F71]  }
0x29: {  	s4 =	sld [smem:$0x3F73]  }
0x2a: {  	p0 =	seq.s32 s5, $0x0;
	s5 =	sld [smem:$0x3F74]  }
0x2b: {  	s6 =	sld [smem:$0x3F75]  }
0x2c: {  	s7 =	sld [smem:$0x3F76]  }
0x2d: {  	s3 =	simm.s32 $0x108;
	s8 =	sld [smem:$0x3F77]  }
0x2e: {  	s3 =	simm.s32 @!p0 $0x1082;
	s9 =	sld [smem:$0x3F78]  }
0x2f: {  	lr =	sadd.s32 s0, s3;
	s0 =	sld [smem:$0x3F6F]  }
0x30: {  	s3 =	sld [smem:$0x3F72]  }
0x31: {  	[smem:$0x3F7B] =	sst s10  }
0x32: {  	s10 =	sld [smem:$0x3F79];
	_ =	sdelay $0x3  }
0x33: {  	p0 =	seq.s32 s10, $0x1;
	s10 =	sld [smem:$0x3F7B];
	_ =	sdelay $0x3  }
0x34: {  	[smem:$0x3F7B] =	sst s10  }
0x35: {  	s10 =	sld [smem:$0x3F7A];
	_ =	sdelay $0x3  }
0x36: {  	p1 =	seq.s32 s10, $0x1;
	s10 =	sld [smem:$0x3F7B];
	_ =	sdelay $0x3  }
0x37: {  	[smem:$0x3F7B] =	sst s10  }
0x38: {  	s10 =	sld [smem:$0x3F7C]  }
0x39: {  	_ = 	snop;
	(pc) =	sbr.ind lr, $3  }
0x3a: {  	_ = 	snop  }
0x3b: {  	_ = 	snop  }
0x3c: {  	p2 =	seq.s32 s10, $0x1;
	s10 =	sld [smem:$0x3F7B]  }
0x3d: {  	_ =	shalt  }
0x3e: {  	_ =	shalt  }
0x3f: {  	_ =	shalt  }
0x40: {  	_ =	shalt  }
0x41: {  	_ =	shalt  }
0x42: {  	_ =	shalt  }
0x43: {  	_ =	shalt  }
0x44: {  	_ =	shalt  }
0x45: {  	_ =	shalt  }
0x46: {  	_ =	shalt  }
0x47: {  	_ =	shalt  }
0x48: {  	_ =	shalt  }
0x49: {  	_ =	shalt  }
0x4a: {  	_ =	shalt  }
0x4b: {  	_ =	shalt  }
0x4c: {  	_ =	shalt  }
0x4d: {  	_ =	shalt  }
0x4e: {  	_ =	shalt  }
0x4f: {  	_ =	shalt  }
0x50: {  	_ =	shalt  }
0x51: {  	_ =	shalt  }
0x52: {  	_ =	shalt  }
0x53: {  	_ =	shalt  }
0x54: {  	_ =	shalt  }
0x55: {  	_ =	shalt  }
0x56: {  	_ =	shalt  }
0x57: {  	_ =	shalt  }
0x58: {  	_ =	shalt  }
0x59: {  	_ =	shalt  }
0x5a: {  	_ =	shalt  }
0x5b: {  	_ =	shalt  }
0x5c: {  	_ =	shalt  }
0x5d: {  	_ =	shalt  }
0x5e: {  	_ =	shalt  }
0x5f: {  	_ =	shalt  }
0x60: {  	_ =	shalt  }
0x61: {  	_ =	shalt  }
0x62: {  	_ =	shalt  }
0x63: {  	_ =	shalt  }
0x64: {  	_ =	shalt  }
0x65: {  	_ =	shalt  }
0x66: {  	_ =	shalt  }
0x67: {  	_ =	shalt  }
0x68: {  	_ =	shalt  }
0x69: {  	_ =	shalt  }
0x6a: {  	_ =	shalt  }
0x6b: {  	_ =	shalt  }
0x6c: {  	_ =	shalt  }
0x6d: {  	_ =	shalt  }
0x6e: {  	_ =	shalt  }
0x6f: {  	_ =	shalt  }
0x70: {  	_ =	shalt  }
0x71: {  	_ =	shalt  }
0x72: {  	_ =	shalt  }
0x73: {  	_ =	shalt  }
0x74: {  	_ =	shalt  }
0x75: {  	_ =	shalt  }
0x76: {  	_ =	shalt  }
0x77: {  	_ =	shalt  }
0x78: {  	_ =	shalt  }
0x79: {  	_ =	shalt  }
0x7a: {  	_ =	shalt  }
0x7b: {  	_ =	shalt  }
0x7c: {  	_ =	shalt  }
0x7d: {  	_ =	shalt  }
0x7e: {  	_ =	shalt  }
0x7f: {  	_ =	shalt  }
0x80: {  	_ =	shalt  }
0x81: {  	_ =	shalt  }
0x82: {  	_ =	shalt  }
0x83: {  	_ =	shalt  }
0x84: {  	_ =	shalt  }
0x85: {  	_ =	shalt  }
0x86: {  	_ =	shalt  }
0x87: {  	_ =	shalt  }
.Lfunc_end0:
.L_simem_size_0:
called_computation_lowered:
.L_overlay_start_0:
0x88: {  	s2 =	sld [smem:$0x3FD9]  }
0x89: {  	s3 =	sld [smem:$0x3FFE];
	_ =	sdelay $0x1  }
0x8a: {  	s1 =	srdreg.scid  }
0x8b: {  	s0 =	sand.u32 $0x1, s1  }
0x8c: {  	s16 =	sshll.u32 s0, $0xA;
	s2 =	sadd.s32 s3, s2  }
0x8d: {  	s2 =	sadd.s32 s2, s16  }
0x8e: {  	[smem:$0x3F87] =	sst s2  }
0x8f: {  	_ = 	snop  }
0x90: {  	(tm) =	ssettm $0x1  }
0x91: {  	s17 =	sld [smem:$0x3FFB];
	_ =	sdelay $0x3  }
0x92: {  	_ =	strace s17  }
0x93: {  	s2 =	sld [smem:$0x3FFC];
	_ =	sdelay $0x3  }
0x94: {  	_ =	strace s2  }
0x95: {  	s2 =	sld [smem:$0x3FFD];
	_ =	sdelay $0x3  }
0x96: {  	_ =	strace s2  }
0x97: {  	_ =	strace $0x8FFFFFFF  }
0x98: {  	s18 =	sld [smem:$0x3FDB];
	_ =	sdelay $0x1  }
0x99: {  	s19 =	simm.s32 $_scs_section_size  }
0x9a: {  	s4 =	simm.s32 $_size__tile_overlayer_lowered;
	s5 =	simm.s32 $_tile_overlayer_lowered  }
0x9b: {  	s22 =	simm.s32 $0x1BFF;
	s21 =	sshll.u32 s5, $0x1;
	s2 =	sadd.s32 s19, s18  }
0x9c: {  	s6 =	simm.s32 $0x0;
	s20 =	sshll.u32 s4, $0x1;
	s4 =	sadd.s32 s21, s2  }
0x9d: {  	[timem:s6], [sflag:s22] =	dma.local [hbm:s4], s20  }
0x9e: {  	_ =	swait.ge [sflag:s22], s20  }
0x9f: {  	s3 =	ssub.s32 $0x0, s20;
	[sflag:s22] =	ssyncset.done $0x0  }
0xa0: {  	[sflag:s22] =	ssyncadd.s32 s3;
	_ =	sdelay $0x1  }
0xa1: {  	s23 =	simm.s32 $0x1B8B  }
0xa2: {  	_ =	swait.ge [sflag:s23], $0x1  }
0xa3: {  	[sflag:s23] =	ssyncset.done $0x0  }
0xa4: {  	s25 =	simm.s32 $0x1B8E;
	s24 =	sld [smem:$0x3FFE];
	[sflag:s23] =	ssyncadd.s32 $0xFFFFFFFF  }
0xa5: {  	s26 =	simm.s32 $execute0_lowered;
	[smem:$0x3FD2] =	sst s25  }
0xa6: {  	s4 =	sshll.u32 s26, $0x1;
	_ =	strace $0x80000046;
	[dreg:$0x1] =	wrdreg $0xFFFFFFFF  }
0xa7: {  	s28 =	simm.s32 $_size_execute0_lowered;
	s2 =	sadd.s32 s2, s4;
	[dreg:$0x0] =	wrdreg $0x0  }
0xa8: {  	s4 =	sshll.u32 s28, $0x1;
	[dreg:$0x2] =	wrdreg s2  }
0xa9: {  	[dreg:$0x3] =	wrdreg s4  }
0xaa: {  	[dreg:$0x4] =	wrdreg $0xC0  }
0xab: {  	_ =	task [dreg:s6], $0x5FFFF  }
0xac: {  	[dreg:$0x1] =	wrdreg $0xFFFFFFFF  }
0xad: {  	[dreg:$0x0] =	wrdreg $0x60  }
0xae: {  	[dreg:$0x2] =	wrdreg s24  }
0xaf: {  	[dreg:$0x3] =	wrdreg $0x9  }
0xb0: {  	_ =	task.clear_ibuf [dreg:s6], $0x4FFFF;
	_ =	strace $0x90000046  }
0xb1: {  	s29 =	simm.s32 $0x9;
	_ =	strace $0x80000048  }
0xb2: {  	_ =	swait.ge [sflag:s29], $0x1  }
0xb3: {  	[sflag:s29] =	ssyncadd.s32 $0xFFFFFFFF  }
0xb4: {  	_ =	strace $0x90000048  }
0xb5: {  	_ =	sfence  }
0xb6: {  	s30 =	sld [smem:$0x0];
	_ =	sdelay $0x2  }
0xb7: {  	s31 =	sshll.u32 s1, $0xD;
	s1 =	sshrl.u32 s1, $0x2  }
0xb8: {  	s3 =	sand.u32 $0x4000, s31;
	s1 =	sadd.s32 s1, s30  }
0xb9: {  	s0 =	sor.u32 s3, s0;
	s1 =	sshll.u32 s1, $0x11  }
0xba: {  	s0 =	sor.u32 s1, s0  }
0xbb: {  	s0 =	sadd.s32 $0x8F2B, s0  }
0xbc: {  	[sflag:s0] =	ssyncadd.remote.s32 $0x1  }
0xbd: {  	_ =	sfence.sel $0xFFFF  }
0xbe: {  	[dreg:$0x0] =	wrdreg $0xFFFFFFFF;
	(pc) =	sbr.abs _section_cstart, $3  }
0xbf: {  	[dreg:$0x1] =	wrdreg $0xFFFFFFFF  }
0xc0: {  	_ =	task.clear_ibuf [dreg:s6], $0x2FFFF;
	_ =	strace $0x9FFFFFFF  }
0xc1: {  	(tm) =	ssettm $0x7FFFFFFF  }
tec
execute0_lowered:
.L_overlay_start_1:
0x0: {  	(tag) =	ssettag $0x1  }
0x1: {  	s1 =	srdreg.scid  }
0x2: {  	s0 =	stileid.u32;
	s5 =	rddreg [dreg:$0x0];
	s2 =	simm.s32 $0x0  }
0x3: {  	s11 =	simm.s32 $0x2C00;
	s12 =	simm.s32 $0x80;
	s13 =	simm.s32 $0x5800  }
0x4: {  	s14 =	simm.s32 $0x9800;
	s15 =	simm.s32 $0x1;
	s16 =	simm.s32 $0x2  }
0x5: {  	s17 =	simm.s32 $0x0;
	s6 =	sand.u32 $0x1, s1;
	s1 =	rddreg [dreg:$0x1]  }
0x6: {  	s3 =	sshll.u32 s0, $0x1;
	[smem:$0x7FF] =	sst s2;
	s8 =	smul.u32 $0x51000, s0  }
0x7: {  	s3 =	sor.u32 s6, s3;
	s9 =	ssub.s32 $0x2, s6;
	s6 =	smul.u32 $0x28800, s6  }
0x8: {  	s4 =	sadd.s32 $0xC5A00, s5;
	_ =	strace $0x80000047;
	s7 =	smul.u32 $0x580, s3  }
0x9: {  	s3 =	sadd.s32 $0x9E800, s5;
	s8 =	sadd.s32 s8, s5;
	s31 =	sshrl.u32 s9, $0x1  }
0xa: {  	s9 =	ssub.s32 s9, s31;
	s10 =	sadd.s32 s6, s8;
	s7 =	sadd.s32 s7, s5  }
0xb: {  	s8 =	sadd.s32 $0x113E00, s10;
	s5 =	sadd.s32 $0x13400, s7;
	s6 =	sadd.s32 $0x1E400, s7  }
0xc: {  	s7 =	smax.u32 s9, $0x1;
	s9 =	sadd.s32 $0x623E00, s10;
	s10 =	simm.s32 $0x3  }
.LBB2_1:
0xd: {  	[tilespmem:s2], [sflag:$0x3] =	stream.linear.gather [hbm4b:s5+s2], $0x2880, $0x38;
	[tilespmem:$0xD800] =	vst v63  }
0xe: {  	_ =	swait.ge [sflag:s10], $0x2880  }
0xf: {  	[sflag:s10] =	ssyncset.done $0x0  }
0x10: {  	[sflag:s10] =	ssyncadd.s32 $0xFFFFD780  }
0x11: {  	[tilespmem:s11], [sflag:$0x3] =	stream.linear.gather [hbm4b:s6+s2], $0x2880, $0x38;
	[tilespmem:$0xD800] =	vst v63  }
0x12: {  	_ =	swait.ge [sflag:s10], $0x2880  }
0x13: {  	[sflag:s10] =	ssyncset.done $0x0  }
0x14: {  	s18 =	simm.s32 $0x0;
	[sflag:s10] =	ssyncadd.s32 $0xFFFFD780  }
0x15: {  	[tilespmem:s13], [sflag:$0x1] =	stream.indirect.gather [hbm4b:s3+s12], $0x80, s18, s12, $0xb8;
	[tilespmem:$0xD800] =	vst v63  }
0x16: {  	s31 =	simm.s32 $0x2C00  }
0x17: {  	[tilespmem:s14], [sflag:$0x2] =	stream.indirect.gather [hbm4b:s4+s12], $0x80, s31, s12, $0xb8;
	[tilespmem:$0xD800] =	vst v63  }
0x18: {  	_ =	swait.ge [sflag:s15], $0x4000  }
0x19: {  	[sflag:s15] =	ssyncset.done $0x0  }
0x1a: {  	[sflag:s15] =	ssyncadd.s32 $0xFFFFC000  }
0x1b: {  	_ =	swait.ge [sflag:s16], $0x4000  }
0x1c: {  	[sflag:s16] =	ssyncset.done $0x0  }
0x1d: {  	[sflag:s16] =	ssyncadd.s32 $0xFFFFC000  }
0x1e: {  	[hbm4b:s8+s2] =	stream.linear.scatter [tilespmem:s13], [sflag:$0x3], $0x4000, $0x38;
	[tilespmem:$0xD800] =	vst v63  }
0x1f: {  	_ =	swait.ge [sflag:s10], $0x4000  }
0x20: {  	[sflag:s10] =	ssyncset.done $0x0  }
0x21: {  	[sflag:s10] =	ssyncadd.s32 $0xFFFFC000  }
0x22: {  	[hbm4b:s9+s2] =	stream.linear.scatter [tilespmem:s14], [sflag:$0x3], $0x4000, $0x38;
	[tilespmem:$0xD800] =	vst v63  }
0x23: {  	s20 =	simm.s32 $0x200;
	s21 =	simm.s32 $0x400;
	_ =	swait.ge [sflag:s10], $0x4000  }
0x24: {  	s19 =	sadd.s32 $0x800, s8;
	s18 =	sadd.s32 $0x800, s9;
	[sflag:s10] =	ssyncset.done $0x0  }
.LBB2_2:
0x25: {  	s22 =	sshra.s32 s20, $0x2  }
0x26: {  	[sflag:s10] =	ssyncadd.s32 $0xFFFFC000;
	s20 =	smov.u32 s21;
	s23 =	sadd.s32 $0x200, s21  }
0x27: {  	[tilespmem:s13], [sflag:$0x1] =	stream.indirect.gather [hbm4b:s3+s12], $0x80, s22, s12, $0xb8;
	[tilespmem:$0xD800] =	vst v63  }
0x28: {  	p0 =	sne.s32 s21, $0xA000;
	s21 =	sadd.s32 $0x2C00, s22  }
0x29: {  	[tilespmem:s14], [sflag:$0x2] =	stream.indirect.gather [hbm4b:s4+s12], $0x80, s21, s12, $0xb8;
	[tilespmem:$0xD800] =	vst v63  }
0x2a: {  	_ =	swait.ge [sflag:s15], $0x4000  }
0x2b: {  	[sflag:s15] =	ssyncset.done $0x0  }
0x2c: {  	[sflag:s15] =	ssyncadd.s32 $0xFFFFC000  }
0x2d: {  	_ =	swait.ge [sflag:s16], $0x4000  }
0x2e: {  	[sflag:s16] =	ssyncset.done $0x0  }
0x2f: {  	[sflag:s16] =	ssyncadd.s32 $0xFFFFC000  }
0x30: {  	[hbm4b:s19+s2] =	stream.linear.scatter [tilespmem:s13], [sflag:$0x3], $0x4000, $0x38;
	[tilespmem:$0xD800] =	vst v63  }
0x31: {  	_ =	swait.ge [sflag:s10], $0x4000  }
.Ltmp0:
0x32: {  	[sflag:s10] =	ssyncset.done $0x0;
	(pc) =	sbr.rel @p0 .LBB2_2-.Ltmp0, $4  }
0x33: {  	[sflag:s10] =	ssyncadd.s32 $0xFFFFC000  }
0x34: {  	[hbm4b:s18+s2] =	stream.linear.scatter [tilespmem:s14], [sflag:$0x3], $0x4000, $0x38;
	[tilespmem:$0xD800] =	vst v63  }
0x35: {  	s21 =	smov.u32 s23;
	_ =	swait.ge [sflag:s10], $0x4000  }
0x36: {  	s19 =	sadd.s32 $0x800, s19;
	s18 =	sadd.s32 $0x800, s18;
	[sflag:s10] =	ssyncset.done $0x0  }
0x37: {  	s20 =	sshra.s32 s20, $0x2;
	[sflag:s10] =	ssyncadd.s32 $0xFFFFC000  }
0x38: {  	[tilespmem:s13], [sflag:$0x1] =	stream.indirect.gather [hbm4b:s3+s12], $0x80, s20, s12, $0xb8;
	[tilespmem:$0xD800] =	vst v63  }
0x39: {  	s20 =	sadd.s32 $0x2C00, s20  }
0x3a: {  	[tilespmem:s14], [sflag:$0x2] =	stream.indirect.gather [hbm4b:s4+s12], $0x80, s20, s12, $0xb8;
	[tilespmem:$0xD800] =	vst v63  }
0x3b: {  	_ =	swait.ge [sflag:s15], $0x4000  }
0x3c: {  	[sflag:s15] =	ssyncset.done $0x0  }
0x3d: {  	[sflag:s15] =	ssyncadd.s32 $0xFFFFC000  }
0x3e: {  	_ =	swait.ge [sflag:s16], $0x4000  }
0x3f: {  	[sflag:s16] =	ssyncset.done $0x0  }
0x40: {  	[sflag:s16] =	ssyncadd.s32 $0xFFFFC000  }
0x41: {  	[hbm4b:s19+s2] =	stream.linear.scatter [tilespmem:s13], [sflag:$0x3], $0x4000, $0x38;
	[tilespmem:$0xD800] =	vst v63  }
0x42: {  	s17 =	sadd.s32 $0x1, s17;
	_ =	swait.ge [sflag:s10], $0x4000  }
0x43: {  	p0 =	sne.s32 s17, s7;
	[sflag:s10] =	ssyncset.done $0x0  }
.Ltmp1:
0x44: {  	[sflag:s10] =	ssyncadd.s32 $0xFFFFC000;
	(pc) =	sbr.rel @p0 .LBB2_1-.Ltmp1, $4  }
0x45: {  	[hbm4b:s18+s2] =	stream.linear.scatter [tilespmem:s14], [sflag:$0x3], $0x4000, $0x38;
	[tilespmem:$0xD800] =	vst v63  }
0x46: {  	_ =	swait.ge [sflag:s10], $0x4000  }
0x47: {  	[sflag:s10] =	ssyncset.done $0x0  }
0x48: {  	[sflag:s10] =	ssyncadd.s32 $0xFFFFC000  }
0x49: {  	_ =	sfence.sel $0x180000  }
0x4a: {  	[bflag:$0x0] =	sbarrier.arrive $0xFFFF  }
0x4b: {  	p0 =	sne.s32 s0, $0x0;
	_ =	strace $0x90000047  }
0x4c: {  	s0 =	sadd.s32 @!p0 $0x100000, s1;
	[bflag:$0x2] =	sbarrier.arrive $0xFFFF  }
0x4d: {  	[sflag:s0] =	ssyncadd.tile.s32 @!p0 $0x1;
	_ =	shalt  }
.Lfunc_end2:
_tile_overlayer_lowered:
.L_overlay_start_2:
0x4e: {  	(tag) =	ssettag $0x2  }
0x4f: {  	s0 =	rddreg [dreg:$0x0];
	s2 =	stileid.u32  }
0x50: {  	s1 =	rddreg [dreg:$0x1];
	p0 =	sne.s32 s2, $0x0  }
0x51: {  	s3 =	rddreg [dreg:$0x2];
	[bflag:$0x3] =	sbarrier.arrive $0xFFFF;
	s2 =	simm.s32 @!p0 $0x1C03  }
0x52: {  	[timem:s3], [sflag:s2] =	dma.local @!p0 [hbm:s0], s1  }
0x53: {  	s0 =	simm.s32 @!p0 $0x3  }
0x54: {  	_ =	swait.ge @!p0 [sflag:s0], s1  }
0x55: {  	s1 =	ssub.s32 @!p0 $0x0, s1;
	[sflag:s0] =	ssyncset.done @!p0 $0x0  }
0x56: {  	[sflag:s0] =	ssyncadd.s32 @!p0 s1  }
0x57: {  	[bflag:$0x3] =	sbarrier.arrive $0xFFFF  }
0x58: {  	_ =	shalt  }

// kernel: kernel.30.cloned.1.call-start
scs
__scs_entry_jumppad:
0x0: {  	(pc) =	sbr.rel $0x88, $3  }
0x1: {  	(tag) =	ssettag $0x0;
	lr =	simm.s32 $0x1  }
0x2: {  	[smem:$0x3F60] =	sst lr;
	_ =	strace $0xD0000000  }
0x3: {  	_ = 	snop  }
0x4: {  	_ = 	snop  }
0x5: {  	_ = 	snop  }
0x6: {  	_ = 	snop  }
0x7: {  	_ = 	snop  }
__scs_overlays_trampoline_lowered:
0x8: {  	[smem:$0x3F6F] =	sst s0  }
0x9: {  	[smem:$0x3F70] =	sst s1  }
0xa: {  	[smem:$0x3F71] =	sst s2  }
0xb: {  	[smem:$0x3F72] =	sst s3  }
0xc: {  	[smem:$0x3F73] =	sst s4  }
0xd: {  	[smem:$0x3F74] =	sst s5  }
0xe: {  	[smem:$0x3F75] =	sst s6  }
0xf: {  	[smem:$0x3F76] =	sst s7  }
0x10: {  	[smem:$0x3F77] =	sst s8  }
0x11: {  	[smem:$0x3F78] =	sst s9;
	s0 =	simm.s32 @!p0 $0x0  }
0x12: {  	s1 =	sld [smem:$0x3F5E];
	s0 =	simm.s32 @p0 $0x1  }
0x13: {  	[smem:$0x3F79] =	sst s0;
	s0 =	simm.s32 @!p1 $0x0  }
0x14: {  	s2 =	sld [smem:$0x3F5D];
	s0 =	simm.s32 @p1 $0x1  }
0x15: {  	[smem:$0x3F7A] =	sst s0;
	s0 =	simm.s32 @!p2 $0x0  }
0x16: {  	s3 =	sld [smem:$0x3FDB];
	s0 =	simm.s32 @p2 $0x1  }
0x17: {  	s4 =	simm.s32 $0x1BF5;
	[smem:$0x3F7C] =	sst s0  }
0x18: {  	s0 =	sld [smem:$0x3F5F];
	_ =	swait.ge [sflag:s4], $0x0  }
0x19: {  	s7 =	sld [smem:$0x3F60]  }
0x1a: {  	s8 =	sadd.s32 $0xFFFFE003, lr  }
0x1b: {  	s9 =	sadd.s32 $0xFFFFFEF7, lr;
	s5 =	simm.s32 $0xFFFFFFFF;
	p2 =	slt.u32 s8, $0xFFFFF086  }
0x1c: {  	p1 =	slt.u32 s9, $0xF7A;
	s5 =	simm.s32 @!p2 $0x0  }
0x1d: {  	s5 =	simm.s32 @p1 $0x1;
	p0 =	seq.s32 s7, s2  }
0x1e: {  	s7 =	smul.u32 @!p0 $0xF7A, s2;
	p2 =	seq.s32 @!p0 s5, $0x0  }
0x1f: {  	s9 =	smul.u32 $0xF7A, s1;
	s8 =	simm.s32 @!p0 $0x1BF5;
	p2 =	por !p2, p0  }
0x20: {  	[sflag:s8] =	ssyncset.s32 @!p0 $0xFFFFF086;
	s6 =	sadd.s32 @!p0 s3, s7;
	s7 =	simm.s32 @!p0 $0x108  }
0x21: {  	s3 =	sadd.s32 s3, s9;
	s6 =	sadd.s32 @!p0 $0x88, s6;
	s7 =	simm.s32 @p2 $0x1082  }
0x22: {  	[simem:s7], [sflag:s8] =	dma.local @!p0 [hbm:s6], $0xF7A  }
0x23: {  	s9 =	sor.u32 $0xD0000000, s2;
	s6 =	simm.s32 $0x108;
	_ =	swait.ge @!p0 [sflag:s8], $0x0  }
0x24: {  	s3 =	sadd.s32 $0x88, s3;
	s6 =	simm.s32 @!p1 $0x1082;
	[sflag:s4] =	ssyncset.s32 $0xFFFFF086  }
0x25: {  	[simem:s6], [sflag:s4] =	dma.local [hbm:s3], $0xF7A  }
0x26: {  	[smem:$0x3F60] =	sst s1;
	(tag) =	ssettag s2;
	_ =	strace s9  }
0x27: {  	s1 =	sld [smem:$0x3F70]  }
0x28: {  	s2 =	sld [smem:$0x3F71]  }
0x29: {  	s4 =	sld [smem:$0x3F73]  }
0x2a: {  	p0 =	seq.s32 s5, $0x0;
	s5 =	sld [smem:$0x3F74]  }
0x2b: {  	s6 =	sld [smem:$0x3F75]  }
0x2c: {  	s7 =	sld [smem:$0x3F76]  }
0x2d: {  	s3 =	simm.s32 $0x108;
	s8 =	sld [smem:$0x3F77]  }
0x2e: {  	s3 =	simm.s32 @!p0 $0x1082;
	s9 =	sld [smem:$0x3F78]  }
0x2f: {  	lr =	sadd.s32 s0, s3;
	s0 =	sld [smem:$0x3F6F]  }
0x30: {  	s3 =	sld [smem:$0x3F72]  }
0x31: {  	[smem:$0x3F7B] =	sst s10  }
0x32: {  	s10 =	sld [smem:$0x3F79];
	_ =	sdelay $0x3  }
0x33: {  	p0 =	seq.s32 s10, $0x1;
	s10 =	sld [smem:$0x3F7B];
	_ =	sdelay $0x3  }
0x34: {  	[smem:$0x3F7B] =	sst s10  }
0x35: {  	s10 =	sld [smem:$0x3F7A];
	_ =	sdelay $0x3  }
0x36: {  	p1 =	seq.s32 s10, $0x1;
	s10 =	sld [smem:$0x3F7B];
	_ =	sdelay $0x3  }
0x37: {  	[smem:$0x3F7B] =	sst s10  }
0x38: {  	s10 =	sld [smem:$0x3F7C]  }
0x39: {  	_ = 	snop;
	(pc) =	sbr.ind lr, $3  }
0x3a: {  	_ = 	snop  }
0x3b: {  	_ = 	snop  }
0x3c: {  	p2 =	seq.s32 s10, $0x1;
	s10 =	sld [smem:$0x3F7B]  }
0x3d: {  	_ =	shalt  }
0x3e: {  	_ =	shalt  }
0x3f: {  	_ =	shalt  }
0x40: {  	_ =	shalt  }
0x41: {  	_ =	shalt  }
0x42: {  	_ =	shalt  }
0x43: {  	_ =	shalt  }
0x44: {  	_ =	shalt  }
0x45: {  	_ =	shalt  }
0x46: {  	_ =	shalt  }
0x47: {  	_ =	shalt  }
0x48: {  	_ =	shalt  }
0x49: {  	_ =	shalt  }
0x4a: {  	_ =	shalt  }
0x4b: {  	_ =	shalt  }
0x4c: {  	_ =	shalt  }
0x4d: {  	_ =	shalt  }
0x4e: {  	_ =	shalt  }
0x4f: {  	_ =	shalt  }
0x50: {  	_ =	shalt  }
0x51: {  	_ =	shalt  }
0x52: {  	_ =	shalt  }
0x53: {  	_ =	shalt  }
0x54: {  	_ =	shalt  }
0x55: {  	_ =	shalt  }
0x56: {  	_ =	shalt  }
0x57: {  	_ =	shalt  }
0x58: {  	_ =	shalt  }
0x59: {  	_ =	shalt  }
0x5a: {  	_ =	shalt  }
0x5b: {  	_ =	shalt  }
0x5c: {  	_ =	shalt  }
0x5d: {  	_ =	shalt  }
0x5e: {  	_ =	shalt  }
0x5f: {  	_ =	shalt  }
0x60: {  	_ =	shalt  }
0x61: {  	_ =	shalt  }
0x62: {  	_ =	shalt  }
0x63: {  	_ =	shalt  }
0x64: {  	_ =	shalt  }
0x65: {  	_ =	shalt  }
0x66: {  	_ =	shalt  }
0x67: {  	_ =	shalt  }
0x68: {  	_ =	shalt  }
0x69: {  	_ =	shalt  }
0x6a: {  	_ =	shalt  }
0x6b: {  	_ =	shalt  }
0x6c: {  	_ =	shalt  }
0x6d: {  	_ =	shalt  }
0x6e: {  	_ =	shalt  }
0x6f: {  	_ =	shalt  }
0x70: {  	_ =	shalt  }
0x71: {  	_ =	shalt  }
0x72: {  	_ =	shalt  }
0x73: {  	_ =	shalt  }
0x74: {  	_ =	shalt  }
0x75: {  	_ =	shalt  }
0x76: {  	_ =	shalt  }
0x77: {  	_ =	shalt  }
0x78: {  	_ =	shalt  }
0x79: {  	_ =	shalt  }
0x7a: {  	_ =	shalt  }
0x7b: {  	_ =	shalt  }
0x7c: {  	_ =	shalt  }
0x7d: {  	_ =	shalt  }
0x7e: {  	_ =	shalt  }
0x7f: {  	_ =	shalt  }
0x80: {  	_ =	shalt  }
0x81: {  	_ =	shalt  }
0x82: {  	_ =	shalt  }
0x83: {  	_ =	shalt  }
0x84: {  	_ =	shalt  }
0x85: {  	_ =	shalt  }
0x86: {  	_ =	shalt  }
0x87: {  	_ =	shalt  }
.Lfunc_end0:
.L_simem_size_0:
called_computation.1_lowered:
.L_overlay_start_0:
0x88: {  	s2 =	sld [smem:$0x3FD9]  }
0x89: {  	s3 =	sld [smem:$0x3FFE];
	_ =	sdelay $0x1  }
0x8a: {  	s1 =	srdreg.scid  }
0x8b: {  	s0 =	sand.u32 $0x1, s1  }
0x8c: {  	s16 =	sshll.u32 s0, $0xA;
	s2 =	sadd.s32 s3, s2  }
0x8d: {  	s2 =	sadd.s32 s2, s16  }
0x8e: {  	[smem:$0x3F87] =	sst s2  }
0x8f: {  	_ = 	snop  }
0x90: {  	(tm) =	ssettm $0x1  }
0x91: {  	s17 =	sld [smem:$0x3FFB];
	_ =	sdelay $0x3  }
0x92: {  	_ =	strace s17  }
0x93: {  	s2 =	sld [smem:$0x3FFC];
	_ =	sdelay $0x3  }
0x94: {  	_ =	strace s2  }
0x95: {  	s2 =	sld [smem:$0x3FFD];
	_ =	sdelay $0x3  }
0x96: {  	_ =	strace s2  }
0x97: {  	_ =	strace $0x8FFFFFFF  }
0x98: {  	s18 =	sld [smem:$0x3FDB];
	_ =	sdelay $0x1  }
0x99: {  	s19 =	simm.s32 $_scs_section_size  }
0x9a: {  	s4 =	simm.s32 $_size__tile_overlayer_lowered;
	s5 =	simm.s32 $_tile_overlayer_lowered  }
0x9b: {  	s22 =	simm.s32 $0x1BFF;
	s21 =	sshll.u32 s5, $0x1;
	s2 =	sadd.s32 s19, s18  }
0x9c: {  	s6 =	simm.s32 $0x0;
	s20 =	sshll.u32 s4, $0x1;
	s4 =	sadd.s32 s21, s2  }
0x9d: {  	[timem:s6], [sflag:s22] =	dma.local [hbm:s4], s20  }
0x9e: {  	_ =	swait.ge [sflag:s22], s20  }
0x9f: {  	s3 =	ssub.s32 $0x0, s20;
	[sflag:s22] =	ssyncset.done $0x0  }
0xa0: {  	[sflag:s22] =	ssyncadd.s32 s3;
	_ =	sdelay $0x1  }
0xa1: {  	s23 =	simm.s32 $0x1B8B  }
0xa2: {  	_ =	swait.ge [sflag:s23], $0x1  }
0xa3: {  	[sflag:s23] =	ssyncset.done $0x0  }
0xa4: {  	s25 =	simm.s32 $0x1B8E;
	s24 =	sld [smem:$0x3FFE];
	[sflag:s23] =	ssyncadd.s32 $0xFFFFFFFF  }
0xa5: {  	s26 =	simm.s32 $execute0_lowered;
	[smem:$0x3FD2] =	sst s25  }
0xa6: {  	s4 =	sshll.u32 s26, $0x1;
	_ =	strace $0x80000049;
	[dreg:$0x1] =	wrdreg $0xFFFFFFFF  }
0xa7: {  	s28 =	simm.s32 $_size_execute0_lowered;
	s2 =	sadd.s32 s2, s4;
	[dreg:$0x0] =	wrdreg $0x0  }
0xa8: {  	s4 =	sshll.u32 s28, $0x1;
	[dreg:$0x2] =	wrdreg s2  }
0xa9: {  	[dreg:$0x3] =	wrdreg s4  }
0xaa: {  	[dreg:$0x4] =	wrdreg $0xC0  }
0xab: {  	_ =	task [dreg:s6], $0x5FFFF  }
0xac: {  	[dreg:$0x1] =	wrdreg $0xFFFFFFFF  }
0xad: {  	[dreg:$0x0] =	wrdreg $0x60  }
0xae: {  	[dreg:$0x2] =	wrdreg s24  }
0xaf: {  	[dreg:$0x3] =	wrdreg $0x6C000  }
0xb0: {  	[dreg:$0x4] =	wrdreg $0x9  }
0xb1: {  	_ =	task.clear_ibuf [dreg:s6], $0x5FFFF;
	_ =	strace $0x90000049  }
0xb2: {  	s29 =	simm.s32 $0x9;
	_ =	strace $0x8000004B  }
0xb3: {  	_ =	swait.ge [sflag:s29], $0x1  }
0xb4: {  	[sflag:s29] =	ssyncadd.s32 $0xFFFFFFFF  }
0xb5: {  	_ =	strace $0x9000004B  }
0xb6: {  	_ =	sfence  }
0xb7: {  	s30 =	sld [smem:$0x0];
	_ =	sdelay $0x2  }
0xb8: {  	s31 =	sshll.u32 s1, $0xD;
	s1 =	sshrl.u32 s1, $0x2  }
0xb9: {  	s3 =	sand.u32 $0x4000, s31;
	s1 =	sadd.s32 s1, s30  }
0xba: {  	s0 =	sor.u32 s3, s0;
	s1 =	sshll.u32 s1, $0x11  }
0xbb: {  	s0 =	sor.u32 s1, s0  }
0xbc: {  	s0 =	sadd.s32 $0x8F2B, s0  }
0xbd: {  	[sflag:s0] =	ssyncadd.remote.s32 $0x1  }
0xbe: {  	_ =	sfence.sel $0xFFFF  }
0xbf: {  	[dreg:$0x0] =	wrdreg $0xFFFFFFFF;
	(pc) =	sbr.abs _section_cstart, $3  }
0xc0: {  	[dreg:$0x1] =	wrdreg $0xFFFFFFFF  }
0xc1: {  	_ =	task.clear_ibuf [dreg:s6], $0x2FFFF;
	_ =	strace $0x9FFFFFFF  }
0xc2: {  	(tm) =	ssettm $0x7FFFFFFF  }
0xc3: {  	_ =	shalt  }
tec
execute0_lowered:
.L_overlay_start_1:
0x0: {  	(tag) =	ssettag $0x1  }
0x1: {  	s0 =	srdreg.scid;
	s5 =	rddreg [dreg:$0x0]  }
0x2: {  	s2 =	rddreg [dreg:$0x1];
	s4 =	sand.u32 $0x1, s0  }
0x3: {  	s0 =	stileid.u32;
	s6 =	smul.u32 $0x288000, s4  }
0x4: {  	s3 =	simm.s32 $0x0;
	s13 =	simm.s32 $0x80;
	s8 =	smul.u32 $0x13C00, s0  }
0x5: {  	s14 =	simm.s32 $0x0;
	[smem:$0x7FF] =	sst s3;
	s9 =	smul.u32 $0x13C000, s4  }
0x6: {  	s1 =	sshll.u32 s4, $0x4;
	s4 =	ssub.s32 $0x2, s4;
	s28 =	smul.u32 $0x4F000, s0  }
0x7: {  	s30 =	sshll.u32 s0, $0x6;
	s31 =	smul.u32 $0x28800, s0;
	s7 =	sor.u32 s0, s1  }
0x8: {  	s1 =	rddreg [dreg:$0x2];
	_ =	strace $0x8000004A;
	s11 =	sshrl.u32 s4, $0x1  }
0x9: {  	s7 =	smul.u32 $0x580, s7;
	s10 =	sadd.s32 s6, s5;
	s26 =	sshrl.u32 s8, $0x3  }
0xa: {  	s8 =	sadd.s32 s8, s9;
	s11 =	ssub.s32 s4, s11;
	s29 =	sshrl.u32 s28, $0x2  }
0xb: {  	s8 =	sshrl.u32 s8, $0x3;
	s12 =	sadd.s32 s29, s2;
	s9 =	sadd.s32 s31, s10  }
0xc: {  	s25 =	sadd.s32 s7, s5;
	s7 =	sadd.s32 s26, s5;
	s8 =	sadd.s32 s8, s5  }
0xd: {  	s5 =	sor.u32 $0x1C01, s30;
	s9 =	sadd.s32 $0x1525E00, s9;
	s10 =	sshrl.u32 s12, $0x3  }
0xe: {  	s12 =	simm.s32 $0x2C00;
	s4 =	sadd.s32 $0x9E800, s7;
	s6 =	sadd.s32 $0x13400, s25  }
0xf: {  	s7 =	sadd.s32 $0x113E00, s8;
	s8 =	smax.u32 s11, $0x1;
	s11 =	simm.s32 $0x1  }
.LBB2_1:
0x10: {  	[spmem:s10], [sflag:s5] =	dma.local [hbm:s4], $0x2780  }
0x11: {  	_ =	swait.ge [sflag:s11], $0x2780  }
0x12: {  	[sflag:s11] =	ssyncset.done $0x0  }
0x13: {  	[sflag:s11] =	ssyncadd.s32 $0xFFFFD880  }
0x14: {  	[bflag:$0x0] =	sbarrier.arrive $0xFFFF  }
0x15: {  	[tilespmem:s3], [sflag:$0x1] =	stream.linear.gather [hbm4b:s6+s3], $0x2880, $0x38;
	[tilespmem:$0x1A800] =	vst v63  }
0x16: {  	_ =	swait.ge [sflag:s11], $0x2880  }
0x17: {  	[sflag:s11] =	ssyncset.done $0x0  }
0x18: {  	[sflag:s11] =	ssyncadd.s32 $0xFFFFD780  }
0x19: {  	[tilespmem:s12], [sflag:$0x1] =	stream.linear.gather [hbm4b:s9+s3], $0x4000, $0x38;
	[tilespmem:$0x1A800] =	vst v63  }
0x1a: {  	_ =	swait.ge [sflag:s11], $0x4000  }
0x1b: {  	[sflag:s11] =	ssyncset.done $0x0  }
0x1c: {  	s15 =	simm.s32 $0x0;
	[sflag:s11] =	ssyncadd.s32 $0xFFFFC000  }
0x1d: {  	[spmem:s2] =	stream.indirect.scatter.add.f32 [tilespmem:s12], [sflag:$0x1], $0x80, s15, s13, $0xb8;
	[tilespmem:$0x1A800] =	vst v63  }
0x1e: {  	_ =	swait.ge [sflag:s11], $0x4000  }
0x1f: {  	s16 =	smov.u32 s9;
	s15 =	simm.s32 $0x200;
	[sflag:s11] =	ssyncset.done $0x0  }
.LBB2_2:
0x20: {  	p0 =	sne.s32 s15, $0xA000;
	[sflag:s11] =	ssyncadd.s32 $0xFFFFC000;
	s16 =	sadd.s32 $0x800, s16  }
0x21: {  	[tilespmem:s12], [sflag:$0x1] =	stream.linear.gather [hbm4b:s16+s3], $0x4000, $0x38;
	[tilespmem:$0x1A800] =	vst v63  }
0x22: {  	s17 =	smov.u32 s15;
	s15 =	sadd.s32 $0x200, s15;
	_ =	swait.ge [sflag:s11], $0x4000  }
.Ltmp0:
0x23: {  	[sflag:s11] =	ssyncset.done $0x0;
	(pc) =	sbr.rel @p0 .LBB2_2-.Ltmp0, $4  }
0x24: {  	s17 =	sshra.s32 s17, $0x2;
	[sflag:s11] =	ssyncadd.s32 $0xFFFFC000  }
0x25: {  	[spmem:s2] =	stream.indirect.scatter.add.f32 [tilespmem:s12], [sflag:$0x1], $0x80, s17, s13, $0xb8;
	[tilespmem:$0x1A800] =	vst v63  }
0x26: {  	_ =	swait.ge [sflag:s11], $0x4000  }
0x27: {  	[sflag:s11] =	ssyncset.done $0x0  }
0x28: {  	s14 =	sadd.s32 $0x1, s14  }
0x29: {  	[sflag:s11] =	ssyncadd.s32 $0xFFFFC000;
	p0 =	sne.s32 s14, s8  }
.Ltmp1:
0x2a: {  	[bflag:$0x0] =	sbarrier.arrive $0xFFFF;
	(pc) =	sbr.rel @p0 .LBB2_1-.Ltmp1, $4  }
0x2b: {  	[hbm:s7], [sflag:s5] =	dma.local [spmem:s10], $0x2780  }
0x2c: {  	_ =	swait.ge [sflag:s11], $0x2780  }
0x2d: {  	[sflag:s11] =	ssyncset.done $0x0  }
0x2e: {  	[sflag:s11] =	ssyncadd.s32 $0xFFFFD880  }
0x2f: {  	_ =	sfence.sel $0x180000  }
0x30: {  	[bflag:$0x0] =	sbarrier.arrive $0xFFFF  }
0x31: {  	p0 =	sne.s32 s0, $0x0;
	_ =	strace $0x9000004A  }
0x32: {  	s0 =	sadd.s32 @!p0 $0x100000, s1;
	[bflag:$0x2] =	sbarrier.arrive $0xFFFF  }
0x33: {  	[sflag:s0] =	ssyncadd.tile.s32 @!p0 $0x1;
	_ =	shalt  }
.Lfunc_end2:
_tile_overlayer_lowered:
.L_overlay_start_2:
0x34: {  	(tag) =	ssettag $0x2  }
0x35: {  	s0 =	rddreg [dreg:$0x0];
	s2 =	stileid.u32  }
0x36: {  	s1 =	rddreg [dreg:$0x1];
	p0 =	sne.s32 s2, $0x0  }
0x37: {  	s3 =	rddreg [dreg:$0x2];
	[bflag:$0x3] =	sbarrier.arrive $0xFFFF;
	s2 =	simm.s32 @!p0 $0x1C01  }
0x38: {  	[timem:s3], [sflag:s2] =	dma.local @!p0 [hbm:s0], s1  }
0x39: {  	s0 =	simm.s32 @!p0 $0x1  }
0x3a: {  	_ =	swait.ge @!p0 [sflag:s0], s1  }
0x3b: {  	s1 =	ssub.s32 @!p0 $0x0, s1;
	[sflag:s0] =	ssyncset.done @!p0 $0x0  }
0x3c: {  	[sflag:s0] =	ssyncadd.s32 @!p0 s1  }
0x3d: {  	[bflag:$0x3] =	sbarrier.arrive $0xFFFF  }
0x3e: {  	_ =	shalt  }

// kernel: kernel.33.cloned.1.call-start
scs
__scs_entry_jumppad:
0x0: {  	(pc) =	sbr.rel $0x88, $3  }
0x1: {  	(tag) =	ssettag $0x0;
	lr =	simm.s32 $0x1  }
0x2: {  	[smem:$0x3F60] =	sst lr;
	_ =	strace $0xD0000000  }
0x3: {  	_ = 	snop  }
0x4: {  	_ = 	snop  }
0x5: {  	_ = 	snop  }
0x6: {  	_ = 	snop  }
0x7: {  	_ = 	snop  }
__scs_overlays_trampoline_lowered:
0x8: {  	[smem:$0x3F6F] =	sst s0  }
0x9: {  	[smem:$0x3F70] =	sst s1  }
0xa: {  	[smem:$0x3F71] =	sst s2  }
0xb: {  	[smem:$0x3F72] =	sst s3  }
0xc: {  	[smem:$0x3F73] =	sst s4  }
0xd: {  	[smem:$0x3F74] =	sst s5  }
0xe: {  	[smem:$0x3F75] =	sst s6  }
0xf: {  	[smem:$0x3F76] =	sst s7  }
0x10: {  	[smem:$0x3F77] =	sst s8  }
0x11: {  	[smem:$0x3F78] =	sst s9;
	s0 =	simm.s32 @!p0 $0x0  }
0x12: {  	s1 =	sld [smem:$0x3F5E];
	s0 =	simm.s32 @p0 $0x1  }
0x13: {  	[smem:$0x3F79] =	sst s0;
	s0 =	simm.s32 @!p1 $0x0  }
0x14: {  	s2 =	sld [smem:$0x3F5D];
	s0 =	simm.s32 @p1 $0x1  }
0x15: {  	[smem:$0x3F7A] =	sst s0;
	s0 =	simm.s32 @!p2 $0x0  }
0x16: {  	s3 =	sld [smem:$0x3FDB];
	s0 =	simm.s32 @p2 $0x1  }
0x17: {  	s4 =	simm.s32 $0x1BF5;
	[smem:$0x3F7C] =	sst s0  }
0x18: {  	s0 =	sld [smem:$0x3F5F];
	_ =	swait.ge [sflag:s4], $0x0  }
0x19: {  	s7 =	sld [smem:$0x3F60]  }
0x1a: {  	s8 =	sadd.s32 $0xFFFFE003, lr  }
0x1b: {  	s9 =	sadd.s32 $0xFFFFFEF7, lr;
	s5 =	simm.s32 $0xFFFFFFFF;
	p2 =	slt.u32 s8, $0xFFFFF086  }
0x1c: {  	p1 =	slt.u32 s9, $0xF7A;
	s5 =	simm.s32 @!p2 $0x0  }
0x1d: {  	s5 =	simm.s32 @p1 $0x1;
	p0 =	seq.s32 s7, s2  }
0x1e: {  	s7 =	smul.u32 @!p0 $0xF7A, s2;
	p2 =	seq.s32 @!p0 s5, $0x0  }
0x1f: {  	s9 =	smul.u32 $0xF7A, s1;
	s8 =	simm.s32 @!p0 $0x1BF5;
	p2 =	por !p2, p0  }
0x20: {  	[sflag:s8] =	ssyncset.s32 @!p0 $0xFFFFF086;
	s6 =	sadd.s32 @!p0 s3, s7;
	s7 =	simm.s32 @!p0 $0x108  }
0x21: {  	s3 =	sadd.s32 s3, s9;
	s6 =	sadd.s32 @!p0 $0x88, s6;
	s7 =	simm.s32 @p2 $0x1082  }
0x22: {  	[simem:s7], [sflag:s8] =	dma.local @!p0 [hbm:s6], $0xF7A  }
0x23: {  	s9 =	sor.u32 $0xD0000000, s2;
	s6 =	simm.s32 $0x108;
	_ =	swait.ge @!p0 [sflag:s8], $0x0  }
0x24: {  	s3 =	sadd.s32 $0x88, s3;
	s6 =	simm.s32 @!p1 $0x1082;
	[sflag:s4] =	ssyncset.s32 $0xFFFFF086  }
0x25: {  	[simem:s6], [sflag:s4] =	dma.local [hbm:s3], $0xF7A  }
0x26: {  	[smem:$0x3F60] =	sst s1;
	(tag) =	ssettag s2;
	_ =	strace s9  }
0x27: {  	s1 =	sld [smem:$0x3F70]  }
0x28: {  	s2 =	sld [smem:$0x3F71]  }
0x29: {  	s4 =	sld [smem:$0x3F73]  }
0x2a: {  	p0 =	seq.s32 s5, $0x0;
	s5 =	sld [smem:$0x3F74]  }
0x2b: {  	s6 =	sld [smem:$0x3F75]  }
0x2c: {  	s7 =	sld [smem:$0x3F76]  }
0x2d: {  	s3 =	simm.s32 $0x108;
	s8 =	sld [smem:$0x3F77]  }
0x2e: {  	s3 =	simm.s32 @!p0 $0x1082;
	s9 =	sld [smem:$0x3F78]  }
0x2f: {  	lr =	sadd.s32 s0, s3;
	s0 =	sld [smem:$0x3F6F]  }
0x30: {  	s3 =	sld [smem:$0x3F72]  }
0x31: {  	[smem:$0x3F7B] =	sst s10  }
0x32: {  	s10 =	sld [smem:$0x3F79];
	_ =	sdelay $0x3  }
0x33: {  	p0 =	seq.s32 s10, $0x1;
	s10 =	sld [smem:$0x3F7B];
	_ =	sdelay $0x3  }
0x34: {  	[smem:$0x3F7B] =	sst s10  }
0x35: {  	s10 =	sld [smem:$0x3F7A];
	_ =	sdelay $0x3  }
0x36: {  	p1 =	seq.s32 s10, $0x1;
	s10 =	sld [smem:$0x3F7B];
	_ =	sdelay $0x3  }
0x37: {  	[smem:$0x3F7B] =	sst s10  }
0x38: {  	s10 =	sld [smem:$0x3F7C]  }
0x39: {  	_ = 	snop;
	(pc) =	sbr.ind lr, $3  }
0x3a: {  	_ = 	snop  }
0x3b: {  	_ = 	snop  }
0x3c: {  	p2 =	seq.s32 s10, $0x1;
	s10 =	sld [smem:$0x3F7B]  }
0x3d: {  	_ =	shalt  }
0x3e: {  	_ =	shalt  }
0x3f: {  	_ =	shalt  }
0x40: {  	_ =	shalt  }
0x41: {  	_ =	shalt  }
0x42: {  	_ =	shalt  }
0x43: {  	_ =	shalt  }
0x44: {  	_ =	shalt  }
0x45: {  	_ =	shalt  }
0x46: {  	_ =	shalt  }
0x47: {  	_ =	shalt  }
0x48: {  	_ =	shalt  }
0x49: {  	_ =	shalt  }
0x4a: {  	_ =	shalt  }
0x4b: {  	_ =	shalt  }
0x4c: {  	_ =	shalt  }
0x4d: {  	_ =	shalt  }
0x4e: {  	_ =	shalt  }
0x4f: {  	_ =	shalt  }
0x50: {  	_ =	shalt  }
0x51: {  	_ =	shalt  }
0x52: {  	_ =	shalt  }
0x53: {  	_ =	shalt  }
0x54: {  	_ =	shalt  }
0x55: {  	_ =	shalt  }
0x56: {  	_ =	shalt  }
0x57: {  	_ =	shalt  }
0x58: {  	_ =	shalt  }
0x59: {  	_ =	shalt  }
0x5a: {  	_ =	shalt  }
0x5b: {  	_ =	shalt  }
0x5c: {  	_ =	shalt  }
0x5d: {  	_ =	shalt  }
0x5e: {  	_ =	shalt  }
0x5f: {  	_ =	shalt  }
0x60: {  	_ =	shalt  }
0x61: {  	_ =	shalt  }
0x62: {  	_ =	shalt  }
0x63: {  	_ =	shalt  }
0x64: {  	_ =	shalt  }
0x65: {  	_ =	shalt  }
0x66: {  	_ =	shalt  }
0x67: {  	_ =	shalt  }
0x68: {  	_ =	shalt  }
0x69: {  	_ =	shalt  }
0x6a: {  	_ =	shalt  }
0x6b: {  	_ =	shalt  }
0x6c: {  	_ =	shalt  }
0x6d: {  	_ =	shalt  }
0x6e: {  	_ =	shalt  }
0x6f: {  	_ =	shalt  }
0x70: {  	_ =	shalt  }
0x71: {  	_ =	shalt  }
0x72: {  	_ =	shalt  }
0x73: {  	_ =	shalt  }
0x74: {  	_ =	shalt  }
0x75: {  	_ =	shalt  }
0x76: {  	_ =	shalt  }
0x77: {  	_ =	shalt  }
0x78: {  	_ =	shalt  }
0x79: {  	_ =	shalt  }
0x7a: {  	_ =	shalt  }
0x7b: {  	_ =	shalt  }
0x7c: {  	_ =	shalt  }
0x7d: {  	_ =	shalt  }
0x7e: {  	_ =	shalt  }
0x7f: {  	_ =	shalt  }
0x80: {  	_ =	shalt  }
0x81: {  	_ =	shalt  }
0x82: {  	_ =	shalt  }
0x83: {  	_ =	shalt  }
0x84: {  	_ =	shalt  }
0x85: {  	_ =	shalt  }
0x86: {  	_ =	shalt  }
0x87: {  	_ =	shalt  }
.Lfunc_end0:
.L_simem_size_0:
called_computation.2_lowered:
.L_overlay_start_0:
0x88: {  	s2 =	sld [smem:$0x3FD9]  }
0x89: {  	s3 =	sld [smem:$0x3FFE];
	_ =	sdelay $0x1  }
0x8a: {  	s1 =	srdreg.scid  }
0x8b: {  	s0 =	sand.u32 $0x1, s1  }
0x8c: {  	s16 =	sshll.u32 s0, $0xA;
	s2 =	sadd.s32 s3, s2  }
0x8d: {  	s2 =	sadd.s32 s2, s16  }
0x8e: {  	[smem:$0x3F87] =	sst s2  }
0x8f: {  	_ = 	snop  }
0x90: {  	(tm) =	ssettm $0x1  }
0x91: {  	s17 =	sld [smem:$0x3FFB];
	_ =	sdelay $0x3  }
0x92: {  	_ =	strace s17  }
0x93: {  	s2 =	sld [smem:$0x3FFC];
	_ =	sdelay $0x3  }
0x94: {  	_ =	strace s2  }
0x95: {  	s2 =	sld [smem:$0x3FFD];
	_ =	sdelay $0x3  }
0x96: {  	_ =	strace s2  }
0x97: {  	_ =	strace $0x8FFFFFFF  }
0x98: {  	s18 =	sld [smem:$0x3FDB];
	_ =	sdelay $0x1  }
0x99: {  	s19 =	simm.s32 $_scs_section_size  }
0x9a: {  	s4 =	simm.s32 $_size__tile_overlayer_lowered;
	s5 =	simm.s32 $_tile_overlayer_lowered  }
0x9b: {  	s22 =	simm.s32 $0x1BFF;
	s21 =	sshll.u32 s5, $0x1;
	s2 =	sadd.s32 s19, s18  }
0x9c: {  	s6 =	simm.s32 $0x0;
	s20 =	sshll.u32 s4, $0x1;
	s4 =	sadd.s32 s21, s2  }
0x9d: {  	[timem:s6], [sflag:s22] =	dma.local [hbm:s4], s20  }
0x9e: {  	_ =	swait.ge [sflag:s22], s20  }
0x9f: {  	s3 =	ssub.s32 $0x0, s20;
	[sflag:s22] =	ssyncset.done $0x0  }
0xa0: {  	[sflag:s22] =	ssyncadd.s32 s3;
	_ =	sdelay $0x1  }
0xa1: {  	s23 =	simm.s32 $0x1B8B  }
0xa2: {  	_ =	swait.ge [sflag:s23], $0x1  }
0xa3: {  	[sflag:s23] =	ssyncset.done $0x0  }
0xa4: {  	s25 =	simm.s32 $0x1B8E;
	s24 =	sld [smem:$0x3FFE];
	[sflag:s23] =	ssyncadd.s32 $0xFFFFFFFF  }
0xa5: {  	s26 =	simm.s32 $execute0_lowered;
	[smem:$0x3FD2] =	sst s25  }
0xa6: {  	s4 =	sshll.u32 s26, $0x1;
	_ =	strace $0x8000004C;
	[dreg:$0x1] =	wrdreg $0xFFFFFFFF  }
0xa7: {  	s28 =	simm.s32 $_size_execute0_lowered;
	s2 =	sadd.s32 s2, s4;
	[dreg:$0x0] =	wrdreg $0x0  }
0xa8: {  	s4 =	sshll.u32 s28, $0x1;
	[dreg:$0x2] =	wrdreg s2  }
0xa9: {  	[dreg:$0x3] =	wrdreg s4  }
0xaa: {  	[dreg:$0x4] =	wrdreg $0xC0  }
0xab: {  	_ =	task [dreg:s6], $0x5FFFF  }
0xac: {  	[dreg:$0x1] =	wrdreg $0xFFFFFFFF  }
0xad: {  	[dreg:$0x0] =	wrdreg $0x60  }
0xae: {  	[dreg:$0x2] =	wrdreg s24  }
0xaf: {  	[dreg:$0x3] =	wrdreg $0x9  }
0xb0: {  	_ =	task.clear_ibuf [dreg:s6], $0x4FFFF;
	_ =	strace $0x9000004C  }
0xb1: {  	s29 =	simm.s32 $0x9;
	_ =	strace $0x8000004E  }
0xb2: {  	_ =	swait.ge [sflag:s29], $0x1  }
0xb3: {  	[sflag:s29] =	ssyncadd.s32 $0xFFFFFFFF  }
0xb4: {  	_ =	strace $0x9000004E  }
0xb5: {  	_ =	sfence  }
0xb6: {  	s30 =	sld [smem:$0x0];
	_ =	sdelay $0x2  }
0xb7: {  	s31 =	sshll.u32 s1, $0xD;
	s1 =	sshrl.u32 s1, $0x2  }
0xb8: {  	s3 =	sand.u32 $0x4000, s31;
	s1 =	sadd.s32 s1, s30  }
0xb9: {  	s0 =	sor.u32 s3, s0;
	s1 =	sshll.u32 s1, $0x11  }
0xba: {  	s0 =	sor.u32 s1, s0  }
0xbb: {  	s0 =	sadd.s32 $0x8F2B, s0  }
0xbc: {  	[sflag:s0] =	ssyncadd.remote.s32 $0x1  }
0xbd: {  	_ =	sfence.sel $0xFFFF  }
0xbe: {  	[dreg:$0x0] =	wrdreg $0xFFFFFFFF;
	(pc) =	sbr.abs _section_cstart, $3  }
0xbf: {  	[dreg:$0x1] =	wrdreg $0xFFFFFFFF  }
0xc0: {  	_ =	task.clear_ibuf [dreg:s6], $0x2FFFF;
	_ =	strace $0x9FFFFFFF  }
0xc1: {  	(tm) =	ssettm $0x7FFFFFFF  }
tec
execute0_lowered:
.L_overlay_start_1:
0x0: {  	(tag) =	ssettag $0x1  }
0x1: {  	s1 =	srdreg.scid  }
0x2: {  	s0 =	stileid.u32;
	s5 =	rddreg [dreg:$0x0];
	s2 =	simm.s32 $0x0  }
0x3: {  	s11 =	simm.s32 $0x2C00;
	s12 =	simm.s32 $0x80;
	s13 =	simm.s32 $0x5800  }
0x4: {  	s14 =	simm.s32 $0x9800;
	s15 =	simm.s32 $0x1;
	s16 =	simm.s32 $0x2  }
0x5: {  	s17 =	simm.s32 $0x0;
	s6 =	sand.u32 $0x1, s1;
	s3 =	sshll.u32 s0, $0x1  }
0x6: {  	[smem:$0x7FF] =	sst s2;
	s8 =	smul.u32 $0x51000, s0;
	s4 =	sadd.s32 $0x114200, s5  }
0x7: {  	s3 =	sor.u32 s6, s3;
	s9 =	ssub.s32 $0x2, s6;
	s6 =	smul.u32 $0x28800, s6  }
0x8: {  	s1 =	rddreg [dreg:$0x1];
	_ =	strace $0x8000004D;
	s7 =	smul.u32 $0x580, s3  }
0x9: {  	s3 =	sadd.s32 $0x50600, s5;
	s8 =	sadd.s32 s8, s5;
	s31 =	sshrl.u32 s9, $0x1  }
0xa: {  	s9 =	ssub.s32 s9, s31;
	s10 =	sadd.s32 s6, s8;
	s7 =	sadd.s32 s7, s5  }
0xb: {  	s8 =	sadd.s32 $0x162600, s10;
	s5 =	sadd.s32 $0x13400, s7;
	s6 =	sadd.s32 $0x1E400, s7  }
0xc: {  	s7 =	smax.u32 s9, $0x1;
	s9 =	sadd.s32 $0x672600, s10;
	s10 =	simm.s32 $0x3  }
.LBB2_1:
0xd: {  	[tilespmem:s2], [sflag:$0x3] =	stream.linear.gather [hbm4b:s5+s2], $0x2880, $0x38;
	[tilespmem:$0xD800] =	vst v63  }
0xe: {  	_ =	swait.ge [sflag:s10], $0x2880  }
0xf: {  	[sflag:s10] =	ssyncset.done $0x0  }
0x10: {  	[sflag:s10] =	ssyncadd.s32 $0xFFFFD780  }
0x11: {  	[tilespmem:s11], [sflag:$0x3] =	stream.linear.gather [hbm4b:s6+s2], $0x2880, $0x38;
	[tilespmem:$0xD800] =	vst v63  }
0x12: {  	_ =	swait.ge [sflag:s10], $0x2880  }
0x13: {  	[sflag:s10] =	ssyncset.done $0x0  }
0x14: {  	s18 =	simm.s32 $0x0;
	[sflag:s10] =	ssyncadd.s32 $0xFFFFD780  }
0x15: {  	[tilespmem:s13], [sflag:$0x1] =	stream.indirect.gather [hbm4b:s3+s12], $0x80, s18, s12, $0xb8;
	[tilespmem:$0xD800] =	vst v63  }
0x16: {  	s31 =	simm.s32 $0x2C00  }
0x17: {  	[tilespmem:s14], [sflag:$0x2] =	stream.indirect.gather [hbm4b:s4+s12], $0x80, s31, s12, $0xb8;
	[tilespmem:$0xD800] =	vst v63  }
0x18: {  	_ =	swait.ge [sflag:s15], $0x4000  }
0x19: {  	[sflag:s15] =	ssyncset.done $0x0  }
0x1a: {  	[sflag:s15] =	ssyncadd.s32 $0xFFFFC000  }
0x1b: {  	_ =	swait.ge [sflag:s16], $0x4000  }
0x1c: {  	[sflag:s16] =	ssyncset.done $0x0  }
0x1d: {  	[sflag:s16] =	ssyncadd.s32 $0xFFFFC000  }
0x1e: {  	[hbm4b:s8+s2] =	stream.linear.scatter [tilespmem:s13], [sflag:$0x3], $0x4000, $0x38;
	[tilespmem:$0xD800] =	vst v63  }
0x1f: {  	_ =	swait.ge [sflag:s10], $0x4000  }
0x20: {  	[sflag:s10] =	ssyncset.done $0x0  }
0x21: {  	[sflag:s10] =	ssyncadd.s32 $0xFFFFC000  }
0x22: {  	[hbm4b:s9+s2] =	stream.linear.scatter [tilespmem:s14], [sflag:$0x3], $0x4000, $0x38;
	[tilespmem:$0xD800] =	vst v63  }
0x23: {  	s20 =	simm.s32 $0x200;
	s21 =	simm.s32 $0x400;
	_ =	swait.ge [sflag:s10], $0x4000  }
0x24: {  	s19 =	sadd.s32 $0x800, s8;
	s18 =	sadd.s32 $0x800, s9;
	[sflag:s10] =	ssyncset.done $0x0  }
.LBB2_2:
0x25: {  	s22 =	sshra.s32 s20, $0x2  }
0x26: {  	[sflag:s10] =	ssyncadd.s32 $0xFFFFC000;
	s20 =	smov.u32 s21;
	s23 =	sadd.s32 $0x200, s21  }
0x27: {  	[tilespmem:s13], [sflag:$0x1] =	stream.indirect.gather [hbm4b:s3+s12], $0x80, s22, s12, $0xb8;
	[tilespmem:$0xD800] =	vst v63  }
0x28: {  	p0 =	sne.s32 s21, $0xA000;
	s21 =	sadd.s32 $0x2C00, s22  }
0x29: {  	[tilespmem:s14], [sflag:$0x2] =	stream.indirect.gather [hbm4b:s4+s12], $0x80, s21, s12, $0xb8;
	[tilespmem:$0xD800] =	vst v63  }
0x2a: {  	_ =	swait.ge [sflag:s15], $0x4000  }
0x2b: {  	[sflag:s15] =	ssyncset.done $0x0  }
0x2c: {  	[sflag:s15] =	ssyncadd.s32 $0xFFFFC000  }
0x2d: {  	_ =	swait.ge [sflag:s16], $0x4000  }
0x2e: {  	[sflag:s16] =	ssyncset.done $0x0  }
0x2f: {  	[sflag:s16] =	ssyncadd.s32 $0xFFFFC000  }
0x30: {  	[hbm4b:s19+s2] =	stream.linear.scatter [tilespmem:s13], [sflag:$0x3], $0x4000, $0x38;
	[tilespmem:$0xD800] =	vst v63  }
0x31: {  	_ =	swait.ge [sflag:s10], $0x4000  }
.Ltmp0:
0x32: {  	[sflag:s10] =	ssyncset.done $0x0;
	(pc) =	sbr.rel @p0 .LBB2_2-.Ltmp0, $4  }
0x33: {  	[sflag:s10] =	ssyncadd.s32 $0xFFFFC000  }
0x34: {  	[hbm4b:s18+s2] =	stream.linear.scatter [tilespmem:s14], [sflag:$0x3], $0x4000, $0x38;
	[tilespmem:$0xD800] =	vst v63  }
0x35: {  	s21 =	smov.u32 s23;
	_ =	swait.ge [sflag:s10], $0x4000  }
0x36: {  	s19 =	sadd.s32 $0x800, s19;
	s18 =	sadd.s32 $0x800, s18;
	[sflag:s10] =	ssyncset.done $0x0  }
0x37: {  	s20 =	sshra.s32 s20, $0x2;
	[sflag:s10] =	ssyncadd.s32 $0xFFFFC000  }
0x38: {  	[tilespmem:s13], [sflag:$0x1] =	stream.indirect.gather [hbm4b:s3+s12], $0x80, s20, s12, $0xb8;
	[tilespmem:$0xD800] =	vst v63  }
0x39: {  	s20 =	sadd.s32 $0x2C00, s20  }
0x3a: {  	[tilespmem:s14], [sflag:$0x2] =	stream.indirect.gather [hbm4b:s4+s12], $0x80, s20, s12, $0xb8;
	[tilespmem:$0xD800] =	vst v63  }
0x3b: {  	_ =	swait.ge [sflag:s15], $0x4000  }
0x3c: {  	[sflag:s15] =	ssyncset.done $0x0  }
0x3d: {  	[sflag:s15] =	ssyncadd.s32 $0xFFFFC000  }
0x3e: {  	_ =	swait.ge [sflag:s16], $0x4000  }
0x3f: {  	[sflag:s16] =	ssyncset.done $0x0  }
0x40: {  	[sflag:s16] =	ssyncadd.s32 $0xFFFFC000  }
0x41: {  	[hbm4b:s19+s2] =	stream.linear.scatter [tilespmem:s13], [sflag:$0x3], $0x4000, $0x38;
	[tilespmem:$0xD800] =	vst v63  }
0x42: {  	s17 =	sadd.s32 $0x1, s17;
	_ =	swait.ge [sflag:s10], $0x4000  }
0x43: {  	p0 =	sne.s32 s17, s7;
	[sflag:s10] =	ssyncset.done $0x0  }
.Ltmp1:
0x44: {  	[sflag:s10] =	ssyncadd.s32 $0xFFFFC000;
	(pc) =	sbr.rel @p0 .LBB2_1-.Ltmp1, $4  }
0x45: {  	[hbm4b:s18+s2] =	stream.linear.scatter [tilespmem:s14], [sflag:$0x3], $0x4000, $0x38;
	[tilespmem:$0xD800] =	vst v63  }
0x46: {  	_ =	swait.ge [sflag:s10], $0x4000  }
0x47: {  	[sflag:s10] =	ssyncset.done $0x0  }
0x48: {  	[sflag:s10] =	ssyncadd.s32 $0xFFFFC000  }
0x49: {  	_ =	sfence.sel $0x180000  }
0x4a: {  	[bflag:$0x0] =	sbarrier.arrive $0xFFFF  }
0x4b: {  	p0 =	sne.s32 s0, $0x0;
	_ =	strace $0x9000004D  }
0x4c: {  	s0 =	sadd.s32 @!p0 $0x100000, s1;
	[bflag:$0x2] =	sbarrier.arrive $0xFFFF  }
0x4d: {  	[sflag:s0] =	ssyncadd.tile.s32 @!p0 $0x1;
	_ =	shalt  }
.Lfunc_end2:
_tile_overlayer_lowered:
.L_overlay_start_2:
0x4e: {  	(tag) =	ssettag $0x2  }
0x4f: {  	s0 =	rddreg [dreg:$0x0];
	s2 =	stileid.u32  }
0x50: {  	s1 =	rddreg [dreg:$0x1];
	p0 =	sne.s32 s2, $0x0  }
0x51: {  	s3 =	rddreg [dreg:$0x2];
	[bflag:$0x3] =	sbarrier.arrive $0xFFFF;
	s2 =	simm.s32 @!p0 $0x1C03  }
0x52: {  	[timem:s3], [sflag:s2] =	dma.local @!p0 [hbm:s0], s1  }
0x53: {  	s0 =	simm.s32 @!p0 $0x3  }
0x54: {  	_ =	swait.ge @!p0 [sflag:s0], s1  }
0x55: {  	s1 =	ssub.s32 @!p0 $0x0, s1;
	[sflag:s0] =	ssyncset.done @!p0 $0x0  }
0x56: {  	[sflag:s0] =	ssyncadd.s32 @!p0 s1  }
0x57: {  	[bflag:$0x3] =	sbarrier.arrive $0xFFFF  }
0x58: {  	_ =	shalt  }

// kernel: kernel.36.cloned.1.call-start
scs
__scs_entry_jumppad:
0x0: {  	(pc) =	sbr.rel $0x88, $3  }
0x1: {  	(tag) =	ssettag $0x0;
	lr =	simm.s32 $0x1  }
0x2: {  	[smem:$0x3F60] =	sst lr;
	_ =	strace $0xD0000000  }
0x3: {  	_ = 	snop  }
0x4: {  	_ = 	snop  }
0x5: {  	_ = 	snop  }
0x6: {  	_ = 	snop  }
0x7: {  	_ = 	snop  }
__scs_overlays_trampoline_lowered:
0x8: {  	[smem:$0x3F6F] =	sst s0  }
0x9: {  	[smem:$0x3F70] =	sst s1  }
0xa: {  	[smem:$0x3F71] =	sst s2  }
0xb: {  	[smem:$0x3F72] =	sst s3  }
0xc: {  	[smem:$0x3F73] =	sst s4  }
0xd: {  	[smem:$0x3F74] =	sst s5  }
0xe: {  	[smem:$0x3F75] =	sst s6  }
0xf: {  	[smem:$0x3F76] =	sst s7  }
0x10: {  	[smem:$0x3F77] =	sst s8  }
0x11: {  	[smem:$0x3F78] =	sst s9;
	s0 =	simm.s32 @!p0 $0x0  }
0x12: {  	s1 =	sld [smem:$0x3F5E];
	s0 =	simm.s32 @p0 $0x1  }
0x13: {  	[smem:$0x3F79] =	sst s0;
	s0 =	simm.s32 @!p1 $0x0  }
0x14: {  	s2 =	sld [smem:$0x3F5D];
	s0 =	simm.s32 @p1 $0x1  }
0x15: {  	[smem:$0x3F7A] =	sst s0;
	s0 =	simm.s32 @!p2 $0x0  }
0x16: {  	s3 =	sld [smem:$0x3FDB];
	s0 =	simm.s32 @p2 $0x1  }
0x17: {  	s4 =	simm.s32 $0x1BF5;
	[smem:$0x3F7C] =	sst s0  }
0x18: {  	s0 =	sld [smem:$0x3F5F];
	_ =	swait.ge [sflag:s4], $0x0  }
0x19: {  	s7 =	sld [smem:$0x3F60]  }
0x1a: {  	s8 =	sadd.s32 $0xFFFFE003, lr  }
0x1b: {  	s9 =	sadd.s32 $0xFFFFFEF7, lr;
	s5 =	simm.s32 $0xFFFFFFFF;
	p2 =	slt.u32 s8, $0xFFFFF086  }
0x1c: {  	p1 =	slt.u32 s9, $0xF7A;
	s5 =	simm.s32 @!p2 $0x0  }
0x1d: {  	s5 =	simm.s32 @p1 $0x1;
	p0 =	seq.s32 s7, s2  }
0x1e: {  	s7 =	smul.u32 @!p0 $0xF7A, s2;
	p2 =	seq.s32 @!p0 s5, $0x0  }
0x1f: {  	s9 =	smul.u32 $0xF7A, s1;
	s8 =	simm.s32 @!p0 $0x1BF5;
	p2 =	por !p2, p0  }
0x20: {  	[sflag:s8] =	ssyncset.s32 @!p0 $0xFFFFF086;
	s6 =	sadd.s32 @!p0 s3, s7;
	s7 =	simm.s32 @!p0 $0x108  }
0x21: {  	s3 =	sadd.s32 s3, s9;
	s6 =	sadd.s32 @!p0 $0x88, s6;
	s7 =	simm.s32 @p2 $0x1082  }
0x22: {  	[simem:s7], [sflag:s8] =	dma.local @!p0 [hbm:s6], $0xF7A  }
0x23: {  	s9 =	sor.u32 $0xD0000000, s2;
	s6 =	simm.s32 $0x108;
	_ =	swait.ge @!p0 [sflag:s8], $0x0  }
0x24: {  	s3 =	sadd.s32 $0x88, s3;
	s6 =	simm.s32 @!p1 $0x1082;
	[sflag:s4] =	ssyncset.s32 $0xFFFFF086  }
0x25: {  	[simem:s6], [sflag:s4] =	dma.local [hbm:s3], $0xF7A  }
0x26: {  	[smem:$0x3F60] =	sst s1;
	(tag) =	ssettag s2;
	_ =	strace s9  }
0x27: {  	s1 =	sld [smem:$0x3F70]  }
0x28: {  	s2 =	sld [smem:$0x3F71]  }
0x29: {  	s4 =	sld [smem:$0x3F73]  }
0x2a: {  	p0 =	seq.s32 s5, $0x0;
	s5 =	sld [smem:$0x3F74]  }
0x2b: {  	s6 =	sld [smem:$0x3F75]  }
0x2c: {  	s7 =	sld [smem:$0x3F76]  }
0x2d: {  	s3 =	simm.s32 $0x108;
	s8 =	sld [smem:$0x3F77]  }
0x2e: {  	s3 =	simm.s32 @!p0 $0x1082;
	s9 =	sld [smem:$0x3F78]  }
0x2f: {  	lr =	sadd.s32 s0, s3;
	s0 =	sld [smem:$0x3F6F]  }
0x30: {  	s3 =	sld [smem:$0x3F72]  }
0x31: {  	[smem:$0x3F7B] =	sst s10  }
0x32: {  	s10 =	sld [smem:$0x3F79];
	_ =	sdelay $0x3  }
0x33: {  	p0 =	seq.s32 s10, $0x1;
	s10 =	sld [smem:$0x3F7B];
	_ =	sdelay $0x3  }
0x34: {  	[smem:$0x3F7B] =	sst s10  }
0x35: {  	s10 =	sld [smem:$0x3F7A];
	_ =	sdelay $0x3  }
0x36: {  	p1 =	seq.s32 s10, $0x1;
	s10 =	sld [smem:$0x3F7B];
	_ =	sdelay $0x3  }
0x37: {  	[smem:$0x3F7B] =	sst s10  }
0x38: {  	s10 =	sld [smem:$0x3F7C]  }
0x39: {  	_ = 	snop;
	(pc) =	sbr.ind lr, $3  }
0x3a: {  	_ = 	snop  }
0x3b: {  	_ = 	snop  }
0x3c: {  	p2 =	seq.s32 s10, $0x1;
	s10 =	sld [smem:$0x3F7B]  }
0x3d: {  	_ =	shalt  }
0x3e: {  	_ =	shalt  }
0x3f: {  	_ =	shalt  }
0x40: {  	_ =	shalt  }
0x41: {  	_ =	shalt  }
0x42: {  	_ =	shalt  }
0x43: {  	_ =	shalt  }
0x44: {  	_ =	shalt  }
0x45: {  	_ =	shalt  }
0x46: {  	_ =	shalt  }
0x47: {  	_ =	shalt  }
0x48: {  	_ =	shalt  }
0x49: {  	_ =	shalt  }
0x4a: {  	_ =	shalt  }
0x4b: {  	_ =	shalt  }
0x4c: {  	_ =	shalt  }
0x4d: {  	_ =	shalt  }
0x4e: {  	_ =	shalt  }
0x4f: {  	_ =	shalt  }
0x50: {  	_ =	shalt  }
0x51: {  	_ =	shalt  }
0x52: {  	_ =	shalt  }
0x53: {  	_ =	shalt  }
0x54: {  	_ =	shalt  }
0x55: {  	_ =	shalt  }
0x56: {  	_ =	shalt  }
0x57: {  	_ =	shalt  }
0x58: {  	_ =	shalt  }
0x59: {  	_ =	shalt  }
0x5a: {  	_ =	shalt  }
0x5b: {  	_ =	shalt  }
0x5c: {  	_ =	shalt  }
0x5d: {  	_ =	shalt  }
0x5e: {  	_ =	shalt  }
0x5f: {  	_ =	shalt  }
0x60: {  	_ =	shalt  }
0x61: {  	_ =	shalt  }
0x62: {  	_ =	shalt  }
0x63: {  	_ =	shalt  }
0x64: {  	_ =	shalt  }
0x65: {  	_ =	shalt  }
0x66: {  	_ =	shalt  }
0x67: {  	_ =	shalt  }
0x68: {  	_ =	shalt  }
0x69: {  	_ =	shalt  }
0x6a: {  	_ =	shalt  }
0x6b: {  	_ =	shalt  }
0x6c: {  	_ =	shalt  }
0x6d: {  	_ =	shalt  }
0x6e: {  	_ =	shalt  }
0x6f: {  	_ =	shalt  }
0x70: {  	_ =	shalt  }
0x71: {  	_ =	shalt  }
0x72: {  	_ =	shalt  }
0x73: {  	_ =	shalt  }
0x74: {  	_ =	shalt  }
0x75: {  	_ =	shalt  }
0x76: {  	_ =	shalt  }
0x77: {  	_ =	shalt  }
0x78: {  	_ =	shalt  }
0x79: {  	_ =	shalt  }
0x7a: {  	_ =	shalt  }
0x7b: {  	_ =	shalt  }
0x7c: {  	_ =	shalt  }
0x7d: {  	_ =	shalt  }
0x7e: {  	_ =	shalt  }
0x7f: {  	_ =	shalt  }
0x80: {  	_ =	shalt  }
0x81: {  	_ =	shalt  }
0x82: {  	_ =	shalt  }
0x83: {  	_ =	shalt  }
0x84: {  	_ =	shalt  }
0x85: {  	_ =	shalt  }
0x86: {  	_ =	shalt  }
0x87: {  	_ =	shalt  }
.Lfunc_end0:
.L_simem_size_0:
called_computation.3_lowered:
.L_overlay_start_0:
0x88: {  	s2 =	sld [smem:$0x3FD9]  }
0x89: {  	s3 =	sld [smem:$0x3FFE];
	_ =	sdelay $0x1  }
0x8a: {  	s1 =	srdreg.scid  }
0x8b: {  	s0 =	sand.u32 $0x1, s1  }
0x8c: {  	s16 =	sshll.u32 s0, $0xA;
	s2 =	sadd.s32 s3, s2  }
0x8d: {  	s2 =	sadd.s32 s2, s16  }
0x8e: {  	[smem:$0x3F87] =	sst s2  }
0x8f: {  	_ = 	snop  }
0x90: {  	(tm) =	ssettm $0x1  }
0x91: {  	s17 =	sld [smem:$0x3FFB];
	_ =	sdelay $0x3  }
0x92: {  	_ =	strace s17  }
0x93: {  	s2 =	sld [smem:$0x3FFC];
	_ =	sdelay $0x3  }
0x94: {  	_ =	strace s2  }
0x95: {  	s2 =	sld [smem:$0x3FFD];
	_ =	sdelay $0x3  }
0x96: {  	_ =	strace s2  }
0x97: {  	_ =	strace $0x8FFFFFFF  }
0x98: {  	s18 =	sld [smem:$0x3FDB];
	_ =	sdelay $0x1  }
0x99: {  	s19 =	simm.s32 $_scs_section_size  }
0x9a: {  	s4 =	simm.s32 $_size__tile_overlayer_lowered;
	s5 =	simm.s32 $_tile_overlayer_lowered  }
0x9b: {  	s22 =	simm.s32 $0x1BFF;
	s21 =	sshll.u32 s5, $0x1;
	s2 =	sadd.s32 s19, s18  }
0x9c: {  	s6 =	simm.s32 $0x0;
	s20 =	sshll.u32 s4, $0x1;
	s4 =	sadd.s32 s21, s2  }
0x9d: {  	[timem:s6], [sflag:s22] =	dma.local [hbm:s4], s20  }
0x9e: {  	_ =	swait.ge [sflag:s22], s20  }
0x9f: {  	s3 =	ssub.s32 $0x0, s20;
	[sflag:s22] =	ssyncset.done $0x0  }
0xa0: {  	[sflag:s22] =	ssyncadd.s32 s3;
	_ =	sdelay $0x1  }
0xa1: {  	s23 =	simm.s32 $0x1B8B  }
0xa2: {  	_ =	swait.ge [sflag:s23], $0x1  }
0xa3: {  	[sflag:s23] =	ssyncset.done $0x0  }
0xa4: {  	s25 =	simm.s32 $0x1B8E;
	s24 =	sld [smem:$0x3FFE];
	[sflag:s23] =	ssyncadd.s32 $0xFFFFFFFF  }
0xa5: {  	s26 =	simm.s32 $execute0_lowered;
	[smem:$0x3FD2] =	sst s25  }
0xa6: {  	s4 =	sshll.u32 s26, $0x1;
	_ =	strace $0x8000004F;
	[dreg:$0x1] =	wrdreg $0xFFFFFFFF  }
0xa7: {  	s28 =	simm.s32 $_size_execute0_lowered;
	s2 =	sadd.s32 s2, s4;
	[dreg:$0x0] =	wrdreg $0x0  }
0xa8: {  	s4 =	sshll.u32 s28, $0x1;
	[dreg:$0x2] =	wrdreg s2  }
0xa9: {  	[dreg:$0x3] =	wrdreg s4  }
0xaa: {  	[dreg:$0x4] =	wrdreg $0xC0  }
0xab: {  	_ =	task [dreg:s6], $0x5FFFF  }
0xac: {  	[dreg:$0x1] =	wrdreg $0xFFFFFFFF  }
0xad: {  	[dreg:$0x0] =	wrdreg $0x60  }
0xae: {  	[dreg:$0x2] =	wrdreg s24  }
0xaf: {  	[dreg:$0x3] =	wrdreg $0x6C000  }
0xb0: {  	[dreg:$0x4] =	wrdreg $0x9  }
0xb1: {  	_ =	task.clear_ibuf [dreg:s6], $0x5FFFF;
	_ =	strace $0x9000004F  }
0xb2: {  	s29 =	simm.s32 $0x9;
	_ =	strace $0x80000051  }
0xb3: {  	_ =	swait.ge [sflag:s29], $0x1  }
0xb4: {  	[sflag:s29] =	ssyncadd.s32 $0xFFFFFFFF  }
0xb5: {  	_ =	strace $0x90000051  }
0xb6: {  	_ =	sfence  }
0xb7: {  	s30 =	sld [smem:$0x0];
	_ =	sdelay $0x2  }
0xb8: {  	s31 =	sshll.u32 s1, $0xD;
	s1 =	sshrl.u32 s1, $0x2  }
0xb9: {  	s3 =	sand.u32 $0x4000, s31;
	s1 =	sadd.s32 s1, s30  }
0xba: {  	s0 =	sor.u32 s3, s0;
	s1 =	sshll.u32 s1, $0x11  }
0xbb: {  	s0 =	sor.u32 s1, s0  }
0xbc: {  	s0 =	sadd.s32 $0x8F2B, s0  }
0xbd: {  	[sflag:s0] =	ssyncadd.remote.s32 $0x1  }
0xbe: {  	_ =	sfence.sel $0xFFFF  }
0xbf: {  	[dreg:$0x0] =	wrdreg $0xFFFFFFFF;
	(pc) =	sbr.abs _section_cstart, $3  }
0xc0: {  	[dreg:$0x1] =	wrdreg $0xFFFFFFFF  }
0xc1: {  	_ =	task.clear_ibuf [dreg:s6], $0x2FFFF;
	_ =	strace $0x9FFFFFFF  }
0xc2: {  	(tm) =	ssettm $0x7FFFFFFF  }
0xc3: {  	_ =	shalt  }
tec
execute0_lowered:
.L_overlay_start_1:
0x0: {  	(tag) =	ssettag $0x1  }
0x1: {  	s0 =	srdreg.scid;
	s5 =	rddreg [dreg:$0x0]  }
0x2: {  	s2 =	rddreg [dreg:$0x1];
	s4 =	sand.u32 $0x1, s0  }
0x3: {  	s0 =	stileid.u32;
	s6 =	smul.u32 $0x288000, s4  }
0x4: {  	s3 =	simm.s32 $0x0;
	s13 =	simm.s32 $0x80;
	s8 =	smul.u32 $0x13C00, s0  }
0x5: {  	s14 =	simm.s32 $0x0;
	[smem:$0x7FF] =	sst s3;
	s9 =	smul.u32 $0x13C000, s4  }
0x6: {  	s1 =	sshll.u32 s4, $0x4;
	s4 =	ssub.s32 $0x2, s4;
	s28 =	smul.u32 $0x4F000, s0  }
0x7: {  	s30 =	sshll.u32 s0, $0x6;
	s31 =	smul.u32 $0x28800, s0;
	s7 =	sor.u32 s0, s1  }
0x8: {  	s1 =	rddreg [dreg:$0x2];
	_ =	strace $0x80000050;
	s11 =	sshrl.u32 s4, $0x1  }
0x9: {  	s7 =	smul.u32 $0x580, s7;
	s10 =	sadd.s32 s6, s5;
	s26 =	sshrl.u32 s8, $0x3  }
0xa: {  	s8 =	sadd.s32 s8, s9;
	s11 =	ssub.s32 s4, s11;
	s29 =	sshrl.u32 s28, $0x2  }
0xb: {  	s8 =	sshrl.u32 s8, $0x3;
	s12 =	sadd.s32 s29, s2;
	s9 =	sadd.s32 s31, s10  }
0xc: {  	s25 =	sadd.s32 s7, s5;
	s7 =	sadd.s32 s26, s5;
	s8 =	sadd.s32 s8, s5  }
0xd: {  	s5 =	sor.u32 $0x1C01, s30;
	s9 =	sadd.s32 $0x1525E00, s9;
	s10 =	sshrl.u32 s12, $0x3  }
0xe: {  	s12 =	simm.s32 $0x2C00;
	s4 =	sadd.s32 $0x9E800, s7;
	s6 =	sadd.s32 $0x13400, s25  }
0xf: {  	s7 =	sadd.s32 $0x162600, s8;
	s8 =	smax.u32 s11, $0x1;
	s11 =	simm.s32 $0x1  }
.LBB2_1:
0x10: {  	[spmem:s10], [sflag:s5] =	dma.local [hbm:s4], $0x2780  }
0x11: {  	_ =	swait.ge [sflag:s11], $0x2780  }
0x12: {  	[sflag:s11] =	ssyncset.done $0x0  }
0x13: {  	[sflag:s11] =	ssyncadd.s32 $0xFFFFD880  }
0x14: {  	[bflag:$0x0] =	sbarrier.arrive $0xFFFF  }
0x15: {  	[tilespmem:s3], [sflag:$0x1] =	stream.linear.gather [hbm4b:s6+s3], $0x2880, $0x38;
	[tilespmem:$0x1A800] =	vst v63  }
0x16: {  	_ =	swait.ge [sflag:s11], $0x2880  }
0x17: {  	[sflag:s11] =	ssyncset.done $0x0  }
0x18: {  	[sflag:s11] =	ssyncadd.s32 $0xFFFFD780  }
0x19: {  	[tilespmem:s12], [sflag:$0x1] =	stream.linear.gather [hbm4b:s9+s3], $0x4000, $0x38;
	[tilespmem:$0x1A800] =	vst v63  }
0x1a: {  	_ =	swait.ge [sflag:s11], $0x4000  }
0x1b: {  	[sflag:s11] =	ssyncset.done $0x0  }
0x1c: {  	s15 =	simm.s32 $0x0;
	[sflag:s11] =	ssyncadd.s32 $0xFFFFC000  }
0x1d: {  	[spmem:s2] =	stream.indirect.scatter.add.f32 [tilespmem:s12], [sflag:$0x1], $0x80, s15, s13, $0xb8;
	[tilespmem:$0x1A800] =	vst v63  }
0x1e: {  	_ =	swait.ge [sflag:s11], $0x4000  }
0x1f: {  	s16 =	smov.u32 s9;
	s15 =	simm.s32 $0x200;
	[sflag:s11] =	ssyncset.done $0x0  }
.LBB2_2:
0x20: {  	p0 =	sne.s32 s15, $0xA000;
	[sflag:s11] =	ssyncadd.s32 $0xFFFFC000;
	s16 =	sadd.s32 $0x800, s16  }
0x21: {  	[tilespmem:s12], [sflag:$0x1] =	stream.linear.gather [hbm4b:s16+s3], $0x4000, $0x38;
	[tilespmem:$0x1A800] =	vst v63  }
0x22: {  	s17 =	smov.u32 s15;
	s15 =	sadd.s32 $0x200, s15;
	_ =	swait.ge [sflag:s11], $0x4000  }
.Ltmp0:
0x23: {  	[sflag:s11] =	ssyncset.done $0x0;
	(pc) =	sbr.rel @p0 .LBB2_2-.Ltmp0, $4  }
0x24: {  	s17 =	sshra.s32 s17, $0x2;
	[sflag:s11] =	ssyncadd.s32 $0xFFFFC000  }
0x25: {  	[spmem:s2] =	stream.indirect.scatter.add.f32 [tilespmem:s12], [sflag:$0x1], $0x80, s17, s13, $0xb8;
	[tilespmem:$0x1A800] =	vst v63  }
0x26: {  	_ =	swait.ge [sflag:s11], $0x4000  }
0x27: {  	[sflag:s11] =	ssyncset.done $0x0  }
0x28: {  	s14 =	sadd.s32 $0x1, s14  }
0x29: {  	[sflag:s11] =	ssyncadd.s32 $0xFFFFC000;
	p0 =	sne.s32 s14, s8  }
.Ltmp1:
0x2a: {  	[bflag:$0x0] =	sbarrier.arrive $0xFFFF;
	(pc) =	sbr.rel @p0 .LBB2_1-.Ltmp1, $4  }
0x2b: {  	[hbm:s7], [sflag:s5] =	dma.local [spmem:s10], $0x2780  }
0x2c: {  	_ =	swait.ge [sflag:s11], $0x2780  }
0x2d: {  	[sflag:s11] =	ssyncset.done $0x0  }
0x2e: {  	[sflag:s11] =	ssyncadd.s32 $0xFFFFD880  }
0x2f: {  	_ =	sfence.sel $0x180000  }
0x30: {  	[bflag:$0x0] =	sbarrier.arrive $0xFFFF  }
0x31: {  	p0 =	sne.s32 s0, $0x0;
	_ =	strace $0x90000050  }
0x32: {  	s0 =	sadd.s32 @!p0 $0x100000, s1;
	[bflag:$0x2] =	sbarrier.arrive $0xFFFF  }
0x33: {  	[sflag:s0] =	ssyncadd.tile.s32 @!p0 $0x1;
	_ =	shalt  }
.Lfunc_end2:
_tile_overlayer_lowered:
.L_overlay_start_2:
0x34: {  	(tag) =	ssettag $0x2  }
0x35: {  	s0 =	rddreg [dreg:$0x0];
	s2 =	stileid.u32  }
0x36: {  	s1 =	rddreg [dreg:$0x1];
	p0 =	sne.s32 s2, $0x0  }
0x37: {  	s3 =	rddreg [dreg:$0x2];
	[bflag:$0x3] =	sbarrier.arrive $0xFFFF;
	s2 =	simm.s32 @!p0 $0x1C01  }
0x38: {  	[timem:s3], [sflag:s2] =	dma.local @!p0 [hbm:s0], s1  }
0x39: {  	s0 =	simm.s32 @!p0 $0x1  }
0x3a: {  	_ =	swait.ge @!p0 [sflag:s0], s1  }
0x3b: {  	s1 =	ssub.s32 @!p0 $0x0, s1;
	[sflag:s0] =	ssyncset.done @!p0 $0x0  }
0x3c: {  	[sflag:s0] =	ssyncadd.s32 @!p0 s1  }
0x3d: {  	[bflag:$0x3] =	sbarrier.arrive $0xFFFF  }
0x3e: {  	_ =	shalt  }

// kernel: kernel.39.cloned.1.call-start
scs
__scs_entry_jumppad:
0x0: {  	(pc) =	sbr.rel $0x88, $3  }
0x1: {  	(tag) =	ssettag $0x0;
	lr =	simm.s32 $0x1  }
0x2: {  	[smem:$0x3F60] =	sst lr;
	_ =	strace $0xD0000000  }
0x3: {  	_ = 	snop  }
0x4: {  	_ = 	snop  }
0x5: {  	_ = 	snop  }
0x6: {  	_ = 	snop  }
0x7: {  	_ = 	snop  }
__scs_overlays_trampoline_lowered:
0x8: {  	[smem:$0x3F6F] =	sst s0  }
0x9: {  	[smem:$0x3F70] =	sst s1  }
0xa: {  	[smem:$0x3F71] =	sst s2  }
0xb: {  	[smem:$0x3F72] =	sst s3  }
0xc: {  	[smem:$0x3F73] =	sst s4  }
0xd: {  	[smem:$0x3F74] =	sst s5  }
0xe: {  	[smem:$0x3F75] =	sst s6  }
0xf: {  	[smem:$0x3F76] =	sst s7  }
0x10: {  	[smem:$0x3F77] =	sst s8  }
0x11: {  	[smem:$0x3F78] =	sst s9;
	s0 =	simm.s32 @!p0 $0x0  }
0x12: {  	s1 =	sld [smem:$0x3F5E];
	s0 =	simm.s32 @p0 $0x1  }
0x13: {  	[smem:$0x3F79] =	sst s0;
	s0 =	simm.s32 @!p1 $0x0  }
0x14: {  	s2 =	sld [smem:$0x3F5D];
	s0 =	simm.s32 @p1 $0x1  }
0x15: {  	[smem:$0x3F7A] =	sst s0;
	s0 =	simm.s32 @!p2 $0x0  }
0x16: {  	s3 =	sld [smem:$0x3FDB];
	s0 =	simm.s32 @p2 $0x1  }
0x17: {  	s4 =	simm.s32 $0x1BF5;
	[smem:$0x3F7C] =	sst s0  }
0x18: {  	s0 =	sld [smem:$0x3F5F];
	_ =	swait.ge [sflag:s4], $0x0  }
0x19: {  	s7 =	sld [smem:$0x3F60]  }
0x1a: {  	s8 =	sadd.s32 $0xFFFFE003, lr  }
0x1b: {  	s9 =	sadd.s32 $0xFFFFFEF7, lr;
	s5 =	simm.s32 $0xFFFFFFFF;
	p2 =	slt.u32 s8, $0xFFFFF086  }
0x1c: {  	p1 =	slt.u32 s9, $0xF7A;
	s5 =	simm.s32 @!p2 $0x0  }
0x1d: {  	s5 =	simm.s32 @p1 $0x1;
	p0 =	seq.s32 s7, s2  }
0x1e: {  	s7 =	smul.u32 @!p0 $0xF7A, s2;
	p2 =	seq.s32 @!p0 s5, $0x0  }
0x1f: {  	s9 =	smul.u32 $0xF7A, s1;
	s8 =	simm.s32 @!p0 $0x1BF5;
	p2 =	por !p2, p0  }
0x20: {  	[sflag:s8] =	ssyncset.s32 @!p0 $0xFFFFF086;
	s6 =	sadd.s32 @!p0 s3, s7;
	s7 =	simm.s32 @!p0 $0x108  }
0x21: {  	s3 =	sadd.s32 s3, s9;
	s6 =	sadd.s32 @!p0 $0x88, s6;
	s7 =	simm.s32 @p2 $0x1082  }
0x22: {  	[simem:s7], [sflag:s8] =	dma.local @!p0 [hbm:s6], $0xF7A  }
0x23: {  	s9 =	sor.u32 $0xD0000000, s2;
	s6 =	simm.s32 $0x108;
	_ =	swait.ge @!p0 [sflag:s8], $0x0  }
0x24: {  	s3 =	sadd.s32 $0x88, s3;
	s6 =	simm.s32 @!p1 $0x1082;
	[sflag:s4] =	ssyncset.s32 $0xFFFFF086  }
0x25: {  	[simem:s6], [sflag:s4] =	dma.local [hbm:s3], $0xF7A  }
0x26: {  	[smem:$0x3F60] =	sst s1;
	(tag) =	ssettag s2;
	_ =	strace s9  }
0x27: {  	s1 =	sld [smem:$0x3F70]  }
0x28: {  	s2 =	sld [smem:$0x3F71]  }
0x29: {  	s4 =	sld [smem:$0x3F73]  }
0x2a: {  	p0 =	seq.s32 s5, $0x0;
	s5 =	sld [smem:$0x3F74]  }
0x2b: {  	s6 =	sld [smem:$0x3F75]  }
0x2c: {  	s7 =	sld [smem:$0x3F76]  }
0x2d: {  	s3 =	simm.s32 $0x108;
	s8 =	sld [smem:$0x3F77]  }
0x2e: {  	s3 =	simm.s32 @!p0 $0x1082;
	s9 =	sld [smem:$0x3F78]  }
0x2f: {  	lr =	sadd.s32 s0, s3;
	s0 =	sld [smem:$0x3F6F]  }
0x30: {  	s3 =	sld [smem:$0x3F72]  }
0x31: {  	[smem:$0x3F7B] =	sst s10  }
0x32: {  	s10 =	sld [smem:$0x3F79];
	_ =	sdelay $0x3  }
0x33: {  	p0 =	seq.s32 s10, $0x1;
	s10 =	sld [smem:$0x3F7B];
	_ =	sdelay $0x3  }
0x34: {  	[smem:$0x3F7B] =	sst s10  }
0x35: {  	s10 =	sld [smem:$0x3F7A];
	_ =	sdelay $0x3  }
0x36: {  	p1 =	seq.s32 s10, $0x1;
	s10 =	sld [smem:$0x3F7B];
	_ =	sdelay $0x3  }
0x37: {  	[smem:$0x3F7B] =	sst s10  }
0x38: {  	s10 =	sld [smem:$0x3F7C]  }
0x39: {  	_ = 	snop;
	(pc) =	sbr.ind lr, $3  }
0x3a: {  	_ = 	snop  }
0x3b: {  	_ = 	snop  }
0x3c: {  	p2 =	seq.s32 s10, $0x1;
	s10 =	sld [smem:$0x3F7B]  }
0x3d: {  	_ =	shalt  }
0x3e: {  	_ =	shalt  }
0x3f: {  	_ =	shalt  }
0x40: {  	_ =	shalt  }
0x41: {  	_ =	shalt  }
0x42: {  	_ =	shalt  }
0x43: {  	_ =	shalt  }
0x44: {  	_ =	shalt  }
0x45: {  	_ =	shalt  }
0x46: {  	_ =	shalt  }
0x47: {  	_ =	shalt  }
0x48: {  	_ =	shalt  }
0x49: {  	_ =	shalt  }
0x4a: {  	_ =	shalt  }
0x4b: {  	_ =	shalt  }
0x4c: {  	_ =	shalt  }
0x4d: {  	_ =	shalt  }
0x4e: {  	_ =	shalt  }
0x4f: {  	_ =	shalt  }
0x50: {  	_ =	shalt  }
0x51: {  	_ =	shalt  }
0x52: {  	_ =	shalt  }
0x53: {  	_ =	shalt  }
0x54: {  	_ =	shalt  }
0x55: {  	_ =	shalt  }
0x56: {  	_ =	shalt  }
0x57: {  	_ =	shalt  }
0x58: {  	_ =	shalt  }
0x59: {  	_ =	shalt  }
0x5a: {  	_ =	shalt  }
0x5b: {  	_ =	shalt  }
0x5c: {  	_ =	shalt  }
0x5d: {  	_ =	shalt  }
0x5e: {  	_ =	shalt  }
0x5f: {  	_ =	shalt  }
0x60: {  	_ =	shalt  }
0x61: {  	_ =	shalt  }
0x62: {  	_ =	shalt  }
0x63: {  	_ =	shalt  }
0x64: {  	_ =	shalt  }
0x65: {  	_ =	shalt  }
0x66: {  	_ =	shalt  }
0x67: {  	_ =	shalt  }
0x68: {  	_ =	shalt  }
0x69: {  	_ =	shalt  }
0x6a: {  	_ =	shalt  }
0x6b: {  	_ =	shalt  }
0x6c: {  	_ =	shalt  }
0x6d: {  	_ =	shalt  }
0x6e: {  	_ =	shalt  }
0x6f: {  	_ =	shalt  }
0x70: {  	_ =	shalt  }
0x71: {  	_ =	shalt  }
0x72: {  	_ =	shalt  }
0x73: {  	_ =	shalt  }
0x74: {  	_ =	shalt  }
0x75: {  	_ =	shalt  }
0x76: {  	_ =	shalt  }
0x77: {  	_ =	shalt  }
0x78: {  	_ =	shalt  }
0x79: {  	_ =	shalt  }
0x7a: {  	_ =	shalt  }
0x7b: {  	_ =	shalt  }
0x7c: {  	_ =	shalt  }
0x7d: {  	_ =	shalt  }
0x7e: {  	_ =	shalt  }
0x7f: {  	_ =	shalt  }
0x80: {  	_ =	shalt  }
0x81: {  	_ =	shalt  }
0x82: {  	_ =	shalt  }
0x83: {  	_ =	shalt  }
0x84: {  	_ =	shalt  }
0x85: {  	_ =	shalt  }
0x86: {  	_ =	shalt  }
0x87: {  	_ =	shalt  }
.Lfunc_end0:
.L_simem_size_0:
called_computation.4_lowered:
.L_overlay_start_0:
0x88: {  	s2 =	sld [smem:$0x3FD9]  }
0x89: {  	s3 =	sld [smem:$0x3FFE];
	_ =	sdelay $0x1  }
0x8a: {  	s1 =	srdreg.scid  }
0x8b: {  	s0 =	sand.u32 $0x1, s1  }
0x8c: {  	s16 =	sshll.u32 s0, $0xA;
	s2 =	sadd.s32 s3, s2  }
0x8d: {  	s2 =	sadd.s32 s2, s16  }
0x8e: {  	[smem:$0x3F87] =	sst s2  }
0x8f: {  	_ = 	snop  }
0x90: {  	(tm) =	ssettm $0x1  }
0x91: {  	s17 =	sld [smem:$0x3FFB];
	_ =	sdelay $0x3  }
0x92: {  	_ =	strace s17  }
0x93: {  	s2 =	sld [smem:$0x3FFC];
	_ =	sdelay $0x3  }
0x94: {  	_ =	strace s2  }
0x95: {  	s2 =	sld [smem:$0x3FFD];
	_ =	sdelay $0x3  }
0x96: {  	_ =	strace s2  }
0x97: {  	_ =	strace $0x8FFFFFFF  }
0x98: {  	s18 =	sld [smem:$0x3FDB];
	_ =	sdelay $0x1  }
0x99: {  	s19 =	simm.s32 $_scs_section_size  }
0x9a: {  	s4 =	simm.s32 $_size__tile_overlayer_lowered;
	s5 =	simm.s32 $_tile_overlayer_lowered  }
0x9b: {  	s22 =	simm.s32 $0x1BFF;
	s21 =	sshll.u32 s5, $0x1;
	s2 =	sadd.s32 s19, s18  }
0x9c: {  	s6 =	simm.s32 $0x0;
	s20 =	sshll.u32 s4, $0x1;
	s4 =	sadd.s32 s21, s2  }
0x9d: {  	[timem:s6], [sflag:s22] =	dma.local [hbm:s4], s20  }
0x9e: {  	_ =	swait.ge [sflag:s22], s20  }
0x9f: {  	s3 =	ssub.s32 $0x0, s20;
	[sflag:s22] =	ssyncset.done $0x0  }
0xa0: {  	[sflag:s22] =	ssyncadd.s32 s3;
	_ =	sdelay $0x1  }
0xa1: {  	s23 =	simm.s32 $0x1B8B  }
0xa2: {  	_ =	swait.ge [sflag:s23], $0x1  }
0xa3: {  	[sflag:s23] =	ssyncset.done $0x0  }
0xa4: {  	s25 =	simm.s32 $0x1B8E;
	s24 =	sld [smem:$0x3FFE];
	[sflag:s23] =	ssyncadd.s32 $0xFFFFFFFF  }
0xa5: {  	s26 =	simm.s32 $execute0_lowered;
	[smem:$0x3FD2] =	sst s25  }
0xa6: {  	s4 =	sshll.u32 s26, $0x1;
	_ =	strace $0x80000052;
	[dreg:$0x1] =	wrdreg $0xFFFFFFFF  }
0xa7: {  	s28 =	simm.s32 $_size_execute0_lowered;
	s2 =	sadd.s32 s2, s4;
	[dreg:$0x0] =	wrdreg $0x0  }
0xa8: {  	s4 =	sshll.u32 s28, $0x1;
	[dreg:$0x2] =	wrdreg s2  }
0xa9: {  	[dreg:$0x3] =	wrdreg s4  }
0xaa: {  	[dreg:$0x4] =	wrdreg $0xC0  }
0xab: {  	_ =	task [dreg:s6], $0x5FFFF  }
0xac: {  	[dreg:$0x1] =	wrdreg $0xFFFFFFFF  }
0xad: {  	[dreg:$0x0] =	wrdreg $0x60  }
0xae: {  	[dreg:$0x2] =	wrdreg s24  }
0xaf: {  	[dreg:$0x3] =	wrdreg $0x9  }
0xb0: {  	_ =	task.clear_ibuf [dreg:s6], $0x4FFFF;
	_ =	strace $0x90000052  }
0xb1: {  	s29 =	simm.s32 $0x9;
	_ =	strace $0x80000054  }
0xb2: {  	_ =	swait.ge [sflag:s29], $0x1  }
0xb3: {  	[sflag:s29] =	ssyncadd.s32 $0xFFFFFFFF  }
0xb4: {  	_ =	strace $0x90000054  }
0xb5: {  	_ =	sfence  }
0xb6: {  	s30 =	sld [smem:$0x0];
	_ =	sdelay $0x2  }
0xb7: {  	s31 =	sshll.u32 s1, $0xD;
	s1 =	sshrl.u32 s1, $0x2  }
0xb8: {  	s3 =	sand.u32 $0x4000, s31;
	s1 =	sadd.s32 s1, s30  }
0xb9: {  	s0 =	sor.u32 s3, s0;
	s1 =	sshll.u32 s1, $0x11  }
0xba: {  	s0 =	sor.u32 s1, s0  }
0xbb: {  	s0 =	sadd.s32 $0x8F2B, s0  }
0xbc: {  	[sflag:s0] =	ssyncadd.remote.s32 $0x1  }
0xbd: {  	_ =	sfence.sel $0xFFFF  }
0xbe: {  	[dreg:$0x0] =	wrdreg $0xFFFFFFFF;
	(pc) =	sbr.abs _section_cstart, $3  }
0xbf: {  	[dreg:$0x1] =	wrdreg $0xFFFFFFFF  }
0xc0: {  	_ =	task.clear_ibuf [dreg:s6], $0x2FFFF;
	_ =	strace $0x9FFFFFFF  }
0xc1: {  	(tm) =	ssettm $0x7FFFFFFF  }
tec
execute0_lowered:
.L_overlay_start_1:
0x0: {  	(tag) =	ssettag $0x1  }
0x1: {  	s1 =	srdreg.scid  }
0x2: {  	s0 =	stileid.u32;
	s5 =	rddreg [dreg:$0x0];
	s2 =	simm.s32 $0x0  }
0x3: {  	s11 =	simm.s32 $0x2C00;
	s12 =	simm.s32 $0x80;
	s13 =	simm.s32 $0x5800  }
0x4: {  	s14 =	simm.s32 $0x9800;
	s15 =	simm.s32 $0x1;
	s16 =	simm.s32 $0x2  }
0x5: {  	s17 =	simm.s32 $0x0;
	s6 =	sand.u32 $0x1, s1;
	s1 =	rddreg [dreg:$0x1]  }
0x6: {  	s3 =	sshll.u32 s0, $0x1;
	[smem:$0x7FF] =	sst s2;
	s8 =	smul.u32 $0x51000, s0  }
0x7: {  	s3 =	sor.u32 s6, s3;
	s9 =	ssub.s32 $0x2, s6;
	s6 =	smul.u32 $0x28800, s6  }
0x8: {  	s4 =	sadd.s32 $0x50600, s5;
	_ =	strace $0x80000053;
	s7 =	smul.u32 $0x580, s3  }
0x9: {  	s3 =	sadd.s32 $0x29400, s5;
	s8 =	sadd.s32 s8, s5;
	s31 =	sshrl.u32 s9, $0x1  }
0xa: {  	s9 =	ssub.s32 s9, s31;
	s10 =	sadd.s32 s6, s8;
	s7 =	sadd.s32 s7, s5  }
0xb: {  	s8 =	sadd.s32 $0x189600, s10;
	s5 =	sadd.s32 $0x13400, s7;
	s6 =	sadd.s32 $0x1E400, s7  }
0xc: {  	s7 =	smax.u32 s9, $0x1;
	s9 =	sadd.s32 $0x699600, s10;
	s10 =	simm.s32 $0x3  }
.LBB2_1:
0xd: {  	[tilespmem:s2], [sflag:$0x3] =	stream.linear.gather [hbm4b:s5+s2], $0x2880, $0x38;
	[tilespmem:$0xD800] =	vst v63  }
0xe: {  	_ =	swait.ge [sflag:s10], $0x2880  }
0xf: {  	[sflag:s10] =	ssyncset.done $0x0  }
0x10: {  	[sflag:s10] =	ssyncadd.s32 $0xFFFFD780  }
0x11: {  	[tilespmem:s11], [sflag:$0x3] =	stream.linear.gather [hbm4b:s6+s2], $0x2880, $0x38;
	[tilespmem:$0xD800] =	vst v63  }
0x12: {  	_ =	swait.ge [sflag:s10], $0x2880  }
0x13: {  	[sflag:s10] =	ssyncset.done $0x0  }
0x14: {  	s18 =	simm.s32 $0x0;
	[sflag:s10] =	ssyncadd.s32 $0xFFFFD780  }
0x15: {  	[tilespmem:s13], [sflag:$0x1] =	stream.indirect.gather [hbm4b:s3+s12], $0x80, s18, s12, $0xb8;
	[tilespmem:$0xD800] =	vst v63  }
0x16: {  	s31 =	simm.s32 $0x2C00  }
0x17: {  	[tilespmem:s14], [sflag:$0x2] =	stream.indirect.gather [hbm4b:s4+s12], $0x80, s31, s12, $0xb8;
	[tilespmem:$0xD800] =	vst v63  }
0x18: {  	_ =	swait.ge [sflag:s15], $0x4000  }
0x19: {  	[sflag:s15] =	ssyncset.done $0x0  }
0x1a: {  	[sflag:s15] =	ssyncadd.s32 $0xFFFFC000  }
0x1b: {  	_ =	swait.ge [sflag:s16], $0x4000  }
0x1c: {  	[sflag:s16] =	ssyncset.done $0x0  }
0x1d: {  	[sflag:s16] =	ssyncadd.s32 $0xFFFFC000  }
0x1e: {  	[hbm4b:s8+s2] =	stream.linear.scatter [tilespmem:s13], [sflag:$0x3], $0x4000, $0x38;
	[tilespmem:$0xD800] =	vst v63  }
0x1f: {  	_ =	swait.ge [sflag:s10], $0x4000  }
0x20: {  	[sflag:s10] =	ssyncset.done $0x0  }
0x21: {  	[sflag:s10] =	ssyncadd.s32 $0xFFFFC000  }
0x22: {  	[hbm4b:s9+s2] =	stream.linear.scatter [tilespmem:s14], [sflag:$0x3], $0x4000, $0x38;
	[tilespmem:$0xD800] =	vst v63  }
0x23: {  	s20 =	simm.s32 $0x200;
	s21 =	simm.s32 $0x400;
	_ =	swait.ge [sflag:s10], $0x4000  }
0x24: {  	s19 =	sadd.s32 $0x800, s8;
	s18 =	sadd.s32 $0x800, s9;
	[sflag:s10] =	ssyncset.done $0x0  }
.LBB2_2:
0x25: {  	s22 =	sshra.s32 s20, $0x2  }
0x26: {  	[sflag:s10] =	ssyncadd.s32 $0xFFFFC000;
	s20 =	smov.u32 s21;
	s23 =	sadd.s32 $0x200, s21  }
0x27: {  	[tilespmem:s13], [sflag:$0x1] =	stream.indirect.gather [hbm4b:s3+s12], $0x80, s22, s12, $0xb8;
	[tilespmem:$0xD800] =	vst v63  }
0x28: {  	p0 =	sne.s32 s21, $0xA000;
	s21 =	sadd.s32 $0x2C00, s22  }
0x29: {  	[tilespmem:s14], [sflag:$0x2] =	stream.indirect.gather [hbm4b:s4+s12], $0x80, s21, s12, $0xb8;
	[tilespmem:$0xD800] =	vst v63  }
0x2a: {  	_ =	swait.ge [sflag:s15], $0x4000  }
0x2b: {  	[sflag:s15] =	ssyncset.done $0x0  }
0x2c: {  	[sflag:s15] =	ssyncadd.s32 $0xFFFFC000  }
0x2d: {  	_ =	swait.ge [sflag:s16], $0x4000  }
0x2e: {  	[sflag:s16] =	ssyncset.done $0x0  }
0x2f: {  	[sflag:s16] =	ssyncadd.s32 $0xFFFFC000  }
0x30: {  	[hbm4b:s19+s2] =	stream.linear.scatter [tilespmem:s13], [sflag:$0x3], $0x4000, $0x38;
	[tilespmem:$0xD800] =	vst v63  }
0x31: {  	_ =	swait.ge [sflag:s10], $0x4000  }
.Ltmp0:
0x32: {  	[sflag:s10] =	ssyncset.done $0x0;
	(pc) =	sbr.rel @p0 .LBB2_2-.Ltmp0, $4  }
0x33: {  	[sflag:s10] =	ssyncadd.s32 $0xFFFFC000  }
0x34: {  	[hbm4b:s18+s2] =	stream.linear.scatter [tilespmem:s14], [sflag:$0x3], $0x4000, $0x38;
	[tilespmem:$0xD800] =	vst v63  }
0x35: {  	s21 =	smov.u32 s23;
	_ =	swait.ge [sflag:s10], $0x4000  }
0x36: {  	s19 =	sadd.s32 $0x800, s19;
	s18 =	sadd.s32 $0x800, s18;
	[sflag:s10] =	ssyncset.done $0x0  }
0x37: {  	s20 =	sshra.s32 s20, $0x2;
	[sflag:s10] =	ssyncadd.s32 $0xFFFFC000  }
0x38: {  	[tilespmem:s13], [sflag:$0x1] =	stream.indirect.gather [hbm4b:s3+s12], $0x80, s20, s12, $0xb8;
	[tilespmem:$0xD800] =	vst v63  }
0x39: {  	s20 =	sadd.s32 $0x2C00, s20  }
0x3a: {  	[tilespmem:s14], [sflag:$0x2] =	stream.indirect.gather [hbm4b:s4+s12], $0x80, s20, s12, $0xb8;
	[tilespmem:$0xD800] =	vst v63  }
0x3b: {  	_ =	swait.ge [sflag:s15], $0x4000  }
0x3c: {  	[sflag:s15] =	ssyncset.done $0x0  }
0x3d: {  	[sflag:s15] =	ssyncadd.s32 $0xFFFFC000  }
0x3e: {  	_ =	swait.ge [sflag:s16], $0x4000  }
0x3f: {  	[sflag:s16] =	ssyncset.done $0x0  }
0x40: {  	[sflag:s16] =	ssyncadd.s32 $0xFFFFC000  }
0x41: {  	[hbm4b:s19+s2] =	stream.linear.scatter [tilespmem:s13], [sflag:$0x3], $0x4000, $0x38;
	[tilespmem:$0xD800] =	vst v63  }
0x42: {  	s17 =	sadd.s32 $0x1, s17;
	_ =	swait.ge [sflag:s10], $0x4000  }
0x43: {  	p0 =	sne.s32 s17, s7;
	[sflag:s10] =	ssyncset.done $0x0  }
.Ltmp1:
0x44: {  	[sflag:s10] =	ssyncadd.s32 $0xFFFFC000;
	(pc) =	sbr.rel @p0 .LBB2_1-.Ltmp1, $4  }
0x45: {  	[hbm4b:s18+s2] =	stream.linear.scatter [tilespmem:s14], [sflag:$0x3], $0x4000, $0x38;
	[tilespmem:$0xD800] =	vst v63  }
0x46: {  	_ =	swait.ge [sflag:s10], $0x4000  }
0x47: {  	[sflag:s10] =	ssyncset.done $0x0  }
0x48: {  	[sflag:s10] =	ssyncadd.s32 $0xFFFFC000  }
0x49: {  	_ =	sfence.sel $0x180000  }
0x4a: {  	[bflag:$0x0] =	sbarrier.arrive $0xFFFF  }
0x4b: {  	p0 =	sne.s32 s0, $0x0;
	_ =	strace $0x90000053  }
0x4c: {  	s0 =	sadd.s32 @!p0 $0x100000, s1;
	[bflag:$0x2] =	sbarrier.arrive $0xFFFF  }
0x4d: {  	[sflag:s0] =	ssyncadd.tile.s32 @!p0 $0x1;
	_ =	shalt  }
.Lfunc_end2:
_tile_overlayer_lowered:
.L_overlay_start_2:
0x4e: {  	(tag) =	ssettag $0x2  }
0x4f: {  	s0 =	rddreg [dreg:$0x0];
	s2 =	stileid.u32  }
0x50: {  	s1 =	rddreg [dreg:$0x1];
	p0 =	sne.s32 s2, $0x0  }
0x51: {  	s3 =	rddreg [dreg:$0x2];
	[bflag:$0x3] =	sbarrier.arrive $0xFFFF;
	s2 =	simm.s32 @!p0 $0x1C03  }
0x52: {  	[timem:s3], [sflag:s2] =	dma.local @!p0 [hbm:s0], s1  }
0x53: {  	s0 =	simm.s32 @!p0 $0x3  }
0x54: {  	_ =	swait.ge @!p0 [sflag:s0], s1  }
0x55: {  	s1 =	ssub.s32 @!p0 $0x0, s1;
	[sflag:s0] =	ssyncset.done @!p0 $0x0  }
0x56: {  	[sflag:s0] =	ssyncadd.s32 @!p0 s1  }
0x57: {  	[bflag:$0x3] =	sbarrier.arrive $0xFFFF  }
0x58: {  	_ =	shalt  }

// kernel: kernel.42.cloned.1.call-start
scs
__scs_entry_jumppad:
0x0: {  	(pc) =	sbr.rel $0x88, $3  }
0x1: {  	(tag) =	ssettag $0x0;
	lr =	simm.s32 $0x1  }
0x2: {  	[smem:$0x3F60] =	sst lr;
	_ =	strace $0xD0000000  }
0x3: {  	_ = 	snop  }
0x4: {  	_ = 	snop  }
0x5: {  	_ = 	snop  }
0x6: {  	_ = 	snop  }
0x7: {  	_ = 	snop  }
__scs_overlays_trampoline_lowered:
0x8: {  	[smem:$0x3F6F] =	sst s0  }
0x9: {  	[smem:$0x3F70] =	sst s1  }
0xa: {  	[smem:$0x3F71] =	sst s2  }
0xb: {  	[smem:$0x3F72] =	sst s3  }
0xc: {  	[smem:$0x3F73] =	sst s4  }
0xd: {  	[smem:$0x3F74] =	sst s5  }
0xe: {  	[smem:$0x3F75] =	sst s6  }
0xf: {  	[smem:$0x3F76] =	sst s7  }
0x10: {  	[smem:$0x3F77] =	sst s8  }
0x11: {  	[smem:$0x3F78] =	sst s9;
	s0 =	simm.s32 @!p0 $0x0  }
0x12: {  	s1 =	sld [smem:$0x3F5E];
	s0 =	simm.s32 @p0 $0x1  }
0x13: {  	[smem:$0x3F79] =	sst s0;
	s0 =	simm.s32 @!p1 $0x0  }
0x14: {  	s2 =	sld [smem:$0x3F5D];
	s0 =	simm.s32 @p1 $0x1  }
0x15: {  	[smem:$0x3F7A] =	sst s0;
	s0 =	simm.s32 @!p2 $0x0  }
0x16: {  	s3 =	sld [smem:$0x3FDB];
	s0 =	simm.s32 @p2 $0x1  }
0x17: {  	s4 =	simm.s32 $0x1BF5;
	[smem:$0x3F7C] =	sst s0  }
0x18: {  	s0 =	sld [smem:$0x3F5F];
	_ =	swait.ge [sflag:s4], $0x0  }
0x19: {  	s7 =	sld [smem:$0x3F60]  }
0x1a: {  	s8 =	sadd.s32 $0xFFFFE003, lr  }
0x1b: {  	s9 =	sadd.s32 $0xFFFFFEF7, lr;
	s5 =	simm.s32 $0xFFFFFFFF;
	p2 =	slt.u32 s8, $0xFFFFF086  }
0x1c: {  	p1 =	slt.u32 s9, $0xF7A;
	s5 =	simm.s32 @!p2 $0x0  }
0x1d: {  	s5 =	simm.s32 @p1 $0x1;
	p0 =	seq.s32 s7, s2  }
0x1e: {  	s7 =	smul.u32 @!p0 $0xF7A, s2;
	p2 =	seq.s32 @!p0 s5, $0x0  }
0x1f: {  	s9 =	smul.u32 $0xF7A, s1;
	s8 =	simm.s32 @!p0 $0x1BF5;
	p2 =	por !p2, p0  }
0x20: {  	[sflag:s8] =	ssyncset.s32 @!p0 $0xFFFFF086;
	s6 =	sadd.s32 @!p0 s3, s7;
	s7 =	simm.s32 @!p0 $0x108  }
0x21: {  	s3 =	sadd.s32 s3, s9;
	s6 =	sadd.s32 @!p0 $0x88, s6;
	s7 =	simm.s32 @p2 $0x1082  }
0x22: {  	[simem:s7], [sflag:s8] =	dma.local @!p0 [hbm:s6], $0xF7A  }
0x23: {  	s9 =	sor.u32 $0xD0000000, s2;
	s6 =	simm.s32 $0x108;
	_ =	swait.ge @!p0 [sflag:s8], $0x0  }
0x24: {  	s3 =	sadd.s32 $0x88, s3;
	s6 =	simm.s32 @!p1 $0x1082;
	[sflag:s4] =	ssyncset.s32 $0xFFFFF086  }
0x25: {  	[simem:s6], [sflag:s4] =	dma.local [hbm:s3], $0xF7A  }
0x26: {  	[smem:$0x3F60] =	sst s1;
	(tag) =	ssettag s2;
	_ =	strace s9  }
0x27: {  	s1 =	sld [smem:$0x3F70]  }
0x28: {  	s2 =	sld [smem:$0x3F71]  }
0x29: {  	s4 =	sld [smem:$0x3F73]  }
0x2a: {  	p0 =	seq.s32 s5, $0x0;
	s5 =	sld [smem:$0x3F74]  }
0x2b: {  	s6 =	sld [smem:$0x3F75]  }
0x2c: {  	s7 =	sld [smem:$0x3F76]  }
0x2d: {  	s3 =	simm.s32 $0x108;
	s8 =	sld [smem:$0x3F77]  }
0x2e: {  	s3 =	simm.s32 @!p0 $0x1082;
	s9 =	sld [smem:$0x3F78]  }
0x2f: {  	lr =	sadd.s32 s0, s3;
	s0 =	sld [smem:$0x3F6F]  }
0x30: {  	s3 =	sld [smem:$0x3F72]  }
0x31: {  	[smem:$0x3F7B] =	sst s10  }
0x32: {  	s10 =	sld [smem:$0x3F79];
	_ =	sdelay $0x3  }
0x33: {  	p0 =	seq.s32 s10, $0x1;
	s10 =	sld [smem:$0x3F7B];
	_ =	sdelay $0x3  }
0x34: {  	[smem:$0x3F7B] =	sst s10  }
0x35: {  	s10 =	sld [smem:$0x3F7A];
	_ =	sdelay $0x3  }
0x36: {  	p1 =	seq.s32 s10, $0x1;
	s10 =	sld [smem:$0x3F7B];
	_ =	sdelay $0x3  }
0x37: {  	[smem:$0x3F7B] =	sst s10  }
0x38: {  	s10 =	sld [smem:$0x3F7C]  }
0x39: {  	_ = 	snop;
	(pc) =	sbr.ind lr, $3  }
0x3a: {  	_ = 	snop  }
0x3b: {  	_ = 	snop  }
0x3c: {  	p2 =	seq.s32 s10, $0x1;
	s10 =	sld [smem:$0x3F7B]  }
0x3d: {  	_ =	shalt  }
0x3e: {  	_ =	shalt  }
0x3f: {  	_ =	shalt  }
0x40: {  	_ =	shalt  }
0x41: {  	_ =	shalt  }
0x42: {  	_ =	shalt  }
0x43: {  	_ =	shalt  }
0x44: {  	_ =	shalt  }
0x45: {  	_ =	shalt  }
0x46: {  	_ =	shalt  }
0x47: {  	_ =	shalt  }
0x48: {  	_ =	shalt  }
0x49: {  	_ =	shalt  }
0x4a: {  	_ =	shalt  }
0x4b: {  	_ =	shalt  }
0x4c: {  	_ =	shalt  }
0x4d: {  	_ =	shalt  }
0x4e: {  	_ =	shalt  }
0x4f: {  	_ =	shalt  }
0x50: {  	_ =	shalt  }
0x51: {  	_ =	shalt  }
0x52: {  	_ =	shalt  }
0x53: {  	_ =	shalt  }
0x54: {  	_ =	shalt  }
0x55: {  	_ =	shalt  }
0x56: {  	_ =	shalt  }
0x57: {  	_ =	shalt  }
0x58: {  	_ =	shalt  }
0x59: {  	_ =	shalt  }
0x5a: {  	_ =	shalt  }
0x5b: {  	_ =	shalt  }
0x5c: {  	_ =	shalt  }
0x5d: {  	_ =	shalt  }
0x5e: {  	_ =	shalt  }
0x5f: {  	_ =	shalt  }
0x60: {  	_ =	shalt  }
0x61: {  	_ =	shalt  }
0x62: {  	_ =	shalt  }
0x63: {  	_ =	shalt  }
0x64: {  	_ =	shalt  }
0x65: {  	_ =	shalt  }
0x66: {  	_ =	shalt  }
0x67: {  	_ =	shalt  }
0x68: {  	_ =	shalt  }
0x69: {  	_ =	shalt  }
0x6a: {  	_ =	shalt  }
0x6b: {  	_ =	shalt  }
0x6c: {  	_ =	shalt  }
0x6d: {  	_ =	shalt  }
0x6e: {  	_ =	shalt  }
0x6f: {  	_ =	shalt  }
0x70: {  	_ =	shalt  }
0x71: {  	_ =	shalt  }
0x72: {  	_ =	shalt  }
0x73: {  	_ =	shalt  }
0x74: {  	_ =	shalt  }
0x75: {  	_ =	shalt  }
0x76: {  	_ =	shalt  }
0x77: {  	_ =	shalt  }
0x78: {  	_ =	shalt  }
0x79: {  	_ =	shalt  }
0x7a: {  	_ =	shalt  }
0x7b: {  	_ =	shalt  }
0x7c: {  	_ =	shalt  }
0x7d: {  	_ =	shalt  }
0x7e: {  	_ =	shalt  }
0x7f: {  	_ =	shalt  }
0x80: {  	_ =	shalt  }
0x81: {  	_ =	shalt  }
0x82: {  	_ =	shalt  }
0x83: {  	_ =	shalt  }
0x84: {  	_ =	shalt  }
0x85: {  	_ =	shalt  }
0x86: {  	_ =	shalt  }
0x87: {  	_ =	shalt  }
.Lfunc_end0:
.L_simem_size_0:
called_computation.5_lowered:
.L_overlay_start_0:
0x88: {  	s2 =	sld [smem:$0x3FD9]  }
0x89: {  	s3 =	sld [smem:$0x3FFE];
	_ =	sdelay $0x1  }
0x8a: {  	s1 =	srdreg.scid  }
0x8b: {  	s0 =	sand.u32 $0x1, s1  }
0x8c: {  	s16 =	sshll.u32 s0, $0xA;
	s2 =	sadd.s32 s3, s2  }
0x8d: {  	s2 =	sadd.s32 s2, s16  }
0x8e: {  	[smem:$0x3F87] =	sst s2  }
0x8f: {  	_ = 	snop  }
0x90: {  	(tm) =	ssettm $0x1  }
0x91: {  	s17 =	sld [smem:$0x3FFB];
	_ =	sdelay $0x3  }
0x92: {  	_ =	strace s17  }
0x93: {  	s2 =	sld [smem:$0x3FFC];
	_ =	sdelay $0x3  }
0x94: {  	_ =	strace s2  }
0x95: {  	s2 =	sld [smem:$0x3FFD];
	_ =	sdelay $0x3  }
0x96: {  	_ =	strace s2  }
0x97: {  	_ =	strace $0x8FFFFFFF  }
0x98: {  	s18 =	sld [smem:$0x3FDB];
	_ =	sdelay $0x1  }
0x99: {  	s19 =	simm.s32 $_scs_section_size  }
0x9a: {  	s4 =	simm.s32 $_size__tile_overlayer_lowered;
	s5 =	simm.s32 $_tile_overlayer_lowered  }
0x9b: {  	s22 =	simm.s32 $0x1BFF;
	s21 =	sshll.u32 s5, $0x1;
	s2 =	sadd.s32 s19, s18  }
0x9c: {  	s6 =	simm.s32 $0x0;
	s20 =	sshll.u32 s4, $0x1;
	s4 =	sadd.s32 s21, s2  }
0x9d: {  	[timem:s6], [sflag:s22] =	dma.local [hbm:s4], s20  }
0x9e: {  	_ =	swait.ge [sflag:s22], s20  }
0x9f: {  	s3 =	ssub.s32 $0x0, s20;
	[sflag:s22] =	ssyncset.done $0x0  }
0xa0: {  	[sflag:s22] =	ssyncadd.s32 s3;
	_ =	sdelay $0x1  }
0xa1: {  	s23 =	simm.s32 $0x1B8B  }
0xa2: {  	_ =	swait.ge [sflag:s23], $0x1  }
0xa3: {  	[sflag:s23] =	ssyncset.done $0x0  }
0xa4: {  	s25 =	simm.s32 $0x1B8E;
	s24 =	sld [smem:$0x3FFE];
	[sflag:s23] =	ssyncadd.s32 $0xFFFFFFFF  }
0xa5: {  	s26 =	simm.s32 $execute0_lowered;
	[smem:$0x3FD2] =	sst s25  }
0xa6: {  	s4 =	sshll.u32 s26, $0x1;
	_ =	strace $0x80000055;
	[dreg:$0x1] =	wrdreg $0xFFFFFFFF  }
0xa7: {  	s28 =	simm.s32 $_size_execute0_lowered;
	s2 =	sadd.s32 s2, s4;
	[dreg:$0x0] =	wrdreg $0x0  }
0xa8: {  	s4 =	sshll.u32 s28, $0x1;
	[dreg:$0x2] =	wrdreg s2  }
0xa9: {  	[dreg:$0x3] =	wrdreg s4  }
0xaa: {  	[dreg:$0x4] =	wrdreg $0xC0  }
0xab: {  	_ =	task [dreg:s6], $0x5FFFF  }
0xac: {  	[dreg:$0x1] =	wrdreg $0xFFFFFFFF  }
0xad: {  	[dreg:$0x0] =	wrdreg $0x60  }
0xae: {  	[dreg:$0x2] =	wrdreg s24  }
0xaf: {  	[dreg:$0x3] =	wrdreg $0x6C000  }
0xb0: {  	[dreg:$0x4] =	wrdreg $0x9  }
0xb1: {  	_ =	task.clear_ibuf [dreg:s6], $0x5FFFF;
	_ =	strace $0x90000055  }
0xb2: {  	s29 =	simm.s32 $0x9;
	_ =	strace $0x80000057  }
0xb3: {  	_ =	swait.ge [sflag:s29], $0x1  }
0xb4: {  	[sflag:s29] =	ssyncadd.s32 $0xFFFFFFFF  }
0xb5: {  	_ =	strace $0x90000057  }
0xb6: {  	_ =	sfence  }
0xb7: {  	s30 =	sld [smem:$0x0];
	_ =	sdelay $0x2  }
0xb8: {  	s31 =	sshll.u32 s1, $0xD;
	s1 =	sshrl.u32 s1, $0x2  }
0xb9: {  	s3 =	sand.u32 $0x4000, s31;
	s1 =	sadd.s32 s1, s30  }
0xba: {  	s0 =	sor.u32 s3, s0;
	s1 =	sshll.u32 s1, $0x11  }
0xbb: {  	s0 =	sor.u32 s1, s0  }
0xbc: {  	s0 =	sadd.s32 $0x8F2B, s0  }
0xbd: {  	[sflag:s0] =	ssyncadd.remote.s32 $0x1  }
0xbe: {  	_ =	sfence.sel $0xFFFF  }
0xbf: {  	[dreg:$0x0] =	wrdreg $0xFFFFFFFF;
	(pc) =	sbr.abs _section_cstart, $3  }
0xc0: {  	[dreg:$0x1] =	wrdreg $0xFFFFFFFF  }
0xc1: {  	_ =	task.clear_ibuf [dreg:s6], $0x2FFFF;
	_ =	strace $0x9FFFFFFF  }
0xc2: {  	(tm) =	ssettm $0x7FFFFFFF  }
0xc3: {  	_ =	shalt  }
tec
execute0_lowered:
.L_overlay_start_1:
0x0: {  	(tag) =	ssettag $0x1  }
0x1: {  	s0 =	srdreg.scid;
	s5 =	rddreg [dreg:$0x0]  }
0x2: {  	s2 =	rddreg [dreg:$0x1];
	s4 =	sand.u32 $0x1, s0  }
0x3: {  	s0 =	stileid.u32;
	s6 =	smul.u32 $0x288000, s4  }
0x4: {  	s3 =	simm.s32 $0x0;
	s13 =	simm.s32 $0x80;
	s8 =	smul.u32 $0x13C00, s0  }
0x5: {  	s14 =	simm.s32 $0x0;
	[smem:$0x7FF] =	sst s3;
	s9 =	smul.u32 $0x13C000, s4  }
0x6: {  	s1 =	sshll.u32 s4, $0x4;
	s4 =	ssub.s32 $0x2, s4;
	s28 =	smul.u32 $0x4F000, s0  }
0x7: {  	s30 =	sshll.u32 s0, $0x6;
	s31 =	smul.u32 $0x28800, s0;
	s7 =	sor.u32 s0, s1  }
0x8: {  	s1 =	rddreg [dreg:$0x2];
	_ =	strace $0x80000056;
	s11 =	sshrl.u32 s4, $0x1  }
0x9: {  	s7 =	smul.u32 $0x580, s7;
	s10 =	sadd.s32 s6, s5;
	s26 =	sshrl.u32 s8, $0x3  }
0xa: {  	s8 =	sadd.s32 s8, s9;
	s11 =	ssub.s32 s4, s11;
	s29 =	sshrl.u32 s28, $0x2  }
0xb: {  	s8 =	sshrl.u32 s8, $0x3;
	s12 =	sadd.s32 s29, s2;
	s9 =	sadd.s32 s31, s10  }
0xc: {  	s25 =	sadd.s32 s7, s5;
	s7 =	sadd.s32 s26, s5;
	s8 =	sadd.s32 s8, s5  }
0xd: {  	s5 =	sor.u32 $0x1C01, s30;
	s9 =	sadd.s32 $0x1525E00, s9;
	s10 =	sshrl.u32 s12, $0x3  }
0xe: {  	s12 =	simm.s32 $0x2C00;
	s4 =	sadd.s32 $0x9E800, s7;
	s6 =	sadd.s32 $0x13400, s25  }
0xf: {  	s7 =	sadd.s32 $0x29400, s8;
	s8 =	smax.u32 s11, $0x1;
	s11 =	simm.s32 $0x1  }
.LBB2_1:
0x10: {  	[spmem:s10], [sflag:s5] =	dma.local [hbm:s4], $0x2780  }
0x11: {  	_ =	swait.ge [sflag:s11], $0x2780  }
0x12: {  	[sflag:s11] =	ssyncset.done $0x0  }
0x13: {  	[sflag:s11] =	ssyncadd.s32 $0xFFFFD880  }
0x14: {  	[bflag:$0x0] =	sbarrier.arrive $0xFFFF  }
0x15: {  	[tilespmem:s3], [sflag:$0x1] =	stream.linear.gather [hbm4b:s6+s3], $0x2880, $0x38;
	[tilespmem:$0x1A800] =	vst v63  }
0x16: {  	_ =	swait.ge [sflag:s11], $0x2880  }
0x17: {  	[sflag:s11] =	ssyncset.done $0x0  }
0x18: {  	[sflag:s11] =	ssyncadd.s32 $0xFFFFD780  }
0x19: {  	[tilespmem:s12], [sflag:$0x1] =	stream.linear.gather [hbm4b:s9+s3], $0x4000, $0x38;
	[tilespmem:$0x1A800] =	vst v63  }
0x1a: {  	_ =	swait.ge [sflag:s11], $0x4000  }
0x1b: {  	[sflag:s11] =	ssyncset.done $0x0  }
0x1c: {  	s15 =	simm.s32 $0x0;
	[sflag:s11] =	ssyncadd.s32 $0xFFFFC000  }
0x1d: {  	[spmem:s2] =	stream.indirect.scatter.add.f32 [tilespmem:s12], [sflag:$0x1], $0x80, s15, s13, $0xb8;
	[tilespmem:$0x1A800] =	vst v63  }
0x1e: {  	_ =	swait.ge [sflag:s11], $0x4000  }
0x1f: {  	s16 =	smov.u32 s9;
	s15 =	simm.s32 $0x200;
	[sflag:s11] =	ssyncset.done $0x0  }
.LBB2_2:
0x20: {  	p0 =	sne.s32 s15, $0xA000;
	[sflag:s11] =	ssyncadd.s32 $0xFFFFC000;
	s16 =	sadd.s32 $0x800, s16  }
0x21: {  	[tilespmem:s12], [sflag:$0x1] =	stream.linear.gather [hbm4b:s16+s3], $0x4000, $0x38;
	[tilespmem:$0x1A800] =	vst v63  }
0x22: {  	s17 =	smov.u32 s15;
	s15 =	sadd.s32 $0x200, s15;
	_ =	swait.ge [sflag:s11], $0x4000  }
.Ltmp0:
0x23: {  	[sflag:s11] =	ssyncset.done $0x0;
	(pc) =	sbr.rel @p0 .LBB2_2-.Ltmp0, $4  }
0x24: {  	s17 =	sshra.s32 s17, $0x2;
	[sflag:s11] =	ssyncadd.s32 $0xFFFFC000  }
0x25: {  	[spmem:s2] =	stream.indirect.scatter.add.f32 [tilespmem:s12], [sflag:$0x1], $0x80, s17, s13, $0xb8;
	[tilespmem:$0x1A800] =	vst v63  }
0x26: {  	_ =	swait.ge [sflag:s11], $0x4000  }
0x27: {  	[sflag:s11] =	ssyncset.done $0x0  }
0x28: {  	s14 =	sadd.s32 $0x1, s14  }
0x29: {  	[sflag:s11] =	ssyncadd.s32 $0xFFFFC000;
	p0 =	sne.s32 s14, s8  }
.Ltmp1:
0x2a: {  	[bflag:$0x0] =	sbarrier.arrive $0xFFFF;
	(pc) =	sbr.rel @p0 .LBB2_1-.Ltmp1, $4  }
0x2b: {  	[hbm:s7], [sflag:s5] =	dma.local [spmem:s10], $0x2780  }
0x2c: {  	_ =	swait.ge [sflag:s11], $0x2780  }
0x2d: {  	[sflag:s11] =	ssyncset.done $0x0  }
0x2e: {  	[sflag:s11] =	ssyncadd.s32 $0xFFFFD880  }
0x2f: {  	_ =	sfence.sel $0x180000  }
0x30: {  	[bflag:$0x0] =	sbarrier.arrive $0xFFFF  }
0x31: {  	p0 =	sne.s32 s0, $0x0;
	_ =	strace $0x90000056  }
0x32: {  	s0 =	sadd.s32 @!p0 $0x100000, s1;
	[bflag:$0x2] =	sbarrier.arrive $0xFFFF  }
0x33: {  	[sflag:s0] =	ssyncadd.tile.s32 @!p0 $0x1;
	_ =	shalt  }
.Lfunc_end2:
_tile_overlayer_lowered:
.L_overlay_start_2:
0x34: {  	(tag) =	ssettag $0x2  }
0x35: {  	s0 =	rddreg [dreg:$0x0];
	s2 =	stileid.u32  }
0x36: {  	s1 =	rddreg [dreg:$0x1];
	p0 =	sne.s32 s2, $0x0  }
0x37: {  	s3 =	rddreg [dreg:$0x2];
	[bflag:$0x3] =	sbarrier.arrive $0xFFFF;
	s2 =	simm.s32 @!p0 $0x1C01  }
0x38: {  	[timem:s3], [sflag:s2] =	dma.local @!p0 [hbm:s0], s1  }
0x39: {  	s0 =	simm.s32 @!p0 $0x1  }
0x3a: {  	_ =	swait.ge @!p0 [sflag:s0], s1  }
0x3b: {  	s1 =	ssub.s32 @!p0 $0x0, s1;
	[sflag:s0] =	ssyncset.done @!p0 $0x0  }
0x3c: {  	[sflag:s0] =	ssyncadd.s32 @!p0 s1  }
0x3d: {  	[bflag:$0x3] =	sbarrier.arrive $0xFFFF  }
0x3e: {  	_ =	shalt  }

// kernel: kernel.45.cloned.1.call-start
scs
__scs_entry_jumppad:
0x0: {  	(pc) =	sbr.rel $0x88, $3  }
0x1: {  	(tag) =	ssettag $0x0;
	lr =	simm.s32 $0x1  }
0x2: {  	[smem:$0x3F60] =	sst lr;
	_ =	strace $0xD0000000  }
0x3: {  	_ = 	snop  }
0x4: {  	_ = 	snop  }
0x5: {  	_ = 	snop  }
0x6: {  	_ = 	snop  }
0x7: {  	_ = 	snop  }
__scs_overlays_trampoline_lowered:
0x8: {  	[smem:$0x3F6F] =	sst s0  }
0x9: {  	[smem:$0x3F70] =	sst s1  }
0xa: {  	[smem:$0x3F71] =	sst s2  }
0xb: {  	[smem:$0x3F72] =	sst s3  }
0xc: {  	[smem:$0x3F73] =	sst s4  }
0xd: {  	[smem:$0x3F74] =	sst s5  }
0xe: {  	[smem:$0x3F75] =	sst s6  }
0xf: {  	[smem:$0x3F76] =	sst s7  }
0x10: {  	[smem:$0x3F77] =	sst s8  }
0x11: {  	[smem:$0x3F78] =	sst s9;
	s0 =	simm.s32 @!p0 $0x0  }
0x12: {  	s1 =	sld [smem:$0x3F5E];
	s0 =	simm.s32 @p0 $0x1  }
0x13: {  	[smem:$0x3F79] =	sst s0;
	s0 =	simm.s32 @!p1 $0x0  }
0x14: {  	s2 =	sld [smem:$0x3F5D];
	s0 =	simm.s32 @p1 $0x1  }
0x15: {  	[smem:$0x3F7A] =	sst s0;
	s0 =	simm.s32 @!p2 $0x0  }
0x16: {  	s3 =	sld [smem:$0x3FDB];
	s0 =	simm.s32 @p2 $0x1  }
0x17: {  	s4 =	simm.s32 $0x1BF5;
	[smem:$0x3F7C] =	sst s0  }
0x18: {  	s0 =	sld [smem:$0x3F5F];
	_ =	swait.ge [sflag:s4], $0x0  }
0x19: {  	s7 =	sld [smem:$0x3F60]  }
0x1a: {  	s8 =	sadd.s32 $0xFFFFE003, lr  }
0x1b: {  	s9 =	sadd.s32 $0xFFFFFEF7, lr;
	s5 =	simm.s32 $0xFFFFFFFF;
	p2 =	slt.u32 s8, $0xFFFFF086  }
0x1c: {  	p1 =	slt.u32 s9, $0xF7A;
	s5 =	simm.s32 @!p2 $0x0  }
0x1d: {  	s5 =	simm.s32 @p1 $0x1;
	p0 =	seq.s32 s7, s2  }
0x1e: {  	s7 =	smul.u32 @!p0 $0xF7A, s2;
	p2 =	seq.s32 @!p0 s5, $0x0  }
0x1f: {  	s9 =	smul.u32 $0xF7A, s1;
	s8 =	simm.s32 @!p0 $0x1BF5;
	p2 =	por !p2, p0  }
0x20: {  	[sflag:s8] =	ssyncset.s32 @!p0 $0xFFFFF086;
	s6 =	sadd.s32 @!p0 s3, s7;
	s7 =	simm.s32 @!p0 $0x108  }
0x21: {  	s3 =	sadd.s32 s3, s9;
	s6 =	sadd.s32 @!p0 $0x88, s6;
	s7 =	simm.s32 @p2 $0x1082  }
0x22: {  	[simem:s7], [sflag:s8] =	dma.local @!p0 [hbm:s6], $0xF7A  }
0x23: {  	s9 =	sor.u32 $0xD0000000, s2;
	s6 =	simm.s32 $0x108;
	_ =	swait.ge @!p0 [sflag:s8], $0x0  }
0x24: {  	s3 =	sadd.s32 $0x88, s3;
	s6 =	simm.s32 @!p1 $0x1082;
	[sflag:s4] =	ssyncset.s32 $0xFFFFF086  }
0x25: {  	[simem:s6], [sflag:s4] =	dma.local [hbm:s3], $0xF7A  }
0x26: {  	[smem:$0x3F60] =	sst s1;
	(tag) =	ssettag s2;
	_ =	strace s9  }
0x27: {  	s1 =	sld [smem:$0x3F70]  }
0x28: {  	s2 =	sld [smem:$0x3F71]  }
0x29: {  	s4 =	sld [smem:$0x3F73]  }
0x2a: {  	p0 =	seq.s32 s5, $0x0;
	s5 =	sld [smem:$0x3F74]  }
0x2b: {  	s6 =	sld [smem:$0x3F75]  }
0x2c: {  	s7 =	sld [smem:$0x3F76]  }
0x2d: {  	s3 =	simm.s32 $0x108;
	s8 =	sld [smem:$0x3F77]  }
0x2e: {  	s3 =	simm.s32 @!p0 $0x1082;
	s9 =	sld [smem:$0x3F78]  }
0x2f: {  	lr =	sadd.s32 s0, s3;
	s0 =	sld [smem:$0x3F6F]  }
0x30: {  	s3 =	sld [smem:$0x3F72]  }
0x31: {  	[smem:$0x3F7B] =	sst s10  }
0x32: {  	s10 =	sld [smem:$0x3F79];
	_ =	sdelay $0x3  }
0x33: {  	p0 =	seq.s32 s10, $0x1;
	s10 =	sld [smem:$0x3F7B];
	_ =	sdelay $0x3  }
0x34: {  	[smem:$0x3F7B] =	sst s10  }
0x35: {  	s10 =	sld [smem:$0x3F7A];
	_ =	sdelay $0x3  }
0x36: {  	p1 =	seq.s32 s10, $0x1;
	s10 =	sld [smem:$0x3F7B];
	_ =	sdelay $0x3  }
0x37: {  	[smem:$0x3F7B] =	sst s10  }
0x38: {  	s10 =	sld [smem:$0x3F7C]  }
0x39: {  	_ = 	snop;
	(pc) =	sbr.ind lr, $3  }
0x3a: {  	_ = 	snop  }
0x3b: {  	_ = 	snop  }
0x3c: {  	p2 =	seq.s32 s10, $0x1;
	s10 =	sld [smem:$0x3F7B]  }
0x3d: {  	_ =	shalt  }
0x3e: {  	_ =	shalt  }
0x3f: {  	_ =	shalt  }
0x40: {  	_ =	shalt  }
0x41: {  	_ =	shalt  }
0x42: {  	_ =	shalt  }
0x43: {  	_ =	shalt  }
0x44: {  	_ =	shalt  }
0x45: {  	_ =	shalt  }
0x46: {  	_ =	shalt  }
0x47: {  	_ =	shalt  }
0x48: {  	_ =	shalt  }
0x49: {  	_ =	shalt  }
0x4a: {  	_ =	shalt  }
0x4b: {  	_ =	shalt  }
0x4c: {  	_ =	shalt  }
0x4d: {  	_ =	shalt  }
0x4e: {  	_ =	shalt  }
0x4f: {  	_ =	shalt  }
0x50: {  	_ =	shalt  }
0x51: {  	_ =	shalt  }
0x52: {  	_ =	shalt  }
0x53: {  	_ =	shalt  }
0x54: {  	_ =	shalt  }
0x55: {  	_ =	shalt  }
0x56: {  	_ =	shalt  }
0x57: {  	_ =	shalt  }
0x58: {  	_ =	shalt  }
0x59: {  	_ =	shalt  }
0x5a: {  	_ =	shalt  }
0x5b: {  	_ =	shalt  }
0x5c: {  	_ =	shalt  }
0x5d: {  	_ =	shalt  }
0x5e: {  	_ =	shalt  }
0x5f: {  	_ =	shalt  }
0x60: {  	_ =	shalt  }
0x61: {  	_ =	shalt  }
0x62: {  	_ =	shalt  }
0x63: {  	_ =	shalt  }
0x64: {  	_ =	shalt  }
0x65: {  	_ =	shalt  }
0x66: {  	_ =	shalt  }
0x67: {  	_ =	shalt  }
0x68: {  	_ =	shalt  }
0x69: {  	_ =	shalt  }
0x6a: {  	_ =	shalt  }
0x6b: {  	_ =	shalt  }
0x6c: {  	_ =	shalt  }
0x6d: {  	_ =	shalt  }
0x6e: {  	_ =	shalt  }
0x6f: {  	_ =	shalt  }
0x70: {  	_ =	shalt  }
0x71: {  	_ =	shalt  }
0x72: {  	_ =	shalt  }
0x73: {  	_ =	shalt  }
0x74: {  	_ =	shalt  }
0x75: {  	_ =	shalt  }
0x76: {  	_ =	shalt  }
0x77: {  	_ =	shalt  }
0x78: {  	_ =	shalt  }
0x79: {  	_ =	shalt  }
0x7a: {  	_ =	shalt  }
0x7b: {  	_ =	shalt  }
0x7c: {  	_ =	shalt  }
0x7d: {  	_ =	shalt  }
0x7e: {  	_ =	shalt  }
0x7f: {  	_ =	shalt  }
0x80: {  	_ =	shalt  }
0x81: {  	_ =	shalt  }
0x82: {  	_ =	shalt  }
0x83: {  	_ =	shalt  }
0x84: {  	_ =	shalt  }
0x85: {  	_ =	shalt  }
0x86: {  	_ =	shalt  }
0x87: {  	_ =	shalt  }
.Lfunc_end0:
.L_simem_size_0:
called_computation.6_lowered:
.L_overlay_start_0:
0x88: {  	s2 =	sld [smem:$0x3FD9]  }
0x89: {  	s3 =	sld [smem:$0x3FFE];
	_ =	sdelay $0x1  }
0x8a: {  	s1 =	srdreg.scid  }
0x8b: {  	s0 =	sand.u32 $0x1, s1  }
0x8c: {  	s16 =	sshll.u32 s0, $0xA;
	s2 =	sadd.s32 s3, s2  }
0x8d: {  	s2 =	sadd.s32 s2, s16  }
0x8e: {  	[smem:$0x3F87] =	sst s2  }
0x8f: {  	_ = 	snop  }
0x90: {  	(tm) =	ssettm $0x1  }
0x91: {  	s17 =	sld [smem:$0x3FFB];
	_ =	sdelay $0x3  }
0x92: {  	_ =	strace s17  }
0x93: {  	s2 =	sld [smem:$0x3FFC];
	_ =	sdelay $0x3  }
0x94: {  	_ =	strace s2  }
0x95: {  	s2 =	sld [smem:$0x3FFD];
	_ =	sdelay $0x3  }
0x96: {  	_ =	strace s2  }
0x97: {  	_ =	strace $0x8FFFFFFF  }
0x98: {  	s18 =	sld [smem:$0x3FDB];
	_ =	sdelay $0x1  }
0x99: {  	s19 =	simm.s32 $_scs_section_size  }
0x9a: {  	s4 =	simm.s32 $_size__tile_overlayer_lowered;
	s5 =	simm.s32 $_tile_overlayer_lowered  }
0x9b: {  	s22 =	simm.s32 $0x1BFF;
	s21 =	sshll.u32 s5, $0x1;
	s2 =	sadd.s32 s19, s18  }
0x9c: {  	s6 =	simm.s32 $0x0;
	s20 =	sshll.u32 s4, $0x1;
	s4 =	sadd.s32 s21, s2  }
0x9d: {  	[timem:s6], [sflag:s22] =	dma.local [hbm:s4], s20  }
0x9e: {  	_ =	swait.ge [sflag:s22], s20  }
0x9f: {  	s3 =	ssub.s32 $0x0, s20;
	[sflag:s22] =	ssyncset.done $0x0  }
0xa0: {  	[sflag:s22] =	ssyncadd.s32 s3;
	_ =	sdelay $0x1  }
0xa1: {  	s23 =	simm.s32 $0x1B8B  }
0xa2: {  	_ =	swait.ge [sflag:s23], $0x1  }
0xa3: {  	[sflag:s23] =	ssyncset.done $0x0  }
0xa4: {  	s25 =	simm.s32 $0x1B8E;
	s24 =	sld [smem:$0x3FFE];
	[sflag:s23] =	ssyncadd.s32 $0xFFFFFFFF  }
0xa5: {  	s26 =	simm.s32 $execute0_lowered;
	[smem:$0x3FD2] =	sst s25  }
0xa6: {  	s4 =	sshll.u32 s26, $0x1;
	_ =	strace $0x80000058;
	[dreg:$0x1] =	wrdreg $0xFFFFFFFF  }
0xa7: {  	s28 =	simm.s32 $_size_execute0_lowered;
	s2 =	sadd.s32 s2, s4;
	[dreg:$0x0] =	wrdreg $0x0  }
0xa8: {  	s4 =	sshll.u32 s28, $0x1;
	[dreg:$0x2] =	wrdreg s2  }
0xa9: {  	[dreg:$0x3] =	wrdreg s4  }
0xaa: {  	[dreg:$0x4] =	wrdreg $0xC0  }
0xab: {  	_ =	task [dreg:s6], $0x5FFFF  }
0xac: {  	[dreg:$0x1] =	wrdreg $0xFFFFFFFF  }
0xad: {  	[dreg:$0x0] =	wrdreg $0x60  }
0xae: {  	[dreg:$0x2] =	wrdreg s24  }
0xaf: {  	[dreg:$0x3] =	wrdreg $0x9  }
0xb0: {  	_ =	task.clear_ibuf [dreg:s6], $0x4FFFF;
	_ =	strace $0x90000058  }
0xb1: {  	s29 =	simm.s32 $0x9;
	_ =	strace $0x8000005A  }
0xb2: {  	_ =	swait.ge [sflag:s29], $0x1  }
0xb3: {  	[sflag:s29] =	ssyncadd.s32 $0xFFFFFFFF  }
0xb4: {  	_ =	strace $0x9000005A  }
0xb5: {  	_ =	sfence  }
0xb6: {  	s30 =	sld [smem:$0x0];
	_ =	sdelay $0x2  }
0xb7: {  	s31 =	sshll.u32 s1, $0xD;
	s1 =	sshrl.u32 s1, $0x2  }
0xb8: {  	s3 =	sand.u32 $0x4000, s31;
	s1 =	sadd.s32 s1, s30  }
0xb9: {  	s0 =	sor.u32 s3, s0;
	s1 =	sshll.u32 s1, $0x11  }
0xba: {  	s0 =	sor.u32 s1, s0  }
0xbb: {  	s0 =	sadd.s32 $0x8F2B, s0  }
0xbc: {  	[sflag:s0] =	ssyncadd.remote.s32 $0x1  }
0xbd: {  	_ =	sfence.sel $0xFFFF  }
0xbe: {  	[dreg:$0x0] =	wrdreg $0xFFFFFFFF;
	(pc) =	sbr.abs _section_cstart, $3  }
0xbf: {  	[dreg:$0x1] =	wrdreg $0xFFFFFFFF  }
0xc0: {  	_ =	task.clear_ibuf [dreg:s6], $0x2FFFF;
	_ =	strace $0x9FFFFFFF  }
0xc1: {  	(tm) =	ssettm $0x7FFFFFFF  }
tec
execute0_lowered:
.L_overlay_start_1:
0x0: {  	(tag) =	ssettag $0x1  }
0x1: {  	s1 =	srdreg.scid  }
0x2: {  	s0 =	stileid.u32;
	s5 =	rddreg [dreg:$0x0];
	s2 =	simm.s32 $0x0  }
0x3: {  	s11 =	simm.s32 $0x2C00;
	s12 =	simm.s32 $0x80;
	s13 =	simm.s32 $0x5800  }
0x4: {  	s14 =	simm.s32 $0x9800;
	s15 =	simm.s32 $0x1;
	s16 =	simm.s32 $0x2  }
0x5: {  	s17 =	simm.s32 $0x0;
	s6 =	sand.u32 $0x1, s1;
	s3 =	sshll.u32 s0, $0x1  }
0x6: {  	[smem:$0x7FF] =	sst s2;
	s8 =	smul.u32 $0x51000, s0;
	s4 =	sadd.s32 $0x114200, s5  }
0x7: {  	s3 =	sor.u32 s6, s3;
	s9 =	ssub.s32 $0x2, s6;
	s6 =	smul.u32 $0x28800, s6  }
0x8: {  	s1 =	rddreg [dreg:$0x1];
	_ =	strace $0x80000059;
	s7 =	smul.u32 $0x580, s3  }
0x9: {  	s3 =	sadd.s32 $0x50600, s5;
	s8 =	sadd.s32 s8, s5;
	s31 =	sshrl.u32 s9, $0x1  }
0xa: {  	s9 =	ssub.s32 s9, s31;
	s10 =	sadd.s32 s6, s8;
	s7 =	sadd.s32 s7, s5  }
0xb: {  	s8 =	sadd.s32 $0x162600, s10;
	s5 =	sadd.s32 $0x13400, s7;
	s6 =	sadd.s32 $0x1E400, s7  }
0xc: {  	s7 =	smax.u32 s9, $0x1;
	s9 =	sadd.s32 $0x672600, s10;
	s10 =	simm.s32 $0x3  }
.LBB2_1:
0xd: {  	[tilespmem:s2], [sflag:$0x3] =	stream.linear.gather [hbm4b:s5+s2], $0x2880, $0x38;
	[tilespmem:$0xD800] =	vst v63  }
0xe: {  	_ =	swait.ge [sflag:s10], $0x2880  }
0xf: {  	[sflag:s10] =	ssyncset.done $0x0  }
0x10: {  	[sflag:s10] =	ssyncadd.s32 $0xFFFFD780  }
0x11: {  	[tilespmem:s11], [sflag:$0x3] =	stream.linear.gather [hbm4b:s6+s2], $0x2880, $0x38;
	[tilespmem:$0xD800] =	vst v63  }
0x12: {  	_ =	swait.ge [sflag:s10], $0x2880  }
0x13: {  	[sflag:s10] =	ssyncset.done $0x0  }
0x14: {  	s18 =	simm.s32 $0x0;
	[sflag:s10] =	ssyncadd.s32 $0xFFFFD780  }
0x15: {  	[tilespmem:s13], [sflag:$0x1] =	stream.indirect.gather [hbm4b:s3+s12], $0x80, s18, s12, $0xb8;
	[tilespmem:$0xD800] =	vst v63  }
0x16: {  	s31 =	simm.s32 $0x2C00  }
0x17: {  	[tilespmem:s14], [sflag:$0x2] =	stream.indirect.gather [hbm4b:s4+s12], $0x80, s31, s12, $0xb8;
	[tilespmem:$0xD800] =	vst v63  }
0x18: {  	_ =	swait.ge [sflag:s15], $0x4000  }
0x19: {  	[sflag:s15] =	ssyncset.done $0x0  }
0x1a: {  	[sflag:s15] =	ssyncadd.s32 $0xFFFFC000  }
0x1b: {  	_ =	swait.ge [sflag:s16], $0x4000  }
0x1c: {  	[sflag:s16] =	ssyncset.done $0x0  }
0x1d: {  	[sflag:s16] =	ssyncadd.s32 $0xFFFFC000  }
0x1e: {  	[hbm4b:s8+s2] =	stream.linear.scatter [tilespmem:s13], [sflag:$0x3], $0x4000, $0x38;
	[tilespmem:$0xD800] =	vst v63  }
0x1f: {  	_ =	swait.ge [sflag:s10], $0x4000  }
0x20: {  	[sflag:s10] =	ssyncset.done $0x0  }
0x21: {  	[sflag:s10] =	ssyncadd.s32 $0xFFFFC000  }
0x22: {  	[hbm4b:s9+s2] =	stream.linear.scatter [tilespmem:s14], [sflag:$0x3], $0x4000, $0x38;
	[tilespmem:$0xD800] =	vst v63  }
0x23: {  	s20 =	simm.s32 $0x200;
	s21 =	simm.s32 $0x400;
	_ =	swait.ge [sflag:s10], $0x4000  }
0x24: {  	s19 =	sadd.s32 $0x800, s8;
	s18 =	sadd.s32 $0x800, s9;
	[sflag:s10] =	ssyncset.done $0x0  }
.LBB2_2:
0x25: {  	s22 =	sshra.s32 s20, $0x2  }
0x26: {  	[sflag:s10] =	ssyncadd.s32 $0xFFFFC000;
	s20 =	smov.u32 s21;
	s23 =	sadd.s32 $0x200, s21  }
0x27: {  	[tilespmem:s13], [sflag:$0x1] =	stream.indirect.gather [hbm4b:s3+s12], $0x80, s22, s12, $0xb8;
	[tilespmem:$0xD800] =	vst v63  }
0x28: {  	p0 =	sne.s32 s21, $0xA000;
	s21 =	sadd.s32 $0x2C00, s22  }
0x29: {  	[tilespmem:s14], [sflag:$0x2] =	stream.indirect.gather [hbm4b:s4+s12], $0x80, s21, s12, $0xb8;
	[tilespmem:$0xD800] =	vst v63  }
0x2a: {  	_ =	swait.ge [sflag:s15], $0x4000  }
0x2b: {  	[sflag:s15] =	ssyncset.done $0x0  }
0x2c: {  	[sflag:s15] =	ssyncadd.s32 $0xFFFFC000  }
0x2d: {  	_ =	swait.ge [sflag:s16], $0x4000  }
0x2e: {  	[sflag:s16] =	ssyncset.done $0x0  }
0x2f: {  	[sflag:s16] =	ssyncadd.s32 $0xFFFFC000  }
0x30: {  	[hbm4b:s19+s2] =	stream.linear.scatter [tilespmem:s13], [sflag:$0x3], $0x4000, $0x38;
	[tilespmem:$0xD800] =	vst v63  }
0x31: {  	_ =	swait.ge [sflag:s10], $0x4000  }
.Ltmp0:
0x32: {  	[sflag:s10] =	ssyncset.done $0x0;
	(pc) =	sbr.rel @p0 .LBB2_2-.Ltmp0, $4  }
0x33: {  	[sflag:s10] =	ssyncadd.s32 $0xFFFFC000  }
0x34: {  	[hbm4b:s18+s2] =	stream.linear.scatter [tilespmem:s14], [sflag:$0x3], $0x4000, $0x38;
	[tilespmem:$0xD800] =	vst v63  }
0x35: {  	s21 =	smov.u32 s23;
	_ =	swait.ge [sflag:s10], $0x4000  }
0x36: {  	s19 =	sadd.s32 $0x800, s19;
	s18 =	sadd.s32 $0x800, s18;
	[sflag:s10] =	ssyncset.done $0x0  }
0x37: {  	s20 =	sshra.s32 s20, $0x2;
	[sflag:s10] =	ssyncadd.s32 $0xFFFFC000  }
0x38: {  	[tilespmem:s13], [sflag:$0x1] =	stream.indirect.gather [hbm4b:s3+s12], $0x80, s20, s12, $0xb8;
	[tilespmem:$0xD800] =	vst v63  }
0x39: {  	s20 =	sadd.s32 $0x2C00, s20  }
0x3a: {  	[tilespmem:s14], [sflag:$0x2] =	stream.indirect.gather [hbm4b:s4+s12], $0x80, s20, s12, $0xb8;
	[tilespmem:$0xD800] =	vst v63  }
0x3b: {  	_ =	swait.ge [sflag:s15], $0x4000  }
0x3c: {  	[sflag:s15] =	ssyncset.done $0x0  }
0x3d: {  	[sflag:s15] =	ssyncadd.s32 $0xFFFFC000  }
0x3e: {  	_ =	swait.ge [sflag:s16], $0x4000  }
0x3f: {  	[sflag:s16] =	ssyncset.done $0x0  }
0x40: {  	[sflag:s16] =	ssyncadd.s32 $0xFFFFC000  }
0x41: {  	[hbm4b:s19+s2] =	stream.linear.scatter [tilespmem:s13], [sflag:$0x3], $0x4000, $0x38;
	[tilespmem:$0xD800] =	vst v63  }
0x42: {  	s17 =	sadd.s32 $0x1, s17;
	_ =	swait.ge [sflag:s10], $0x4000  }
0x43: {  	p0 =	sne.s32 s17, s7;
	[sflag:s10] =	ssyncset.done $0x0  }
.Ltmp1:
0x44: {  	[sflag:s10] =	ssyncadd.s32 $0xFFFFC000;
	(pc) =	sbr.rel @p0 .LBB2_1-.Ltmp1, $4  }
0x45: {  	[hbm4b:s18+s2] =	stream.linear.scatter [tilespmem:s14], [sflag:$0x3], $0x4000, $0x38;
	[tilespmem:$0xD800] =	vst v63  }
0x46: {  	_ =	swait.ge [sflag:s10], $0x4000  }
0x47: {  	[sflag:s10] =	ssyncset.done $0x0  }
0x48: {  	[sflag:s10] =	ssyncadd.s32 $0xFFFFC000  }
0x49: {  	_ =	sfence.sel $0x180000  }
0x4a: {  	[bflag:$0x0] =	sbarrier.arrive $0xFFFF  }
0x4b: {  	p0 =	sne.s32 s0, $0x0;
	_ =	strace $0x90000059  }
0x4c: {  	s0 =	sadd.s32 @!p0 $0x100000, s1;
	[bflag:$0x2] =	sbarrier.arrive $0xFFFF  }
0x4d: {  	[sflag:s0] =	ssyncadd.tile.s32 @!p0 $0x1;
	_ =	shalt  }
.Lfunc_end2:
_tile_overlayer_lowered:
.L_overlay_start_2:
0x4e: {  	(tag) =	ssettag $0x2  }
0x4f: {  	s0 =	rddreg [dreg:$0x0];
	s2 =	stileid.u32  }
0x50: {  	s1 =	rddreg [dreg:$0x1];
	p0 =	sne.s32 s2, $0x0  }
0x51: {  	s3 =	rddreg [dreg:$0x2];
	[bflag:$0x3] =	sbarrier.arrive $0xFFFF;
	s2 =	simm.s32 @!p0 $0x1C03  }
0x52: {  	[timem:s3], [sflag:s2] =	dma.local @!p0 [hbm:s0], s1  }
0x53: {  	s0 =	simm.s32 @!p0 $0x3  }
0x54: {  	_ =	swait.ge @!p0 [sflag:s0], s1  }
0x55: {  	s1 =	ssub.s32 @!p0 $0x0, s1;
	[sflag:s0] =	ssyncset.done @!p0 $0x0  }
0x56: {  	[sflag:s0] =	ssyncadd.s32 @!p0 s1  }
0x57: {  	[bflag:$0x3] =	sbarrier.arrive $0xFFFF  }
0x58: {  	_ =	shalt  }

// kernel: kernel.48.cloned.1.call-start
scs
__scs_entry_jumppad:
0x0: {  	(pc) =	sbr.rel $0x88, $3  }
0x1: {  	(tag) =	ssettag $0x0;
	lr =	simm.s32 $0x1  }
0x2: {  	[smem:$0x3F60] =	sst lr;
	_ =	strace $0xD0000000  }
0x3: {  	_ = 	snop  }
0x4: {  	_ = 	snop  }
0x5: {  	_ = 	snop  }
0x6: {  	_ = 	snop  }
0x7: {  	_ = 	snop  }
__scs_overlays_trampoline_lowered:
0x8: {  	[smem:$0x3F6F] =	sst s0  }
0x9: {  	[smem:$0x3F70] =	sst s1  }
0xa: {  	[smem:$0x3F71] =	sst s2  }
0xb: {  	[smem:$0x3F72] =	sst s3  }
0xc: {  	[smem:$0x3F73] =	sst s4  }
0xd: {  	[smem:$0x3F74] =	sst s5  }
0xe: {  	[smem:$0x3F75] =	sst s6  }
0xf: {  	[smem:$0x3F76] =	sst s7  }
0x10: {  	[smem:$0x3F77] =	sst s8  }
0x11: {  	[smem:$0x3F78] =	sst s9;
	s0 =	simm.s32 @!p0 $0x0  }
0x12: {  	s1 =	sld [smem:$0x3F5E];
	s0 =	simm.s32 @p0 $0x1  }
0x13: {  	[smem:$0x3F79] =	sst s0;
	s0 =	simm.s32 @!p1 $0x0  }
0x14: {  	s2 =	sld [smem:$0x3F5D];
	s0 =	simm.s32 @p1 $0x1  }
0x15: {  	[smem:$0x3F7A] =	sst s0;
	s0 =	simm.s32 @!p2 $0x0  }
0x16: {  	s3 =	sld [smem:$0x3FDB];
	s0 =	simm.s32 @p2 $0x1  }
0x17: {  	s4 =	simm.s32 $0x1BF5;
	[smem:$0x3F7C] =	sst s0  }
0x18: {  	s0 =	sld [smem:$0x3F5F];
	_ =	swait.ge [sflag:s4], $0x0  }
0x19: {  	s7 =	sld [smem:$0x3F60]  }
0x1a: {  	s8 =	sadd.s32 $0xFFFFE003, lr  }
0x1b: {  	s9 =	sadd.s32 $0xFFFFFEF7, lr;
	s5 =	simm.s32 $0xFFFFFFFF;
	p2 =	slt.u32 s8, $0xFFFFF086  }
0x1c: {  	p1 =	slt.u32 s9, $0xF7A;
	s5 =	simm.s32 @!p2 $0x0  }
0x1d: {  	s5 =	simm.s32 @p1 $0x1;
	p0 =	seq.s32 s7, s2  }
0x1e: {  	s7 =	smul.u32 @!p0 $0xF7A, s2;
	p2 =	seq.s32 @!p0 s5, $0x0  }
0x1f: {  	s9 =	smul.u32 $0xF7A, s1;
	s8 =	simm.s32 @!p0 $0x1BF5;
	p2 =	por !p2, p0  }
0x20: {  	[sflag:s8] =	ssyncset.s32 @!p0 $0xFFFFF086;
	s6 =	sadd.s32 @!p0 s3, s7;
	s7 =	simm.s32 @!p0 $0x108  }
0x21: {  	s3 =	sadd.s32 s3, s9;
	s6 =	sadd.s32 @!p0 $0x88, s6;
	s7 =	simm.s32 @p2 $0x1082  }
0x22: {  	[simem:s7], [sflag:s8] =	dma.local @!p0 [hbm:s6], $0xF7A  }
0x23: {  	s9 =	sor.u32 $0xD0000000, s2;
	s6 =	simm.s32 $0x108;
	_ =	swait.ge @!p0 [sflag:s8], $0x0  }
0x24: {  	s3 =	sadd.s32 $0x88, s3;
	s6 =	simm.s32 @!p1 $0x1082;
	[sflag:s4] =	ssyncset.s32 $0xFFFFF086  }
0x25: {  	[simem:s6], [sflag:s4] =	dma.local [hbm:s3], $0xF7A  }
0x26: {  	[smem:$0x3F60] =	sst s1;
	(tag) =	ssettag s2;
	_ =	strace s9  }
0x27: {  	s1 =	sld [smem:$0x3F70]  }
0x28: {  	s2 =	sld [smem:$0x3F71]  }
0x29: {  	s4 =	sld [smem:$0x3F73]  }
0x2a: {  	p0 =	seq.s32 s5, $0x0;
	s5 =	sld [smem:$0x3F74]  }
0x2b: {  	s6 =	sld [smem:$0x3F75]  }
0x2c: {  	s7 =	sld [smem:$0x3F76]  }
0x2d: {  	s3 =	simm.s32 $0x108;
	s8 =	sld [smem:$0x3F77]  }
0x2e: {  	s3 =	simm.s32 @!p0 $0x1082;
	s9 =	sld [smem:$0x3F78]  }
0x2f: {  	lr =	sadd.s32 s0, s3;
	s0 =	sld [smem:$0x3F6F]  }
0x30: {  	s3 =	sld [smem:$0x3F72]  }
0x31: {  	[smem:$0x3F7B] =	sst s10  }
0x32: {  	s10 =	sld [smem:$0x3F79];
	_ =	sdelay $0x3  }
0x33: {  	p0 =	seq.s32 s10, $0x1;
	s10 =	sld [smem:$0x3F7B];
	_ =	sdelay $0x3  }
0x34: {  	[smem:$0x3F7B] =	sst s10  }
0x35: {  	s10 =	sld [smem:$0x3F7A];
	_ =	sdelay $0x3  }
0x36: {  	p1 =	seq.s32 s10, $0x1;
	s10 =	sld [smem:$0x3F7B];
	_ =	sdelay $0x3  }
0x37: {  	[smem:$0x3F7B] =	sst s10  }
0x38: {  	s10 =	sld [smem:$0x3F7C]  }
0x39: {  	_ = 	snop;
	(pc) =	sbr.ind lr, $3  }
0x3a: {  	_ = 	snop  }
0x3b: {  	_ = 	snop  }
0x3c: {  	p2 =	seq.s32 s10, $0x1;
	s10 =	sld [smem:$0x3F7B]  }
0x3d: {  	_ =	shalt  }
0x3e: {  	_ =	shalt  }
0x3f: {  	_ =	shalt  }
0x40: {  	_ =	shalt  }
0x41: {  	_ =	shalt  }
0x42: {  	_ =	shalt  }
0x43: {  	_ =	shalt  }
0x44: {  	_ =	shalt  }
0x45: {  	_ =	shalt  }
0x46: {  	_ =	shalt  }
0x47: {  	_ =	shalt  }
0x48: {  	_ =	shalt  }
0x49: {  	_ =	shalt  }
0x4a: {  	_ =	shalt  }
0x4b: {  	_ =	shalt  }
0x4c: {  	_ =	shalt  }
0x4d: {  	_ =	shalt  }
0x4e: {  	_ =	shalt  }
0x4f: {  	_ =	shalt  }
0x50: {  	_ =	shalt  }
0x51: {  	_ =	shalt  }
0x52: {  	_ =	shalt  }
0x53: {  	_ =	shalt  }
0x54: {  	_ =	shalt  }
0x55: {  	_ =	shalt  }
0x56: {  	_ =	shalt  }
0x57: {  	_ =	shalt  }
0x58: {  	_ =	shalt  }
0x59: {  	_ =	shalt  }
0x5a: {  	_ =	shalt  }
0x5b: {  	_ =	shalt  }
0x5c: {  	_ =	shalt  }
0x5d: {  	_ =	shalt  }
0x5e: {  	_ =	shalt  }
0x5f: {  	_ =	shalt  }
0x60: {  	_ =	shalt  }
0x61: {  	_ =	shalt  }
0x62: {  	_ =	shalt  }
0x63: {  	_ =	shalt  }
0x64: {  	_ =	shalt  }
0x65: {  	_ =	shalt  }
0x66: {  	_ =	shalt  }
0x67: {  	_ =	shalt  }
0x68: {  	_ =	shalt  }
0x69: {  	_ =	shalt  }
0x6a: {  	_ =	shalt  }
0x6b: {  	_ =	shalt  }
0x6c: {  	_ =	shalt  }
0x6d: {  	_ =	shalt  }
0x6e: {  	_ =	shalt  }
0x6f: {  	_ =	shalt  }
0x70: {  	_ =	shalt  }
0x71: {  	_ =	shalt  }
0x72: {  	_ =	shalt  }
0x73: {  	_ =	shalt  }
0x74: {  	_ =	shalt  }
0x75: {  	_ =	shalt  }
0x76: {  	_ =	shalt  }
0x77: {  	_ =	shalt  }
0x78: {  	_ =	shalt  }
0x79: {  	_ =	shalt  }
0x7a: {  	_ =	shalt  }
0x7b: {  	_ =	shalt  }
0x7c: {  	_ =	shalt  }
0x7d: {  	_ =	shalt  }
0x7e: {  	_ =	shalt  }
0x7f: {  	_ =	shalt  }
0x80: {  	_ =	shalt  }
0x81: {  	_ =	shalt  }
0x82: {  	_ =	shalt  }
0x83: {  	_ =	shalt  }
0x84: {  	_ =	shalt  }
0x85: {  	_ =	shalt  }
0x86: {  	_ =	shalt  }
0x87: {  	_ =	shalt  }
.Lfunc_end0:
.L_simem_size_0:
called_computation.7_lowered:
.L_overlay_start_0:
0x88: {  	s2 =	sld [smem:$0x3FD9]  }
0x89: {  	s3 =	sld [smem:$0x3FFE];
	_ =	sdelay $0x1  }
0x8a: {  	s1 =	srdreg.scid  }
0x8b: {  	s0 =	sand.u32 $0x1, s1  }
0x8c: {  	s16 =	sshll.u32 s0, $0xA;
	s2 =	sadd.s32 s3, s2  }
0x8d: {  	s2 =	sadd.s32 s2, s16  }
0x8e: {  	[smem:$0x3F87] =	sst s2  }
0x8f: {  	_ = 	snop  }
0x90: {  	(tm) =	ssettm $0x1  }
0x91: {  	s17 =	sld [smem:$0x3FFB];
	_ =	sdelay $0x3  }
0x92: {  	_ =	strace s17  }
0x93: {  	s2 =	sld [smem:$0x3FFC];
	_ =	sdelay $0x3  }
0x94: {  	_ =	strace s2  }
0x95: {  	s2 =	sld [smem:$0x3FFD];
	_ =	sdelay $0x3  }
0x96: {  	_ =	strace s2  }
0x97: {  	_ =	strace $0x8FFFFFFF  }
0x98: {  	s18 =	sld [smem:$0x3FDB];
	_ =	sdelay $0x1  }
0x99: {  	s19 =	simm.s32 $_scs_section_size  }
0x9a: {  	s4 =	simm.s32 $_size__tile_overlayer_lowered;
	s5 =	simm.s32 $_tile_overlayer_lowered  }
0x9b: {  	s22 =	simm.s32 $0x1BFF;
	s21 =	sshll.u32 s5, $0x1;
	s2 =	sadd.s32 s19, s18  }
0x9c: {  	s6 =	simm.s32 $0x0;
	s20 =	sshll.u32 s4, $0x1;
	s4 =	sadd.s32 s21, s2  }
0x9d: {  	[timem:s6], [sflag:s22] =	dma.local [hbm:s4], s20  }
0x9e: {  	_ =	swait.ge [sflag:s22], s20  }
0x9f: {  	s3 =	ssub.s32 $0x0, s20;
	[sflag:s22] =	ssyncset.done $0x0  }
0xa0: {  	[sflag:s22] =	ssyncadd.s32 s3;
	_ =	sdelay $0x1  }
0xa1: {  	s23 =	simm.s32 $0x1B8B  }
0xa2: {  	_ =	swait.ge [sflag:s23], $0x1  }
0xa3: {  	[sflag:s23] =	ssyncset.done $0x0  }
0xa4: {  	s25 =	simm.s32 $0x1B8E;
	s24 =	sld [smem:$0x3FFE];
	[sflag:s23] =	ssyncadd.s32 $0xFFFFFFFF  }
0xa5: {  	s26 =	simm.s32 $execute0_lowered;
	[smem:$0x3FD2] =	sst s25  }
0xa6: {  	s4 =	sshll.u32 s26, $0x1;
	_ =	strace $0x8000005B;
	[dreg:$0x1] =	wrdreg $0xFFFFFFFF  }
0xa7: {  	s28 =	simm.s32 $_size_execute0_lowered;
	s2 =	sadd.s32 s2, s4;
	[dreg:$0x0] =	wrdreg $0x0  }
0xa8: {  	s4 =	sshll.u32 s28, $0x1;
	[dreg:$0x2] =	wrdreg s2  }
0xa9: {  	[dreg:$0x3] =	wrdreg s4  }
0xaa: {  	[dreg:$0x4] =	wrdreg $0xC0  }
0xab: {  	_ =	task [dreg:s6], $0x5FFFF  }
0xac: {  	[dreg:$0x1] =	wrdreg $0xFFFFFFFF  }
0xad: {  	[dreg:$0x0] =	wrdreg $0x60  }
0xae: {  	[dreg:$0x2] =	wrdreg s24  }
0xaf: {  	[dreg:$0x3] =	wrdreg $0x6C000  }
0xb0: {  	[dreg:$0x4] =	wrdreg $0x9  }
0xb1: {  	_ =	task.clear_ibuf [dreg:s6], $0x5FFFF;
	_ =	strace $0x9000005B  }
0xb2: {  	s29 =	simm.s32 $0x9;
	_ =	strace $0x8000005D  }
0xb3: {  	_ =	swait.ge [sflag:s29], $0x1  }
0xb4: {  	[sflag:s29] =	ssyncadd.s32 $0xFFFFFFFF  }
0xb5: {  	_ =	strace $0x9000005D  }
0xb6: {  	_ =	sfence  }
0xb7: {  	s30 =	sld [smem:$0x0];
	_ =	sdelay $0x2  }
0xb8: {  	s31 =	sshll.u32 s1, $0xD;
	s1 =	sshrl.u32 s1, $0x2  }
0xb9: {  	s3 =	sand.u32 $0x4000, s31;
	s1 =	sadd.s32 s1, s30  }
0xba: {  	s0 =	sor.u32 s3, s0;
	s1 =	sshll.u32 s1, $0x11  }
0xbb: {  	s0 =	sor.u32 s1, s0  }
0xbc: {  	s0 =	sadd.s32 $0x8F2B, s0  }
0xbd: {  	[sflag:s0] =	ssyncadd.remote.s32 $0x1  }
0xbe: {  	_ =	sfence.sel $0xFFFF  }
0xbf: {  	[dreg:$0x0] =	wrdreg $0xFFFFFFFF;
	(pc) =	sbr.abs _section_cstart, $3  }
0xc0: {  	[dreg:$0x1] =	wrdreg $0xFFFFFFFF  }
0xc1: {  	_ =	task.clear_ibuf [dreg:s6], $0x2FFFF;
	_ =	strace $0x9FFFFFFF  }
0xc2: {  	(tm) =	ssettm $0x7FFFFFFF  }
0xc3: {  	_ =	shalt  }
tec
execute0_lowered:
.L_overlay_start_1:
0x0: {  	(tag) =	ssettag $0x1  }
0x1: {  	s0 =	srdreg.scid;
	s5 =	rddreg [dreg:$0x0]  }
0x2: {  	s2 =	rddreg [dreg:$0x1];
	s4 =	sand.u32 $0x1, s0  }
0x3: {  	s0 =	stileid.u32;
	s6 =	smul.u32 $0x288000, s4  }
0x4: {  	s3 =	simm.s32 $0x0;
	s13 =	simm.s32 $0x80;
	s8 =	smul.u32 $0x13C00, s0  }
0x5: {  	s14 =	simm.s32 $0x0;
	[smem:$0x7FF] =	sst s3;
	s9 =	smul.u32 $0x13C000, s4  }
0x6: {  	s1 =	sshll.u32 s4, $0x4;
	s4 =	ssub.s32 $0x2, s4;
	s28 =	smul.u32 $0x4F000, s0  }
0x7: {  	s30 =	sshll.u32 s0, $0x6;
	s31 =	smul.u32 $0x28800, s0;
	s7 =	sor.u32 s0, s1  }
0x8: {  	s1 =	rddreg [dreg:$0x2];
	_ =	strace $0x8000005C;
	s11 =	sshrl.u32 s4, $0x1  }
0x9: {  	s7 =	smul.u32 $0x580, s7;
	s10 =	sadd.s32 s6, s5;
	s26 =	sshrl.u32 s8, $0x3  }
0xa: {  	s8 =	sadd.s32 s8, s9;
	s11 =	ssub.s32 s4, s11;
	s29 =	sshrl.u32 s28, $0x2  }
0xb: {  	s8 =	sshrl.u32 s8, $0x3;
	s12 =	sadd.s32 s29, s2;
	s9 =	sadd.s32 s31, s10  }
0xc: {  	s25 =	sadd.s32 s7, s5;
	s7 =	sadd.s32 s26, s5;
	s8 =	sadd.s32 s8, s5  }
0xd: {  	s5 =	sor.u32 $0x1C01, s30;
	s9 =	sadd.s32 $0x1525E00, s9;
	s10 =	sshrl.u32 s12, $0x3  }
0xe: {  	s12 =	simm.s32 $0x2C00;
	s4 =	sadd.s32 $0x9E800, s7;
	s6 =	sadd.s32 $0x13400, s25  }
0xf: {  	s7 =	sadd.s32 $0x162600, s8;
	s8 =	smax.u32 s11, $0x1;
	s11 =	simm.s32 $0x1  }
.LBB2_1:
0x10: {  	[spmem:s10], [sflag:s5] =	dma.local [hbm:s4], $0x2780  }
0x11: {  	_ =	swait.ge [sflag:s11], $0x2780  }
0x12: {  	[sflag:s11] =	ssyncset.done $0x0  }
0x13: {  	[sflag:s11] =	ssyncadd.s32 $0xFFFFD880  }
0x14: {  	[bflag:$0x0] =	sbarrier.arrive $0xFFFF  }
0x15: {  	[tilespmem:s3], [sflag:$0x1] =	stream.linear.gather [hbm4b:s6+s3], $0x2880, $0x38;
	[tilespmem:$0x1A800] =	vst v63  }
0x16: {  	_ =	swait.ge [sflag:s11], $0x2880  }
0x17: {  	[sflag:s11] =	ssyncset.done $0x0  }
0x18: {  	[sflag:s11] =	ssyncadd.s32 $0xFFFFD780  }
0x19: {  	[tilespmem:s12], [sflag:$0x1] =	stream.linear.gather [hbm4b:s9+s3], $0x4000, $0x38;
	[tilespmem:$0x1A800] =	vst v63  }
0x1a: {  	_ =	swait.ge [sflag:s11], $0x4000  }
0x1b: {  	[sflag:s11] =	ssyncset.done $0x0  }
0x1c: {  	s15 =	simm.s32 $0x0;
	[sflag:s11] =	ssyncadd.s32 $0xFFFFC000  }
0x1d: {  	[spmem:s2] =	stream.indirect.scatter.add.f32 [tilespmem:s12], [sflag:$0x1], $0x80, s15, s13, $0xb8;
	[tilespmem:$0x1A800] =	vst v63  }
0x1e: {  	_ =	swait.ge [sflag:s11], $0x4000  }
0x1f: {  	s16 =	smov.u32 s9;
	s15 =	simm.s32 $0x200;
	[sflag:s11] =	ssyncset.done $0x0  }
.LBB2_2:
0x20: {  	p0 =	sne.s32 s15, $0xA000;
	[sflag:s11] =	ssyncadd.s32 $0xFFFFC000;
	s16 =	sadd.s32 $0x800, s16  }
0x21: {  	[tilespmem:s12], [sflag:$0x1] =	stream.linear.gather [hbm4b:s16+s3], $0x4000, $0x38;
	[tilespmem:$0x1A800] =	vst v63  }
0x22: {  	s17 =	smov.u32 s15;
	s15 =	sadd.s32 $0x200, s15;
	_ =	swait.ge [sflag:s11], $0x4000  }
.Ltmp0:
0x23: {  	[sflag:s11] =	ssyncset.done $0x0;
	(pc) =	sbr.rel @p0 .LBB2_2-.Ltmp0, $4  }
0x24: {  	s17 =	sshra.s32 s17, $0x2;
	[sflag:s11] =	ssyncadd.s32 $0xFFFFC000  }
0x25: {  	[spmem:s2] =	stream.indirect.scatter.add.f32 [tilespmem:s12], [sflag:$0x1], $0x80, s17, s13, $0xb8;
	[tilespmem:$0x1A800] =	vst v63  }
0x26: {  	_ =	swait.ge [sflag:s11], $0x4000  }
0x27: {  	[sflag:s11] =	ssyncset.done $0x0  }
0x28: {  	s14 =	sadd.s32 $0x1, s14  }
0x29: {  	[sflag:s11] =	ssyncadd.s32 $0xFFFFC000;
	p0 =	sne.s32 s14, s8  }
.Ltmp1:
0x2a: {  	[bflag:$0x0] =	sbarrier.arrive $0xFFFF;
	(pc) =	sbr.rel @p0 .LBB2_1-.Ltmp1, $4  }
0x2b: {  	[hbm:s7], [sflag:s5] =	dma.local [spmem:s10], $0x2780  }
0x2c: {  	_ =	swait.ge [sflag:s11], $0x2780  }
0x2d: {  	[sflag:s11] =	ssyncset.done $0x0  }
0x2e: {  	[sflag:s11] =	ssyncadd.s32 $0xFFFFD880  }
0x2f: {  	_ =	sfence.sel $0x180000  }
0x30: {  	[bflag:$0x0] =	sbarrier.arrive $0xFFFF  }
0x31: {  	p0 =	sne.s32 s0, $0x0;
	_ =	strace $0x9000005C  }
0x32: {  	s0 =	sadd.s32 @!p0 $0x100000, s1;
	[bflag:$0x2] =	sbarrier.arrive $0xFFFF  }
0x33: {  	[sflag:s0] =	ssyncadd.tile.s32 @!p0 $0x1;
	_ =	shalt  }
.Lfunc_end2:
_tile_overlayer_lowered:
.L_overlay_start_2:
0x34: {  	(tag) =	ssettag $0x2  }
0x35: {  	s0 =	rddreg [dreg:$0x0];
	s2 =	stileid.u32  }
0x36: {  	s1 =	rddreg [dreg:$0x1];
	p0 =	sne.s32 s2, $0x0  }
0x37: {  	s3 =	rddreg [dreg:$0x2];
	[bflag:$0x3] =	sbarrier.arrive $0xFFFF;
	s2 =	simm.s32 @!p0 $0x1C01  }
0x38: {  	[timem:s3], [sflag:s2] =	dma.local @!p0 [hbm:s0], s1  }
0x39: {  	s0 =	simm.s32 @!p0 $0x1  }
0x3a: {  	_ =	swait.ge @!p0 [sflag:s0], s1  }
0x3b: {  	s1 =	ssub.s32 @!p0 $0x0, s1;
	[sflag:s0] =	ssyncset.done @!p0 $0x0  }
0x3c: {  	[sflag:s0] =	ssyncadd.s32 @!p0 s1  }
0x3d: {  	[bflag:$0x3] =	sbarrier.arrive $0xFFFF  }
0x3e: {  	_ =	shalt  }

</sc_bundles>
